<compile_context>
chip_gen: v7x
topology: tpu7x:2x2x1
jax: 0.10.2.dev20260603
libtpu: 0.0.44.dev20260713+nightly
codegen_flags: <defaults>
</compile_context>

<pallas_src>
import jax
import jax.numpy as jnp
from jax.experimental import pallas as pl
from jax.experimental.pallas import tpu as pltpu


_N = 10000
_E = 160000
_NPAD = 10240


def _mm_bias_body(x_ref, w_ref, b_ref, q_ref, k_ref, v_ref, s_ref):
    r = (
        jnp.dot(x_ref[...], w_ref[...], preferred_element_type=jnp.float32)
        + b_ref[...]
    )
    q_ref[...] = r[:, 0:256]
    k_ref[...] = r[:, 256:512]
    v_ref[...] = r[:, 512:768]
    s_ref[...] = r[:, 768:1024]


def _mm_bias(x, wcat, bcat):
    ospec = pl.BlockSpec((400, 256), lambda i: (i, 0))
    oshape = jax.ShapeDtypeStruct((_N, 256), jnp.float32)
    return pl.pallas_call(
        _mm_bias_body,
        grid=(25,),
        in_specs=[
            pl.BlockSpec((400, 256), lambda i: (i, 0)),
            pl.BlockSpec((256, 1024), lambda i: (0, 0)),
            pl.BlockSpec((1, 1024), lambda i: (0, 0)),
        ],
        out_specs=[ospec, ospec, ospec, ospec],
        out_shape=[oshape, oshape, oshape, oshape],
    )(x, wcat, bcat)


def _rowdot_scale_body(a_ref, b_ref, o_ref):
    o_ref[...] = jnp.sum(a_ref[...] * b_ref[...], axis=-1) * (1.0 / 16.0)


def _rowdot_sigmoid_body(a_ref, b_ref, o_ref):
    o_ref[...] = jax.nn.sigmoid(jnp.sum(a_ref[...] * b_ref[...], axis=-1))


_EPAD = 163840


def _rowdot(a, b, body, d):
    a3 = a.reshape(1280, 128, d)
    b3 = b.reshape(1280, 128, d)
    out = pl.pallas_call(
        body,
        grid=(80,),
        in_specs=[
            pl.BlockSpec((16, 128, d), lambda i: (i, 0, 0)),
            pl.BlockSpec((16, 128, d), lambda i: (i, 0, 0)),
        ],
        out_specs=pl.BlockSpec((16, 128), lambda i: (i, 0)),
        out_shape=jax.ShapeDtypeStruct((1280, 128), jnp.float32),
    )(a3, b3)
    return out.reshape(_EPAD)[: _E]


def _head_body(z_ref, w1_ref, b1_ref, w2_ref, b2_ref, o_ref, acc_ref):
    i = pl.program_id(0)

    @pl.when(i == 0)
    def _():
        acc_ref[...] = jnp.zeros_like(acc_ref)

    y1 = jnp.max(z_ref[...], axis=1)
    acc_ref[...] += jnp.dot(
        y1[None, :], w1_ref[...], preferred_element_type=jnp.float32
    )

    @pl.when(i == 9)
    def _():
        y2 = jax.nn.relu(acc_ref[...] + b1_ref[...])
        o_ref[...] = (
            jnp.dot(y2, w2_ref[...], preferred_element_type=jnp.float32)
            + b2_ref[...]
        )


def _head(z, w1, b1, w2, b2):
    return pl.pallas_call(
        _head_body,
        grid=(10,),
        in_specs=[
            pl.BlockSpec((1000, 256), lambda i: (i, 0)),
            pl.BlockSpec((1000, 256), lambda i: (i, 0)),
            pl.BlockSpec((1, 256), lambda i: (0, 0)),
            pl.BlockSpec((256, 64), lambda i: (0, 0)),
            pl.BlockSpec((1, 64), lambda i: (0, 0)),
        ],
        out_specs=pl.BlockSpec((1, 64), lambda i: (0, 0)),
        out_shape=jax.ShapeDtypeStruct((1, 64), jnp.float32),
        scratch_shapes=[pltpu.VMEM((1, 256), jnp.float32)],
    )(z, w1, b1[None, :], w2, b2[None, :])


def _pad_idx(i):
    return jnp.pad(i, (0, _EPAD - _E))


def _tconv_layer(x, src, dst, srcp, dstp, wcat, bcat):
    q, k, v, s = _mm_bias(x, wcat, bcat)
    alpha = _rowdot(q[dstp], k[srcp], _rowdot_scale_body, 256)
    amax = jax.ops.segment_max(alpha, dst, num_segments=_N)
    amax = jnp.where(jnp.isfinite(amax), amax, 0.0)
    ex = jnp.exp(alpha - amax[dst])
    den = jax.ops.segment_sum(ex, dst, num_segments=_N)
    w = ex / (den[dst] + 1e-16)
    agg = jax.ops.segment_sum(v[src] * w[:, None], dst, num_segments=_N)
    return agg + s


def kernel(x, train_edge_index_0, train_edge_index_1, Wq1, bq1, Wk1, bk1, Wv1, bv1, Ws1, bs1, Wq3, bq3, Wk3, bk3, Wv3, bv3, Ws3, bs3, W1, b1, W2, b2):
    ei0 = train_edge_index_0.astype(jnp.int32)
    ei1 = train_edge_index_1.astype(jnp.int32)
    src = ei1[0]
    dst = ei1[1]
    srcp = _pad_idx(src)
    dstp = _pad_idx(dst)

    wcat1 = jnp.concatenate([Wq1, Wk1, Wv1, Ws1], axis=1)
    bcat1 = jnp.concatenate([bq1, bk1, bv1, bs1])[None, :]
    wcat3 = jnp.concatenate([Wq3, Wk3, Wv3, Ws3], axis=1)
    bcat3 = jnp.concatenate([bq3, bk3, bv3, bs3])[None, :]

    z1 = jax.nn.relu(_tconv_layer(x, src, dst, srcp, dstp, wcat1, bcat1))
    z = _tconv_layer(z1, src, dst, srcp, dstp, wcat3, bcat3)

    y = _head(z, W1, b1, W2, b2)

    adj0 = _rowdot(z[_pad_idx(ei0[0])], z[_pad_idx(ei0[1])], _rowdot_sigmoid_body, 256)
    adj1 = _rowdot(z[srcp], z[dstp], _rowdot_sigmoid_body, 256)
    return (adj0, adj1, z, y)

# --- scband reference (transcript-rebuilt; emitter-appended) ---
"""Pipeline reference for scband-graph-autoencoder-41446434406668 (READ-ONLY COPY).

The authoritative reference and input builder live on the scoring server;
editing this copy changes nothing except your own understanding.
"""

import jax, jax.numpy as jnp
import numpy as np

N = 10000
E = 160000
IN1 = 256
HID = 256
OUT = 64


def _tconv(x, ei, Wq, bq, Wk, bk, Wv, bv, Ws, bs):
    # PyG TransformerConv, heads=1, concat=True, root_weight=True, beta=False
    src = ei[0]
    dst = ei[1]
    q = x @ Wq + bq
    k = x @ Wk + bk
    v = x @ Wv + bv
    d = q.shape[-1]
    n = x.shape[0]
    alpha = jnp.sum(q[dst] * k[src], axis=-1) / jnp.sqrt(jnp.float32(d))
    amax = jax.ops.segment_max(alpha, dst, num_segments=n)
    amax = jnp.where(jnp.isfinite(amax), amax, 0.0)
    ex = jnp.exp(alpha - amax[dst])
    den = jax.ops.segment_sum(ex, dst, num_segments=n)
    w = ex / (den[dst] + 1e-16)
    agg = jax.ops.segment_sum(v[src] * w[:, None], dst, num_segments=n)
    return agg + x @ Ws + bs


def _inner_product_decoder(z, ei):
    return jax.nn.sigmoid(jnp.sum(z[ei[0]] * z[ei[1]], axis=1))


def setup_inputs(seed: int = 0) -> dict:
    key = jax.random.key(seed)
    ks = jax.random.split(key, 32)
    s1 = 1.0 / np.sqrt(IN1)
    sh = 1.0 / np.sqrt(HID)
    sn = 1.0 / np.sqrt(N)
    inp = {}
    inp['x'] = jax.random.normal(ks[0], (N, IN1), dtype=jnp.float32)
    inp['train_edge_index_0'] = jax.random.randint(ks[1], (2, E), 0, N, dtype=jnp.int64)
    inp['train_edge_index_1'] = jax.random.randint(ks[2], (2, E), 0, N, dtype=jnp.int64)
    # conv1: in_channels1 -> hidden
    inp['Wq1'] = jax.random.normal(ks[3], (IN1, HID), dtype=jnp.float32) * s1
    inp['bq1'] = jnp.zeros((HID,), dtype=jnp.float32)
    inp['Wk1'] = jax.random.normal(ks[4], (IN1, HID), dtype=jnp.float32) * s1
    inp['bk1'] = jnp.zeros((HID,), dtype=jnp.float32)
    inp['Wv1'] = jax.random.normal(ks[5], (IN1, HID), dtype=jnp.float32) * s1
    inp['bv1'] = jnp.zeros((HID,), dtype=jnp.float32)
    inp['Ws1'] = jax.random.normal(ks[6], (IN1, HID), dtype=jnp.float32) * s1
    inp['bs1'] = jnp.zeros((HID,), dtype=jnp.float32)
    # conv3: hidden -> hidden
    inp['Wq3'] = jax.random.normal(ks[7], (HID, HID), dtype=jnp.float32) * sh
    inp['bq3'] = jnp.zeros((HID,), dtype=jnp.float32)
    inp['Wk3'] = jax.random.normal(ks[8], (HID, HID), dtype=jnp.float32) * sh
    inp['bk3'] = jnp.zeros((HID,), dtype=jnp.float32)
    inp['Wv3'] = jax.random.normal(ks[9], (HID, HID), dtype=jnp.float32) * sh
    inp['bv3'] = jnp.zeros((HID,), dtype=jnp.float32)
    inp['Ws3'] = jax.random.normal(ks[10], (HID, HID), dtype=jnp.float32) * sh
    inp['bs3'] = jnp.zeros((HID,), dtype=jnp.float32)
    # fc1: N -> hidden ; fc2: hidden -> out
    inp['W1'] = jax.random.normal(ks[11], (N, HID), dtype=jnp.float32) * sn
    inp['b1'] = jnp.zeros((HID,), dtype=jnp.float32)
    inp['W2'] = jax.random.normal(ks[12], (HID, OUT), dtype=jnp.float32) * sh
    inp['b2'] = jnp.zeros((OUT,), dtype=jnp.float32)
    return inp


def reference(x, train_edge_index_0, train_edge_index_1,
              Wq1, bq1, Wk1, bk1, Wv1, bv1, Ws1, bs1,
              Wq3, bq3, Wk3, bk3, Wv3, bv3, Ws3, bs3,
              W1, b1, W2, b2):
    z = jax.nn.relu(_tconv(x, train_edge_index_1, Wq1, bq1, Wk1, bk1, Wv1, bv1, Ws1, bs1))
    z = _tconv(z, train_edge_index_1, Wq3, bq3, Wk3, bk3, Wv3, bv3, Ws3, bs3)
    y1 = jnp.max(z, axis=1)
    y1_1 = y1[None, :]
    y2 = jax.nn.relu(y1_1 @ W1 + b1)
    y = y2 @ W2 + b2
    adj0 = _inner_product_decoder(z, train_edge_index_0)
    adj1 = _inner_product_decoder(z, train_edge_index_1)
    return (adj0, adj1, z, y)

if __name__ == "__main__":
    import jax
    _d = setup_inputs()
    print(jax.jit(kernel)(*tuple(_d.values())))

</pallas_src>

<mosaic_0001>
module attributes {stable_mosaic.version = 14 : i64} {
  func.func @_mm_bias_body(%arg0: i32, %arg1: memref<400x256xf32, #tpu.memory_space<vmem>>, %arg2: memref<256x1024xf32, #tpu.memory_space<vmem>>, %arg3: memref<1x1024xf32, #tpu.memory_space<vmem>>, %arg4: memref<400x256xf32, #tpu.memory_space<vmem>>, %arg5: memref<400x256xf32, #tpu.memory_space<vmem>>, %arg6: memref<400x256xf32, #tpu.memory_space<vmem>>, %arg7: memref<400x256xf32, #tpu.memory_space<vmem>>) attributes {dimension_semantics = [#tpu.dimension_semantics<arbitrary>], iteration_bounds = array<i64: 25>, scalar_prefetch = 0 : i64, scratch_operands = 0 : i64, tpu.core_type = #tpu.core_type<tc>, window_params = [{transform_indices = @transform_0, window_bounds = array<i64: 400, 256>}, {pipeline_mode = #tpu.pipeline_mode<synchronous>, transform_indices = @transform_1, window_bounds = array<i64: 256, 1024>}, {pipeline_mode = #tpu.pipeline_mode<synchronous>, transform_indices = @transform_2, window_bounds = array<i64: 1, 1024>}, {transform_indices = @transform_3, window_bounds = array<i64: 400, 256>}, {transform_indices = @transform_4, window_bounds = array<i64: 400, 256>}, {transform_indices = @transform_5, window_bounds = array<i64: 400, 256>}, {transform_indices = @transform_6, window_bounds = array<i64: 400, 256>}]} {
    %get3A = arith.constant 0 : index
    %get3A_0 = arith.constant 0 : index
    %get3A_1 = vector.load %arg1[%get3A, %get3A_0] : memref<400x256xf32, #tpu.memory_space<vmem>>, vector<400x256xf32>
    %get3A_2 = arith.constant 0 : index
    %get3A_3 = arith.constant 0 : index
    %get3A_4 = vector.load %arg2[%get3A_2, %get3A_3] : memref<256x1024xf32, #tpu.memory_space<vmem>>, vector<256x1024xf32>
    %dot_general3A = arith.constant dense<0.000000e+00> : vector<400x1024xf32>
    %dot_general3A_5 = tpu.matmul %get3A_1, %get3A_4, %dot_general3A {dimension_numbers = #tpu.dot_dimension_numbers<[1], [0], [0], [1], [0, 0, 1, 1], [], []>, transpose_lhs_hint = false} : vector<400x256xf32>, vector<256x1024xf32>, vector<400x1024xf32> -> vector<400x1024xf32>
    %get3A_6 = arith.constant 0 : index
    %get3A_7 = arith.constant 0 : index
    %get3A_8 = vector.load %arg3[%get3A_6, %get3A_7] : memref<1x1024xf32, #tpu.memory_space<vmem>>, vector<1x1024xf32>
    %add3A = vector.broadcast %get3A_8 : vector<1x1024xf32> to vector<400x1024xf32>
    %add3A_9 = arith.addf %dot_general3A_5, %add3A : vector<400x1024xf32>
    %slice3A = vector.extract_strided_slice %add3A_9 {offsets = [0, 0], sizes = [400, 256], strides = [1, 1]} : vector<400x1024xf32> to vector<400x256xf32>
    %swap3A = arith.constant 0 : index
    %swap3A_10 = arith.constant 0 : index
    %swap3A_11 = vector.load %arg4[%swap3A, %swap3A_10] : memref<400x256xf32, #tpu.memory_space<vmem>>, vector<400x256xf32>
    tpu.vector_store %arg4[%swap3A, %swap3A_10], %slice3A {strides = array<i32>} : memref<400x256xf32, #tpu.memory_space<vmem>>, vector<400x256xf32>,
    %slice3A_12 = vector.extract_strided_slice %add3A_9 {offsets = [0, 256], sizes = [400, 256], strides = [1, 1]} : vector<400x1024xf32> to vector<400x256xf32>
    %swap3A_13 = arith.constant 0 : index
    %swap3A_14 = arith.constant 0 : index
    %swap3A_15 = vector.load %arg5[%swap3A_13, %swap3A_14] : memref<400x256xf32, #tpu.memory_space<vmem>>, vector<400x256xf32>
    tpu.vector_store %arg5[%swap3A_13, %swap3A_14], %slice3A_12 {strides = array<i32>} : memref<400x256xf32, #tpu.memory_space<vmem>>, vector<400x256xf32>,
    %slice3A_16 = vector.extract_strided_slice %add3A_9 {offsets = [0, 512], sizes = [400, 256], strides = [1, 1]} : vector<400x1024xf32> to vector<400x256xf32>
    %swap3A_17 = arith.constant 0 : index
    %swap3A_18 = arith.constant 0 : index
    %swap3A_19 = vector.load %arg6[%swap3A_17, %swap3A_18] : memref<400x256xf32, #tpu.memory_space<vmem>>, vector<400x256xf32>
    tpu.vector_store %arg6[%swap3A_17, %swap3A_18], %slice3A_16 {strides = array<i32>} : memref<400x256xf32, #tpu.memory_space<vmem>>, vector<400x256xf32>,
    %slice3A_20 = vector.extract_strided_slice %add3A_9 {offsets = [0, 768], sizes = [400, 256], strides = [1, 1]} : vector<400x1024xf32> to vector<400x256xf32>
    %swap3A_21 = arith.constant 0 : index
    %swap3A_22 = arith.constant 0 : index
    %swap3A_23 = vector.load %arg7[%swap3A_21, %swap3A_22] : memref<400x256xf32, #tpu.memory_space<vmem>>, vector<400x256xf32>
    tpu.vector_store %arg7[%swap3A_21, %swap3A_22], %slice3A_20 {strides = array<i32>} : memref<400x256xf32, #tpu.memory_space<vmem>>, vector<400x256xf32>,
    return
  }
  func.func @transform_0(%arg0: i32) -> (i32, i32) {
    %c0_i32 = arith.constant 0 : i32
    %c0_i32_0 = arith.constant 0 : i32
    return %arg0, %c0_i32 : i32, i32
  }
  func.func @transform_1(%arg0: i32) -> (i32, i32) {
    %c0_i32 = arith.constant 0 : i32
    %c0_i32_0 = arith.constant 0 : i32
    %c0_i32_1 = arith.constant 0 : i32
    return %c0_i32, %c0_i32_0 : i32, i32
  }
  func.func @transform_2(%arg0: i32) -> (i32, i32) {
    %c0_i32 = arith.constant 0 : i32
    %c0_i32_0 = arith.constant 0 : i32
    %c0_i32_1 = arith.constant 0 : i32
    return %c0_i32, %c0_i32_0 : i32, i32
  }
  func.func @transform_3(%arg0: i32) -> (i32, i32) {
    %c0_i32 = arith.constant 0 : i32
    %c0_i32_0 = arith.constant 0 : i32
    return %arg0, %c0_i32 : i32, i32
  }
  func.func @transform_4(%arg0: i32) -> (i32, i32) {
    %c0_i32 = arith.constant 0 : i32
    %c0_i32_0 = arith.constant 0 : i32
    return %arg0, %c0_i32 : i32, i32
  }
  func.func @transform_5(%arg0: i32) -> (i32, i32) {
    %c0_i32 = arith.constant 0 : i32
    %c0_i32_0 = arith.constant 0 : i32
    return %arg0, %c0_i32 : i32, i32
  }
  func.func @transform_6(%arg0: i32) -> (i32, i32) {
    %c0_i32 = arith.constant 0 : i32
    %c0_i32_0 = arith.constant 0 : i32
    return %arg0, %c0_i32 : i32, i32
  }
}

module attributes {stable_mosaic.version = 14 : i64} {
  func.func @_rowdot_scale_body(%arg0: i32, %arg1: memref<16x128x256xf32, #tpu.memory_space<vmem>>, %arg2: memref<16x128x256xf32, #tpu.memory_space<vmem>>, %arg3: memref<16x128xf32, #tpu.memory_space<vmem>>) attributes {dimension_semantics = [#tpu.dimension_semantics<arbitrary>], iteration_bounds = array<i64: 80>, scalar_prefetch = 0 : i64, scratch_operands = 0 : i64, tpu.core_type = #tpu.core_type<tc>, window_params = [{transform_indices = @transform_0, window_bounds = array<i64: 16, 128, 256>}, {transform_indices = @transform_1, window_bounds = array<i64: 16, 128, 256>}, {transform_indices = @transform_2, window_bounds = array<i64: 16, 128>}]} {
    %get3A = arith.constant 0 : index
    %get3A_0 = arith.constant 0 : index
    %get3A_1 = arith.constant 0 : index
    %get3A_2 = vector.load %arg1[%get3A, %get3A_0, %get3A_1] : memref<16x128x256xf32, #tpu.memory_space<vmem>>, vector<16x128x256xf32>
    %get3A_3 = arith.constant 0 : index
    %get3A_4 = arith.constant 0 : index
    %get3A_5 = arith.constant 0 : index
    %get3A_6 = vector.load %arg2[%get3A_3, %get3A_4, %get3A_5] : memref<16x128x256xf32, #tpu.memory_space<vmem>>, vector<16x128x256xf32>
    %mul3A = arith.mulf %get3A_2, %get3A_6 : vector<16x128x256xf32>
    %reduce_sum3A = arith.constant dense<0.000000e+00> : vector<16x128xf32>
    %reduce_sum3A_7 = vector.multi_reduction <add>, %mul3A, %reduce_sum3A [2] : vector<16x128x256xf32> to vector<16x128xf32>
    %mul3A_8 = arith.constant 6.250000e-02 : f32
    %mul3A_9 = vector.broadcast %mul3A_8 : f32 to vector<16x128xf32>
    %mul3A_10 = arith.mulf %reduce_sum3A_7, %mul3A_9 : vector<16x128xf32>
    %swap3A = arith.constant 0 : index
    %swap3A_11 = arith.constant 0 : index
    %swap3A_12 = vector.load %arg3[%swap3A, %swap3A_11] : memref<16x128xf32, #tpu.memory_space<vmem>>, vector<16x128xf32>
    tpu.vector_store %arg3[%swap3A, %swap3A_11], %mul3A_10 {strides = array<i32>} : memref<16x128xf32, #tpu.memory_space<vmem>>, vector<16x128xf32>,
    return
  }
  func.func @transform_0(%arg0: i32) -> (i32, i32, i32) {
    %c0_i32 = arith.constant 0 : i32
    %c0_i32_0 = arith.constant 0 : i32
    %c0_i32_1 = arith.constant 0 : i32
    return %arg0, %c0_i32, %c0_i32_0 : i32, i32, i32
  }
  func.func @transform_1(%arg0: i32) -> (i32, i32, i32) {
    %c0_i32 = arith.constant 0 : i32
    %c0_i32_0 = arith.constant 0 : i32
    %c0_i32_1 = arith.constant 0 : i32
    return %arg0, %c0_i32, %c0_i32_0 : i32, i32, i32
  }
  func.func @transform_2(%arg0: i32) -> (i32, i32) {
    %c0_i32 = arith.constant 0 : i32
    %c0_i32_0 = arith.constant 0 : i32
    return %arg0, %c0_i32 : i32, i32
  }
}

module attributes {stable_mosaic.version = 14 : i64} {
  func.func @_rowdot_sigmoid_body(%arg0: i32, %arg1: memref<16x128x256xf32, #tpu.memory_space<vmem>>, %arg2: memref<16x128x256xf32, #tpu.memory_space<vmem>>, %arg3: memref<16x128xf32, #tpu.memory_space<vmem>>) attributes {dimension_semantics = [#tpu.dimension_semantics<arbitrary>], iteration_bounds = array<i64: 80>, scalar_prefetch = 0 : i64, scratch_operands = 0 : i64, tpu.core_type = #tpu.core_type<tc>, window_params = [{transform_indices = @transform_0, window_bounds = array<i64: 16, 128, 256>}, {transform_indices = @transform_1, window_bounds = array<i64: 16, 128, 256>}, {transform_indices = @transform_2, window_bounds = array<i64: 16, 128>}]} {
    %get3A = arith.constant 0 : index
    %get3A_0 = arith.constant 0 : index
    %get3A_1 = arith.constant 0 : index
    %get3A_2 = vector.load %arg1[%get3A, %get3A_0, %get3A_1] : memref<16x128x256xf32, #tpu.memory_space<vmem>>, vector<16x128x256xf32>
    %get3A_3 = arith.constant 0 : index
    %get3A_4 = arith.constant 0 : index
    %get3A_5 = arith.constant 0 : index
    %get3A_6 = vector.load %arg2[%get3A_3, %get3A_4, %get3A_5] : memref<16x128x256xf32, #tpu.memory_space<vmem>>, vector<16x128x256xf32>
    %mul3A = arith.mulf %get3A_2, %get3A_6 : vector<16x128x256xf32>
    %reduce_sum3A = arith.constant dense<0.000000e+00> : vector<16x128xf32>
    %reduce_sum3A_7 = vector.multi_reduction <add>, %mul3A, %reduce_sum3A [2] : vector<16x128x256xf32> to vector<16x128xf32>
    %logistic3A = arith.negf %reduce_sum3A_7 : vector<16x128xf32>
    %logistic3A_8 = math.exp %logistic3A : vector<16x128xf32>
    %logistic3A_9 = arith.constant 1.000000e+00 : f32
    %logistic3A_10 = vector.broadcast %logistic3A_9 : f32 to vector<16x128xf32>
    %logistic3A_11 = arith.addf %logistic3A_10, %logistic3A_8 : vector<16x128xf32>
    %logistic3A_12 = arith.divf %logistic3A_10, %logistic3A_11 : vector<16x128xf32>
    %swap3A = arith.constant 0 : index
    %swap3A_13 = arith.constant 0 : index
    %swap3A_14 = vector.load %arg3[%swap3A, %swap3A_13] : memref<16x128xf32, #tpu.memory_space<vmem>>, vector<16x128xf32>
    tpu.vector_store %arg3[%swap3A, %swap3A_13], %logistic3A_12 {strides = array<i32>} : memref<16x128xf32, #tpu.memory_space<vmem>>, vector<16x128xf32>,
    return
  }
  func.func @transform_0(%arg0: i32) -> (i32, i32, i32) {
    %c0_i32 = arith.constant 0 : i32
    %c0_i32_0 = arith.constant 0 : i32
    %c0_i32_1 = arith.constant 0 : i32
    return %arg0, %c0_i32, %c0_i32_0 : i32, i32, i32
  }
  func.func @transform_1(%arg0: i32) -> (i32, i32, i32) {
    %c0_i32 = arith.constant 0 : i32
    %c0_i32_0 = arith.constant 0 : i32
    %c0_i32_1 = arith.constant 0 : i32
    return %arg0, %c0_i32, %c0_i32_0 : i32, i32, i32
  }
  func.func @transform_2(%arg0: i32) -> (i32, i32) {
    %c0_i32 = arith.constant 0 : i32
    %c0_i32_0 = arith.constant 0 : i32
    return %arg0, %c0_i32 : i32, i32
  }
}

module attributes {stable_mosaic.version = 14 : i64} {
  func.func @_head_body(%arg0: i32, %arg1: memref<1000x256xf32, #tpu.memory_space<vmem>>, %arg2: memref<1000x256xf32, #tpu.memory_space<vmem>>, %arg3: memref<1x256xf32, #tpu.memory_space<vmem>>, %arg4: memref<256x64xf32, #tpu.memory_space<vmem>>, %arg5: memref<1x64xf32, #tpu.memory_space<vmem>>, %arg6: memref<1x64xf32, #tpu.memory_space<vmem>>, %arg7: memref<1x256xf32, #tpu.memory_space<vmem>>) attributes {dimension_semantics = [#tpu.dimension_semantics<arbitrary>], iteration_bounds = array<i64: 10>, scalar_prefetch = 0 : i64, scratch_operands = 1 : i64, tpu.core_type = #tpu.core_type<tc>, window_params = [{transform_indices = @transform_0, window_bounds = array<i64: 1000, 256>}, {transform_indices = @transform_1, window_bounds = array<i64: 1000, 256>}, {pipeline_mode = #tpu.pipeline_mode<synchronous>, transform_indices = @transform_2, window_bounds = array<i64: 1, 256>}, {pipeline_mode = #tpu.pipeline_mode<synchronous>, transform_indices = @transform_3, window_bounds = array<i64: 256, 64>}, {pipeline_mode = #tpu.pipeline_mode<synchronous>, transform_indices = @transform_4, window_bounds = array<i64: 1, 64>}, {pipeline_mode = #tpu.pipeline_mode<synchronous>, transform_indices = @transform_5, window_bounds = array<i64: 1, 64>}]} {
    %eq3A = arith.constant 0 : i32
    %eq3A_0 = arith.cmpi eq, %arg0, %eq3A : i32
    %convert_element_type3A = arith.extui %eq3A_0 : i1 to i32
    %cond3A = arith.constant 0 : i32
    %cond3A_1 = arith.cmpi ne, %convert_element_type3A, %cond3A : i32
    scf.if %cond3A_1 {
      %broadcast_in_dim3A_19 = arith.constant 0.000000e+00 : f32
      %broadcast_in_dim3A_20 = vector.broadcast %broadcast_in_dim3A_19 : f32 to vector<1x256xf32>
      %swap3A_21 = arith.constant 0 : index
      %swap3A_22 = arith.constant 0 : index
      %swap3A_23 = vector.load %arg7[%swap3A_21, %swap3A_22] : memref<1x256xf32, #tpu.memory_space<vmem>>, vector<1x256xf32>
      tpu.vector_store %arg7[%swap3A_21, %swap3A_22], %broadcast_in_dim3A_20 {strides = array<i32>} : memref<1x256xf32, #tpu.memory_space<vmem>>, vector<1x256xf32>,
    } else {
    }
    %get3A = arith.constant 0 : index
    %get3A_2 = arith.constant 0 : index
    %get3A_3 = vector.load %arg1[%get3A, %get3A_2] : memref<1000x256xf32, #tpu.memory_space<vmem>>, vector<1000x256xf32>
    %reduce_max3A = arith.constant dense<0xFF800000> : vector<1000xf32>
    %reduce_max3A_4 = vector.multi_reduction <maximumf>, %get3A_3, %reduce_max3A [1] : vector<1000x256xf32> to vector<1000xf32>
    %get3A_5 = arith.constant 0 : index
    %get3A_6 = arith.constant 0 : index
    %get3A_7 = vector.load %arg7[%get3A_5, %get3A_6] : memref<1x256xf32, #tpu.memory_space<vmem>>, vector<1x256xf32>
    %broadcast_in_dim3A = vector.shape_cast %reduce_max3A_4 : vector<1000xf32> to vector<1x1000xf32>
    %get3A_8 = arith.constant 0 : index
    %get3A_9 = arith.constant 0 : index
    %get3A_10 = vector.load %arg2[%get3A_8, %get3A_9] : memref<1000x256xf32, #tpu.memory_space<vmem>>, vector<1000x256xf32>
    %dot_general3A = arith.constant dense<0.000000e+00> : vector<1x256xf32>
    %dot_general3A_11 = tpu.matmul %broadcast_in_dim3A, %get3A_10, %dot_general3A {dimension_numbers = #tpu.dot_dimension_numbers<[1], [0], [0], [1], [0, 0, 1, 1], [], []>, transpose_lhs_hint = false} : vector<1x1000xf32>, vector<1000x256xf32>, vector<1x256xf32> -> vector<1x256xf32>
    %add3A = arith.addf %get3A_7, %dot_general3A_11 : vector<1x256xf32>
    %swap3A = arith.constant 0 : index
    %swap3A_12 = arith.constant 0 : index
    %swap3A_13 = vector.load %arg7[%swap3A, %swap3A_12] : memref<1x256xf32, #tpu.memory_space<vmem>>, vector<1x256xf32>
    tpu.vector_store %arg7[%swap3A, %swap3A_12], %add3A {strides = array<i32>} : memref<1x256xf32, #tpu.memory_space<vmem>>, vector<1x256xf32>,
    %eq3A_14 = arith.constant 9 : i32
    %eq3A_15 = arith.cmpi eq, %arg0, %eq3A_14 : i32
    %convert_element_type3A_16 = arith.extui %eq3A_15 : i1 to i32
    %cond3A_17 = arith.constant 0 : i32
    %cond3A_18 = arith.cmpi ne, %convert_element_type3A_16, %cond3A_17 : i32
    scf.if %cond3A_18 {
      %get3A_19 = arith.constant 0 : index
      %get3A_20 = arith.constant 0 : index
      %get3A_21 = vector.load %arg7[%get3A_19, %get3A_20] : memref<1x256xf32, #tpu.memory_space<vmem>>, vector<1x256xf32>
      %get3A_22 = arith.constant 0 : index
      %get3A_23 = arith.constant 0 : index
      %get3A_24 = vector.load %arg3[%get3A_22, %get3A_23] : memref<1x256xf32, #tpu.memory_space<vmem>>, vector<1x256xf32>
      %add3A_25 = arith.addf %get3A_21, %get3A_24 : vector<1x256xf32>
      %max3A = arith.constant 0.000000e+00 : f32
      %max3A_26 = vector.broadcast %max3A : f32 to vector<1x256xf32>
      %max3A_27 = arith.maximumf %add3A_25, %max3A_26 : vector<1x256xf32>
      %get3A_28 = arith.constant 0 : index
      %get3A_29 = arith.constant 0 : index
      %get3A_30 = vector.load %arg4[%get3A_28, %get3A_29] : memref<256x64xf32, #tpu.memory_space<vmem>>, vector<256x64xf32>
      %dot_general3A_31 = arith.constant dense<0.000000e+00> : vector<1x64xf32>
      %dot_general3A_32 = tpu.matmul %max3A_27, %get3A_30, %dot_general3A_31 {dimension_numbers = #tpu.dot_dimension_numbers<[1], [0], [0], [1], [0, 0, 1, 1], [], []>, transpose_lhs_hint = false} : vector<1x256xf32>, vector<256x64xf32>, vector<1x64xf32> -> vector<1x64xf32>
      %get3A_33 = arith.constant 0 : index
      %get3A_34 = arith.constant 0 : index
      %get3A_35 = vector.load %arg5[%get3A_33, %get3A_34] : memref<1x64xf32, #tpu.memory_space<vmem>>, vector<1x64xf32>
      %add3A_36 = arith.addf %dot_general3A_32, %get3A_35 : vector<1x64xf32>
      %swap3A_37 = arith.constant 0 : index
      %swap3A_38 = arith.constant 0 : index
      %swap3A_39 = vector.load %arg6[%swap3A_37, %swap3A_38] : memref<1x64xf32, #tpu.memory_space<vmem>>, vector<1x64xf32>
      tpu.vector_store %arg6[%swap3A_37, %swap3A_38], %add3A_36 {strides = array<i32>} : memref<1x64xf32, #tpu.memory_space<vmem>>, vector<1x64xf32>,
    } else {
    }
    return
  }
  func.func @transform_0(%arg0: i32) -> (i32, i32) {
    %c0_i32 = arith.constant 0 : i32
    %c0_i32_0 = arith.constant 0 : i32
    return %arg0, %c0_i32 : i32, i32
  }
  func.func @transform_1(%arg0: i32) -> (i32, i32) {
    %c0_i32 = arith.constant 0 : i32
    %c0_i32_0 = arith.constant 0 : i32
    return %arg0, %c0_i32 : i32, i32
  }
  func.func @transform_2(%arg0: i32) -> (i32, i32) {
    %c0_i32 = arith.constant 0 : i32
    %c0_i32_0 = arith.constant 0 : i32
    %c0_i32_1 = arith.constant 0 : i32
    return %c0_i32, %c0_i32_0 : i32, i32
  }
  func.func @transform_3(%arg0: i32) -> (i32, i32) {
    %c0_i32 = arith.constant 0 : i32
    %c0_i32_0 = arith.constant 0 : i32
    %c0_i32_1 = arith.constant 0 : i32
    return %c0_i32, %c0_i32_0 : i32, i32
  }
  func.func @transform_4(%arg0: i32) -> (i32, i32) {
    %c0_i32 = arith.constant 0 : i32
    %c0_i32_0 = arith.constant 0 : i32
    %c0_i32_1 = arith.constant 0 : i32
    return %c0_i32, %c0_i32_0 : i32, i32
  }
  func.func @transform_5(%arg0: i32) -> (i32, i32) {
    %c0_i32 = arith.constant 0 : i32
    %c0_i32_0 = arith.constant 0 : i32
    %c0_i32_1 = arith.constant 0 : i32
    return %c0_i32, %c0_i32_0 : i32, i32
  }
}

</mosaic_0001>

<sc_bundles>
// kernel: scatter_offload_async_start.1
scs
__scs_entry_jumppad:
0x0: {  	(pc) =	sbr.rel $0x88, $3  }
0x1: {  	(tag) =	ssettag $0x0;
	lr =	simm.s32 $0x1  }
0x2: {  	[smem:$0x3F8A] =	sst lr;
	_ =	strace $0xD0000000  }
0x3: {  	_ = 	snop  }
0x4: {  	_ = 	snop  }
0x5: {  	_ = 	snop  }
0x6: {  	_ = 	snop  }
0x7: {  	_ = 	snop  }
__scs_overlays_trampoline_lowered:
0x8: {  	[smem:$0x3F99] =	sst s0  }
0x9: {  	[smem:$0x3F9A] =	sst s1  }
0xa: {  	[smem:$0x3F9B] =	sst s2  }
0xb: {  	[smem:$0x3F9C] =	sst s3  }
0xc: {  	[smem:$0x3F9D] =	sst s4  }
0xd: {  	[smem:$0x3F9E] =	sst s5  }
0xe: {  	[smem:$0x3F9F] =	sst s6  }
0xf: {  	[smem:$0x3FA0] =	sst s7  }
0x10: {  	[smem:$0x3FA1] =	sst s8  }
0x11: {  	[smem:$0x3FA2] =	sst s9;
	s0 =	simm.s32 @!p0 $0x0  }
0x12: {  	s1 =	sld [smem:$0x3F88];
	s0 =	simm.s32 @p0 $0x1  }
0x13: {  	[smem:$0x3FA3] =	sst s0;
	s0 =	simm.s32 @!p1 $0x0  }
0x14: {  	s2 =	sld [smem:$0x3F87];
	s0 =	simm.s32 @p1 $0x1  }
0x15: {  	[smem:$0x3FA4] =	sst s0;
	s0 =	simm.s32 @!p2 $0x0  }
0x16: {  	s3 =	sld [smem:$0x3FDB];
	s0 =	simm.s32 @p2 $0x1  }
0x17: {  	s4 =	simm.s32 $0x1BF5;
	[smem:$0x3FA6] =	sst s0  }
0x18: {  	s0 =	sld [smem:$0x3F89];
	_ =	swait.ge [sflag:s4], $0x0  }
0x19: {  	s7 =	sld [smem:$0x3F8A]  }
0x1a: {  	s8 =	sadd.s32 $0xFFFFE003, lr  }
0x1b: {  	s9 =	sadd.s32 $0xFFFFFEF7, lr;
	s5 =	simm.s32 $0xFFFFFFFF;
	p2 =	slt.u32 s8, $0xFFFFF086  }
0x1c: {  	p1 =	slt.u32 s9, $0xF7A;
	s5 =	simm.s32 @!p2 $0x0  }
0x1d: {  	s5 =	simm.s32 @p1 $0x1;
	p0 =	seq.s32 s7, s2  }
0x1e: {  	s7 =	smul.u32 @!p0 $0xF7A, s2;
	p2 =	seq.s32 @!p0 s5, $0x0  }
0x1f: {  	s9 =	smul.u32 $0xF7A, s1;
	s8 =	simm.s32 @!p0 $0x1BF5;
	p2 =	por !p2, p0  }
0x20: {  	[sflag:s8] =	ssyncset.s32 @!p0 $0xFFFFF086;
	s6 =	sadd.s32 @!p0 s3, s7;
	s7 =	simm.s32 @!p0 $0x108  }
0x21: {  	s3 =	sadd.s32 s3, s9;
	s6 =	sadd.s32 @!p0 $0x88, s6;
	s7 =	simm.s32 @p2 $0x1082  }
0x22: {  	[simem:s7], [sflag:s8] =	dma.local @!p0 [hbm:s6], $0xF7A  }
0x23: {  	s9 =	sor.u32 $0xD0000000, s2;
	s6 =	simm.s32 $0x108;
	_ =	swait.ge @!p0 [sflag:s8], $0x0  }
0x24: {  	s3 =	sadd.s32 $0x88, s3;
	s6 =	simm.s32 @!p1 $0x1082;
	[sflag:s4] =	ssyncset.s32 $0xFFFFF086  }
0x25: {  	[simem:s6], [sflag:s4] =	dma.local [hbm:s3], $0xF7A  }
0x26: {  	[smem:$0x3F8A] =	sst s1;
	(tag) =	ssettag s2;
	_ =	strace s9  }
0x27: {  	s1 =	sld [smem:$0x3F9A]  }
0x28: {  	s2 =	sld [smem:$0x3F9B]  }
0x29: {  	s4 =	sld [smem:$0x3F9D]  }
0x2a: {  	p0 =	seq.s32 s5, $0x0;
	s5 =	sld [smem:$0x3F9E]  }
0x2b: {  	s6 =	sld [smem:$0x3F9F]  }
0x2c: {  	s7 =	sld [smem:$0x3FA0]  }
0x2d: {  	s3 =	simm.s32 $0x108;
	s8 =	sld [smem:$0x3FA1]  }
0x2e: {  	s3 =	simm.s32 @!p0 $0x1082;
	s9 =	sld [smem:$0x3FA2]  }
0x2f: {  	lr =	sadd.s32 s0, s3;
	s0 =	sld [smem:$0x3F99]  }
0x30: {  	s3 =	sld [smem:$0x3F9C]  }
0x31: {  	[smem:$0x3FA5] =	sst s10  }
0x32: {  	s10 =	sld [smem:$0x3FA3];
	_ =	sdelay $0x3  }
0x33: {  	p0 =	seq.s32 s10, $0x1;
	s10 =	sld [smem:$0x3FA5];
	_ =	sdelay $0x3  }
0x34: {  	[smem:$0x3FA5] =	sst s10  }
0x35: {  	s10 =	sld [smem:$0x3FA4];
	_ =	sdelay $0x3  }
0x36: {  	p1 =	seq.s32 s10, $0x1;
	s10 =	sld [smem:$0x3FA5];
	_ =	sdelay $0x3  }
0x37: {  	[smem:$0x3FA5] =	sst s10  }
0x38: {  	s10 =	sld [smem:$0x3FA6]  }
0x39: {  	_ = 	snop;
	(pc) =	sbr.ind lr, $3  }
0x3a: {  	_ = 	snop  }
0x3b: {  	_ = 	snop  }
0x3c: {  	p2 =	seq.s32 s10, $0x1;
	s10 =	sld [smem:$0x3FA5]  }
0x3d: {  	_ =	shalt  }
0x3e: {  	_ =	shalt  }
0x3f: {  	_ =	shalt  }
0x40: {  	_ =	shalt  }
0x41: {  	_ =	shalt  }
0x42: {  	_ =	shalt  }
0x43: {  	_ =	shalt  }
0x44: {  	_ =	shalt  }
0x45: {  	_ =	shalt  }
0x46: {  	_ =	shalt  }
0x47: {  	_ =	shalt  }
0x48: {  	_ =	shalt  }
0x49: {  	_ =	shalt  }
0x4a: {  	_ =	shalt  }
0x4b: {  	_ =	shalt  }
0x4c: {  	_ =	shalt  }
0x4d: {  	_ =	shalt  }
0x4e: {  	_ =	shalt  }
0x4f: {  	_ =	shalt  }
0x50: {  	_ =	shalt  }
0x51: {  	_ =	shalt  }
0x52: {  	_ =	shalt  }
0x53: {  	_ =	shalt  }
0x54: {  	_ =	shalt  }
0x55: {  	_ =	shalt  }
0x56: {  	_ =	shalt  }
0x57: {  	_ =	shalt  }
0x58: {  	_ =	shalt  }
0x59: {  	_ =	shalt  }
0x5a: {  	_ =	shalt  }
0x5b: {  	_ =	shalt  }
0x5c: {  	_ =	shalt  }
0x5d: {  	_ =	shalt  }
0x5e: {  	_ =	shalt  }
0x5f: {  	_ =	shalt  }
0x60: {  	_ =	shalt  }
0x61: {  	_ =	shalt  }
0x62: {  	_ =	shalt  }
0x63: {  	_ =	shalt  }
0x64: {  	_ =	shalt  }
0x65: {  	_ =	shalt  }
0x66: {  	_ =	shalt  }
0x67: {  	_ =	shalt  }
0x68: {  	_ =	shalt  }
0x69: {  	_ =	shalt  }
0x6a: {  	_ =	shalt  }
0x6b: {  	_ =	shalt  }
0x6c: {  	_ =	shalt  }
0x6d: {  	_ =	shalt  }
0x6e: {  	_ =	shalt  }
0x6f: {  	_ =	shalt  }
0x70: {  	_ =	shalt  }
0x71: {  	_ =	shalt  }
0x72: {  	_ =	shalt  }
0x73: {  	_ =	shalt  }
0x74: {  	_ =	shalt  }
0x75: {  	_ =	shalt  }
0x76: {  	_ =	shalt  }
0x77: {  	_ =	shalt  }
0x78: {  	_ =	shalt  }
0x79: {  	_ =	shalt  }
0x7a: {  	_ =	shalt  }
0x7b: {  	_ =	shalt  }
0x7c: {  	_ =	shalt  }
0x7d: {  	_ =	shalt  }
0x7e: {  	_ =	shalt  }
0x7f: {  	_ =	shalt  }
0x80: {  	_ =	shalt  }
0x81: {  	_ =	shalt  }
0x82: {  	_ =	shalt  }
0x83: {  	_ =	shalt  }
0x84: {  	_ =	shalt  }
0x85: {  	_ =	shalt  }
0x86: {  	_ =	shalt  }
0x87: {  	_ =	shalt  }
.Lfunc_end0:
.L_simem_size_0:
called_computation.1_lowered:
.L_overlay_start_0:
0x88: {  	s0 =	sld [smem:$0x3FD9]  }
0x89: {  	s1 =	sld [smem:$0x3FFE];
	_ =	sdelay $0x3  }
0x8a: {  	s0 =	sadd.s32 s1, s0  }
0x8b: {  	[smem:$0x3FB1] =	sst s0  }
0x8c: {  	_ = 	snop  }
0x8d: {  	(tm) =	ssettm $0x1  }
0x8e: {  	s14 =	sld [smem:$0x3FFB];
	_ =	sdelay $0x3  }
0x8f: {  	_ =	strace s14  }
0x90: {  	s0 =	sld [smem:$0x3FFC];
	_ =	sdelay $0x3  }
0x91: {  	_ =	strace s0  }
0x92: {  	s0 =	sld [smem:$0x3FFD];
	_ =	sdelay $0x3  }
0x93: {  	_ =	strace s0  }
0x94: {  	_ =	strace $0x8FFFFFFF  }
0x95: {  	s15 =	sld [smem:$0x3FDB];
	_ =	sdelay $0x1  }
0x96: {  	s16 =	simm.s32 $_scs_section_size  }
0x97: {  	s2 =	simm.s32 $_size__tile_overlayer_lowered;
	s3 =	simm.s32 $_tile_overlayer_lowered  }
0x98: {  	s4 =	simm.s32 $0x1BFF;
	s17 =	sshll.u32 s3, $0x1;
	s1 =	sadd.s32 s16, s15  }
0x99: {  	s18 =	simm.s32 $0x0;
	s2 =	sshll.u32 s2, $0x1;
	s3 =	sadd.s32 s17, s1  }
0x9a: {  	[timem:s18], [sflag:s4] =	dma.local [hbm:s3], s2  }
0x9b: {  	_ =	swait.ge [sflag:s4], s2  }
0x9c: {  	s2 =	ssub.s32 $0x0, s2;
	[sflag:s4] =	ssyncset.done $0x0  }
0x9d: {  	[sflag:s4] =	ssyncadd.s32 s2;
	_ =	sdelay $0x1  }
0x9e: {  	s19 =	simm.s32 $0x1B8B  }
0x9f: {  	_ =	swait.ge [sflag:s19], $0x1  }
0xa0: {  	[sflag:s19] =	ssyncset.done $0x0  }
0xa1: {  	s21 =	simm.s32 $0x1B8E;
	s20 =	sld [smem:$0x3FFE];
	[sflag:s19] =	ssyncadd.s32 $0xFFFFFFFF  }
0xa2: {  	s22 =	simm.s32 $execute0_lowered;
	[smem:$0x3FD2] =	sst s21  }
0xa3: {  	s3 =	sshll.u32 s22, $0x1;
	_ =	strace $0x8000004C;
	[dreg:$0x1] =	wrdreg $0xFFFFFFFF  }
0xa4: {  	s23 =	simm.s32 $_size_execute0_lowered;
	s3 =	sadd.s32 s1, s3;
	[dreg:$0x0] =	wrdreg $0x0  }
0xa5: {  	s4 =	sshll.u32 s23, $0x1;
	[dreg:$0x2] =	wrdreg s3  }
0xa6: {  	[dreg:$0x3] =	wrdreg s4  }
0xa7: {  	[dreg:$0x4] =	wrdreg $0xC0  }
0xa8: {  	s24 =	simm.s32 $execute1_lowered;
	_ =	task [dreg:s18], $0x5FFFF  }
0xa9: {  	s3 =	sshll.u32 s24, $0x1;
	[dreg:$0x1] =	wrdreg $0xFFFFFFFF  }
0xaa: {  	s1 =	sadd.s32 s1, s3;
	[dreg:$0x0] =	wrdreg $0x60  }
0xab: {  	[dreg:$0x2] =	wrdreg s1  }
0xac: {  	[dreg:$0x3] =	wrdreg s20  }
0xad: {  	[dreg:$0x4] =	wrdreg $0x9  }
0xae: {  	_ =	task.clear_ibuf [dreg:s18], $0x5FFFF;
	_ =	strace $0x9000004C  }
0xaf: {  	s25 =	simm.s32 $0x9;
	_ =	strace $0x8000004E  }
0xb0: {  	_ =	swait.ge [sflag:s25], $0x1  }
0xb1: {  	[sflag:s25] =	ssyncadd.s32 $0xFFFFFFFF  }
0xb2: {  	_ =	strace $0x9000004E  }
0xb3: {  	_ =	strace $0x8000004F;
	[dreg:$0x1] =	wrdreg $0xFFFFFFFF  }
0xb4: {  	[dreg:$0x0] =	wrdreg $0x2030  }
0xb5: {  	[dreg:$0x2] =	wrdreg s20  }
0xb6: {  	[dreg:$0x3] =	wrdreg $0xA  }
0xb7: {  	_ =	task.clear_ibuf [dreg:s18], $0x4FFFF;
	_ =	strace $0x9000004F  }
0xb8: {  	s26 =	simm.s32 $0xA;
	_ =	strace $0x80000051  }
0xb9: {  	_ =	swait.ge [sflag:s26], $0x1  }
0xba: {  	[sflag:s26] =	ssyncadd.s32 $0xFFFFFFFF  }
0xbb: {  	_ =	strace $0x90000051  }
0xbc: {  	_ =	sfence  }
0xbd: {  	s28 =	sld [smem:$0x0];
	_ =	sdelay $0x1  }
0xbe: {  	s29 =	srdreg.scid  }
0xbf: {  	s30 =	sshll.u32 s29, $0xD;
	s31 =	sshrl.u32 s29, $0x2  }
0xc0: {  	s2 =	sand.u32 $0x1, s29;
	s3 =	sand.u32 $0x4000, s30;
	s1 =	sadd.s32 s31, s28  }
0xc1: {  	s2 =	sor.u32 s3, s2;
	s1 =	sshll.u32 s1, $0x11  }
0xc2: {  	s1 =	sor.u32 s1, s2  }
0xc3: {  	s1 =	sadd.s32 $0x8F2B, s1  }
0xc4: {  	[sflag:s1] =	ssyncadd.remote.s32 $0x1  }
0xc5: {  	_ =	sfence.sel $0xFFFF  }
0xc6: {  	[dreg:$0x0] =	wrdreg $0xFFFFFFFF;
	(pc) =	sbr.abs _section_cstart, $3  }
0xc7: {  	[dreg:$0x1] =	wrdreg $0xFFFFFFFF  }
0xc8: {  	_ =	task.clear_ibuf [dreg:s18], $0x2FFFF;
	_ =	strace $0x9FFFFFFF  }
0xc9: {  	(tm) =	ssettm $0x7FFFFFFF  }
tec
execute0_lowered:
.L_overlay_start_1:
0x0: {  	(tag) =	ssettag $0x1  }
0x1: {  	s2 =	rddreg [dreg:$0x0]  }
0x2: {  	s4 =	rddreg [dreg:$0x1]  }
0x3: {  	s0 =	rddreg [dreg:$0x2];
	s3 =	stileid.u32  }
0x4: {  	[bflag:$0x3] =	sbarrier.arrive $0xFFFF;
	s1 =	simm.s32 $_size_execute1_lowered;
	p0 =	sne.s32 s3, $0x0  }
0x5: {  	s1 =	sshll.u32 s1, $0x1;
	s5 =	simm.s32 @!p0 $0x1C3F;
	s6 =	simm.s32 @!p0 $0x4060  }
0x6: {  	[timem:s6], [sflag:s5] =	dma.local @!p0 [hbm:s2], s1  }
0x7: {  	s2 =	smul.u32 $0x280, s3  }
.Ltmp0:
0x8: {  	s31 =	simm.s32 $0x2;
	s7 =	simm.s32 $0x280;
	(pc) =	sbr.rel .LBB2_1-.Ltmp0, $4  }
0x9: {  	s8 =	simm.s32 $0x780;
	s10 =	simm.s32 $0x0;
	s9 =	simm.s32 $0x0  }
0xa: {  	s3 =	simm.s32 $0x1;
	_ =	strace $0x8000004D;
	s30 =	sshrl.u32 s2, $0x3  }
0xb: {  	s6 =	simm.s32 $0x0;
	[sflag:s3] =	ssyncpa.u1 $0x0;
	s5 =	sadd.s32 s30, s4  }
0xc: {  	s4 =	sadd.s32 $0x74600, s4;
	[sflag:s31] =	ssyncpa.u1 $0x0;
	s5 =	sadd.s32 $0x6F000, s5  }
.LBB2_8:
0xd: {  	p1 =	seq.s32 s9, $0x2  }
.Ltmp1:
0xe: {  	_ = 	snop;
	(pc) =	sbr.rel @p1 .LBB2_10-.Ltmp1, $1  }
0xf: {  	_ =	sdelay $0x3  }
.LBB2_9:
0x10: {  	s9 =	sadd.s32 $0x1, s9;
	s10 =	smov.u32 s2  }
.LBB2_1:
0x11: {  	p1 =	sne.s32 s9, $0x0  }
.Ltmp2:
0x12: {  	_ = 	snop;
	(pc) =	sbr.rel @!p1 .LBB2_2-.Ltmp2, $1  }
0x13: {  	_ =	sdelay $0x3  }
0x14: {  	s11 =	sand.u32 $0x1, s9  }
0x15: {  	p1 =	seq.s32 s11, $0x0  }
.Ltmp3:
0x16: {  	_ = 	snop;
	(pc) =	sbr.rel @p1 .LBB2_8-.Ltmp3, $1  }
0x17: {  	_ =	sdelay $0x3  }
0x18: {  	_ =	swait.ge [sflag:s3], $0x280  }
0x19: {  	[sflag:s3] =	ssyncset.done $0x0  }
0x1a: {  	s11 =	simm.s32 $0x0;
	p1 =	por $0x1, $0x1;
	[sflag:s3] =	ssyncadd.s32 $0xFFFFFD80  }
.LBB2_5:
0x1b: {  	v0 =	vld [tilespmem:s11+$0x280]  }
0x1c: {  	v1 =	vld [tilespmem:s11+$0x290]  }
0x1d: {  	v2 =	vld [tilespmem:s11+$0x2A0]  }
0x1e: {  	v3 =	vld [tilespmem:s11+$0x2B0]  }
0x1f: {  	v4 =	vld [tilespmem:s11+$0x2C0]  }
0x20: {  	v53 =	vld [tilespmem:s11+$0x2D0];
	[tilespmem:s11+$0x780] =	vst v0  }
0x21: {  	v54 =	vld [tilespmem:s11+$0x2E0];
	[tilespmem:s11+$0x790] =	vst v1  }
0x22: {  	v55 =	vld [tilespmem:s11+$0x2F0];
	[tilespmem:s11+$0x7A0] =	vst v2  }
0x23: {  	v56 =	vld [tilespmem:s11+$0x300];
	[tilespmem:s11+$0x7B0] =	vst v3  }
0x24: {  	v57 =	vld [tilespmem:s11+$0x310];
	[tilespmem:s11+$0x7C0] =	vst v4  }
0x25: {  	v58 =	vld [tilespmem:s11+$0x320];
	[tilespmem:s11+$0x7D0] =	vst v53  }
0x26: {  	v59 =	vld [tilespmem:s11+$0x330];
	[tilespmem:s11+$0x7E0] =	vst v54  }
0x27: {  	v60 =	vld [tilespmem:s11+$0x340];
	[tilespmem:s11+$0x7F0] =	vst v55  }
0x28: {  	v61 =	vld [tilespmem:s11+$0x350];
	[tilespmem:s11+$0x800] =	vst v56  }
0x29: {  	v62 =	vld [tilespmem:s11+$0x360];
	[tilespmem:s11+$0x810] =	vst v57  }
0x2a: {  	v63 =	vld [tilespmem:s11+$0x370];
	p2 =	por p1, p1;
	[tilespmem:s11+$0x820] =	vst v58  }
.Ltmp4:
0x2b: {  	[tilespmem:s11+$0x830] =	vst v59;
	(pc) =	sbr.rel @p2 .LBB2_5-.Ltmp4, $4  }
0x2c: {  	[tilespmem:s11+$0x840] =	vst v60  }
0x2d: {  	[tilespmem:s11+$0x850] =	vst v61  }
0x2e: {  	s12 =	simm.s32 $0x1F0;
	s13 =	simm.s32 $0x980;
	[tilespmem:s11+$0x860] =	vst v62  }
0x2f: {  	s14 =	simm.s32 $0x480;
	p1 =	por $0x0, $0x0;
	[tilespmem:s11+$0x870] =	vst v63;
	s11 =	simm.s32 $0x100  }
.LBB2_6:
0x30: {  	s12 =	sadd.s32 $0x10, s12  }
0x31: {  	v0 =	vld [tilespmem:s14+$0x0];
	p1 =	slt.u32 s12, $0x270  }
.Ltmp5:
0x32: {  	_ = 	snop;
	(pc) =	sbr.rel @p1 .LBB2_6-.Ltmp5, $2  }
0x33: {  	_ =	sdelay $0x2  }
0x34: {  	s14 =	sadd.s32 $0x10, s14;
	[tilespmem:s13+$0x0] =	vst v0;
	s13 =	sadd.s32 $0x10, s13  }
.Ltmp6:
0x35: {  	(pc) =	sbr.rel .LBB2_8-.Ltmp6, $4  }
0x36: {  	_ = 	snop  }
0x37: {  	s10 =	sshrl.u32 s10, $0x3  }
0x38: {  	s10 =	sadd.s32 s4, s10  }
0x39: {  	[hbm4b:s10+s6] =	stream.linear.scatter [tilespmem:s8], [sflag:$0x2], $0x280, $0x38;
	[tilespmem:$0xA00] =	vst v63  }
.LBB2_2:
.Ltmp7:
0x3a: {  	(pc) =	sbr.rel .LBB2_9-.Ltmp7, $2  }
0x3b: {  	_ =	sdelay $0x2  }
0x3c: {  	[tilespmem:s7], [sflag:$0x1] =	stream.linear.gather [hbm4b:s5+s6], $0x280, $0x38;
	[tilespmem:$0xA00] =	vst v63  }
.LBB2_10:
0x3d: {  	s2 =	simm.s32 $0x2  }
0x3e: {  	_ =	swait.ge [sflag:s2], $0x280  }
0x3f: {  	[sflag:s2] =	ssyncset.done $0x0  }
0x40: {  	[sflag:s2] =	ssyncadd.s32 $0xFFFFFD80  }
0x41: {  	_ =	sfence.sel $0x180000  }
0x42: {  	s3 =	simm.s32 $0x1;
	[bflag:$0x0] =	sbarrier.arrive $0xFFFF  }
0x43: {  	[sflag:s3] =	ssyncpa.u1 $0x1  }
0x44: {  	[sflag:s2] =	ssyncpa.u1 $0x1  }
0x45: {  	_ =	strace $0x9000004D  }
0x46: {  	s0 =	sadd.s32 @!p0 $0x100000, s0;
	[bflag:$0x2] =	sbarrier.arrive $0xFFFF  }
0x47: {  	[sflag:s0] =	ssyncadd.tile.s32 @!p0 $0x1;
	s0 =	simm.s32 @!p0 $0x3F  }
0x48: {  	_ =	swait.ge @!p0 [sflag:s0], s1  }
0x49: {  	s1 =	ssub.s32 @!p0 $0x0, s1;
	[sflag:s0] =	ssyncset.done @!p0 $0x0  }
0x4a: {  	[sflag:s0] =	ssyncadd.s32 @!p0 s1  }
0x4b: {  	[bflag:$0x3] =	sbarrier.arrive $0xFFFF  }
0x4c: {  	_ =	shalt  }
.Lfunc_end2:
execute1_lowered:
.L_overlay_start_2:
0x4d: {  	(tag) =	ssettag $0x2  }
0x4e: {  	s0 =	rddreg [dreg:$0x0]  }
0x4f: {  	s14 =	stileid.u32;
	_ =	strace $0x80000050;
	s2 =	simm.s32 $0x1  }
0x50: {  	v1 =	vimm.s32 $0xFFFFFFFF;
	s1 =	smin.u32 s14, $0x4;
	[sflag:s2] =	ssyncpa.u1 $0x0  }
0x51: {  	s1 =	sadd.s32 s14, s1;
	[tilespmem:$0x10] =	vst v1  }
0x52: {  	v0 =	vimm.f32 $0.0e+00;
	p0 =	slt.u32 s14, $0x4;
	[tilespmem:$0x20] =	vst v1;
	s3 =	smul.u32 $0x1F40, s1;
	s1 =	simm.s32 $0x3E80  }
0x53: {  	[tilespmem:$0x30] =	vst v0;
	s1 =	simm.s32 @!p0 $0x1F40  }
0x54: {  	[tilespmem:$0x40] =	vst v0;
	s1 =	sadd.s32 s1, s3  }
0x55: {  	[tilespmem:$0x50] =	vst v0;
	s4 =	smin.u32 s1, $0x27100  }
0x56: {  	[tilespmem:$0x60] =	vst v1;
	s9 =	ssub.s32 s4, s3  }
0x57: {  	s7 =	simm.s32 $0x2;
	s8 =	simm.s32 $0x8;
	[tilespmem:$0x70] =	vst v1;
	p0 =	sgt.s32 s9, $0x0  }
0x58: {  	s31 =	simm.s32 $0x9;
	s16 =	simm.s32 $0x0;
	[tilespmem:$0x80] =	vst v1;
	s9 =	simm.s32 @!p0 $0x0  }
0x59: {  	s17 =	simm.s32 $0xF0;
	s18 =	simm.s32 $0xFFFFFFFF;
	v1 =	vimm.s32 $0x0;
	[tilespmem:$0xB0] =	vst v0;
	s5 =	smulhi.u32 $0x10624DD3, s9  }
0x5a: {  	s19 =	simm.s32 $0xFFFFC280;
	s20 =	simm.s32 $0xFFFFFFFE;
	s21 =	simm.s32 $0xF;
	[tilespmem:$0x90] =	vst v1  }
0x5b: {  	[tilespmem:$0xA0] =	vst v1;
	[sflag:s7] =	ssyncpa.u1 $0x0;
	s7 =	simm.s32 $0x7;
	s10 =	sshrl.u32 s5, $0x9  }
0x5c: {  	s25 =	simm.s32 $0x0;
	[sflag:s7] =	ssyncpa.u1 $0x0;
	s11 =	smul.u32 $0x1F40, s10  }
0x5d: {  	s24 =	simm.s32 $0x0;
	s6 =	sadd.s32 $0x69A00, s0;
	[sflag:s8] =	ssyncpa.u1 $0x0  }
.Ltmp8:
0x5e: {  	s23 =	smov.u32 s3;
	p0 =	sne.s32 s9, s11;
	(pc) =	sbr.rel .LBB3_1-.Ltmp8, $4  }
0x5f: {  	s1 =	sadd.s32 $0x74600, s0;
	[sflag:s31] =	ssyncpa.u1 $0x0;
	s2 =	simm.s32 @!p0 $0x0  }
0x60: {  	s5 =	sadd.s32 $0x64A00, s0;
	p0 =	por $0x0, $0x0;
	s9 =	sadd.s32 s2, s10  }
0x61: {  	vm0 =	vmmov $0xffff;
	v2 =	vlaneseq.u32;
	s10 =	sshll.u32 s14, $0x1;
	s14 =	sshllo.u32 s14, $0x1;
	s11 =	sadd.s32 $0x1, s9  }
0x62: {  	vm1 =	vmxor vm1, vm1;
	vm2 =	vmmov $0x1;
	vm3 =	vcmask $0x3F3C;
	s12 =	sadd.s32 $0x2, s9;
	s13 =	sor.u32 $0x81, s10;
	s15 =	sor.u32 $0x80, s10  }
.LBB3_9:
0x63: {  	p1 =	slt.u32 s24, $0x3  }
0x64: {  	s0 =	simm.s32 @!p1 $0x2  }
0x65: {  	_ =	swait.ge @!p1 [sflag:s0], $0x1F40  }
0x66: {  	[sflag:s0] =	ssyncset.done @!p1 $0x0  }
0x67: {  	[sflag:s0] =	ssyncadd.s32 @!p1 $0xFFFFE0C0;
	s0 =	simm.s32 @!p1 $0x9  }
0x68: {  	_ =	swait.ge @!p1 [sflag:s0], $0x10  }
0x69: {  	[sflag:s0] =	ssyncset.done @!p1 $0x0  }
0x6a: {  	[sflag:s0] =	ssyncadd.s32 @!p1 $0xFFFFFFF0;
	p1 =	sne.s32 s24, s12  }
.Ltmp9:
0x6b: {  	s2 =	sadd.s32 $0x1F40, s23;
	(pc) =	sbr.rel @!p1 .LBB3_10-.Ltmp9, $4  }
0x6c: {  	s22 =	smov.u32 s3;
	s31 =	sadd.s32 $0x1, s24;
	s17 =	sadd.s32 $0x1F40, s17  }
0x6d: {  	s18 =	sadd.s32 $0x1, s18;
	s25 =	smov.u32 s23;
	p2 =	slt.s32 s2, s4  }
0x6e: {  	p0 =	por !p0, !p0;
	s19 =	sadd.s32 $0x1F40, s19;
	s22 =	smov.u32 @p2 s2  }
0x6f: {  	s20 =	sadd.s32 $0x1, s20;
	s23 =	smov.u32 s22;
	s24 =	smov.u32 s31  }
.LBB3_1:
0x70: {  	p1 =	sge.u32 s24, s9  }
0x71: {  	s0 =	smulhi.u32 @!p1 $0xAAAAAAAB, s24;
	_ =	sdelay $0x1  }
0x72: {  	s0 =	sshrl.u32 @!p1 s0, $0x1  }
0x73: {  	s0 =	smul.u32 @!p1 $0x3, s0;
	_ =	sdelay $0x1  }
0x74: {  	s0 =	ssub.s32 @!p1 s24, s0  }
0x75: {  	s0 =	smul.u32 @!p1 $0x7D00, s0;
	_ =	sdelay $0x1  }
0x76: {  	s2 =	sshrl.u32 @!p1 s23, $0x3;
	s0 =	sshrl.u32 @!p1 s0, $0x2  }
0x77: {  	s22 =	sand.u32 @!p1 $0x7, s23;
	s2 =	sadd.s32 @!p1 s5, s2;
	s0 =	sadd.s32 @!p1 $0x100, s0  }
0x78: {  	[tilespmem:s0], [sflag:$0x7] =	stream.linear.gather @!p1 [hbm4b:s2+s22], $0x1F40, $0x38;
	[tilespmem:$0x11A60] =	vst v63  }
0x79: {  	s0 =	sadd.s32 $0xFFFFFFFF, s24  }
0x7a: {  	p1 =	sge.u32 s0, s9  }
.Ltmp10:
0x7b: {  	_ = 	snop;
	(pc) =	sbr.rel @p1 .LBB3_5-.Ltmp10, $1  }
0x7c: {  	_ =	sdelay $0x3  }
0x7d: {  	s2 =	smulhi.u32 $0xAAAAAAAB, s0;
	_ =	sdelay $0x1  }
0x7e: {  	s2 =	sshrl.u32 s2, $0x1  }
0x7f: {  	s2 =	smul.u32 $0x3, s2;
	_ =	sdelay $0x1  }
0x80: {  	s2 =	ssub.s32 s0, s2  }
0x81: {  	s2 =	smul.u32 $0x7D00, s2  }
0x82: {  	_ =	swait.ge [sflag:s7], $0x1F40  }
0x83: {  	[sflag:s7] =	ssyncset.done $0x0;
	s2 =	sshrl.u32 s2, $0x2  }
0x84: {  	[sflag:s7] =	ssyncadd.s32 $0xFFFFE0C0;
	(ifvalue) =	ssetifvalue $0xFFFFFFFF;
	v3 =	vld.msk [tilespmem:s2+$0x100 ss:$0x1], $0xffff;
	_ =	sdelay $0x2  }
0x85: {  	s30 =	smulhi.u32 $0xAAAAAAAB, s18;
	p1 =	sne.s32 s24, $0x1  }
0x86: {  	v4 =	vimm.s32 @!p1 $0x0  }
0x87: {  	s2 =	sshrl.u32 s30, $0x1;
	v4 =	vperm.xlane @!p1 v3, v4  }
0x88: {  	s22 =	sshll.u32 s24, $0x4;
	s2 =	smul.u32 $0xFFFE8900, s2;
	vm4 =	vlt.u32 v3, $0x2800  }
0x89: {  	s22 =	sand.u32 $0x10, s22;
	v3 =	vnsel vm4, $0xFFFFFFFE, v3;
	vm4 =	vlt.u32 @!p1 v4, $0x2800  }
0x8a: {  	s2 =	sshra.s32 s2, $0x2;
	[tilespmem:s22+$0x60] =	vst v3;
	v3 =	vnsel @!p1 vm4, $0xFFFFFFFE, v4  }
0x8b: {  	s28 =	sadd.s32 s2, s17;
	[tilespmem:$0x80] =	vst @!p1 v3  }
0x8c: {  	v3 =	vld.msk [tilespmem:s28+$0x0 ss:$0x1], $0xffff;
	_ =	sdelay $0x4  }
0x8d: {  	(xrf1) =	vunique.msk.u32 $0xffff, v3;
	_ =	sdelay $0xd  }
0x8e: {  	v4 =	vimm.s32 $0xFFFFFFFF;
	v5, _, _ =	vpop (xrf1)  }
0x8f: {  	vm5 =	vne.s32 v3, v4;
	vm4 =	veq.s32 v5, v2  }
0x90: {  	vm6 =	vlt.u32 v3, $0x2800;
	vm4 =	vmand vm5, vm4  }
0x91: {  	vm4 =	vmand vm6, vm4  }
0x92: {  	v4 =	vnsel vm4, $0xFFFFFFFF, v3  }
0x93: {  	s31 =	sand.u32 $0x1, s0  }
0x94: {  	s0 =	simm.s32 $0x1F40;
	p1 =	seq.s32 s31, $0x1  }
0x95: {  	s0 =	simm.s32 @!p1 $0x0  }
0x96: {  	s26 =	sadd.s32 $0x7DF0, s0;
	(ifvalue) =	ssetifvalue $0xFFFFFFFF  }
0x97: {  	v3 =	vperm.xlane v3, v1;
	[tilespmem:s26], [sflag:$0x8] =	stream.indirect_vreg.gather [hbm4b:s1+s16], $0x1, v4, vm0, $0x4038;
	v4 =	vnsel vm6, $0xFFFFFFFE, v4;
	[tilespmem:$0x11A60] =	vst v63  }
0x98: {  	s2 =	simm.s32 $0x0;
	s22 =	sadd.s32 $0xFFFFFFF0, s28;
	[tilespmem:s28+$0x0] =	vst v4  }
.LBB3_3:
0x99: {  	v4 =	vld.msk [tilespmem:s22+$0x0 ss:$0x1], $0xffff;
	s2 =	sadd.s32 $0x10, s2;
	v5 =	vmov v3;
	s28 =	smov.u32 s22  }
0x9a: {  	p1 =	slt.u32 s2, $0x1F30;
	_ =	sdelay $0x4  }
0x9b: {  	v3 =	vperm.xlane v4, v1;
	(xrf1) =	vunique.msk.u32 $0xffff, v4;
	_ =	sdelay $0xd  }
0x9c: {  	v6, _, _ =	vpop (xrf1)  }
0x9d: {  	vm5 =	vne.s32 v4, v5;
	vm4 =	veq.s32 v6, v2  }
0x9e: {  	vm6 =	vlt.u32 v4, $0x2800;
	vm4 =	vmand vm5, vm4  }
0x9f: {  	vm4 =	vmand vm6, vm4  }
0xa0: {  	v4 =	vnsel vm4, $0xFFFFFFFF, v4  }
.Ltmp11:
0xa1: {  	v5 =	vnsel vm6, $0xFFFFFFFE, v4;
	(pc) =	sbr.rel @p1 .LBB3_3-.Ltmp11, $3  }
0xa2: {  	_ =	sdelay $0x1  }
0xa3: {  	s22 =	sadd.s32 $0xFFFFFFF0, s22;
	s26 =	sadd.s32 $0xFFFFFFF0, s26;
	(ifvalue) =	ssetifvalue $0xFFFFFFFF  }
0xa4: {  	[tilespmem:s26], [sflag:$0x8] =	stream.indirect_vreg.gather [hbm4b:s1+s16], $0x1, v4, vm0, $0x4038;
	[tilespmem:s28+$0x0] =	vst v5  }
0xa5: {  	s2 =	sshrl.u32 s25, $0x3  }
0xa6: {  	s0 =	sadd.s32 $0x9D40, s0;
	s2 =	sadd.s32 s6, s2  }
0xa7: {  	[tilespmem:s0], [sflag:$0x8] =	stream.linear.gather [hbm:s2], $0x1F40, $0x38;
	[tilespmem:$0x11A60] =	vst v63  }
.LBB3_5:
0xa8: {  	p1 =	slt.u32 s24, $0x2  }
0xa9: {  	p2 =	sge.u32 @!p1 s24, s12  }
0xaa: {  	p1 =	por p1, p2  }
.Ltmp12:
0xab: {  	_ = 	snop;
	(pc) =	sbr.rel @p1 .LBB3_9-.Ltmp12, $1  }
0xac: {  	_ =	sdelay $0x3  }
0xad: {  	s0 =	sadd.s32 $0xFFFFFFFE, s24  }
0xae: {  	s2 =	smulhi.u32 $0xAAAAAAAB, s0;
	_ =	sdelay $0x1  }
0xaf: {  	s2 =	sshrl.u32 s2, $0x1  }
0xb0: {  	s2 =	smul.u32 $0x3, s2;
	_ =	sdelay $0x1  }
0xb1: {  	s0 =	ssub.s32 s0, s2  }
0xb2: {  	_ =	swait.ge [sflag:s8], $0x3E80;
	s0 =	smul.u32 $0x1F40, s0  }
0xb3: {  	p1 =	sne.s32 s24, s11;
	[sflag:s8] =	ssyncset.done $0x0  }
0xb4: {  	[sflag:s8] =	ssyncadd.s32 $0xFFFFC180;
	s2 =	sadd.s32 @!p1 $0x203F, s0  }
0xb5: {  	[spmem:s13] =	stream.linear.scatter @!p1 [tilespmem:s2], [sflag:$0x1], $0x1, $0x38;
	[tilespmem:$0x11A60] =	vst v63  }
0xb6: {  	s2 =	simm.s32 @!p1 $0x1  }
0xb7: {  	_ =	swait.ge @!p1 [sflag:s2], $0x1  }
0xb8: {  	s22 =	sshll.u32 s24, $0x4;
	[sflag:s2] =	ssyncset.done @!p1 $0x0  }
0xb9: {  	s25 =	sand.u32 $0x10, s22;
	[sflag:s2] =	ssyncadd.s32 @!p1 $0xFFFFFFFF  }
0xba: {  	s2 =	sxor.u32 $0x10, s25;
	v4 =	vld [tilespmem:s25+$0x10]  }
0xbb: {  	v5 =	vld [tilespmem:s2+$0x60]  }
0xbc: {  	v3 =	vld [tilespmem:$0x80];
	_ =	sdelay $0x2  }
0xbd: {  	(v2sf) =	vpush v4, $0x0  }
0xbe: {  	(v2sf) =	vpush v5, $0x0  }
0xbf: {  	(v2sf) =	vpush v3, $0x0;
	_ =	sdelay $0xc  }
0xc0: {  	s22 =	spop (v2sf)  }
0xc1: {  	s26 =	spop (v2sf)  }
0xc2: {  	s28 =	spop (v2sf)  }
0xc3: {  	p2 =	seq.s32 s22, s26;
	p3 =	seq.s32 s28, s22  }
0xc4: {  	p3 =	por p2, p3  }
0xc5: {  	s26 =	sand.u32 $0x1, s24;
	v4 =	vpsel p3, $0xFFFFFFFF, v4  }
0xc6: {  	s29 =	smul.u32 $0x1F40, s26;
	[tilespmem:s25+$0x10] =	vst.msk $0x1, v4  }
0xc7: {  	v4 =	vld [tilespmem:$0x30]  }
0xc8: {  	v5 =	vld [tilespmem:s29+$0x9D40]  }
0xc9: {  	v6 =	vld [tilespmem:s25+$0x40];
	_ =	sdelay $0x3  }
0xca: {  	vm4 =	vmmov vm1;
	v5 =	vadd.f32 v5, v4  }
0xcb: {  	vm5 =	vmmov vm2;
	vm4 =	vmmov @p2 vm2;
	s22 =	sshll.u32 s26, $0x4;
	v4 =	vadd.f32 v6, v4  }
0xcc: {  	s26 =	sor.u32 $0x11A40, s22;
	vm5 =	vmmov @p3 vm1;
	[tilespmem:s29+$0x9D40] =	vst.msk vm4, v5  }
0xcd: {  	[tilespmem:s26+$0x0] =	vst.msk vm5, v4  }
0xce: {  	v4 =	vld [tilespmem:s29+$0x7DF0];
	_ =	sdelay $0x3  }
0xcf: {  	v5 =	vimm.f32 $0.0e+00  }
0xd0: {  	v4 =	vshift.insert v4, v5, s21  }
0xd1: {  	s22 =	sor.u32 $0x40, s2  }
0xd2: {  	[tilespmem:s22+$0x0] =	vst.msk $0x1, v4  }
0xd3: {  	[tilespmem:s29+$0x7DFF] =	vst.msk $0x1, v5  }
0xd4: {  	v4 =	vld [tilespmem:s0+$0x2030];
	_ =	sdelay $0x1  }
0xd5: {  	s22 =	smulhi.u32 $0xAAAAAAAB, s20;
	s0 =	simm.s32 $0x1  }
0xd6: {  	s0 =	simm.s32 @!p0 $0x0  }
0xd7: {  	s22 =	sshrl.u32 s22, $0x1;
	s0 =	smul.u32 $0x7D00, s0  }
0xd8: {  	s22 =	smul.u32 $0xFFFE8900, s22;
	v4 =	vshift.insert v4, v1, s21  }
0xd9: {  	s0 =	sshrl.u32 s0, $0x2  }
0xda: {  	s22 =	sshra.s32 s22, $0x2;
	s30 =	sadd.s32 $0x9D40, s0;
	[tilespmem:s2+$0x10] =	vst.msk $0x1, v4  }
0xdb: {  	s22 =	sadd.s32 s22, s19;
	v6 =	vld [tilespmem:s30+$0x0]  }
0xdc: {  	v7 =	vld [tilespmem:s22+$0x0];
	_ =	sdelay $0x3  }
0xdd: {  	v5 =	vadd.f32 v6, v5  }
0xde: {  	vm4 =	vne.s32 v7, $0xFFFFFFFF  }
0xdf: {  	(xrf2) =	vadd.seg.scan.f32 vm4, v5;
	_ =	sdelay $0x3  }
0xe0: {  	s31 =	sadd.s32 $0x5EC0, s0;
	v5 =	vperm.xlane v4, v1  }
0xe1: {  	v6 =	vld [tilespmem:s31+$0x0]  }
0xe2: {  	vm5 =	veq.s32 v7, v3;
	vm6 =	veq.s32 v7, v5  }
0xe3: {  	vm7 =	vgt.u32 v7, $0xFFFFFFFD;
	vm6 =	vmor vm6, vm5  }
0xe4: {  	vm6 =	vmor vm6, vm7  }
0xe5: {  	v9 =	vld [tilespmem:$0xA0];
	v7 =	vsel vm6, $0xFFFFFFFF, v7  }
0xe6: {  	v10 =	vld [tilespmem:$0x90];
	v6 =	vsel vm5, $0x0, v6;
	v8, _, _ =	vpop (xrf2)  }
0xe7: {  	v6 =	vadd.f32 v8, v6  }
0xe8: {  	s0 =	sadd.s32 $0xDBC0, s0  }
0xe9: {  	vm4 =	vmand vm4, vm3;
	[tilespmem:s0+$0x0] =	vst v6;
	(ifvalue) =	ssetifvalue $0xFFFFFFFF  }
0xea: {  	vm6 =	veq.s32 v9, $0x1;
	[hbm4b:s1+s16] =	stream.indirect_vreg.scatter [tilespmem:s0], [sflag:$0x2], $0x1, v7, vm0, $0x4038;
	v7 =	vsel vm4, $0x0, v8;
	[tilespmem:$0x11A60] =	vst v63  }
0xeb: {  	s2 =	simm.s32 $0x0;
	s22 =	sadd.s32 $0x10, s22;
	vm4 =	vmor vm6, vm5;
	v6 =	vsel vm5, v8, v10;
	v7 =	vshift.insert v7, v0, s21  }
.LBB3_7:
0xec: {  	v8 =	vld [tilespmem:s22+$0x0];
	s30 =	sadd.s32 $0x10, s30  }
0xed: {  	s31 =	sadd.s32 $0x10, s31;
	v9 =	vld [tilespmem:s30+$0x0]  }
0xee: {  	s2 =	sadd.s32 $0x10, s2;
	v10 =	vld [tilespmem:s31+$0x0]  }
0xef: {  	p2 =	slt.u32 s2, $0x1F30;
	_ =	sdelay $0x2  }
0xf0: {  	v7 =	vadd.f32 v9, v7  }
0xf1: {  	vm5 =	vne.s32 v8, $0xFFFFFFFF  }
0xf2: {  	vm6 =	vmand vm5, vm3;
	(xrf2) =	vadd.seg.scan.f32 vm5, v7;
	_ =	sdelay $0x5  }
0xf3: {  	vm7 =	veq.s32 v8, v5;
	vm5 =	veq.s32 v8, v3  }
0xf4: {  	vm8 =	vgt.u32 v8, $0xFFFFFFFD;
	vm4 =	vmor vm4, vm5;
	vm7 =	vmor vm7, vm5  }
0xf5: {  	vm7 =	vmor vm7, vm8  }
0xf6: {  	v8 =	vsel vm7, $0xFFFFFFFF, v8  }
.Ltmp13:
0xf7: {  	v7 =	vsel vm5, $0x0, v10;
	v9, _, _ =	vpop (xrf2);
	(pc) =	sbr.rel @p2 .LBB3_7-.Ltmp13, $4  }
0xf8: {  	v6 =	vsel vm5, v9, v6;
	v10 =	vadd.f32 v9, v7;
	v7 =	vsel vm6, $0x0, v9  }
0xf9: {  	s0 =	sadd.s32 $0x10, s0;
	v7 =	vshift.insert v7, v0, s21  }
0xfa: {  	s22 =	sadd.s32 $0x10, s22;
	[tilespmem:s0+$0x0] =	vst v10;
	(ifvalue) =	ssetifvalue $0xFFFFFFFF  }
0xfb: {  	[hbm4b:s1+s16] =	stream.indirect_vreg.scatter [tilespmem:s0], [sflag:$0x2], $0x1, v8, vm0, $0x4038;
	[tilespmem:$0x11A60] =	vst v63  }
0xfc: {  	v3 =	vld [tilespmem:s29+$0xFAF0];
	_ =	sdelay $0x4  }
0xfd: {  	v3 =	vshift.insert v3, v0, s21  }
0xfe: {  	s0 =	simm.s32 $0x30  }
0xff: {  	[tilespmem:s0+$0x0] =	vst.msk $0x1, v3  }
0x100: {  	v3 =	vsel vm4, $0x1, v1;
	[tilespmem:$0x90] =	vst v6  }
0x101: {  	s0 =	sadd.s32 @!p1 $0xFAFF, s29;
	[tilespmem:$0xA0] =	vst v3  }
0x102: {  	[spmem:s14] =	stream.linear.scatter @!p1 [tilespmem:s0], [sflag:$0x1], $0x1, $0x38;
	[tilespmem:$0x11A60] =	vst v63  }
0x103: {  	s0 =	simm.s32 @!p1 $0x1  }
0x104: {  	v3 =	vmctz.xlane @!p1 vm4;
	_ =	swait.ge @!p1 [sflag:s0], $0x1  }
0x105: {  	(v2sf) =	vpush @!p1 v4, $0x0  }
0x106: {  	(v2sf) =	vpush @!p1 v3, $0x0;
	_ =	sdelay $0xd  }
0x107: {  	s2 =	spop @!p1 (v2sf)  }
0x108: {  	s22 =	spop @!p1 (v2sf)  }
0x109: {  	p2 =	sne.s32 @!p1 s28, s2;
	p3 =	slt.s32 @!p1 s22, $0xF  }
0x10a: {  	[sflag:s0] =	ssyncset.done @!p1 $0x0;
	p2 =	por p2, p1;
	p3 =	por !p3, p1  }
0x10b: {  	[sflag:s0] =	ssyncadd.s32 @!p1 $0xFFFFFFFF;
	v3 =	vimm.s32 @!p2 $0xFFFFFFFF;
	s22 =	simm.s32 @p3 $0xF  }
0x10c: {  	[tilespmem:$0x80] =	vst @!p2 v3;
	s2 =	sadd.s32 @!p1 $0x90, s22  }
0x10d: {  	[spmem:s10] =	stream.linear.scatter @!p1 [tilespmem:s2], [sflag:$0x1], $0x1, $0x38;
	[tilespmem:$0x11A60] =	vst v63  }
0x10e: {  	_ =	swait.ge @!p1 [sflag:s0], $0x1  }
0x10f: {  	[sflag:s0] =	ssyncset.done @!p1 $0x0  }
0x110: {  	s2 =	simm.s32 @!p1 $0x80;
	[sflag:s0] =	ssyncadd.s32 @!p1 $0xFFFFFFFF  }
0x111: {  	[spmem:s15] =	stream.linear.scatter @!p1 [tilespmem:s2], [sflag:$0x1], $0x1, $0x38;
	[tilespmem:$0x11A60] =	vst v63  }
0x112: {  	_ =	swait.ge @!p1 [sflag:s0], $0x1  }
0x113: {  	[sflag:s0] =	ssyncset.done @!p1 $0x0  }
0x114: {  	[sflag:s0] =	ssyncadd.s32 @!p1 $0xFFFFFFFF;
	(ifvalue) =	ssetifvalue $0xFFFFFFFF;
	v3 =	vld [tilespmem:s25+$0x10];
	_ =	sdelay $0x3  }
.Ltmp14:
0x115: {  	_ = 	snop;
	(pc) =	sbr.rel .LBB3_9-.Ltmp14, $3  }
0x116: {  	_ =	sdelay $0x1  }
0x117: {  	(ifvalue) =	ssetifvalue $0xFFFFFFFF  }
0x118: {  	[hbm4b:s1+s16] =	stream.indirect_vreg.scatter [tilespmem:s26], [sflag:$0x9], $0x1, v3, vm0, $0x4038;
	[tilespmem:$0x11A60] =	vst v63  }
.LBB3_10:
0x119: {  	_ =	sfence.sel $0x180000  }
0x11a: {  	s0 =	simm.s32 $0x7;
	[bflag:$0x0] =	sbarrier.arrive $0xFFFF  }
0x11b: {  	s26 =	simm.s32 $0x8;
	[sflag:s0] =	ssyncpa.u1 $0x1  }
0x11c: {  	s28 =	simm.s32 $0x9;
	[sflag:s26] =	ssyncpa.u1 $0x1  }
0x11d: {  	[sflag:s28] =	ssyncpa.u1 $0x1  }
0x11e: {  	_ =	sfence.stream.spmem  }
0x11f: {  	s29 =	simm.s32 $0x3;
	[bflag:$0x0] =	sbarrier.arrive $0xFFFF  }
0x120: {  	s30 =	simm.s32 $0x4;
	[sflag:s29] =	ssyncpa.u1 $0x1  }
0x121: {  	s31 =	simm.s32 $0x3C;
	s2 =	stileid.u32;
	[sflag:s30] =	ssyncpa.u1 $0x1  }
0x122: {  	p0 =	sne.s32 s2, $0x0;
	[sflag:s31] =	ssyncpa.u1 $0x1  }
0x123: {  	s0 =	simm.s32 @p0 $0x1;
	_ =	sfence @p0  }
0x124: {  	[sflag:s0] =	ssyncpa.u1 @p0 $0x1;
	s0 =	simm.s32 @p0 $0x2  }
0x125: {  	[sflag:s0] =	ssyncpa.u1 @p0 $0x1  }
0x126: {  	_ =	strace @p0 $0x90000050  }
0x127: {  	[bflag:$0x2] =	sbarrier.arrive @p0 $0xFFFF  }
0x128: {  	_ =	shalt @p0  }
.LBB3_11:
0x129: {  	_ =	sfence.stream.spmem;
	s0 =	simm.s32 $0x5  }
0x12a: {  	s2 =	simm.s32 $0x80;
	s3 =	simm.s32 $0xC0;
	[sflag:s0] =	ssyncpa.u1 $0x0  }
0x12b: {  	[tilespmem:s3], [sflag:$0x5] =	stream.linear.gather [spmem:s2], $0x20, $0x38;
	[tilespmem:$0x11A60] =	vst v63  }
0x12c: {  	s2 =	simm.s32 $0x0;
	s3 =	simm.s32 $0xE0  }
0x12d: {  	[tilespmem:s3], [sflag:$0x5] =	stream.linear.gather [spmem:s2], $0x20, $0x38;
	[tilespmem:$0x11A60] =	vst v63  }
.Ltmp15:
0x12e: {  	_ = 	snop;
	(pc) =	sbr.rel .LBB3_12-.Ltmp15, $4  }
0x12f: {  	_ =	swait.ge [sflag:s0], $0x40  }
0x130: {  	[sflag:s0] =	ssyncset.done $0x0  }
0x131: {  	s31 =	simm.s32 $0x6;
	[sflag:s0] =	ssyncadd.s32 $0xFFFFFFC0  }
0x132: {  	s4 =	simm.s32 $0x0;
	[sflag:s31] =	ssyncpa.u1 $0x0  }
.LBB3_17:
0x133: {  	p0 =	sgt.u32 s5, $0x27FF  }
0x134: {  	s0 =	sshrl.u32 @!p0 s5, $0x3  }
0x135: {  	s5 =	sand.u32 @!p0 $0x7, s5;
	s6 =	simm.s32 @!p0 $0xB0;
	s0 =	sadd.s32 @!p0 s1, s0  }
0x136: {  	[tilespmem:s6], [sflag:$0x6] =	stream.linear.gather @!p0 [hbm4b:s0+s5], $0x1, $0x38;
	[tilespmem:$0x11A60] =	vst v63  }
0x137: {  	s0 =	simm.s32 @!p0 $0x6  }
0x138: {  	_ =	swait.ge @!p0 [sflag:s0], $0x1  }
0x139: {  	[sflag:s0] =	ssyncset.done @!p0 $0x0  }
0x13a: {  	[sflag:s0] =	ssyncadd.s32 @!p0 $0xFFFFFFFF  }
0x13b: {  	v2 =	vmov @!p0 s4;
	v1 =	vld.msk @!p0 [tilespmem:$0xB0], $0x1;
	_ =	sdelay $0x3  }
0x13c: {  	s0 =	simm.s32 @!p0 $0xE0  }
0x13d: {  	[tilespmem:v2+s0+$0x0], v1 =	vst.idx.ret.add.f32.msk @!p0 $0x1, v1  }
0x13e: {  	[tilespmem:s2+$0xC0] =	vst.msk $0x1, v0  }
0x13f: {  	v0 =	vld.msk [tilespmem:s4+$0xE0], $0x1;
	_ =	sdelay $0x4  }
0x140: {  	[tilespmem:s2+$0xE0] =	vst.msk $0x1, v0;
	s2 =	sadd.s32 $0x1, s2  }
.LBB3_19:
0x141: {  	s4 =	sadd.s32 $0x1, s4  }
0x142: {  	p0 =	sne.s32 s4, $0x20  }
.Ltmp16:
0x143: {  	_ = 	snop;
	(pc) =	sbr.rel @!p0 .LBB3_20-.Ltmp16, $1  }
0x144: {  	_ =	sdelay $0x3  }
.LBB3_12:
0x145: {  	v0 =	vld.msk [tilespmem:s4+$0xC0], $0x1;
	_ =	sdelay $0x4  }
0x146: {  	(v2sf) =	vpush v0, $0x0;
	_ =	sdelay $0xe  }
0x147: {  	s5 =	spop (v2sf)  }
0x148: {  	p0 =	seq.s32 s5, $0xFFFFFFFF  }
.Ltmp17:
0x149: {  	_ = 	snop;
	(pc) =	sbr.rel @p0 .LBB3_19-.Ltmp17, $1  }
0x14a: {  	_ =	sdelay $0x3  }
0x14b: {  	p0 =	slt.s32 s2, $0x1  }
.Ltmp18:
0x14c: {  	_ = 	snop;
	(pc) =	sbr.rel @p0 .LBB3_17-.Ltmp18, $1  }
0x14d: {  	_ =	sdelay $0x3  }
0x14e: {  	s0 =	simm.s32 $0xC0;
	p0 =	por $0x0, $0x0  }
0x14f: {  	v1 =	vld.msk @!p0 [tilespmem:s0+$0x0], $0x1;
	_ =	sdelay $0x4  }
0x150: {  	(v2sf) =	vpush @!p0 v1, $0x0;
	_ =	sdelay $0xd  }
0x151: {  	p2 =	sne.s32 s2, $0x1  }
.Ltmp19:
0x152: {  	s6 =	spop @!p0 (v2sf);
	(pc) =	sbr.rel @!p2 .LBB3_16-.Ltmp19, $4  }
0x153: {  	p1 =	seq.s32 @!p0 s5, s6  }
0x154: {  	s6 =	simm.s32 $0x0;
	p1 =	por !p1, p0  }
0x155: {  	s8 =	simm.s32 $0xFFFFFFFF;
	s6 =	simm.s32 @p1 $0xFFFFFFFF  }
0x156: {  	s7 =	simm.s32 $0x1;
	s6 =	smov.u32 @p0 s8  }
.LBB3_15:
0x157: {  	s8 =	smov.u32 s6;
	p0 =	sne.s32 s6, $0xFFFFFFFF  }
0x158: {  	s0 =	sadd.s32 $0x1, s0;
	s6 =	smov.u32 s7;
	s7 =	sadd.s32 $0x1, s7  }
0x159: {  	p1 =	sne.s32 s2, s7;
	v1 =	vld.msk @!p0 [tilespmem:s0+$0x0], $0x1;
	_ =	sdelay $0x4  }
0x15a: {  	(v2sf) =	vpush @!p0 v1, $0x0;
	_ =	sdelay $0xe  }
.Ltmp20:
0x15b: {  	s9 =	spop @!p0 (v2sf);
	(pc) =	sbr.rel @p1 .LBB3_15-.Ltmp20, $4  }
0x15c: {  	p2 =	seq.s32 @!p0 s5, s9  }
0x15d: {  	p2 =	por !p2, p0  }
0x15e: {  	s6 =	simm.s32 @p2 $0xFFFFFFFF  }
0x15f: {  	s6 =	smov.u32 @p0 s8  }
.LBB3_16:
0x160: {  	p0 =	sne.s32 s6, $0xFFFFFFFF  }
.Ltmp21:
0x161: {  	_ = 	snop;
	(pc) =	sbr.rel @!p0 .LBB3_17-.Ltmp21, $1  }
0x162: {  	_ =	sdelay $0x3  }
0x163: {  	v0 =	vld.msk [tilespmem:s4+$0xE0], $0x1;
	v1 =	vmov s6  }
.Ltmp22:
0x164: {  	_ = 	snop;
	(pc) =	sbr.rel .LBB3_19-.Ltmp22, $2  }
0x165: {  	_ =	sdelay $0x2  }
0x166: {  	[tilespmem:v1+s3+$0x0], v0 =	vst.idx.ret.add.f32.msk $0x1, v0  }
.LBB3_20:
0x167: {  	p0 =	slt.s32 s2, $0x1  }
.Ltmp23:
0x168: {  	_ = 	snop;
	(pc) =	sbr.rel @p0 .LBB3_24-.Ltmp23, $3  }
0x169: {  	_ =	sdelay $0x1  }
0x16a: {  	s0 =	simm.s32 $0x6  }
0x16b: {  	s3 =	simm.s32 $0x0;
	[sflag:s0] =	ssyncpa.u1 $0x1  }
0x16c: {  	s0 =	simm.s32 $0xC0  }
0x16d: {  	v0 =	vld.msk [tilespmem:s0+$0x0], $0x1;
	_ =	sdelay $0x4  }
0x16e: {  	(v2sf) =	vpush v0, $0x0;
	_ =	sdelay $0xe  }
0x16f: {  	s2 =	sadd.s32 $0xFFFFFFFF, s2;
	s4 =	spop (v2sf)  }
0x170: {  	p1 =	sne.s32 s2, $0x0;
	p0 =	sgt.u32 s4, $0x27FF  }
.Ltmp24:
0x171: {  	s5 =	sshrl.u32 @!p0 s4, $0x3;
	(pc) =	sbr.rel @!p1 .LBB3_23-.Ltmp24, $4  }
0x172: {  	s0 =	simm.s32 $0xE0;
	s4 =	sand.u32 @!p0 $0x7, s4;
	s5 =	sadd.s32 @!p0 s1, s5  }
0x173: {  	[hbm4b:s5+s4] =	stream.linear.scatter @!p0 [tilespmem:s0], [sflag:$0x5], $0x1, $0x38;
	[tilespmem:$0x11A60] =	vst v63  }
0x174: {  	s5 =	simm.s32 $0x0  }
0x175: {  	s4 =	simm.s32 $0xC1;
	s5 =	simm.s32 @!p0 $0x4  }
.LBB3_22:
0x176: {  	v0 =	vld.msk [tilespmem:s4+$0x0], $0x1;
	s2 =	sadd.s32 $0xFFFFFFFF, s2;
	s3 =	sadd.s32 s3, s5  }
0x177: {  	p0 =	sne.s32 s2, $0x0;
	_ =	sdelay $0x3  }
0x178: {  	(v2sf) =	vpush v0, $0x0;
	_ =	sdelay $0xe  }
.Ltmp25:
0x179: {  	s6 =	spop (v2sf);
	(pc) =	sbr.rel @p0 .LBB3_22-.Ltmp25, $4  }
0x17a: {  	s5 =	simm.s32 $0x0;
	p1 =	sgt.u32 s6, $0x27FF  }
0x17b: {  	s0 =	sadd.s32 $0x1, s0;
	s5 =	simm.s32 @!p1 $0x4;
	s7 =	sshrl.u32 @!p1 s6, $0x3  }
0x17c: {  	s4 =	sadd.s32 $0x1, s4;
	s6 =	sand.u32 @!p1 $0x7, s6;
	s7 =	sadd.s32 @!p1 s1, s7  }
0x17d: {  	[hbm4b:s7+s6] =	stream.linear.scatter @!p1 [tilespmem:s0], [sflag:$0x5], $0x1, $0x38;
	[tilespmem:$0x11A60] =	vst v63  }
.LBB3_23:
0x17e: {  	s0 =	sadd.s32 s3, s5  }
0x17f: {  	s3 =	sshrl.u32 s0, $0x2  }
.LBB3_24:
0x180: {  	s0 =	simm.s32 $0x5  }
0x181: {  	_ =	swait.ge [sflag:s0], s3  }
0x182: {  	s1 =	ssub.s32 $0x0, s3;
	[sflag:s0] =	ssyncset.done $0x0  }
0x183: {  	[sflag:s0] =	ssyncadd.s32 s1  }
0x184: {  	[sflag:s0] =	ssyncpa.u1 $0x1  }
0x185: {  	s29 =	simm.s32 $0x1;
	_ =	sfence  }
0x186: {  	s30 =	simm.s32 $0x2;
	[sflag:s29] =	ssyncpa.u1 $0x1  }
0x187: {  	[sflag:s30] =	ssyncpa.u1 $0x1  }
0x188: {  	_ =	strace $0x90000050  }
0x189: {  	[bflag:$0x2] =	sbarrier.arrive $0xFFFF  }
0x18a: {  	s31 =	rddreg [dreg:$0x1]  }
0x18b: {  	s0 =	sadd.s32 $0x100000, s31  }
0x18c: {  	[sflag:s0] =	ssyncadd.tile.s32 $0x1;
	_ =	shalt  }
.Lfunc_end3:
_tile_overlayer_lowered:
.L_overlay_start_3:
0x18d: {  	(tag) =	ssettag $0x3  }
0x18e: {  	s0 =	rddreg [dreg:$0x0];
	s2 =	stileid.u32  }
0x18f: {  	s1 =	rddreg [dreg:$0x1];
	p0 =	sne.s32 s2, $0x0  }
0x190: {  	s3 =	rddreg [dreg:$0x2];
	[bflag:$0x3] =	sbarrier.arrive $0xFFFF;
	s2 =	simm.s32 @!p0 $0x1C01  }
0x191: {  	[timem:s3], [sflag:s2] =	dma.local @!p0 [hbm:s0], s1  }
0x192: {  	s0 =	simm.s32 @!p0 $0x1  }
0x193: {  	_ =	swait.ge @!p0 [sflag:s0], s1  }
0x194: {  	s1 =	ssub.s32 @!p0 $0x0, s1;
	[sflag:s0] =	ssyncset.done @!p0 $0x0  }
0x195: {  	[sflag:s0] =	ssyncadd.s32 @!p0 s1  }
0x196: {  	[bflag:$0x3] =	sbarrier.arrive $0xFFFF  }
0x197: {  	_ =	shalt  }

// kernel: scatter_offload_async_start.2
scs
__scs_entry_jumppad:
0x0: {  	(pc) =	sbr.rel $0x88, $3  }
0x1: {  	(tag) =	ssettag $0x0;
	lr =	simm.s32 $0x1  }
0x2: {  	[smem:$0x3F8A] =	sst lr;
	_ =	strace $0xD0000000  }
0x3: {  	_ = 	snop  }
0x4: {  	_ = 	snop  }
0x5: {  	_ = 	snop  }
0x6: {  	_ = 	snop  }
0x7: {  	_ = 	snop  }
__scs_overlays_trampoline_lowered:
0x8: {  	[smem:$0x3F99] =	sst s0  }
0x9: {  	[smem:$0x3F9A] =	sst s1  }
0xa: {  	[smem:$0x3F9B] =	sst s2  }
0xb: {  	[smem:$0x3F9C] =	sst s3  }
0xc: {  	[smem:$0x3F9D] =	sst s4  }
0xd: {  	[smem:$0x3F9E] =	sst s5  }
0xe: {  	[smem:$0x3F9F] =	sst s6  }
0xf: {  	[smem:$0x3FA0] =	sst s7  }
0x10: {  	[smem:$0x3FA1] =	sst s8  }
0x11: {  	[smem:$0x3FA2] =	sst s9;
	s0 =	simm.s32 @!p0 $0x0  }
0x12: {  	s1 =	sld [smem:$0x3F88];
	s0 =	simm.s32 @p0 $0x1  }
0x13: {  	[smem:$0x3FA3] =	sst s0;
	s0 =	simm.s32 @!p1 $0x0  }
0x14: {  	s2 =	sld [smem:$0x3F87];
	s0 =	simm.s32 @p1 $0x1  }
0x15: {  	[smem:$0x3FA4] =	sst s0;
	s0 =	simm.s32 @!p2 $0x0  }
0x16: {  	s3 =	sld [smem:$0x3FDB];
	s0 =	simm.s32 @p2 $0x1  }
0x17: {  	s4 =	simm.s32 $0x1BF5;
	[smem:$0x3FA6] =	sst s0  }
0x18: {  	s0 =	sld [smem:$0x3F89];
	_ =	swait.ge [sflag:s4], $0x0  }
0x19: {  	s7 =	sld [smem:$0x3F8A]  }
0x1a: {  	s8 =	sadd.s32 $0xFFFFE003, lr  }
0x1b: {  	s9 =	sadd.s32 $0xFFFFFEF7, lr;
	s5 =	simm.s32 $0xFFFFFFFF;
	p2 =	slt.u32 s8, $0xFFFFF086  }
0x1c: {  	p1 =	slt.u32 s9, $0xF7A;
	s5 =	simm.s32 @!p2 $0x0  }
0x1d: {  	s5 =	simm.s32 @p1 $0x1;
	p0 =	seq.s32 s7, s2  }
0x1e: {  	s7 =	smul.u32 @!p0 $0xF7A, s2;
	p2 =	seq.s32 @!p0 s5, $0x0  }
0x1f: {  	s9 =	smul.u32 $0xF7A, s1;
	s8 =	simm.s32 @!p0 $0x1BF5;
	p2 =	por !p2, p0  }
0x20: {  	[sflag:s8] =	ssyncset.s32 @!p0 $0xFFFFF086;
	s6 =	sadd.s32 @!p0 s3, s7;
	s7 =	simm.s32 @!p0 $0x108  }
0x21: {  	s3 =	sadd.s32 s3, s9;
	s6 =	sadd.s32 @!p0 $0x88, s6;
	s7 =	simm.s32 @p2 $0x1082  }
0x22: {  	[simem:s7], [sflag:s8] =	dma.local @!p0 [hbm:s6], $0xF7A  }
0x23: {  	s9 =	sor.u32 $0xD0000000, s2;
	s6 =	simm.s32 $0x108;
	_ =	swait.ge @!p0 [sflag:s8], $0x0  }
0x24: {  	s3 =	sadd.s32 $0x88, s3;
	s6 =	simm.s32 @!p1 $0x1082;
	[sflag:s4] =	ssyncset.s32 $0xFFFFF086  }
0x25: {  	[simem:s6], [sflag:s4] =	dma.local [hbm:s3], $0xF7A  }
0x26: {  	[smem:$0x3F8A] =	sst s1;
	(tag) =	ssettag s2;
	_ =	strace s9  }
0x27: {  	s1 =	sld [smem:$0x3F9A]  }
0x28: {  	s2 =	sld [smem:$0x3F9B]  }
0x29: {  	s4 =	sld [smem:$0x3F9D]  }
0x2a: {  	p0 =	seq.s32 s5, $0x0;
	s5 =	sld [smem:$0x3F9E]  }
0x2b: {  	s6 =	sld [smem:$0x3F9F]  }
0x2c: {  	s7 =	sld [smem:$0x3FA0]  }
0x2d: {  	s3 =	simm.s32 $0x108;
	s8 =	sld [smem:$0x3FA1]  }
0x2e: {  	s3 =	simm.s32 @!p0 $0x1082;
	s9 =	sld [smem:$0x3FA2]  }
0x2f: {  	lr =	sadd.s32 s0, s3;
	s0 =	sld [smem:$0x3F99]  }
0x30: {  	s3 =	sld [smem:$0x3F9C]  }
0x31: {  	[smem:$0x3FA5] =	sst s10  }
0x32: {  	s10 =	sld [smem:$0x3FA3];
	_ =	sdelay $0x3  }
0x33: {  	p0 =	seq.s32 s10, $0x1;
	s10 =	sld [smem:$0x3FA5];
	_ =	sdelay $0x3  }
0x34: {  	[smem:$0x3FA5] =	sst s10  }
0x35: {  	s10 =	sld [smem:$0x3FA4];
	_ =	sdelay $0x3  }
0x36: {  	p1 =	seq.s32 s10, $0x1;
	s10 =	sld [smem:$0x3FA5];
	_ =	sdelay $0x3  }
0x37: {  	[smem:$0x3FA5] =	sst s10  }
0x38: {  	s10 =	sld [smem:$0x3FA6]  }
0x39: {  	_ = 	snop;
	(pc) =	sbr.ind lr, $3  }
0x3a: {  	_ = 	snop  }
0x3b: {  	_ = 	snop  }
0x3c: {  	p2 =	seq.s32 s10, $0x1;
	s10 =	sld [smem:$0x3FA5]  }
0x3d: {  	_ =	shalt  }
0x3e: {  	_ =	shalt  }
0x3f: {  	_ =	shalt  }
0x40: {  	_ =	shalt  }
0x41: {  	_ =	shalt  }
0x42: {  	_ =	shalt  }
0x43: {  	_ =	shalt  }
0x44: {  	_ =	shalt  }
0x45: {  	_ =	shalt  }
0x46: {  	_ =	shalt  }
0x47: {  	_ =	shalt  }
0x48: {  	_ =	shalt  }
0x49: {  	_ =	shalt  }
0x4a: {  	_ =	shalt  }
0x4b: {  	_ =	shalt  }
0x4c: {  	_ =	shalt  }
0x4d: {  	_ =	shalt  }
0x4e: {  	_ =	shalt  }
0x4f: {  	_ =	shalt  }
0x50: {  	_ =	shalt  }
0x51: {  	_ =	shalt  }
0x52: {  	_ =	shalt  }
0x53: {  	_ =	shalt  }
0x54: {  	_ =	shalt  }
0x55: {  	_ =	shalt  }
0x56: {  	_ =	shalt  }
0x57: {  	_ =	shalt  }
0x58: {  	_ =	shalt  }
0x59: {  	_ =	shalt  }
0x5a: {  	_ =	shalt  }
0x5b: {  	_ =	shalt  }
0x5c: {  	_ =	shalt  }
0x5d: {  	_ =	shalt  }
0x5e: {  	_ =	shalt  }
0x5f: {  	_ =	shalt  }
0x60: {  	_ =	shalt  }
0x61: {  	_ =	shalt  }
0x62: {  	_ =	shalt  }
0x63: {  	_ =	shalt  }
0x64: {  	_ =	shalt  }
0x65: {  	_ =	shalt  }
0x66: {  	_ =	shalt  }
0x67: {  	_ =	shalt  }
0x68: {  	_ =	shalt  }
0x69: {  	_ =	shalt  }
0x6a: {  	_ =	shalt  }
0x6b: {  	_ =	shalt  }
0x6c: {  	_ =	shalt  }
0x6d: {  	_ =	shalt  }
0x6e: {  	_ =	shalt  }
0x6f: {  	_ =	shalt  }
0x70: {  	_ =	shalt  }
0x71: {  	_ =	shalt  }
0x72: {  	_ =	shalt  }
0x73: {  	_ =	shalt  }
0x74: {  	_ =	shalt  }
0x75: {  	_ =	shalt  }
0x76: {  	_ =	shalt  }
0x77: {  	_ =	shalt  }
0x78: {  	_ =	shalt  }
0x79: {  	_ =	shalt  }
0x7a: {  	_ =	shalt  }
0x7b: {  	_ =	shalt  }
0x7c: {  	_ =	shalt  }
0x7d: {  	_ =	shalt  }
0x7e: {  	_ =	shalt  }
0x7f: {  	_ =	shalt  }
0x80: {  	_ =	shalt  }
0x81: {  	_ =	shalt  }
0x82: {  	_ =	shalt  }
0x83: {  	_ =	shalt  }
0x84: {  	_ =	shalt  }
0x85: {  	_ =	shalt  }
0x86: {  	_ =	shalt  }
0x87: {  	_ =	shalt  }
.Lfunc_end0:
.L_simem_size_0:
called_computation.2_lowered:
.L_overlay_start_0:
0x88: {  	s2 =	sld [smem:$0x3FD9]  }
0x89: {  	s3 =	sld [smem:$0x3FFE];
	_ =	sdelay $0x1  }
0x8a: {  	s1 =	srdreg.scid  }
0x8b: {  	s0 =	sand.u32 $0x1, s1  }
0x8c: {  	s13 =	sshll.u32 s0, $0xA;
	s2 =	sadd.s32 s3, s2  }
0x8d: {  	s2 =	sadd.s32 s2, s13  }
0x8e: {  	[smem:$0x3FB1] =	sst s2  }
0x8f: {  	_ = 	snop  }
0x90: {  	s2 =	sld [smem:$0x3FD0];
	_ =	sdelay $0x2  }
0x91: {  	s14 =	simm.s32 $0xB;
	s4 =	simm.s32 $0x10  }
0x92: {  	[smem:s4], [sflag:s14] =	dma.local [hbm:s2], $0x1  }
0x93: {  	_ =	swait.eq [sflag:s14], $0x1  }
0x94: {  	[sflag:s14] =	ssyncset.done $0x0  }
0x95: {  	s15 =	sld [smem:$0x10];
	[sflag:s14] =	ssyncadd.s32 $0xFFFFFFFF  }
0x96: {  	s16 =	sld [smem:$0x12];
	(tm) =	ssettm $0x1  }
0x97: {  	s17 =	sld [smem:$0x3FFB];
	_ =	sdelay $0x3  }
0x98: {  	_ =	strace s17  }
0x99: {  	s4 =	sld [smem:$0x3FFC];
	_ =	sdelay $0x3  }
0x9a: {  	_ =	strace s4  }
0x9b: {  	s4 =	sld [smem:$0x3FFD];
	_ =	sdelay $0x3  }
0x9c: {  	_ =	strace s4  }
0x9d: {  	_ =	strace $0x8FFFFFFF  }
0x9e: {  	s18 =	sld [smem:$0x3FDB];
	_ =	sdelay $0x1  }
0x9f: {  	s5 =	simm.s32 $_scs_section_size  }
0xa0: {  	s6 =	simm.s32 $_size__tile_overlayer_lowered;
	s7 =	simm.s32 $_tile_overlayer_lowered  }
0xa1: {  	s21 =	simm.s32 $0x1BFF;
	s20 =	sshll.u32 s7, $0x1;
	s4 =	sadd.s32 s5, s18  }
0xa2: {  	s8 =	simm.s32 $0x0;
	s19 =	sshll.u32 s6, $0x1;
	s6 =	sadd.s32 s20, s4  }
0xa3: {  	[timem:s8], [sflag:s21] =	dma.local [hbm:s6], s19  }
0xa4: {  	_ =	swait.ge [sflag:s21], s19  }
0xa5: {  	s5 =	ssub.s32 $0x0, s19;
	[sflag:s21] =	ssyncset.done $0x0  }
0xa6: {  	[sflag:s21] =	ssyncadd.s32 s5;
	_ =	sdelay $0x1  }
0xa7: {  	s22 =	simm.s32 $0x1B8B  }
0xa8: {  	_ =	swait.ge [sflag:s22], $0x1  }
0xa9: {  	[sflag:s22] =	ssyncset.done $0x0  }
0xaa: {  	s23 =	sld [smem:$0x3FFE];
	[sflag:s22] =	ssyncadd.s32 $0xFFFFFFFF  }
0xab: {  	s25 =	simm.s32 $0x1B8E;
	s24 =	sld [smem:$0x0]  }
0xac: {  	s26 =	simm.s32 $execute0_lowered;
	[smem:$0x3FD2] =	sst s25  }
0xad: {  	s7 =	sshll.u32 s26, $0x1;
	_ =	strace $0x80000052;
	[dreg:$0x1] =	wrdreg $0xFFFFFFFF  }
0xae: {  	s28 =	simm.s32 $_size_execute0_lowered;
	s4 =	sadd.s32 s4, s7;
	[dreg:$0x0] =	wrdreg $0x0  }
0xaf: {  	s7 =	sshll.u32 s28, $0x1;
	[dreg:$0x2] =	wrdreg s4  }
0xb0: {  	[dreg:$0x3] =	wrdreg s7  }
0xb1: {  	[dreg:$0x4] =	wrdreg $0xC0  }
0xb2: {  	_ =	task [dreg:s8], $0x5FFFF  }
0xb3: {  	[dreg:$0x1] =	wrdreg $0xFFFFFFFF  }
0xb4: {  	[dreg:$0x0] =	wrdreg $0x60  }
0xb5: {  	[dreg:$0x2] =	wrdreg s16  }
0xb6: {  	[dreg:$0x3] =	wrdreg s15  }
0xb7: {  	[dreg:$0x4] =	wrdreg s23  }
0xb8: {  	[dreg:$0x5] =	wrdreg s1  }
0xb9: {  	[dreg:$0x6] =	wrdreg s24  }
0xba: {  	[dreg:$0x7] =	wrdreg $0x9  }
0xbb: {  	_ =	task.clear_ibuf [dreg:s8], $0x8FFFF;
	_ =	strace $0x90000052  }
0xbc: {  	s29 =	simm.s32 $0x9;
	_ =	strace $0x80000054  }
0xbd: {  	_ =	swait.ge [sflag:s29], $0x1  }
0xbe: {  	[sflag:s29] =	ssyncadd.s32 $0xFFFFFFFF  }
0xbf: {  	_ =	strace $0x90000054  }
0xc0: {  	_ =	sfence  }
0xc1: {  	s30 =	sld [smem:$0x0];
	_ =	sdelay $0x2  }
0xc2: {  	s31 =	sshll.u32 s1, $0xD;
	s1 =	sshrl.u32 s1, $0x2  }
0xc3: {  	s3 =	sand.u32 $0x4000, s31;
	s1 =	sadd.s32 s1, s30  }
0xc4: {  	s0 =	sor.u32 s3, s0;
	s1 =	sshll.u32 s1, $0x11  }
0xc5: {  	s0 =	sor.u32 s1, s0  }
0xc6: {  	s0 =	sadd.s32 $0x8F2B, s0  }
0xc7: {  	[sflag:s0] =	ssyncadd.remote.s32 $0x1  }
0xc8: {  	_ =	sfence.sel $0xFFFF  }
0xc9: {  	[dreg:$0x0] =	wrdreg $0xFFFFFFFF;
	(pc) =	sbr.abs _section_cstart, $3  }
0xca: {  	[dreg:$0x1] =	wrdreg $0xFFFFFFFF  }
0xcb: {  	_ =	task.clear_ibuf [dreg:s8], $0x2FFFF;
	_ =	strace $0x9FFFFFFF  }
0xcc: {  	(tm) =	ssettm $0x7FFFFFFF  }
0xcd: {  	_ =	shalt  }
tec
execute0_lowered:
.L_overlay_start_1:
0x0: {  	(tag) =	ssettag $0x1  }
0x1: {  	s1 =	rddreg [dreg:$0x0]  }
0x2: {  	s0 =	rddreg [dreg:$0x1]  }
0x3: {  	s2 =	rddreg [dreg:$0x2]  }
0x4: {  	s7 =	rddreg [dreg:$0x3];
	_ =	strace $0x80000053;
	s3 =	simm.s32 $0x1  }
0x5: {  	s5 =	simm.s32 $0x208;
	v0 =	vimm.s32 $0x0;
	[sflag:s3] =	ssyncpa.u1 $0x0  }
0x6: {  	[tilespmem:s5+$0x70] =	vst v0  }
0x7: {  	[tilespmem:s5+$0x60] =	vst v0  }
0x8: {  	[tilespmem:s5+$0x50] =	vst v0  }
0x9: {  	[tilespmem:s5+$0x40] =	vst v0  }
0xa: {  	[tilespmem:s5+$0x30] =	vst v0  }
0xb: {  	s6 =	sadd.s32 $0x79C00, s2;
	[tilespmem:s5+$0x20] =	vst v0  }
0xc: {  	s4 =	sadd.s32 $0x74C00, s2;
	s10 =	sand.u32 $0x1, s7;
	s2 =	simm.s32 $0x40;
	[tilespmem:s5+$0x10] =	vst v0  }
.LBB2_1:
0xd: {  	s2 =	sadd.s32 $0x40, s2;
	[tilespmem:s5+$0x0] =	vst v0;
	s5 =	sadd.s32 $0x80, s5  }
0xe: {  	p0 =	slt.u32 s2, $0x3880;
	[tilespmem:s5+$0x70] =	vst v0  }
0xf: {  	[tilespmem:s5+$0x60] =	vst v0  }
.Ltmp0:
0x10: {  	[tilespmem:s5+$0x50] =	vst v0;
	(pc) =	sbr.rel @p0 .LBB2_1-.Ltmp0, $4  }
0x11: {  	[tilespmem:s5+$0x40] =	vst v0  }
0x12: {  	[tilespmem:s5+$0x30] =	vst v0  }
0x13: {  	[tilespmem:s5+$0x20] =	vst v0  }
0x14: {  	[tilespmem:s5+$0x10] =	vst v0  }
0x15: {  	s11 =	stileid.u32  }
0x16: {  	s2 =	smul.u32 $0x2C, s11  }
0x17: {  	s3 =	smin.u32 s11, $0xB  }
0x18: {  	s2 =	sadd.s32 s3, s2  }
0x19: {  	p0 =	slt.u32 s11, $0xB;
	s20 =	smul.u32 $0x70, s2;
	s2 =	simm.s32 $0x13B0  }
0x1a: {  	s2 =	simm.s32 @!p0 $0x1340  }
0x1b: {  	s2 =	sadd.s32 s2, s20  }
0x1c: {  	s8 =	smin.u32 s2, $0x13880  }
0x1d: {  	s26 =	simm.s32 $0x2;
	s2 =	ssub.s32 s8, s20  }
0x1e: {  	s9 =	simm.s32 $0x9;
	s29 =	simm.s32 $0xA;
	p0 =	sgt.s32 s2, $0x0  }
0x1f: {  	s30 =	simm.s32 $0xB;
	s31 =	smul.u32 $0x2710, s10;
	s2 =	simm.s32 @!p0 $0x0  }
0x20: {  	[dreg:$0x6] =	wrdreg s10;
	s12 =	simm.s32 $0x1;
	s25 =	smulhi.u32 $0x92492493, s2  }
0x21: {  	s24 =	simm.s32 $0x0;
	p1 =	por $0x0, $0x0;
	s18 =	simm.s32 $0x80  }
0x22: {  	s19 =	simm.s32 $0x400;
	s17 =	simm.s32 $0xC;
	s3 =	sshrl.u32 s25, $0x6  }
0x23: {  	s21 =	simm.s32 $0x0;
	s23 =	simm.s32 $0x0;
	s28 =	smul.u32 $0x70, s3  }
.Ltmp1:
0x24: {  	[tilespmem:s5+$0x0] =	vst v0;
	v0 =	vimm.s32 $0xFFFFFFFF;
	[sflag:s26] =	ssyncpa.u1 $0x0;
	s16 =	sshll.u32 s11, $0x9;
	(pc) =	sbr.rel .LBB2_3-.Ltmp1, $4  }
0x25: {  	[tilespmem:$0xE408] =	vst v0;
	[sflag:s9] =	ssyncpa.u1 $0x0;
	p0 =	sne.s32 s2, s28;
	s2 =	simm.s32 $0x1  }
0x26: {  	s14 =	sadd.s32 s31, s4;
	[sflag:s29] =	ssyncpa.u1 $0x0;
	s2 =	simm.s32 @!p0 $0x0  }
0x27: {  	s15 =	sadd.s32 s31, s0;
	[sflag:s30] =	ssyncpa.u1 $0x0;
	s13 =	sadd.s32 s2, s3  }
0x28: {  	v0 =	vlaneseq.u32;
	s22 =	smov.u32 s20;
	p0 =	por $0x1, $0x1;
	s11 =	sadd.s32 $0x1, s13  }
.LBB2_24:
0x29: {  	s2 =	sshrl.u32 s4, $0x2  }
.LBB2_26:
0x2a: {  	_ =	swait.ge [sflag:s17], s2  }
0x2b: {  	s31 =	ssub.s32 $0x0, s2;
	v1 =	vmov s26;
	vm0 =	veq.s32 v0, $0x0;
	[sflag:s17] =	ssyncset.done $0x0  }
0x2c: {  	vm15 =	veq.s32 v0, $0x2;
	v1 =	vsel vm0, s0, v1;
	[sflag:s17] =	ssyncadd.s32 s31  }
0x2d: {  	v1 =	vsel vm15, s24, v1;
	[sflag:s17] =	ssyncpa.u1 $0x1  }
0x2e: {  	[tilespmem:$0xE408] =	vst v1  }
.LBB2_27:
0x2f: {  	s0 =	sadd.s32 $0x70, s22  }
0x30: {  	s2 =	smov.u32 s20;
	p2 =	slt.s32 s0, s8  }
0x31: {  	s2 =	smov.u32 @p2 s0;
	p2 =	sne.s32 s23, s11  }
.Ltmp2:
0x32: {  	_ = 	snop;
	(pc) =	sbr.rel @!p2 .LBB2_28-.Ltmp2, $4  }
0x33: {  	_ = 	snop  }
0x34: {  	s24 =	smov.u32 s21  }
0x35: {  	s31 =	sadd.s32 $0x1, s23;
	s21 =	smov.u32 s22;
	p0 =	por !p0, !p0  }
0x36: {  	p1 =	por !p1, !p1;
	s23 =	smov.u32 s31;
	s22 =	smov.u32 s2  }
.LBB2_3:
0x37: {  	p2 =	sge.u32 s23, s13  }
0x38: {  	s0 =	smulhi.u32 @!p2 $0xAAAAAAAB, s23  }
0x39: {  	s2 =	smov.u32 s22;
	p3 =	sgt.s32 @!p2 s22, $0x13810  }
0x3a: {  	s3 =	sshra.s32 @!p2 s22, $0x1F;
	p3 =	por !p3, p2;
	s0 =	sshrl.u32 @!p2 s0, $0x1  }
0x3b: {  	s3 =	sand.u32 @!p2 s3, s22;
	s2 =	simm.s32 @p3 $0x13810;
	s0 =	smul.u32 @!p2 $0x3, s0  }
0x3c: {  	s2 =	ssub.s32 @!p2 s2, s3  }
0x3d: {  	s2 =	sadd.s32 @!p2 $0xFFFEC7F0, s2;
	s0 =	ssub.s32 @!p2 s23, s0  }
0x3e: {  	s3 =	sshll.u32 @!p2 s2, $0x2;
	p3 =	sgt.s32 @!p2 s2, $0x6F;
	s0 =	smul.u32 @!p2 $0x1C0, s0  }
0x3f: {  	s4 =	sand.u32 @!p2 $0x7, s22;
	s2 =	ssub.s32 @!p2 $0x1C0, s3;
	p3 =	por !p3, p2  }
0x40: {  	s3 =	sshrl.u32 @!p2 s22, $0x3;
	s2 =	sshrl.u32 @!p2 s2, $0x2;
	s0 =	sshrl.u32 @!p2 s0, $0x2  }
0x41: {  	s3 =	sadd.s32 @!p2 s3, s14;
	s2 =	simm.s32 @!p3 $0x0;
	s0 =	sadd.s32 @!p2 $0x10448, s0  }
0x42: {  	[tilespmem:s0], [sflag:$0xA] =	stream.linear.gather @!p2 [hbm4b:s3+s4], s2, $0x38;
	[tilespmem:$0x1E678] =	vst v63  }
0x43: {  	s2 =	sadd.s32 $0xFFFFFFFF, s23  }
0x44: {  	p2 =	sge.u32 s2, s13  }
0x45: {  	p3 =	sgt.s32 @!p2 s21, $0x13810  }
0x46: {  	s0 =	smov.u32 s21;
	s3 =	sshra.s32 @!p2 s21, $0x1F;
	p3 =	por !p3, p2  }
0x47: {  	s3 =	sand.u32 @!p2 s3, s21;
	s0 =	simm.s32 @p3 $0x13810  }
0x48: {  	s0 =	ssub.s32 @!p2 s0, s3  }
0x49: {  	s0 =	sadd.s32 @!p2 $0xFFFEC7F0, s0  }
0x4a: {  	s3 =	sshll.u32 @!p2 s0, $0x2  }
0x4b: {  	p3 =	sgt.s32 @!p2 s0, $0x6F;
	s0 =	ssub.s32 @!p2 $0x1C0, s3  }
0x4c: {  	p3 =	por !p3, p2;
	s0 =	sshrl.u32 @!p2 s0, $0x2  }
0x4d: {  	s4 =	simm.s32 @!p2 $0xA;
	s3 =	sand.u32 @!p2 $0x1, s2;
	s0 =	simm.s32 @!p3 $0x0  }
0x4e: {  	s3 =	smul.u32 @!p2 $0x1C0, s3;
	_ =	swait.ge @!p2 [sflag:s4], s0  }
0x4f: {  	s5 =	ssub.s32 @!p2 $0x0, s0;
	[sflag:s4] =	ssyncset.done @!p2 $0x0  }
0x50: {  	s3 =	sshrl.u32 @!p2 s3, $0x2;
	[sflag:s4] =	ssyncadd.s32 @!p2 s5;
	s4 =	sshrl.u32 @!p2 s21, $0x3  }
0x51: {  	s3 =	sadd.s32 @!p2 $0x10598, s3;
	s5 =	sand.u32 @!p2 $0x7, s21;
	s4 =	sadd.s32 @!p2 s4, s15  }
0x52: {  	[tilespmem:s3], [sflag:$0xB] =	stream.linear.gather @!p2 [hbm4b:s4+s5], s0, $0x38;
	[tilespmem:$0x1E678] =	vst v63  }
0x53: {  	s0 =	ssub.s32 @!p2 $0x13880, s21  }
0x54: {  	p3 =	slt.s32 @!p2 s0, $0x1  }
0x55: {  	p3 =	por p2, p3  }
.Ltmp3:
0x56: {  	_ = 	snop;
	(pc) =	sbr.rel @p3 .LBB2_9-.Ltmp3, $1  }
0x57: {  	_ =	sdelay $0x3  }
0x58: {  	s3 =	smulhi.u32 $0xAAAAAAAB, s2;
	_ =	sdelay $0x1  }
0x59: {  	s3 =	sshrl.u32 s3, $0x1  }
0x5a: {  	s3 =	smul.u32 $0x3, s3;
	_ =	sdelay $0x1  }
0x5b: {  	s30 =	ssub.s32 s2, s3  }
0x5c: {  	s4 =	simm.s32 $0x1;
	s2 =	smul.u32 $0x1C0, s30  }
.Ltmp4:
0x5d: {  	s4 =	simm.s32 @!p0 $0x0;
	(pc) =	sbr.rel .LBB2_6-.Ltmp4, $4  }
0x5e: {  	s31 =	smul.u32 $0x1C000, s4  }
0x5f: {  	p3 =	slt.s32 @!p2 s0, $0x70;
	s2 =	sshrl.u32 s2, $0x2  }
0x60: {  	p2 =	por !p3, p2;
	s3 =	sshrl.u32 s31, $0x2;
	s5 =	sadd.s32 $0x10448, s2  }
0x61: {  	s0 =	simm.s32 @p2 $0x70;
	s4 =	sor.u32 $0x10678, s3;
	s2 =	simm.s32 $0x0;
	v1 =	vmov s5  }
.LBB2_5:
0x62: {  	p2 =	sge.s32 s2, s0  }
.Ltmp5:
0x63: {  	_ = 	snop;
	(pc) =	sbr.rel @p2 .LBB2_9-.Ltmp5, $2  }
0x64: {  	_ =	sdelay $0x2  }
0x65: {  	s4 =	sadd.s32 $0x1000, s4  }
.LBB2_6:
0x66: {  	p2 =	sle.s32 s0, s2  }
.Ltmp6:
0x67: {  	_ = 	snop;
	(pc) =	sbr.rel @p2 .LBB2_5-.Ltmp6, $2  }
0x68: {  	_ =	sdelay $0x2  }
0x69: {  	s5 =	smov.u32 s2;
	s2 =	sadd.s32 $0x10, s2  }
0x6a: {  	s3 =	ssub.s32 s0, s5  }
0x6b: {  	p2 =	slt.s32 s3, $0x10  }
0x6c: {  	s3 =	simm.s32 @!p2 $0x10  }
0x6d: {  	v2 =	vmov s3  }
0x6e: {  	vm0 =	vgt.s32 v2, v0;
	_ =	sdelay $0x5  }
0x6f: {  	v2 =	vld.idx.msk [tilespmem:v1+s5+$0x0 ss:$0x1], vm0;
	_ =	sdelay $0x2  }
0x70: {  	p2 =	slt.s32 s2, s0;
	s3 =	smov.u32 s0  }
0x71: {  	s9 =	smov.u32 s4;
	s25 =	simm.s32 $0x0;
	s3 =	smov.u32 @p2 s2  }
.LBB2_8:
0x72: {  	(v2sf) =	vpush v2, s25;
	_ =	sdelay $0xe  }
0x73: {  	s25 =	sadd.s32 $0x1, s25;
	s10 =	spop (v2sf)  }
0x74: {  	s31 =	sadd.s32 s25, s5;
	s26 =	sshll.u32 s10, $0x8;
	s10 =	sshll.u32 s10, $0x7  }
0x75: {  	p2 =	slt.s32 s31, s3;
	s26 =	sand.u32 $0xFFFFF800, s26;
	s10 =	sand.u32 $0x380, s10  }
.Ltmp7:
0x76: {  	s10 =	sor.u32 s10, s26;
	(pc) =	sbr.rel @p2 .LBB2_8-.Ltmp7, $4  }
0x77: {  	s10 =	sshrl.u32 s10, $0x3  }
0x78: {  	s10 =	sadd.s32 s6, s10  }
0x79: {  	[tilespmem:s9], [sflag:$0x9] =	stream.strided.gather [hbm4b:s10+s18], $0x100, s19, s18, $0x38;
	[tilespmem:$0x1E678] =	vst v63  }
0x7a: {  	s9 =	sadd.s32 $0x100, s9  }
.Ltmp8:
0x7b: {  	_ = 	snop;
	(pc) =	sbr.rel .LBB2_5-.Ltmp8, $1  }
0x7c: {  	_ =	sdelay $0x3  }
.LBB2_9:
0x7d: {  	p2 =	slt.u32 s23, $0x2  }
.Ltmp9:
0x7e: {  	_ = 	snop;
	(pc) =	sbr.rel @p2 .LBB2_27-.Ltmp9, $1  }
0x7f: {  	_ =	sdelay $0x3  }
0x80: {  	p2 =	sgt.s32 s24, $0x13810  }
0x81: {  	s0 =	smov.u32 s24;
	s2 =	sshra.s32 s24, $0x1F;
	s3 =	ssub.s32 $0x13880, s24  }
0x82: {  	s0 =	simm.s32 @!p2 $0x13810;
	s2 =	sand.u32 s2, s24;
	p2 =	slt.s32 s3, $0x70  }
0x83: {  	s0 =	ssub.s32 s0, s2;
	s3 =	simm.s32 @!p2 $0x70  }
0x84: {  	s0 =	sadd.s32 $0xFFFEC7F0, s0;
	s9 =	sshll.u32 s3, $0x8  }
0x85: {  	s26 =	simm.s32 $0x9;
	s10 =	sshll.u32 s0, $0x2;
	s2 =	sand.u32 $0x3FFFFF00, s9  }
0x86: {  	p2 =	sgt.s32 s0, $0x6F;
	s25 =	ssub.s32 $0x1C0, s10;
	_ =	swait.ge [sflag:s26], s2  }
0x87: {  	s2 =	ssub.s32 $0x0, s2;
	[sflag:s26] =	ssyncset.done $0x0;
	s0 =	sshrl.u32 s25, $0x2  }
0x88: {  	s29 =	simm.s32 $0xB;
	[sflag:s26] =	ssyncadd.s32 s2;
	s0 =	simm.s32 @p2 $0x0  }
0x89: {  	_ =	swait.ge [sflag:s29], s0  }
0x8a: {  	s0 =	ssub.s32 $0x0, s0;
	[sflag:s29] =	ssyncset.done $0x0  }
0x8b: {  	[sflag:s29] =	ssyncadd.s32 s0  }
0x8c: {  	v1 =	vld [tilespmem:$0xE408];
	_ =	sdelay $0x4  }
0x8d: {  	(v2sf) =	vpush v1, $0x0  }
0x8e: {  	(v2sf) =	vpush v1, $0x1  }
0x8f: {  	(v2sf) =	vpush v1, $0x2;
	_ =	sdelay $0x3  }
0x90: {  	s0 =	sadd.s32 $0x70, s24  }
0x91: {  	s2 =	ssub.s32 $0x27100, s24;
	p2 =	slt.s32 s8, s0  }
0x92: {  	s0 =	smov.u32 @p2 s8;
	p2 =	sgt.s32 s2, $0x0  }
0x93: {  	s0 =	ssub.s32 s0, s24;
	s2 =	simm.s32 @!p2 $0x0  }
0x94: {  	p2 =	slt.s32 s2, s0  }
0x95: {  	s0 =	smov.u32 @p2 s2  }
0x96: {  	s4 =	simm.s32 $0x1;
	p2 =	slt.s32 s0, $0x1  }
.Ltmp10:
0x97: {  	s4 =	simm.s32 @!p1 $0x0;
	(pc) =	sbr.rel @p2 .LBB2_14-.Ltmp10, $4  }
0x98: {  	s30 =	smul.u32 $0x1C0, s4  }
0x99: {  	s5 =	spop (v2sf)  }
0x9a: {  	s31 =	sshrl.u32 s30, $0x2;
	s28 =	spop (v2sf)  }
0x9b: {  	s25 =	sadd.s32 $0x10598, s31;
	s24 =	spop (v2sf)  }
0x9c: {  	s2 =	smin.u32 s0, $0x10  }
0x9d: {  	v1 =	vmov s2  }
0x9e: {  	vm1 =	vgt.u32 v1, v0  }
0x9f: {  	p3 =	sgt.s32 s0, $0x10  }
.Ltmp11:
0xa0: {  	_ = 	snop;
	(pc) =	sbr.rel @!p3 .LBB2_13-.Ltmp11, $2  }
0xa1: {  	_ =	sdelay $0x2  }
0xa2: {  	s26 =	simm.s32 $0x10;
	s29 =	sadd.s32 $0xFFFFFFF0, s0;
	s2 =	smov.u32 s25;
	vm0 =	vmmov vm1;
	v1 =	vld.msk [tilespmem:s25+$0x0 ss:$0x1], vm1  }
.LBB2_12:
0xa3: {  	s3 =	smin.u32 s29, $0x10;
	s26 =	sadd.s32 $0x10, s26  }
0xa4: {  	v2 =	vmov s3;
	p3 =	slt.s32 s26, s0  }
0xa5: {  	vm1 =	vgt.u32 v2, v0;
	_ =	sdelay $0x1  }
0xa6: {  	v2 =	vshll.u32 v1, $0x5;
	v1 =	vshll.u32 v1, $0x4  }
.Ltmp12:
0xa7: {  	v2 =	vand.u32 $0xFFFFFF00, v2;
	v1 =	vand.u32 $0x70, v1;
	(pc) =	sbr.rel @p3 .LBB2_12-.Ltmp12, $4  }
0xa8: {  	v1 =	vor.u32 v1, v2  }
0xa9: {  	[tilespmem:s2+$0x0] =	vst.msk vm0, v1;
	s2 =	sadd.s32 $0x10, s2;
	vm0 =	vmmov vm1  }
0xaa: {  	v1 =	vld.msk [tilespmem:s2+$0x0 ss:$0x1], vm1  }
0xab: {  	s29 =	sadd.s32 $0xFFFFFFF0, s29  }
.LBB2_13:
0xac: {  	_ =	sdelay $0x3  }
0xad: {  	v2 =	vshll.u32 v1, $0x5;
	v1 =	vshll.u32 v1, $0x4  }
0xae: {  	v2 =	vand.u32 $0xFFFFFF00, v2;
	v1 =	vand.u32 $0x70, v1  }
0xaf: {  	v1 =	vor.u32 v1, v2  }
0xb0: {  	[tilespmem:s2+$0x0] =	vst.msk vm0, v1  }
.LBB2_14:
0xb1: {  	s2 =	sand.u32 $0x1, s23  }
0xb2: {  	s2 =	smul.u32 $0x70, s2  }
0xb3: {  	p3 =	sne.s32 s28, $0xFFFFFFFF  }
0xb4: {  	v1 =	vld.msk @!p3 [tilespmem:s2+$0x10598], $0x1;
	_ =	sdelay $0x4  }
0xb5: {  	(v2sf) =	vpush @!p3 v1, $0x0;
	_ =	sdelay $0xc  }
.Ltmp13:
0xb6: {  	_ = 	snop;
	(pc) =	sbr.rel @p2 .LBB2_25-.Ltmp13, $4  }
0xb7: {  	_ = 	snop  }
0xb8: {  	s31 =	spop @!p3 (v2sf)  }
0xb9: {  	s24 =	simm.s32 @!p3 $0x0;
	s26 =	smov.u32 s31  }
0xba: {  	[sflag:s17] =	ssyncpa.u1 $0x0;
	s31 =	smov.u32 @p3 s5;
	s26 =	smov.u32 @p3 s28  }
0xbb: {  	v1 =	vld.msk [tilespmem:s25+$0x0], $0x1;
	_ =	sdelay $0x4  }
0xbc: {  	(v2sf) =	vpush v1, $0x0;
	_ =	sdelay $0xe  }
0xbd: {  	s7 =	smov.u32 s11;
	s5 =	spop (v2sf)  }
0xbe: {  	s17 =	smov.u32 s15;
	s2 =	smul.u32 $0x1C000, s4;
	p2 =	seq.s32 s31, s5  }
0xbf: {  	s3 =	smov.u32 s31;
	s29 =	ssub.s32 $0x0, s0;
	p3 =	sgt.s32 @!p2 s31, $0x0  }
0xc0: {  	s30 =	simm.s32 $0x0;
	s2 =	sshrl.u32 s2, $0x2;
	p3 =	por !p3, p2  }
0xc1: {  	s0 =	sadd.s32 $0x1, s29;
	s28 =	sor.u32 $0x106F8, s2;
	s3 =	simm.s32 @p3 $0x0  }
0xc2: {  	s2 =	simm.s32 @!p2 $0x1;
	p3 =	seq.s32 s0, $0x0;
	s3 =	smin.u32 @!p2 s3, $0x4E170  }
.Ltmp14:
0xc3: {  	s4 =	simm.s32 @!p2 $0x7308;
	s9 =	sand.u32 @!p2 $0x7FFF8, s3;
	(pc) =	sbr.rel @p3 .LBB2_17-.Ltmp14, $4  }
0xc4: {  	s10 =	sadd.s32 @!p2 $0x80, s3;
	s11 =	sadd.s32 @!p2 s1, s9;
	s9 =	sand.u32 @!p2 $0x7, s3  }
0xc5: {  	[tilespmem:s4], [sflag:$0x2] =	stream.linear.gather @!p2 [hbm4b:s11+s9], $0x80, $0x38;
	[tilespmem:$0x1E678] =	vst v63  }
0xc6: {  	s15 =	smov.u32 s14;
	s2 =	smov.u32 @p2 s30;
	s4 =	sand.u32 @!p2 $0xFFFF8, s10  }
0xc7: {  	s3 =	simm.s32 @!p2 $0x7388;
	s10 =	sadd.s32 @!p2 s1, s4;
	s4 =	sadd.s32 $0x1, s25  }
.LBB2_16:
0xc8: {  	s11 =	smov.u32 s2  }
0xc9: {  	[tilespmem:s3], [sflag:$0x2] =	stream.linear.gather @!p2 [hbm4b:s10+s9], $0x80, $0x38;
	[tilespmem:$0x1E678] =	vst v63  }
0xca: {  	s0 =	sadd.s32 $0x1, s0;
	s9 =	smov.u32 s5;
	v1 =	vld.msk [tilespmem:s4+$0x0], $0x1  }
0xcb: {  	p3 =	seq.s32 s0, $0x0;
	_ =	sdelay $0x3  }
0xcc: {  	(v2sf) =	vpush v1, $0x0;
	_ =	sdelay $0xe  }
0xcd: {  	s5 =	spop (v2sf)  }
0xce: {  	p2 =	seq.s32 s9, s5  }
0xcf: {  	p4 =	sgt.s32 @!p2 s9, $0x0;
	s3 =	sshll.u32 @!p2 s2, $0xA;
	s2 =	sadd.s32 @!p2 $0x1, s2  }
0xd0: {  	p4 =	por !p4, p2;
	s3 =	sshra.s32 @!p2 s3, $0x2;
	s2 =	smov.u32 @p2 s11  }
0xd1: {  	s9 =	simm.s32 @p4 $0x0;
	s10 =	sadd.s32 @!p2 $0x7308, s3;
	s3 =	sadd.s32 @!p2 $0x7388, s3  }
.Ltmp15:
0xd2: {  	s9 =	smin.u32 @!p2 s9, $0x4E170;
	(pc) =	sbr.rel @!p3 .LBB2_16-.Ltmp15, $4  }
0xd3: {  	s11 =	sand.u32 @!p2 $0x7FFF8, s9;
	s14 =	sadd.s32 @!p2 $0x80, s9  }
0xd4: {  	s9 =	sand.u32 @!p2 $0x7, s9;
	s11 =	sadd.s32 @!p2 s1, s11;
	s14 =	sand.u32 @!p2 $0xFFFF8, s14  }
0xd5: {  	[tilespmem:s10], [sflag:$0x2] =	stream.linear.gather @!p2 [hbm4b:s11+s9], $0x80, $0x38;
	[tilespmem:$0x1E678] =	vst v63  }
0xd6: {  	s4 =	sadd.s32 $0x1, s4;
	s10 =	sadd.s32 @!p2 s1, s14  }
.LBB2_17:
0xd7: {  	[tilespmem:s3], [sflag:$0x2] =	stream.linear.gather @!p2 [hbm4b:s10+s9], $0x80, $0x38;
	[tilespmem:$0x1E678] =	vst v63  }
0xd8: {  	s0 =	sshll.u32 s2, $0x8  }
.Ltmp16:
0xd9: {  	s14 =	simm.s32 $0x2;
	s0 =	sand.u32 $0x3FFFFF00, s0;
	(pc) =	sbr.rel .LBB2_18-.Ltmp16, $4  }
0xda: {  	_ =	swait.ge [sflag:s14], s0  }
0xdb: {  	s0 =	ssub.s32 $0x0, s0;
	[sflag:s14] =	ssyncset.done $0x0  }
0xdc: {  	s4 =	simm.s32 $0x0;
	s11 =	smov.u32 s7;
	[sflag:s14] =	ssyncadd.s32 s0  }
0xdd: {  	s14 =	smov.u32 s15;
	s15 =	smov.u32 s17;
	s17 =	simm.s32 $0xC  }
.LBB2_19:
0xde: {  	v1 =	vld [tilespmem:s28+$0xFFFFFF80];
	_ =	sdelay $0x4  }
0xdf: {  	[tilespmem:s5+$0x208] =	vst.add.f32.msk $0xffff, v1  }
0xe0: {  	v1 =	vld [tilespmem:s28+$0xFFFFFF90];
	_ =	sdelay $0x4  }
0xe1: {  	[tilespmem:s5+$0x218] =	vst.add.f32.msk $0xffff, v1  }
0xe2: {  	v1 =	vld [tilespmem:s28+$0xFFFFFFA0];
	_ =	sdelay $0x4  }
0xe3: {  	[tilespmem:s5+$0x228] =	vst.add.f32.msk $0xffff, v1  }
0xe4: {  	v1 =	vld [tilespmem:s28+$0xFFFFFFB0];
	_ =	sdelay $0x4  }
0xe5: {  	[tilespmem:s5+$0x238] =	vst.add.f32.msk $0xffff, v1  }
0xe6: {  	v1 =	vld [tilespmem:s28+$0xFFFFFFC0];
	_ =	sdelay $0x4  }
0xe7: {  	[tilespmem:s5+$0x248] =	vst.add.f32.msk $0xffff, v1  }
0xe8: {  	v1 =	vld [tilespmem:s28+$0xFFFFFFD0];
	_ =	sdelay $0x4  }
0xe9: {  	[tilespmem:s5+$0x258] =	vst.add.f32.msk $0xffff, v1  }
0xea: {  	v1 =	vld [tilespmem:s28+$0xFFFFFFE0];
	_ =	sdelay $0x4  }
0xeb: {  	[tilespmem:s5+$0x268] =	vst.add.f32.msk $0xffff, v1  }
0xec: {  	v1 =	vld [tilespmem:s28+$0xFFFFFFF0];
	_ =	sdelay $0x4  }
0xed: {  	[tilespmem:s5+$0x278] =	vst.add.f32.msk $0xffff, v1  }
0xee: {  	v1 =	vld [tilespmem:s28+$0x0];
	_ =	sdelay $0x4  }
0xef: {  	[tilespmem:s5+$0x288] =	vst.add.f32.msk $0xffff, v1  }
0xf0: {  	v1 =	vld [tilespmem:s28+$0x10];
	_ =	sdelay $0x4  }
0xf1: {  	[tilespmem:s5+$0x298] =	vst.add.f32.msk $0xffff, v1  }
0xf2: {  	v1 =	vld [tilespmem:s28+$0x20];
	_ =	sdelay $0x4  }
0xf3: {  	[tilespmem:s5+$0x2A8] =	vst.add.f32.msk $0xffff, v1  }
0xf4: {  	v1 =	vld [tilespmem:s28+$0x30];
	_ =	sdelay $0x4  }
0xf5: {  	[tilespmem:s5+$0x2B8] =	vst.add.f32.msk $0xffff, v1  }
0xf6: {  	v1 =	vld [tilespmem:s28+$0x40];
	_ =	sdelay $0x4  }
0xf7: {  	[tilespmem:s5+$0x2C8] =	vst.add.f32.msk $0xffff, v1  }
0xf8: {  	v1 =	vld [tilespmem:s28+$0x50];
	_ =	sdelay $0x4  }
0xf9: {  	[tilespmem:s5+$0x2D8] =	vst.add.f32.msk $0xffff, v1  }
0xfa: {  	v1 =	vld [tilespmem:s28+$0x60];
	_ =	sdelay $0x4  }
0xfb: {  	[tilespmem:s5+$0x2E8] =	vst.add.f32.msk $0xffff, v1  }
0xfc: {  	v1 =	vld [tilespmem:s28+$0x70];
	_ =	sdelay $0x4  }
0xfd: {  	[tilespmem:s5+$0x2F8] =	vst.add.f32.msk $0xffff, v1  }
.LBB2_23:
0xfe: {  	s29 =	sadd.s32 $0x1, s29  }
0xff: {  	p2 =	seq.s32 s29, $0x0  }
.Ltmp17:
0x100: {  	_ = 	snop;
	(pc) =	sbr.rel @p2 .LBB2_24-.Ltmp17, $2  }
0x101: {  	_ =	sdelay $0x2  }
0x102: {  	s25 =	sadd.s32 $0x1, s25;
	s28 =	sadd.s32 $0x100, s28;
	s31 =	smov.u32 s0  }
.LBB2_18:
0x103: {  	v1 =	vld.msk [tilespmem:s25+$0x0], $0x1;
	_ =	sdelay $0x4  }
0x104: {  	(v2sf) =	vpush v1, $0x0;
	_ =	sdelay $0xe  }
0x105: {  	s0 =	spop (v2sf)  }
0x106: {  	p2 =	sne.s32 s31, s0  }
.Ltmp18:
0x107: {  	_ = 	snop;
	(pc) =	sbr.rel @!p2 .LBB2_19-.Ltmp18, $3  }
0x108: {  	_ =	sdelay $0x1  }
0x109: {  	s2 =	sshll.u32 s24, $0xA  }
0x10a: {  	s5 =	sshra.s32 s2, $0x2  }
0x10b: {  	p2 =	seq.s32 s31, s26  }
.Ltmp19:
0x10c: {  	_ = 	snop;
	(pc) =	sbr.rel @!p2 .LBB2_21-.Ltmp19, $1  }
0x10d: {  	_ =	sdelay $0x3  }
.Ltmp20:
0x10e: {  	s2 =	sadd.s32 $0x208, s5;
	(pc) =	sbr.rel .LBB2_22-.Ltmp20, $4  }
0x10f: {  	[spmem:s16] =	stream.linear.scatter [tilespmem:s2], [sflag:$0x1], $0x100, $0x38;
	[tilespmem:$0x1E678] =	vst v63  }
0x110: {  	_ =	swait.ge [sflag:s12], $0x100  }
0x111: {  	[sflag:s12] =	ssyncset.done $0x0  }
0x112: {  	[sflag:s12] =	ssyncadd.s32 $0xFFFFFF00  }
.LBB2_21:
0x113: {  	s2 =	sshll.u32 s30, $0xA  }
0x114: {  	s2 =	sshra.s32 s2, $0x2  }
0x115: {  	v1 =	vld [tilespmem:s2+$0x7308];
	_ =	sdelay $0x4  }
0x116: {  	[tilespmem:s5+$0x208] =	vst.add.f32.msk $0xffff, v1  }
0x117: {  	v1 =	vld [tilespmem:s2+$0x7318];
	_ =	sdelay $0x4  }
0x118: {  	[tilespmem:s5+$0x218] =	vst.add.f32.msk $0xffff, v1  }
0x119: {  	v1 =	vld [tilespmem:s2+$0x7328];
	_ =	sdelay $0x4  }
0x11a: {  	[tilespmem:s5+$0x228] =	vst.add.f32.msk $0xffff, v1  }
0x11b: {  	v1 =	vld [tilespmem:s2+$0x7338];
	_ =	sdelay $0x4  }
0x11c: {  	[tilespmem:s5+$0x238] =	vst.add.f32.msk $0xffff, v1  }
0x11d: {  	v1 =	vld [tilespmem:s2+$0x7348];
	_ =	sdelay $0x4  }
0x11e: {  	[tilespmem:s5+$0x248] =	vst.add.f32.msk $0xffff, v1  }
0x11f: {  	v1 =	vld [tilespmem:s2+$0x7358];
	_ =	sdelay $0x4  }
0x120: {  	[tilespmem:s5+$0x258] =	vst.add.f32.msk $0xffff, v1  }
0x121: {  	v1 =	vld [tilespmem:s2+$0x7368];
	_ =	sdelay $0x4  }
0x122: {  	[tilespmem:s5+$0x268] =	vst.add.f32.msk $0xffff, v1  }
0x123: {  	v1 =	vld [tilespmem:s2+$0x7378];
	_ =	sdelay $0x4  }
0x124: {  	[tilespmem:s5+$0x278] =	vst.add.f32.msk $0xffff, v1  }
0x125: {  	v1 =	vld [tilespmem:s2+$0x7388];
	_ =	sdelay $0x4  }
0x126: {  	[tilespmem:s5+$0x288] =	vst.add.f32.msk $0xffff, v1  }
0x127: {  	v1 =	vld [tilespmem:s2+$0x7398];
	_ =	sdelay $0x4  }
0x128: {  	[tilespmem:s5+$0x298] =	vst.add.f32.msk $0xffff, v1  }
0x129: {  	v1 =	vld [tilespmem:s2+$0x73A8];
	_ =	sdelay $0x4  }
0x12a: {  	[tilespmem:s5+$0x2A8] =	vst.add.f32.msk $0xffff, v1  }
0x12b: {  	v1 =	vld [tilespmem:s2+$0x73B8];
	_ =	sdelay $0x4  }
0x12c: {  	[tilespmem:s5+$0x2B8] =	vst.add.f32.msk $0xffff, v1  }
0x12d: {  	v1 =	vld [tilespmem:s2+$0x73C8];
	_ =	sdelay $0x4  }
0x12e: {  	[tilespmem:s5+$0x2C8] =	vst.add.f32.msk $0xffff, v1  }
0x12f: {  	v1 =	vld [tilespmem:s2+$0x73D8];
	_ =	sdelay $0x4  }
0x130: {  	[tilespmem:s5+$0x2D8] =	vst.add.f32.msk $0xffff, v1  }
0x131: {  	v1 =	vld [tilespmem:s2+$0x73E8];
	_ =	sdelay $0x4  }
0x132: {  	[tilespmem:s5+$0x2E8] =	vst.add.f32.msk $0xffff, v1  }
0x133: {  	v1 =	vld [tilespmem:s2+$0x73F8];
	_ =	sdelay $0x2  }
0x134: {  	p2 =	sgt.u32 s31, $0x4E170  }
0x135: {  	s2 =	sand.u32 @!p2 $0x7FFF8, s31  }
0x136: {  	s3 =	sadd.s32 $0x208, s5;
	s9 =	sand.u32 @!p2 $0x7, s31;
	s2 =	sadd.s32 @!p2 s1, s2;
	[tilespmem:s5+$0x2F8] =	vst.add.f32.msk $0xffff, v1  }
0x137: {  	[hbm4b:s2+s9] =	stream.linear.scatter @!p2 [tilespmem:s3], [sflag:$0xC], $0x80, $0x38;
	[tilespmem:$0x1E678] =	vst v63  }
0x138: {  	s2 =	sadd.s32 @!p2 $0x80, s31  }
0x139: {  	s2 =	sand.u32 @!p2 $0xFFFF8, s2  }
0x13a: {  	s3 =	sadd.s32 $0x288, s5;
	s2 =	sadd.s32 @!p2 s1, s2  }
0x13b: {  	[hbm4b:s2+s9] =	stream.linear.scatter @!p2 [tilespmem:s3], [sflag:$0xC], $0x80, $0x38;
	[tilespmem:$0x1E678] =	vst v63  }
0x13c: {  	s2 =	simm.s32 $0x0  }
0x13d: {  	s2 =	simm.s32 @!p2 $0x400  }
0x13e: {  	s4 =	sadd.s32 s2, s4  }
.LBB2_22:
0x13f: {  	s2 =	sadd.s32 $0x1, s24  }
0x140: {  	s3 =	sshrl.u32 s2, $0x4  }
0x141: {  	s3 =	smulhi.u32 $0x24924925, s3  }
0x142: {  	v1 =	vld [tilespmem:s28+$0xFFFFFF80]  }
0x143: {  	s3 =	smul.u32 $0x70, s3;
	_ =	sdelay $0x1  }
0x144: {  	s24 =	ssub.s32 s2, s3  }
0x145: {  	s2 =	sshll.u32 s24, $0x8  }
0x146: {  	[tilespmem:s2+$0x208] =	vst v1  }
0x147: {  	v1 =	vld [tilespmem:s28+$0xFFFFFF90];
	_ =	sdelay $0x4  }
0x148: {  	[tilespmem:s2+$0x218] =	vst v1  }
0x149: {  	v1 =	vld [tilespmem:s28+$0xFFFFFFA0];
	_ =	sdelay $0x4  }
0x14a: {  	[tilespmem:s2+$0x228] =	vst v1  }
0x14b: {  	v1 =	vld [tilespmem:s28+$0xFFFFFFB0];
	_ =	sdelay $0x4  }
0x14c: {  	[tilespmem:s2+$0x238] =	vst v1  }
0x14d: {  	v1 =	vld [tilespmem:s28+$0xFFFFFFC0];
	_ =	sdelay $0x4  }
0x14e: {  	[tilespmem:s2+$0x248] =	vst v1  }
0x14f: {  	v1 =	vld [tilespmem:s28+$0xFFFFFFD0];
	_ =	sdelay $0x4  }
0x150: {  	[tilespmem:s2+$0x258] =	vst v1  }
0x151: {  	v1 =	vld [tilespmem:s28+$0xFFFFFFE0];
	_ =	sdelay $0x4  }
0x152: {  	[tilespmem:s2+$0x268] =	vst v1  }
0x153: {  	v1 =	vld [tilespmem:s28+$0xFFFFFFF0];
	_ =	sdelay $0x4  }
0x154: {  	[tilespmem:s2+$0x278] =	vst v1  }
0x155: {  	v1 =	vld [tilespmem:s28+$0x0];
	_ =	sdelay $0x4  }
0x156: {  	[tilespmem:s2+$0x288] =	vst v1  }
0x157: {  	v1 =	vld [tilespmem:s28+$0x10];
	_ =	sdelay $0x4  }
0x158: {  	[tilespmem:s2+$0x298] =	vst v1  }
0x159: {  	v1 =	vld [tilespmem:s28+$0x20];
	_ =	sdelay $0x4  }
0x15a: {  	[tilespmem:s2+$0x2A8] =	vst v1  }
0x15b: {  	v1 =	vld [tilespmem:s28+$0x30];
	_ =	sdelay $0x4  }
0x15c: {  	[tilespmem:s2+$0x2B8] =	vst v1  }
0x15d: {  	v1 =	vld [tilespmem:s28+$0x40];
	_ =	sdelay $0x4  }
0x15e: {  	[tilespmem:s2+$0x2C8] =	vst v1  }
0x15f: {  	v1 =	vld [tilespmem:s28+$0x50];
	_ =	sdelay $0x4  }
0x160: {  	[tilespmem:s2+$0x2D8] =	vst v1  }
0x161: {  	v1 =	vld [tilespmem:s28+$0x60];
	_ =	sdelay $0x4  }
0x162: {  	[tilespmem:s2+$0x2E8] =	vst v1  }
0x163: {  	v1 =	vld [tilespmem:s28+$0x70]  }
.Ltmp21:
0x164: {  	_ = 	snop;
	(pc) =	sbr.rel .LBB2_23-.Ltmp21, $2  }
0x165: {  	_ =	sdelay $0x2  }
0x166: {  	s30 =	sadd.s32 $0x1, s30;
	[tilespmem:s2+$0x2F8] =	vst v1  }
.LBB2_25:
.Ltmp22:
0x167: {  	(pc) =	sbr.rel .LBB2_26-.Ltmp22, $4  }
0x168: {  	_ = 	snop  }
0x169: {  	s0 =	simm.s32 $0x2  }
0x16a: {  	_ =	swait.ge [sflag:s0], $0x0  }
0x16b: {  	s2 =	simm.s32 $0x0;
	[sflag:s0] =	ssyncset.done $0x0;
	s0 =	smov.u32 s31  }
.LBB2_28:
0x16c: {  	_ =	sfence.sel $0x180000  }
0x16d: {  	s0 =	simm.s32 $0x9;
	[bflag:$0x0] =	sbarrier.arrive $0xFFFF  }
0x16e: {  	s24 =	simm.s32 $0xA;
	[sflag:s0] =	ssyncpa.u1 $0x1  }
0x16f: {  	s25 =	simm.s32 $0xB;
	[sflag:s24] =	ssyncpa.u1 $0x1  }
0x170: {  	s26 =	simm.s32 $0x2;
	[sflag:s25] =	ssyncpa.u1 $0x1  }
0x171: {  	[sflag:s26] =	ssyncpa.u1 $0x1  }
0x172: {  	v0 =	vld [tilespmem:$0xE408];
	_ =	sdelay $0x4  }
0x173: {  	(v2sf) =	vpush v0, $0x0  }
0x174: {  	(v2sf) =	vpush v0, $0x1;
	_ =	sdelay $0x1  }
0x175: {  	(v2sf) =	vpush v0, $0x2;
	_ =	sdelay $0xb  }
0x176: {  	s0 =	spop (v2sf)  }
0x177: {  	s2 =	spop (v2sf)  }
0x178: {  	s3 =	smov.u32 s0;
	p0 =	sne.s32 s0, s2  }
0x179: {  	s4 =	spop (v2sf);
	s3 =	simm.s32 @!p0 $0xFFFFFFFF  }
0x17a: {  	v2 =	vimm.s32 $0x1;
	v3 =	vlaneseq.u32;
	p0 =	seq.s32 s4, $0xFFFFFFFF;
	v1 =	vmov s3  }
0x17b: {  	s15 =	stileid.u32;
	v0 =	vperm.xlane v0, v2;
	p1 =	sne.s32 @!p0 s0, s2;
	v1 =	vperm.xlane v1, v3  }
0x17c: {  	vm0 =	vcmask $0x3F04;
	s6 =	simm.s32 $0xE408;
	s0 =	simm.s32 @!p0 $0x1;
	p1 =	por !p1, p0  }
0x17d: {  	s3 =	sshll.u32 s15, $0x1;
	s2 =	sshll.u32 @!p0 s4, $0xA;
	s0 =	simm.s32 @p1 $0x0;
	v0 =	vsel vm0, v1, v0  }
0x17e: {  	s5 =	sor.u32 $0x2000, s3;
	s2 =	sshra.s32 @!p0 s2, $0x2;
	s0 =	sor.u32 @!p0 s0, s3;
	[tilespmem:$0xE408] =	vst v0  }
0x17f: {  	[spmem:s5] =	stream.linear.scatter [tilespmem:s6], [sflag:$0x1], $0x2, $0x38;
	[tilespmem:$0x1E678] =	vst v63  }
0x180: {  	s2 =	sadd.s32 @!p0 $0x208, s2;
	s0 =	sshll.u32 @!p0 s0, $0x8  }
0x181: {  	[spmem:s0] =	stream.linear.scatter @!p0 [tilespmem:s2], [sflag:$0x1], $0x100, $0x38;
	[tilespmem:$0x1E678] =	vst v63  }
0x182: {  	s0 =	simm.s32 @!p0 $0x102  }
0x183: {  	s28 =	simm.s32 $0x1;
	s0 =	simm.s32 @p0 $0x2  }
0x184: {  	_ =	swait.ge [sflag:s28], s0  }
0x185: {  	s0 =	ssub.s32 $0x0, s0;
	[sflag:s28] =	ssyncset.done $0x0  }
0x186: {  	p0 =	sne.s32 s15, $0x0;
	[sflag:s28] =	ssyncadd.s32 s0  }
.Ltmp23:
0x187: {  	_ =	sfence.stream.spmem;
	(pc) =	sbr.rel @p0 .LBB2_45-.Ltmp23, $4  }
0x188: {  	s29 =	simm.s32 $0x3;
	[bflag:$0x0] =	sbarrier.arrive $0xFFFF  }
0x189: {  	s30 =	simm.s32 $0x4;
	[sflag:s29] =	ssyncpa.u1 $0x1  }
0x18a: {  	s31 =	simm.s32 $0x3C;
	[sflag:s30] =	ssyncpa.u1 $0x1  }
0x18b: {  	s14 =	rddreg [dreg:$0x6];
	[sflag:s31] =	ssyncpa.u1 $0x1  }
0x18c: {  	_ =	sfence.stream.spmem;
	s0 =	simm.s32 $0x5  }
0x18d: {  	s2 =	simm.s32 $0x2000;
	s3 =	simm.s32 $0xE418;
	[sflag:s0] =	ssyncpa.u1 $0x0  }
0x18e: {  	[tilespmem:s3], [sflag:$0x5] =	stream.linear.gather [spmem:s2], $0x20, $0x38;
	[tilespmem:$0x1E678] =	vst v63  }
0x18f: {  	s26 =	simm.s32 $0x0;
	s28 =	simm.s32 $0xE438  }
0x190: {  	[tilespmem:s28], [sflag:$0x5] =	stream.linear.gather [spmem:s26], $0x2000, $0x38;
	[tilespmem:$0x1E678] =	vst v63  }
0x191: {  	_ =	swait.ge [sflag:s0], $0x2020  }
0x192: {  	[sflag:s0] =	ssyncset.done $0x0  }
0x193: {  	s29 =	simm.s32 $0x0;
	[sflag:s0] =	ssyncadd.s32 $0xFFFFDFE0  }
0x194: {  	v0 =	vld.msk [tilespmem:s29+$0xE418], $0x1;
	_ =	sdelay $0x1  }
0x195: {  	s30 =	simm.s32 $0x1  }
0x196: {  	v1 =	vld.msk [tilespmem:s30+$0xE418], $0x1;
	_ =	sdelay $0x1  }
0x197: {  	(v2sf) =	vpush v0, $0x0;
	_ =	sdelay $0x2  }
0x198: {  	(v2sf) =	vpush v1, $0x0;
	_ =	sdelay $0x2  }
0x199: {  	s31 =	simm.s32 $0x2  }
0x19a: {  	v0 =	vld.msk [tilespmem:s31+$0xE418], $0x1;
	_ =	sdelay $0x2  }
0x19b: {  	s2 =	simm.s32 $0xFFFFFFFF;
	s3 =	simm.s32 $0xFFFFFFFF;
	s0 =	simm.s32 $0xC  }
.LBB2_30:
0x19c: {  	s4 =	smov.u32 s3;
	s5 =	smov.u32 s2  }
0x19d: {  	s2 =	sshra.s32 s0, $0x2;
	p1 =	sne.s32 s0, $0x7C;
	s0 =	sadd.s32 $0x4, s0;
	(v2sf) =	vpush v0, $0x0  }
0x19e: {  	v0 =	vld.msk [tilespmem:s2+$0xE418], $0x1  }
.Ltmp24:
0x19f: {  	(pc) =	sbr.rel @p1 .LBB2_30-.Ltmp24, $4  }
0x1a0: {  	s3 =	spop (v2sf)  }
0x1a1: {  	p2 =	sne.s32 s5, $0xFFFFFFFF;
	s2 =	smov.u32 s3  }
0x1a2: {  	p3 =	seq.s32 s3, $0xFFFFFFFF;
	s2 =	smov.u32 @p2 s5  }
0x1a3: {  	s3 =	smov.u32 @p3 s4;
	s2 =	smov.u32 @p3 s5  }
0x1a4: {  	(v2sf) =	vpush v0, $0x0;
	_ =	sdelay $0x8  }
0x1a5: {  	s0 =	spop (v2sf)  }
0x1a6: {  	p1 =	sne.s32 s2, $0xFFFFFFFF;
	s9 =	simm.s32 $0x6;
	s4 =	smov.u32 s0  }
0x1a7: {  	s6 =	simm.s32 $0x0;
	p2 =	seq.s32 s0, $0xFFFFFFFF;
	s4 =	smov.u32 @p1 s2  }
0x1a8: {  	s10 =	simm.s32 $0xE308;
	s4 =	smov.u32 @p2 s2;
	s2 =	spop (v2sf)  }
0x1a9: {  	s0 =	smov.u32 @p2 s3;
	p1 =	sne.s32 s4, $0xFFFFFFFF;
	s5 =	smov.u32 s2  }
.Ltmp25:
0x1aa: {  	p2 =	seq.s32 s2, $0xFFFFFFFF;
	s5 =	smov.u32 @p1 s4;
	(pc) =	sbr.rel .LBB2_32-.Ltmp25, $4  }
0x1ab: {  	s11 =	simm.s32 $0xE388;
	s5 =	smov.u32 @p2 s4;
	s7 =	spop (v2sf)  }
0x1ac: {  	s12 =	simm.s32 $0x0;
	p1 =	sne.s32 s5, $0xFFFFFFFF;
	s8 =	smov.u32 s7  }
0x1ad: {  	s2 =	smov.u32 @p2 s0;
	p2 =	seq.s32 s7, $0xFFFFFFFF;
	s8 =	smov.u32 @p1 s5  }
0x1ae: {  	[sflag:s9] =	ssyncpa.u1 $0x0;
	s7 =	smov.u32 @p2 s2;
	s8 =	smov.u32 @p2 s5  }
.LBB2_38:
0x1af: {  	p1 =	sgt.u32 s0, $0x4E170  }
0x1b0: {  	p2 =	seq.s32 @!p1 s0, s8  }
0x1b1: {  	p1 =	por p1, p2  }
0x1b2: {  	p2 =	sne.s32 @!p1 s0, s7  }
0x1b3: {  	p1 =	por p1, !p2  }
0x1b4: {  	s0 =	sshll.u32 @p1 s12, $0xA  }
0x1b5: {  	s2 =	sand.u32 @!p1 $0x7FFF8, s0;
	s3 =	sand.u32 @!p1 $0x7, s0;
	s0 =	sadd.s32 @!p1 $0x80, s0  }
0x1b6: {  	s2 =	sadd.s32 @!p1 s1, s2;
	s0 =	sand.u32 @!p1 $0xFFFF8, s0  }
0x1b7: {  	[tilespmem:s10], [sflag:$0x6] =	stream.linear.gather @!p1 [hbm4b:s2+s3], $0x80, $0x38;
	[tilespmem:$0x1E678] =	vst v63  }
0x1b8: {  	s0 =	sadd.s32 @!p1 s1, s0  }
0x1b9: {  	[tilespmem:s11], [sflag:$0x6] =	stream.linear.gather @!p1 [hbm4b:s0+s3], $0x80, $0x38;
	[tilespmem:$0x1E678] =	vst v63  }
0x1ba: {  	_ =	swait.ge @!p1 [sflag:s9], $0x100  }
0x1bb: {  	[sflag:s9] =	ssyncset.done @!p1 $0x0  }
0x1bc: {  	[sflag:s9] =	ssyncadd.s32 @!p1 $0xFFFFFF00  }
0x1bd: {  	v1 =	vld @!p1 [tilespmem:$0xE308];
	_ =	sdelay $0x2  }
0x1be: {  	s0 =	sshll.u32 @!p1 s12, $0xA  }
0x1bf: {  	s2 =	sshrl.u32 @!p1 s0, $0x2  }
0x1c0: {  	[tilespmem:s2+$0xE438] =	vst.add.f32.msk @!p1 $0xffff, v1  }
0x1c1: {  	v1 =	vld @!p1 [tilespmem:$0xE318];
	_ =	sdelay $0x4  }
0x1c2: {  	[tilespmem:s2+$0xE448] =	vst.add.f32.msk @!p1 $0xffff, v1  }
0x1c3: {  	v1 =	vld @!p1 [tilespmem:$0xE328];
	_ =	sdelay $0x4  }
0x1c4: {  	[tilespmem:s2+$0xE458] =	vst.add.f32.msk @!p1 $0xffff, v1  }
0x1c5: {  	v1 =	vld @!p1 [tilespmem:$0xE338];
	_ =	sdelay $0x4  }
0x1c6: {  	[tilespmem:s2+$0xE468] =	vst.add.f32.msk @!p1 $0xffff, v1  }
0x1c7: {  	v1 =	vld @!p1 [tilespmem:$0xE348];
	_ =	sdelay $0x4  }
0x1c8: {  	[tilespmem:s2+$0xE478] =	vst.add.f32.msk @!p1 $0xffff, v1  }
0x1c9: {  	v1 =	vld @!p1 [tilespmem:$0xE358];
	_ =	sdelay $0x4  }
0x1ca: {  	[tilespmem:s2+$0xE488] =	vst.add.f32.msk @!p1 $0xffff, v1  }
0x1cb: {  	v1 =	vld @!p1 [tilespmem:$0xE368];
	_ =	sdelay $0x4  }
0x1cc: {  	[tilespmem:s2+$0xE498] =	vst.add.f32.msk @!p1 $0xffff, v1  }
0x1cd: {  	v1 =	vld @!p1 [tilespmem:$0xE378];
	_ =	sdelay $0x4  }
0x1ce: {  	[tilespmem:s2+$0xE4A8] =	vst.add.f32.msk @!p1 $0xffff, v1  }
0x1cf: {  	v1 =	vld @!p1 [tilespmem:$0xE388];
	_ =	sdelay $0x4  }
0x1d0: {  	[tilespmem:s2+$0xE4B8] =	vst.add.f32.msk @!p1 $0xffff, v1  }
0x1d1: {  	v1 =	vld @!p1 [tilespmem:$0xE398];
	_ =	sdelay $0x4  }
0x1d2: {  	[tilespmem:s2+$0xE4C8] =	vst.add.f32.msk @!p1 $0xffff, v1  }
0x1d3: {  	v1 =	vld @!p1 [tilespmem:$0xE3A8];
	_ =	sdelay $0x4  }
0x1d4: {  	[tilespmem:s2+$0xE4D8] =	vst.add.f32.msk @!p1 $0xffff, v1  }
0x1d5: {  	v1 =	vld @!p1 [tilespmem:$0xE3B8];
	_ =	sdelay $0x4  }
0x1d6: {  	[tilespmem:s2+$0xE4E8] =	vst.add.f32.msk @!p1 $0xffff, v1  }
0x1d7: {  	v1 =	vld @!p1 [tilespmem:$0xE3C8];
	_ =	sdelay $0x4  }
0x1d8: {  	[tilespmem:s2+$0xE4F8] =	vst.add.f32.msk @!p1 $0xffff, v1  }
0x1d9: {  	v1 =	vld @!p1 [tilespmem:$0xE3D8];
	_ =	sdelay $0x4  }
0x1da: {  	[tilespmem:s2+$0xE508] =	vst.add.f32.msk @!p1 $0xffff, v1  }
0x1db: {  	v1 =	vld @!p1 [tilespmem:$0xE3E8];
	_ =	sdelay $0x4  }
0x1dc: {  	[tilespmem:s2+$0xE518] =	vst.add.f32.msk @!p1 $0xffff, v1  }
0x1dd: {  	v1 =	vld @!p1 [tilespmem:$0xE3F8];
	_ =	sdelay $0x4  }
0x1de: {  	[tilespmem:s2+$0xE528] =	vst.add.f32.msk @!p1 $0xffff, v1  }
0x1df: {  	s0 =	sshrl.u32 s0, $0x2;
	[tilespmem:s6+$0xE418] =	vst.msk $0x1, v0  }
0x1e0: {  	v0 =	vld [tilespmem:s0+$0xE438];
	_ =	sdelay $0x2  }
0x1e1: {  	s31 =	sshll.u32 s6, $0xA  }
0x1e2: {  	s2 =	sshra.s32 s31, $0x2  }
0x1e3: {  	[tilespmem:s2+$0xE438] =	vst v0  }
0x1e4: {  	v0 =	vld [tilespmem:s0+$0xE448];
	_ =	sdelay $0x4  }
0x1e5: {  	[tilespmem:s2+$0xE448] =	vst v0  }
0x1e6: {  	v0 =	vld [tilespmem:s0+$0xE458];
	_ =	sdelay $0x4  }
0x1e7: {  	[tilespmem:s2+$0xE458] =	vst v0  }
0x1e8: {  	v0 =	vld [tilespmem:s0+$0xE468];
	_ =	sdelay $0x4  }
0x1e9: {  	[tilespmem:s2+$0xE468] =	vst v0  }
0x1ea: {  	v0 =	vld [tilespmem:s0+$0xE478];
	_ =	sdelay $0x4  }
0x1eb: {  	[tilespmem:s2+$0xE478] =	vst v0  }
0x1ec: {  	v0 =	vld [tilespmem:s0+$0xE488];
	_ =	sdelay $0x4  }
0x1ed: {  	[tilespmem:s2+$0xE488] =	vst v0  }
0x1ee: {  	v0 =	vld [tilespmem:s0+$0xE498];
	_ =	sdelay $0x4  }
0x1ef: {  	[tilespmem:s2+$0xE498] =	vst v0  }
0x1f0: {  	v0 =	vld [tilespmem:s0+$0xE4A8];
	_ =	sdelay $0x4  }
0x1f1: {  	[tilespmem:s2+$0xE4A8] =	vst v0  }
0x1f2: {  	v0 =	vld [tilespmem:s0+$0xE4B8];
	_ =	sdelay $0x4  }
0x1f3: {  	[tilespmem:s2+$0xE4B8] =	vst v0  }
0x1f4: {  	v0 =	vld [tilespmem:s0+$0xE4C8];
	_ =	sdelay $0x4  }
0x1f5: {  	[tilespmem:s2+$0xE4C8] =	vst v0  }
0x1f6: {  	v0 =	vld [tilespmem:s0+$0xE4D8];
	_ =	sdelay $0x4  }
0x1f7: {  	[tilespmem:s2+$0xE4D8] =	vst v0  }
0x1f8: {  	v0 =	vld [tilespmem:s0+$0xE4E8];
	_ =	sdelay $0x4  }
0x1f9: {  	[tilespmem:s2+$0xE4E8] =	vst v0  }
0x1fa: {  	v0 =	vld [tilespmem:s0+$0xE4F8];
	_ =	sdelay $0x4  }
0x1fb: {  	[tilespmem:s2+$0xE4F8] =	vst v0  }
0x1fc: {  	v0 =	vld [tilespmem:s0+$0xE508];
	_ =	sdelay $0x4  }
0x1fd: {  	[tilespmem:s2+$0xE508] =	vst v0  }
0x1fe: {  	v0 =	vld [tilespmem:s0+$0xE518];
	_ =	sdelay $0x4  }
0x1ff: {  	[tilespmem:s2+$0xE518] =	vst v0  }
0x200: {  	v0 =	vld [tilespmem:s0+$0xE528];
	_ =	sdelay $0x4  }
0x201: {  	s6 =	sadd.s32 $0x1, s6;
	[tilespmem:s2+$0xE528] =	vst v0  }
.LBB2_39:
0x202: {  	s12 =	sadd.s32 $0x1, s12  }
0x203: {  	p1 =	sne.s32 s12, $0x20  }
.Ltmp26:
0x204: {  	_ = 	snop;
	(pc) =	sbr.rel @!p1 .LBB2_40-.Ltmp26, $1  }
0x205: {  	_ =	sdelay $0x3  }
.LBB2_32:
0x206: {  	v0 =	vld.msk [tilespmem:s12+$0xE418], $0x1;
	_ =	sdelay $0x4  }
0x207: {  	(v2sf) =	vpush v0, $0x0;
	_ =	sdelay $0xe  }
0x208: {  	s0 =	spop (v2sf)  }
0x209: {  	p1 =	seq.s32 s0, $0xFFFFFFFF  }
.Ltmp27:
0x20a: {  	_ = 	snop;
	(pc) =	sbr.rel @p1 .LBB2_39-.Ltmp27, $1  }
0x20b: {  	_ =	sdelay $0x3  }
0x20c: {  	p1 =	slt.s32 s6, $0x1  }
.Ltmp28:
0x20d: {  	_ = 	snop;
	(pc) =	sbr.rel @p1 .LBB2_38-.Ltmp28, $1  }
0x20e: {  	_ =	sdelay $0x3  }
0x20f: {  	s4 =	simm.s32 $0xE418;
	p1 =	por $0x0, $0x0  }
0x210: {  	v1 =	vld.msk @!p1 [tilespmem:s4+$0x0], $0x1;
	_ =	sdelay $0x4  }
0x211: {  	(v2sf) =	vpush @!p1 v1, $0x0;
	_ =	sdelay $0xd  }
0x212: {  	p3 =	sne.s32 s6, $0x1  }
.Ltmp29:
0x213: {  	s2 =	spop @!p1 (v2sf);
	(pc) =	sbr.rel @!p3 .LBB2_36-.Ltmp29, $4  }
0x214: {  	p2 =	seq.s32 @!p1 s0, s2  }
0x215: {  	s5 =	simm.s32 $0x0;
	p2 =	por !p2, p1  }
0x216: {  	s2 =	simm.s32 $0xFFFFFFFF;
	s5 =	simm.s32 @p2 $0xFFFFFFFF  }
0x217: {  	s13 =	simm.s32 $0x1;
	s5 =	smov.u32 @p1 s2  }
.LBB2_35:
0x218: {  	s2 =	smov.u32 s5;
	p1 =	sne.s32 s5, $0xFFFFFFFF  }
0x219: {  	s4 =	sadd.s32 $0x1, s4;
	s5 =	smov.u32 s13;
	s13 =	sadd.s32 $0x1, s13  }
0x21a: {  	p2 =	sne.s32 s6, s13;
	v1 =	vld.msk @!p1 [tilespmem:s4+$0x0], $0x1;
	_ =	sdelay $0x4  }
0x21b: {  	(v2sf) =	vpush @!p1 v1, $0x0;
	_ =	sdelay $0xe  }
.Ltmp30:
0x21c: {  	s3 =	spop @!p1 (v2sf);
	(pc) =	sbr.rel @p2 .LBB2_35-.Ltmp30, $4  }
0x21d: {  	p3 =	seq.s32 @!p1 s0, s3  }
0x21e: {  	p3 =	por !p3, p1  }
0x21f: {  	s5 =	simm.s32 @p3 $0xFFFFFFFF  }
0x220: {  	s5 =	smov.u32 @p1 s2  }
.LBB2_36:
0x221: {  	p1 =	seq.s32 s5, $0xFFFFFFFF  }
.Ltmp31:
0x222: {  	_ = 	snop;
	(pc) =	sbr.rel @p1 .LBB2_38-.Ltmp31, $1  }
0x223: {  	_ =	sdelay $0x3  }
0x224: {  	s0 =	sshll.u32 s12, $0x8  }
0x225: {  	s0 =	sand.u32 $0x3FFFFF00, s0  }
0x226: {  	v0 =	vld [tilespmem:s0+$0xE438];
	_ =	sdelay $0x2  }
0x227: {  	s2 =	sshll.u32 s5, $0xA  }
0x228: {  	s2 =	sshra.s32 s2, $0x2  }
0x229: {  	[tilespmem:s2+$0xE438] =	vst.add.f32.msk $0xffff, v0  }
0x22a: {  	v0 =	vld [tilespmem:s0+$0xE448];
	_ =	sdelay $0x4  }
0x22b: {  	[tilespmem:s2+$0xE448] =	vst.add.f32.msk $0xffff, v0  }
0x22c: {  	v0 =	vld [tilespmem:s0+$0xE458];
	_ =	sdelay $0x4  }
0x22d: {  	[tilespmem:s2+$0xE458] =	vst.add.f32.msk $0xffff, v0  }
0x22e: {  	v0 =	vld [tilespmem:s0+$0xE468];
	_ =	sdelay $0x4  }
0x22f: {  	[tilespmem:s2+$0xE468] =	vst.add.f32.msk $0xffff, v0  }
0x230: {  	v0 =	vld [tilespmem:s0+$0xE478];
	_ =	sdelay $0x4  }
0x231: {  	[tilespmem:s2+$0xE478] =	vst.add.f32.msk $0xffff, v0  }
0x232: {  	v0 =	vld [tilespmem:s0+$0xE488];
	_ =	sdelay $0x4  }
0x233: {  	[tilespmem:s2+$0xE488] =	vst.add.f32.msk $0xffff, v0  }
0x234: {  	v0 =	vld [tilespmem:s0+$0xE498];
	_ =	sdelay $0x4  }
0x235: {  	[tilespmem:s2+$0xE498] =	vst.add.f32.msk $0xffff, v0  }
0x236: {  	v0 =	vld [tilespmem:s0+$0xE4A8];
	_ =	sdelay $0x4  }
0x237: {  	[tilespmem:s2+$0xE4A8] =	vst.add.f32.msk $0xffff, v0  }
0x238: {  	v0 =	vld [tilespmem:s0+$0xE4B8];
	_ =	sdelay $0x4  }
0x239: {  	[tilespmem:s2+$0xE4B8] =	vst.add.f32.msk $0xffff, v0  }
0x23a: {  	v0 =	vld [tilespmem:s0+$0xE4C8];
	_ =	sdelay $0x4  }
0x23b: {  	[tilespmem:s2+$0xE4C8] =	vst.add.f32.msk $0xffff, v0  }
0x23c: {  	v0 =	vld [tilespmem:s0+$0xE4D8];
	_ =	sdelay $0x4  }
0x23d: {  	[tilespmem:s2+$0xE4D8] =	vst.add.f32.msk $0xffff, v0  }
0x23e: {  	v0 =	vld [tilespmem:s0+$0xE4E8];
	_ =	sdelay $0x4  }
0x23f: {  	[tilespmem:s2+$0xE4E8] =	vst.add.f32.msk $0xffff, v0  }
0x240: {  	v0 =	vld [tilespmem:s0+$0xE4F8];
	_ =	sdelay $0x4  }
0x241: {  	[tilespmem:s2+$0xE4F8] =	vst.add.f32.msk $0xffff, v0  }
0x242: {  	v0 =	vld [tilespmem:s0+$0xE508];
	_ =	sdelay $0x4  }
0x243: {  	[tilespmem:s2+$0xE508] =	vst.add.f32.msk $0xffff, v0  }
0x244: {  	v0 =	vld [tilespmem:s0+$0xE518];
	_ =	sdelay $0x4  }
0x245: {  	[tilespmem:s2+$0xE518] =	vst.add.f32.msk $0xffff, v0  }
0x246: {  	v0 =	vld [tilespmem:s0+$0xE528]  }
.Ltmp32:
0x247: {  	_ = 	snop;
	(pc) =	sbr.rel .LBB2_39-.Ltmp32, $2  }
0x248: {  	_ =	sdelay $0x2  }
0x249: {  	[tilespmem:s2+$0xE528] =	vst.add.f32.msk $0xffff, v0  }
.LBB2_40:
0x24a: {  	s0 =	simm.s32 $0x6;
	p1 =	seq.s32 s6, $0x0  }
0x24b: {  	[sflag:s0] =	ssyncpa.u1 $0x1;
	v0 =	vimm.s32 @p1 $0xFFFFFFFF  }
0x24c: {  	s0 =	sadd.s32 $0xFFFFFFFF, s6;
	[tilespmem:$0x10438] =	vst @p1 v0  }
0x24d: {  	v0 =	vld.msk @!p1 [tilespmem:s0+$0xE418], $0x1;
	_ =	sdelay $0x1  }
0x24e: {  	v1 =	vld.msk @!p1 [tilespmem:$0xE418], $0x1;
	_ =	sdelay $0x2  }
0x24f: {  	p2 =	seq.s32 @!p1 s0, $0x0;
	v0 =	vbroadcast @!p1 v0, $0x0  }
0x250: {  	vm0 =	vmmov @!p1 $0x1;
	p2 =	por !p2, p1  }
0x251: {  	v1 =	vnsel @!p1 vm0, $0xFFFFFFFF, v1;
	vm0 =	vcmask @!p1 $0x308;
	v0 =	vpsel !p2, $0xFFFFFFFF, v0  }
0x252: {  	p2 =	sne.s32 @!p1 s8, s7;
	v0 =	vsel @!p1 vm0, v1, v0  }
0x253: {  	s2 =	simm.s32 @!p1 $0xE438;
	s3 =	simm.s32 @!p1 $0x0;
	p3 =	por !p2, p1;
	[tilespmem:$0x10438] =	vst @!p1 v0  }
0x254: {  	[spmem:s3] =	stream.linear.scatter @!p1 [tilespmem:s2], [sflag:$0x1], $0x100, $0x38;
	[tilespmem:$0x1E678] =	vst v63  }
0x255: {  	s2 =	sshll.u32 @!p3 s0, $0xA  }
0x256: {  	s2 =	sshra.s32 @!p3 s2, $0x2  }
0x257: {  	s3 =	simm.s32 @!p3 $0x100;
	s2 =	sadd.s32 @!p3 $0xE438, s2  }
0x258: {  	[spmem:s3] =	stream.linear.scatter @!p3 [tilespmem:s2], [sflag:$0x1], $0x100, $0x38;
	[tilespmem:$0x1E678] =	vst v63  }
0x259: {  	s2 =	simm.s32 @!p3 $0x1  }
0x25a: {  	_ =	swait.ge @!p3 [sflag:s2], $0x200  }
0x25b: {  	p1 =	por p2, p1;
	[sflag:s2] =	ssyncset.done @!p3 $0x0  }
0x25c: {  	[sflag:s2] =	ssyncadd.s32 @!p3 $0xFFFFFE00;
	s2 =	simm.s32 @!p1 $0x1  }
0x25d: {  	_ =	swait.ge @!p1 [sflag:s2], $0x100  }
0x25e: {  	s29 =	simm.s32 $0x10438;
	[sflag:s2] =	ssyncset.done @!p1 $0x0  }
0x25f: {  	s30 =	simm.s32 $0x2000;
	s31 =	simm.s32 $0x1;
	[sflag:s2] =	ssyncadd.s32 @!p1 $0xFFFFFF00  }
0x260: {  	[spmem:s30] =	stream.linear.scatter [tilespmem:s29], [sflag:$0x1], $0x10, $0x38;
	[tilespmem:$0x1E678] =	vst v63  }
0x261: {  	_ =	swait.ge [sflag:s31], $0x10  }
0x262: {  	[sflag:s31] =	ssyncset.done $0x0  }
0x263: {  	p1 =	seq.s32 s14, $0x0;
	s9 =	rddreg [dreg:$0x3];
	[sflag:s31] =	ssyncadd.s32 $0xFFFFFFF0  }
0x264: {  	s3 =	sshll.u32 @p1 s9, $0xE;
	s8 =	rddreg [dreg:$0x4]  }
0x265: {  	s2 =	sadd.s32 @p1 $0x15C3C, s3;
	s3 =	sshll.u32 @p1 s8, $0x11  }
0x266: {  	_ =	sfence.stream.spmem;
	s2 =	sor.u32 @p1 s3, s2  }
0x267: {  	[sflag:s2] =	ssyncadd.remote.s32 @p1 $0x1;
	s2 =	simm.s32 @p1 $0x4  }
0x268: {  	s4 =	simm.s32 @!p1 $0x3C;
	s3 =	sand.u32 $0xFFFFFFFE, s9;
	_ =	swait.ge @p1 [sflag:s2], $0x42  }
0x269: {  	s5 =	simm.s32 @!p1 $0x0;
	s3 =	sadd.s32 @!p1 $0x4, s3;
	[sflag:s2] =	ssyncset.done @p1 $0x0  }
0x26a: {  	s7 =	simm.s32 @!p1 $0x200;
	[sflag:s2] =	ssyncadd.s32 @p1 $0xFFFFFFBE;
	s2 =	sshll.u32 @!p1 s3, $0x1A  }
0x26b: {  	s3 =	sshll.u32 @!p1 s3, $0xD;
	s2 =	sor.u32 @!p1 s2, s8;
	_ =	swait.eq @!p1 [sflag:s4], $0x1  }
0x26c: {  	s3 =	sor.u32 @!p1 $0x1C04, s3;
	s4 =	simm.s32 @!p1 $0x1C03;
	s2 =	sor.u32 @!p1 $0x80004000, s2  }
0x26d: {  	[spmem:s7], [sflag:s3] =	dma.general @!p1 [spmem:s5], [sflag:s4], length:$0x40, [dreg:$0x0], stride_count:$0x0, ici_dest:s2, dma_misc:DstOpCode:WRITE  }
0x26e: {  	p2 =	slt.s32 s0, $0x2;
	s5 =	simm.s32 @!p1 $0x400;
	s7 =	simm.s32 @!p1 $0x402  }
0x26f: {  	[spmem:s7], [sflag:s3] =	dma.general @!p1 [spmem:s5], [sflag:s4], length:$0x2, [dreg:$0x0], stride_count:$0x0, ici_dest:s2, dma_misc:DstOpCode:WRITE  }
.Ltmp33:
0x270: {  	s2 =	simm.s32 @!p1 $0x3;
	(pc) =	sbr.rel @p2 .LBB2_44-.Ltmp33, $4  }
0x271: {  	s3 =	sshll.u32 @!p1 s9, $0xE;
	_ =	swait.ge @!p1 [sflag:s2], $0x42  }
0x272: {  	s4 =	sshll.u32 @!p1 s8, $0x11;
	s3 =	sadd.s32 @!p1 $0x11C3C, s3;
	[sflag:s2] =	ssyncset.done @!p1 $0x0  }
0x273: {  	[sflag:s2] =	ssyncadd.s32 @!p1 $0xFFFFFFBE;
	s2 =	sor.u32 @!p1 s4, s3  }
0x274: {  	s0 =	simm.s32 $0x0;
	[sflag:s2] =	ssyncadd.remote.s32 @!p1 $0xFFFFFFFF  }
0x275: {  	s0 =	simm.s32 $0xE419  }
0x276: {  	v0 =	vld.msk [tilespmem:s0+$0x0], $0x1;
	_ =	sdelay $0x4  }
0x277: {  	(v2sf) =	vpush v0, $0x0;
	_ =	sdelay $0xd  }
0x278: {  	s31 =	sadd.s32 $0xFFFFFFFE, s6  }
0x279: {  	s6 =	simm.s32 $0x0;
	s0 =	sadd.s32 $0xFFFFFFFF, s31;
	s2 =	spop (v2sf)  }
0x27a: {  	s3 =	simm.s32 $0xE538;
	p1 =	sne.s32 s0, $0x0;
	p2 =	sgt.u32 s2, $0x4E170  }
.Ltmp34:
0x27b: {  	s4 =	simm.s32 $0xE638;
	s5 =	sand.u32 @!p2 $0x7FFF8, s2;
	(pc) =	sbr.rel @!p1 .LBB2_43-.Ltmp34, $4  }
0x27c: {  	s7 =	sadd.s32 @!p2 $0x80, s2;
	s2 =	sand.u32 @!p2 $0x7, s2;
	s6 =	simm.s32 @!p2 $0x400  }
0x27d: {  	s5 =	sadd.s32 @!p2 s1, s5;
	s7 =	sand.u32 @!p2 $0xFFFF8, s7;
	s6 =	sadd.s32 $0x0, s6  }
0x27e: {  	[hbm4b:s5+s2] =	stream.linear.scatter @!p2 [tilespmem:s3], [sflag:$0x5], $0x80, $0x38;
	[tilespmem:$0x1E678] =	vst v63  }
0x27f: {  	s5 =	simm.s32 $0xE41A;
	s3 =	simm.s32 @!p2 $0xE5B8;
	s7 =	sadd.s32 @!p2 s1, s7  }
.LBB2_42:
0x280: {  	[hbm4b:s7+s2] =	stream.linear.scatter @!p2 [tilespmem:s3], [sflag:$0x5], $0x80, $0x38;
	[tilespmem:$0x1E678] =	vst v63  }
0x281: {  	s0 =	sadd.s32 $0xFFFFFFFF, s0;
	s3 =	smov.u32 s4;
	v0 =	vld.msk [tilespmem:s5+$0x0], $0x1  }
0x282: {  	p1 =	sne.s32 s0, $0x0;
	_ =	sdelay $0x3  }
0x283: {  	(v2sf) =	vpush v0, $0x0;
	_ =	sdelay $0xe  }
0x284: {  	s4 =	sadd.s32 $0x100, s4;
	s8 =	simm.s32 $0x0;
	s2 =	spop (v2sf)  }
.Ltmp35:
0x285: {  	s5 =	sadd.s32 $0x1, s5;
	p2 =	sgt.u32 s2, $0x4E170;
	(pc) =	sbr.rel @p1 .LBB2_42-.Ltmp35, $4  }
0x286: {  	s8 =	simm.s32 @!p2 $0x400;
	s7 =	sand.u32 @!p2 $0x7FFF8, s2;
	s9 =	sadd.s32 @!p2 $0x80, s2  }
0x287: {  	s2 =	sand.u32 @!p2 $0x7, s2;
	s7 =	sadd.s32 @!p2 s1, s7;
	s9 =	sand.u32 @!p2 $0xFFFF8, s9  }
0x288: {  	[hbm4b:s7+s2] =	stream.linear.scatter @!p2 [tilespmem:s3], [sflag:$0x5], $0x80, $0x38;
	[tilespmem:$0x1E678] =	vst v63  }
0x289: {  	s6 =	sadd.s32 s6, s8;
	s3 =	sadd.s32 @!p2 $0x80, s3;
	s7 =	sadd.s32 @!p2 s1, s9  }
.LBB2_43:
0x28a: {  	[hbm4b:s7+s2] =	stream.linear.scatter @!p2 [tilespmem:s3], [sflag:$0x5], $0x80, $0x38;
	[tilespmem:$0x1E678] =	vst v63  }
0x28b: {  	s0 =	sshrl.u32 s6, $0x2  }
.LBB2_44:
0x28c: {  	s2 =	simm.s32 $0x5  }
0x28d: {  	_ =	swait.ge [sflag:s2], s0  }
0x28e: {  	s31 =	ssub.s32 $0x0, s0;
	[sflag:s2] =	ssyncset.done $0x0  }
0x28f: {  	[sflag:s2] =	ssyncadd.s32 s31  }
0x290: {  	[sflag:s2] =	ssyncpa.u1 $0x1  }
.LBB2_45:
0x291: {  	s0 =	sor.u32 s14, s15  }
0x292: {  	p1 =	sne.s32 s0, $0x0  }
.Ltmp36:
0x293: {  	_ = 	snop;
	(pc) =	sbr.rel @p1 .LBB2_60-.Ltmp36, $3  }
0x294: {  	_ =	sdelay $0x1  }
0x295: {  	[bflag:$0x0] =	sbarrier.arrive $0xFFFF  }
0x296: {  	_ =	sfence  }
0x297: {  	s0 =	simm.s32 $0x7  }
0x298: {  	s2 =	simm.s32 $0x2000;
	s3 =	simm.s32 $0xE418;
	[sflag:s0] =	ssyncpa.u1 $0x0  }
0x299: {  	[tilespmem:s3], [sflag:$0x7] =	stream.linear.gather [spmem:s2], $0x20, $0x38;
	[tilespmem:$0x1E678] =	vst v63  }
0x29a: {  	s30 =	simm.s32 $0xE438;
	s2 =	simm.s32 $0x0  }
0x29b: {  	[tilespmem:s30], [sflag:$0x7] =	stream.linear.gather [spmem:s2], $0x2000, $0x38;
	[tilespmem:$0x1E678] =	vst v63  }
.Ltmp37:
0x29c: {  	_ = 	snop;
	(pc) =	sbr.rel .LBB2_47-.Ltmp37, $4  }
0x29d: {  	_ =	swait.ge [sflag:s0], $0x2020  }
0x29e: {  	[sflag:s0] =	ssyncset.done $0x0  }
0x29f: {  	s31 =	simm.s32 $0x8;
	[sflag:s0] =	ssyncadd.s32 $0xFFFFDFE0  }
0x2a0: {  	s3 =	simm.s32 $0x0;
	[sflag:s31] =	ssyncpa.u1 $0x0  }
.LBB2_53:
0x2a1: {  	p1 =	slt.u32 s0, $0x4E171  }
0x2a2: {  	s4 =	sand.u32 @p1 $0x7FFF8, s0;
	s5 =	sand.u32 @p1 $0x7, s0;
	s0 =	sadd.s32 @p1 $0x80, s0  }
0x2a3: {  	s6 =	simm.s32 @p1 $0xE308;
	s4 =	sadd.s32 @p1 s1, s4;
	s0 =	sand.u32 @p1 $0xFFFF8, s0  }
0x2a4: {  	[tilespmem:s6], [sflag:$0x8] =	stream.linear.gather @p1 [hbm4b:s4+s5], $0x80, $0x38;
	[tilespmem:$0x1E678] =	vst v63  }
0x2a5: {  	s0 =	sadd.s32 @p1 s1, s0;
	s4 =	simm.s32 @p1 $0xE388  }
0x2a6: {  	[tilespmem:s4], [sflag:$0x8] =	stream.linear.gather @p1 [hbm4b:s0+s5], $0x80, $0x38;
	[tilespmem:$0x1E678] =	vst v63  }
0x2a7: {  	s0 =	simm.s32 @p1 $0x8  }
0x2a8: {  	_ =	swait.ge @p1 [sflag:s0], $0x100  }
0x2a9: {  	[sflag:s0] =	ssyncset.done @p1 $0x0  }
0x2aa: {  	[sflag:s0] =	ssyncadd.s32 @p1 $0xFFFFFF00  }
0x2ab: {  	v1 =	vld @p1 [tilespmem:$0xE308];
	_ =	sdelay $0x2  }
0x2ac: {  	s0 =	sshll.u32 @p1 s3, $0xA  }
0x2ad: {  	s4 =	sshrl.u32 @p1 s0, $0x2  }
0x2ae: {  	[tilespmem:s4+$0xE438] =	vst.add.f32.msk @p1 $0xffff, v1  }
0x2af: {  	v1 =	vld @p1 [tilespmem:$0xE318];
	_ =	sdelay $0x4  }
0x2b0: {  	[tilespmem:s4+$0xE448] =	vst.add.f32.msk @p1 $0xffff, v1  }
0x2b1: {  	v1 =	vld @p1 [tilespmem:$0xE328];
	_ =	sdelay $0x4  }
0x2b2: {  	[tilespmem:s4+$0xE458] =	vst.add.f32.msk @p1 $0xffff, v1  }
0x2b3: {  	v1 =	vld @p1 [tilespmem:$0xE338];
	_ =	sdelay $0x4  }
0x2b4: {  	[tilespmem:s4+$0xE468] =	vst.add.f32.msk @p1 $0xffff, v1  }
0x2b5: {  	v1 =	vld @p1 [tilespmem:$0xE348];
	_ =	sdelay $0x4  }
0x2b6: {  	[tilespmem:s4+$0xE478] =	vst.add.f32.msk @p1 $0xffff, v1  }
0x2b7: {  	v1 =	vld @p1 [tilespmem:$0xE358];
	_ =	sdelay $0x4  }
0x2b8: {  	[tilespmem:s4+$0xE488] =	vst.add.f32.msk @p1 $0xffff, v1  }
0x2b9: {  	v1 =	vld @p1 [tilespmem:$0xE368];
	_ =	sdelay $0x4  }
0x2ba: {  	[tilespmem:s4+$0xE498] =	vst.add.f32.msk @p1 $0xffff, v1  }
0x2bb: {  	v1 =	vld @p1 [tilespmem:$0xE378];
	_ =	sdelay $0x4  }
0x2bc: {  	[tilespmem:s4+$0xE4A8] =	vst.add.f32.msk @p1 $0xffff, v1  }
0x2bd: {  	v1 =	vld @p1 [tilespmem:$0xE388];
	_ =	sdelay $0x4  }
0x2be: {  	[tilespmem:s4+$0xE4B8] =	vst.add.f32.msk @p1 $0xffff, v1  }
0x2bf: {  	v1 =	vld @p1 [tilespmem:$0xE398];
	_ =	sdelay $0x4  }
0x2c0: {  	[tilespmem:s4+$0xE4C8] =	vst.add.f32.msk @p1 $0xffff, v1  }
0x2c1: {  	v1 =	vld @p1 [tilespmem:$0xE3A8];
	_ =	sdelay $0x4  }
0x2c2: {  	[tilespmem:s4+$0xE4D8] =	vst.add.f32.msk @p1 $0xffff, v1  }
0x2c3: {  	v1 =	vld @p1 [tilespmem:$0xE3B8];
	_ =	sdelay $0x4  }
0x2c4: {  	[tilespmem:s4+$0xE4E8] =	vst.add.f32.msk @p1 $0xffff, v1  }
0x2c5: {  	v1 =	vld @p1 [tilespmem:$0xE3C8];
	_ =	sdelay $0x4  }
0x2c6: {  	[tilespmem:s4+$0xE4F8] =	vst.add.f32.msk @p1 $0xffff, v1  }
0x2c7: {  	v1 =	vld @p1 [tilespmem:$0xE3D8];
	_ =	sdelay $0x4  }
0x2c8: {  	[tilespmem:s4+$0xE508] =	vst.add.f32.msk @p1 $0xffff, v1  }
0x2c9: {  	v1 =	vld @p1 [tilespmem:$0xE3E8];
	_ =	sdelay $0x4  }
0x2ca: {  	[tilespmem:s4+$0xE518] =	vst.add.f32.msk @p1 $0xffff, v1  }
0x2cb: {  	v1 =	vld @p1 [tilespmem:$0xE3F8];
	_ =	sdelay $0x3  }
0x2cc: {  	s5 =	sshll.u32 @!p1 s3, $0xA  }
0x2cd: {  	s5 =	smov.u32 @p1 s0;
	[tilespmem:s4+$0xE528] =	vst.add.f32.msk @p1 $0xffff, v1  }
0x2ce: {  	s0 =	sshrl.u32 s5, $0x2;
	[tilespmem:s2+$0xE418] =	vst.msk $0x1, v0  }
0x2cf: {  	v0 =	vld [tilespmem:s0+$0xE438];
	_ =	sdelay $0x2  }
0x2d0: {  	s31 =	sshll.u32 s2, $0xA  }
0x2d1: {  	s4 =	sshra.s32 s31, $0x2  }
0x2d2: {  	[tilespmem:s4+$0xE438] =	vst v0  }
0x2d3: {  	v0 =	vld [tilespmem:s0+$0xE448];
	_ =	sdelay $0x4  }
0x2d4: {  	[tilespmem:s4+$0xE448] =	vst v0  }
0x2d5: {  	v0 =	vld [tilespmem:s0+$0xE458];
	_ =	sdelay $0x4  }
0x2d6: {  	[tilespmem:s4+$0xE458] =	vst v0  }
0x2d7: {  	v0 =	vld [tilespmem:s0+$0xE468];
	_ =	sdelay $0x4  }
0x2d8: {  	[tilespmem:s4+$0xE468] =	vst v0  }
0x2d9: {  	v0 =	vld [tilespmem:s0+$0xE478];
	_ =	sdelay $0x4  }
0x2da: {  	[tilespmem:s4+$0xE478] =	vst v0  }
0x2db: {  	v0 =	vld [tilespmem:s0+$0xE488];
	_ =	sdelay $0x4  }
0x2dc: {  	[tilespmem:s4+$0xE488] =	vst v0  }
0x2dd: {  	v0 =	vld [tilespmem:s0+$0xE498];
	_ =	sdelay $0x4  }
0x2de: {  	[tilespmem:s4+$0xE498] =	vst v0  }
0x2df: {  	v0 =	vld [tilespmem:s0+$0xE4A8];
	_ =	sdelay $0x4  }
0x2e0: {  	[tilespmem:s4+$0xE4A8] =	vst v0  }
0x2e1: {  	v0 =	vld [tilespmem:s0+$0xE4B8];
	_ =	sdelay $0x4  }
0x2e2: {  	[tilespmem:s4+$0xE4B8] =	vst v0  }
0x2e3: {  	v0 =	vld [tilespmem:s0+$0xE4C8];
	_ =	sdelay $0x4  }
0x2e4: {  	[tilespmem:s4+$0xE4C8] =	vst v0  }
0x2e5: {  	v0 =	vld [tilespmem:s0+$0xE4D8];
	_ =	sdelay $0x4  }
0x2e6: {  	[tilespmem:s4+$0xE4D8] =	vst v0  }
0x2e7: {  	v0 =	vld [tilespmem:s0+$0xE4E8];
	_ =	sdelay $0x4  }
0x2e8: {  	[tilespmem:s4+$0xE4E8] =	vst v0  }
0x2e9: {  	v0 =	vld [tilespmem:s0+$0xE4F8];
	_ =	sdelay $0x4  }
0x2ea: {  	[tilespmem:s4+$0xE4F8] =	vst v0  }
0x2eb: {  	v0 =	vld [tilespmem:s0+$0xE508];
	_ =	sdelay $0x4  }
0x2ec: {  	[tilespmem:s4+$0xE508] =	vst v0  }
0x2ed: {  	v0 =	vld [tilespmem:s0+$0xE518];
	_ =	sdelay $0x4  }
0x2ee: {  	[tilespmem:s4+$0xE518] =	vst v0  }
0x2ef: {  	v0 =	vld [tilespmem:s0+$0xE528];
	_ =	sdelay $0x4  }
0x2f0: {  	s2 =	sadd.s32 $0x1, s2;
	[tilespmem:s4+$0xE528] =	vst v0  }
.LBB2_54:
0x2f1: {  	s3 =	sadd.s32 $0x1, s3  }
0x2f2: {  	p1 =	sne.s32 s3, $0x20  }
.Ltmp38:
0x2f3: {  	_ = 	snop;
	(pc) =	sbr.rel @!p1 .LBB2_55-.Ltmp38, $1  }
0x2f4: {  	_ =	sdelay $0x3  }
.LBB2_47:
0x2f5: {  	v0 =	vld.msk [tilespmem:s3+$0xE418], $0x1;
	_ =	sdelay $0x4  }
0x2f6: {  	(v2sf) =	vpush v0, $0x0;
	_ =	sdelay $0xe  }
0x2f7: {  	s0 =	spop (v2sf)  }
0x2f8: {  	p1 =	seq.s32 s0, $0xFFFFFFFF  }
.Ltmp39:
0x2f9: {  	_ = 	snop;
	(pc) =	sbr.rel @p1 .LBB2_54-.Ltmp39, $1  }
0x2fa: {  	_ =	sdelay $0x3  }
0x2fb: {  	p1 =	slt.s32 s2, $0x1  }
.Ltmp40:
0x2fc: {  	_ = 	snop;
	(pc) =	sbr.rel @p1 .LBB2_53-.Ltmp40, $1  }
0x2fd: {  	_ =	sdelay $0x3  }
0x2fe: {  	s4 =	simm.s32 $0xE418;
	p1 =	por $0x0, $0x0  }
0x2ff: {  	v1 =	vld.msk @!p1 [tilespmem:s4+$0x0], $0x1;
	_ =	sdelay $0x4  }
0x300: {  	(v2sf) =	vpush @!p1 v1, $0x0;
	_ =	sdelay $0xd  }
0x301: {  	p3 =	sne.s32 s2, $0x1  }
.Ltmp41:
0x302: {  	s5 =	spop @!p1 (v2sf);
	(pc) =	sbr.rel @!p3 .LBB2_51-.Ltmp41, $4  }
0x303: {  	p2 =	seq.s32 @!p1 s0, s5  }
0x304: {  	s5 =	simm.s32 $0x0;
	p2 =	por !p2, p1  }
0x305: {  	s7 =	simm.s32 $0xFFFFFFFF;
	s5 =	simm.s32 @p2 $0xFFFFFFFF  }
0x306: {  	s6 =	simm.s32 $0x1;
	s5 =	smov.u32 @p1 s7  }
.LBB2_50:
0x307: {  	s7 =	smov.u32 s5;
	p1 =	sne.s32 s5, $0xFFFFFFFF  }
0x308: {  	s4 =	sadd.s32 $0x1, s4;
	s5 =	smov.u32 s6;
	s6 =	sadd.s32 $0x1, s6  }
0x309: {  	p2 =	sne.s32 s2, s6;
	v1 =	vld.msk @!p1 [tilespmem:s4+$0x0], $0x1;
	_ =	sdelay $0x4  }
0x30a: {  	(v2sf) =	vpush @!p1 v1, $0x0;
	_ =	sdelay $0xe  }
.Ltmp42:
0x30b: {  	s8 =	spop @!p1 (v2sf);
	(pc) =	sbr.rel @p2 .LBB2_50-.Ltmp42, $4  }
0x30c: {  	p3 =	seq.s32 @!p1 s0, s8  }
0x30d: {  	p3 =	por !p3, p1  }
0x30e: {  	s5 =	simm.s32 @p3 $0xFFFFFFFF  }
0x30f: {  	s5 =	smov.u32 @p1 s7  }
.LBB2_51:
0x310: {  	p1 =	seq.s32 s5, $0xFFFFFFFF  }
.Ltmp43:
0x311: {  	_ = 	snop;
	(pc) =	sbr.rel @p1 .LBB2_53-.Ltmp43, $1  }
0x312: {  	_ =	sdelay $0x3  }
0x313: {  	s0 =	sshll.u32 s3, $0x8  }
0x314: {  	s0 =	sand.u32 $0x3FFFFF00, s0  }
0x315: {  	v0 =	vld [tilespmem:s0+$0xE438];
	_ =	sdelay $0x2  }
0x316: {  	s4 =	sshll.u32 s5, $0xA  }
0x317: {  	s4 =	sshra.s32 s4, $0x2  }
0x318: {  	[tilespmem:s4+$0xE438] =	vst.add.f32.msk $0xffff, v0  }
0x319: {  	v0 =	vld [tilespmem:s0+$0xE448];
	_ =	sdelay $0x4  }
0x31a: {  	[tilespmem:s4+$0xE448] =	vst.add.f32.msk $0xffff, v0  }
0x31b: {  	v0 =	vld [tilespmem:s0+$0xE458];
	_ =	sdelay $0x4  }
0x31c: {  	[tilespmem:s4+$0xE458] =	vst.add.f32.msk $0xffff, v0  }
0x31d: {  	v0 =	vld [tilespmem:s0+$0xE468];
	_ =	sdelay $0x4  }
0x31e: {  	[tilespmem:s4+$0xE468] =	vst.add.f32.msk $0xffff, v0  }
0x31f: {  	v0 =	vld [tilespmem:s0+$0xE478];
	_ =	sdelay $0x4  }
0x320: {  	[tilespmem:s4+$0xE478] =	vst.add.f32.msk $0xffff, v0  }
0x321: {  	v0 =	vld [tilespmem:s0+$0xE488];
	_ =	sdelay $0x4  }
0x322: {  	[tilespmem:s4+$0xE488] =	vst.add.f32.msk $0xffff, v0  }
0x323: {  	v0 =	vld [tilespmem:s0+$0xE498];
	_ =	sdelay $0x4  }
0x324: {  	[tilespmem:s4+$0xE498] =	vst.add.f32.msk $0xffff, v0  }
0x325: {  	v0 =	vld [tilespmem:s0+$0xE4A8];
	_ =	sdelay $0x4  }
0x326: {  	[tilespmem:s4+$0xE4A8] =	vst.add.f32.msk $0xffff, v0  }
0x327: {  	v0 =	vld [tilespmem:s0+$0xE4B8];
	_ =	sdelay $0x4  }
0x328: {  	[tilespmem:s4+$0xE4B8] =	vst.add.f32.msk $0xffff, v0  }
0x329: {  	v0 =	vld [tilespmem:s0+$0xE4C8];
	_ =	sdelay $0x4  }
0x32a: {  	[tilespmem:s4+$0xE4C8] =	vst.add.f32.msk $0xffff, v0  }
0x32b: {  	v0 =	vld [tilespmem:s0+$0xE4D8];
	_ =	sdelay $0x4  }
0x32c: {  	[tilespmem:s4+$0xE4D8] =	vst.add.f32.msk $0xffff, v0  }
0x32d: {  	v0 =	vld [tilespmem:s0+$0xE4E8];
	_ =	sdelay $0x4  }
0x32e: {  	[tilespmem:s4+$0xE4E8] =	vst.add.f32.msk $0xffff, v0  }
0x32f: {  	v0 =	vld [tilespmem:s0+$0xE4F8];
	_ =	sdelay $0x4  }
0x330: {  	[tilespmem:s4+$0xE4F8] =	vst.add.f32.msk $0xffff, v0  }
0x331: {  	v0 =	vld [tilespmem:s0+$0xE508];
	_ =	sdelay $0x4  }
0x332: {  	[tilespmem:s4+$0xE508] =	vst.add.f32.msk $0xffff, v0  }
0x333: {  	v0 =	vld [tilespmem:s0+$0xE518];
	_ =	sdelay $0x4  }
0x334: {  	[tilespmem:s4+$0xE518] =	vst.add.f32.msk $0xffff, v0  }
0x335: {  	v0 =	vld [tilespmem:s0+$0xE528]  }
.Ltmp44:
0x336: {  	_ = 	snop;
	(pc) =	sbr.rel .LBB2_54-.Ltmp44, $2  }
0x337: {  	_ =	sdelay $0x2  }
0x338: {  	[tilespmem:s4+$0xE528] =	vst.add.f32.msk $0xffff, v0  }
.LBB2_55:
0x339: {  	p1 =	slt.s32 s2, $0x1  }
.Ltmp45:
0x33a: {  	_ = 	snop;
	(pc) =	sbr.rel @p1 .LBB2_59-.Ltmp45, $3  }
0x33b: {  	_ =	sdelay $0x1  }
0x33c: {  	s0 =	simm.s32 $0x8  }
0x33d: {  	s4 =	simm.s32 $0x0;
	[sflag:s0] =	ssyncpa.u1 $0x1  }
0x33e: {  	s0 =	simm.s32 $0xE418  }
0x33f: {  	v0 =	vld.msk [tilespmem:s0+$0x0], $0x1;
	_ =	sdelay $0x4  }
0x340: {  	(v2sf) =	vpush v0, $0x0;
	_ =	sdelay $0xe  }
0x341: {  	s0 =	sadd.s32 $0xFFFFFFFF, s2;
	s3 =	spop (v2sf)  }
0x342: {  	s6 =	simm.s32 $0xE438;
	p1 =	sne.s32 s0, $0x0;
	p2 =	sgt.u32 s3, $0x4E170  }
.Ltmp46:
0x343: {  	s2 =	simm.s32 $0xE538;
	s5 =	sand.u32 @!p2 $0x7FFF8, s3;
	(pc) =	sbr.rel @!p1 .LBB2_58-.Ltmp46, $4  }
0x344: {  	s7 =	sadd.s32 @!p2 $0x80, s3;
	s4 =	simm.s32 @!p2 $0x400;
	s8 =	sadd.s32 @!p2 s1, s5  }
0x345: {  	s5 =	sand.u32 @!p2 $0x7, s3;
	s3 =	simm.s32 $0xE419;
	s7 =	sand.u32 @!p2 $0xFFFF8, s7  }
0x346: {  	[hbm4b:s8+s5] =	stream.linear.scatter @!p2 [tilespmem:s6], [sflag:$0x7], $0x80, $0x38;
	[tilespmem:$0x1E678] =	vst v63  }
0x347: {  	s4 =	sadd.s32 $0x0, s4;
	s6 =	simm.s32 @!p2 $0xE4B8;
	s7 =	sadd.s32 @!p2 s1, s7  }
.LBB2_57:
0x348: {  	[hbm4b:s7+s5] =	stream.linear.scatter @!p2 [tilespmem:s6], [sflag:$0x7], $0x80, $0x38;
	[tilespmem:$0x1E678] =	vst v63  }
0x349: {  	s0 =	sadd.s32 $0xFFFFFFFF, s0;
	s6 =	smov.u32 s2;
	v0 =	vld.msk [tilespmem:s3+$0x0], $0x1  }
0x34a: {  	p1 =	sne.s32 s0, $0x0;
	_ =	sdelay $0x3  }
0x34b: {  	(v2sf) =	vpush v0, $0x0;
	_ =	sdelay $0xe  }
0x34c: {  	s2 =	sadd.s32 $0x100, s2;
	s8 =	simm.s32 $0x0;
	s5 =	spop (v2sf)  }
.Ltmp47:
0x34d: {  	s3 =	sadd.s32 $0x1, s3;
	p2 =	sgt.u32 s5, $0x4E170;
	(pc) =	sbr.rel @p1 .LBB2_57-.Ltmp47, $4  }
0x34e: {  	s8 =	simm.s32 @!p2 $0x400;
	s7 =	sand.u32 @!p2 $0x7FFF8, s5;
	s9 =	sadd.s32 @!p2 $0x80, s5  }
0x34f: {  	s5 =	sand.u32 @!p2 $0x7, s5;
	s7 =	sadd.s32 @!p2 s1, s7;
	s9 =	sand.u32 @!p2 $0xFFFF8, s9  }
0x350: {  	[hbm4b:s7+s5] =	stream.linear.scatter @!p2 [tilespmem:s6], [sflag:$0x7], $0x80, $0x38;
	[tilespmem:$0x1E678] =	vst v63  }
0x351: {  	s4 =	sadd.s32 s4, s8;
	s6 =	sadd.s32 @!p2 $0x80, s6;
	s7 =	sadd.s32 @!p2 s1, s9  }
.LBB2_58:
0x352: {  	[hbm4b:s7+s5] =	stream.linear.scatter @!p2 [tilespmem:s6], [sflag:$0x7], $0x80, $0x38;
	[tilespmem:$0x1E678] =	vst v63  }
0x353: {  	s4 =	sshrl.u32 s4, $0x2  }
.LBB2_59:
0x354: {  	s0 =	simm.s32 $0x7  }
0x355: {  	_ =	swait.ge [sflag:s0], s4  }
0x356: {  	s1 =	ssub.s32 $0x0, s4;
	[sflag:s0] =	ssyncset.done $0x0  }
0x357: {  	[sflag:s0] =	ssyncadd.s32 s1  }
0x358: {  	[sflag:s0] =	ssyncpa.u1 $0x1  }
.LBB2_60:
0x359: {  	_ =	sfence;
	s0 =	simm.s32 $0x1  }
0x35a: {  	[sflag:s0] =	ssyncpa.u1 $0x1  }
0x35b: {  	_ =	strace $0x90000053  }
0x35c: {  	[bflag:$0x2] =	sbarrier.arrive $0xFFFF  }
0x35d: {  	s0 =	rddreg [dreg:$0x5]  }
0x35e: {  	s0 =	sadd.s32 @!p0 $0x100000, s0  }
0x35f: {  	[sflag:s0] =	ssyncadd.tile.s32 @!p0 $0x1;
	_ =	shalt  }
.Lfunc_end2:
_tile_overlayer_lowered:
.L_overlay_start_2:
0x360: {  	(tag) =	ssettag $0x2  }
0x361: {  	s0 =	rddreg [dreg:$0x0];
	s2 =	stileid.u32  }
0x362: {  	s1 =	rddreg [dreg:$0x1];
	p0 =	sne.s32 s2, $0x0  }
0x363: {  	s3 =	rddreg [dreg:$0x2];
	[bflag:$0x3] =	sbarrier.arrive $0xFFFF;
	s2 =	simm.s32 @!p0 $0x1C01  }
0x364: {  	[timem:s3], [sflag:s2] =	dma.local @!p0 [hbm:s0], s1  }
0x365: {  	s0 =	simm.s32 @!p0 $0x1  }
0x366: {  	_ =	swait.ge @!p0 [sflag:s0], s1  }
0x367: {  	s1 =	ssub.s32 @!p0 $0x0, s1;
	[sflag:s0] =	ssyncset.done @!p0 $0x0  }
0x368: {  	[sflag:s0] =	ssyncadd.s32 @!p0 s1  }
0x369: {  	[bflag:$0x3] =	sbarrier.arrive $0xFFFF  }
0x36a: {  	_ =	shalt  }

// kernel: scatter_offload_async_start.3
scs
__scs_entry_jumppad:
0x0: {  	(pc) =	sbr.rel $0x88, $3  }
0x1: {  	(tag) =	ssettag $0x0;
	lr =	simm.s32 $0x1  }
0x2: {  	[smem:$0x3F8A] =	sst lr;
	_ =	strace $0xD0000000  }
0x3: {  	_ = 	snop  }
0x4: {  	_ = 	snop  }
0x5: {  	_ = 	snop  }
0x6: {  	_ = 	snop  }
0x7: {  	_ = 	snop  }
__scs_overlays_trampoline_lowered:
0x8: {  	[smem:$0x3F99] =	sst s0  }
0x9: {  	[smem:$0x3F9A] =	sst s1  }
0xa: {  	[smem:$0x3F9B] =	sst s2  }
0xb: {  	[smem:$0x3F9C] =	sst s3  }
0xc: {  	[smem:$0x3F9D] =	sst s4  }
0xd: {  	[smem:$0x3F9E] =	sst s5  }
0xe: {  	[smem:$0x3F9F] =	sst s6  }
0xf: {  	[smem:$0x3FA0] =	sst s7  }
0x10: {  	[smem:$0x3FA1] =	sst s8  }
0x11: {  	[smem:$0x3FA2] =	sst s9;
	s0 =	simm.s32 @!p0 $0x0  }
0x12: {  	s1 =	sld [smem:$0x3F88];
	s0 =	simm.s32 @p0 $0x1  }
0x13: {  	[smem:$0x3FA3] =	sst s0;
	s0 =	simm.s32 @!p1 $0x0  }
0x14: {  	s2 =	sld [smem:$0x3F87];
	s0 =	simm.s32 @p1 $0x1  }
0x15: {  	[smem:$0x3FA4] =	sst s0;
	s0 =	simm.s32 @!p2 $0x0  }
0x16: {  	s3 =	sld [smem:$0x3FDB];
	s0 =	simm.s32 @p2 $0x1  }
0x17: {  	s4 =	simm.s32 $0x1BF5;
	[smem:$0x3FA6] =	sst s0  }
0x18: {  	s0 =	sld [smem:$0x3F89];
	_ =	swait.ge [sflag:s4], $0x0  }
0x19: {  	s7 =	sld [smem:$0x3F8A]  }
0x1a: {  	s8 =	sadd.s32 $0xFFFFE003, lr  }
0x1b: {  	s9 =	sadd.s32 $0xFFFFFEF7, lr;
	s5 =	simm.s32 $0xFFFFFFFF;
	p2 =	slt.u32 s8, $0xFFFFF086  }
0x1c: {  	p1 =	slt.u32 s9, $0xF7A;
	s5 =	simm.s32 @!p2 $0x0  }
0x1d: {  	s5 =	simm.s32 @p1 $0x1;
	p0 =	seq.s32 s7, s2  }
0x1e: {  	s7 =	smul.u32 @!p0 $0xF7A, s2;
	p2 =	seq.s32 @!p0 s5, $0x0  }
0x1f: {  	s9 =	smul.u32 $0xF7A, s1;
	s8 =	simm.s32 @!p0 $0x1BF5;
	p2 =	por !p2, p0  }
0x20: {  	[sflag:s8] =	ssyncset.s32 @!p0 $0xFFFFF086;
	s6 =	sadd.s32 @!p0 s3, s7;
	s7 =	simm.s32 @!p0 $0x108  }
0x21: {  	s3 =	sadd.s32 s3, s9;
	s6 =	sadd.s32 @!p0 $0x88, s6;
	s7 =	simm.s32 @p2 $0x1082  }
0x22: {  	[simem:s7], [sflag:s8] =	dma.local @!p0 [hbm:s6], $0xF7A  }
0x23: {  	s9 =	sor.u32 $0xD0000000, s2;
	s6 =	simm.s32 $0x108;
	_ =	swait.ge @!p0 [sflag:s8], $0x0  }
0x24: {  	s3 =	sadd.s32 $0x88, s3;
	s6 =	simm.s32 @!p1 $0x1082;
	[sflag:s4] =	ssyncset.s32 $0xFFFFF086  }
0x25: {  	[simem:s6], [sflag:s4] =	dma.local [hbm:s3], $0xF7A  }
0x26: {  	[smem:$0x3F8A] =	sst s1;
	(tag) =	ssettag s2;
	_ =	strace s9  }
0x27: {  	s1 =	sld [smem:$0x3F9A]  }
0x28: {  	s2 =	sld [smem:$0x3F9B]  }
0x29: {  	s4 =	sld [smem:$0x3F9D]  }
0x2a: {  	p0 =	seq.s32 s5, $0x0;
	s5 =	sld [smem:$0x3F9E]  }
0x2b: {  	s6 =	sld [smem:$0x3F9F]  }
0x2c: {  	s7 =	sld [smem:$0x3FA0]  }
0x2d: {  	s3 =	simm.s32 $0x108;
	s8 =	sld [smem:$0x3FA1]  }
0x2e: {  	s3 =	simm.s32 @!p0 $0x1082;
	s9 =	sld [smem:$0x3FA2]  }
0x2f: {  	lr =	sadd.s32 s0, s3;
	s0 =	sld [smem:$0x3F99]  }
0x30: {  	s3 =	sld [smem:$0x3F9C]  }
0x31: {  	[smem:$0x3FA5] =	sst s10  }
0x32: {  	s10 =	sld [smem:$0x3FA3];
	_ =	sdelay $0x3  }
0x33: {  	p0 =	seq.s32 s10, $0x1;
	s10 =	sld [smem:$0x3FA5];
	_ =	sdelay $0x3  }
0x34: {  	[smem:$0x3FA5] =	sst s10  }
0x35: {  	s10 =	sld [smem:$0x3FA4];
	_ =	sdelay $0x3  }
0x36: {  	p1 =	seq.s32 s10, $0x1;
	s10 =	sld [smem:$0x3FA5];
	_ =	sdelay $0x3  }
0x37: {  	[smem:$0x3FA5] =	sst s10  }
0x38: {  	s10 =	sld [smem:$0x3FA6]  }
0x39: {  	_ = 	snop;
	(pc) =	sbr.ind lr, $3  }
0x3a: {  	_ = 	snop  }
0x3b: {  	_ = 	snop  }
0x3c: {  	p2 =	seq.s32 s10, $0x1;
	s10 =	sld [smem:$0x3FA5]  }
0x3d: {  	_ =	shalt  }
0x3e: {  	_ =	shalt  }
0x3f: {  	_ =	shalt  }
0x40: {  	_ =	shalt  }
0x41: {  	_ =	shalt  }
0x42: {  	_ =	shalt  }
0x43: {  	_ =	shalt  }
0x44: {  	_ =	shalt  }
0x45: {  	_ =	shalt  }
0x46: {  	_ =	shalt  }
0x47: {  	_ =	shalt  }
0x48: {  	_ =	shalt  }
0x49: {  	_ =	shalt  }
0x4a: {  	_ =	shalt  }
0x4b: {  	_ =	shalt  }
0x4c: {  	_ =	shalt  }
0x4d: {  	_ =	shalt  }
0x4e: {  	_ =	shalt  }
0x4f: {  	_ =	shalt  }
0x50: {  	_ =	shalt  }
0x51: {  	_ =	shalt  }
0x52: {  	_ =	shalt  }
0x53: {  	_ =	shalt  }
0x54: {  	_ =	shalt  }
0x55: {  	_ =	shalt  }
0x56: {  	_ =	shalt  }
0x57: {  	_ =	shalt  }
0x58: {  	_ =	shalt  }
0x59: {  	_ =	shalt  }
0x5a: {  	_ =	shalt  }
0x5b: {  	_ =	shalt  }
0x5c: {  	_ =	shalt  }
0x5d: {  	_ =	shalt  }
0x5e: {  	_ =	shalt  }
0x5f: {  	_ =	shalt  }
0x60: {  	_ =	shalt  }
0x61: {  	_ =	shalt  }
0x62: {  	_ =	shalt  }
0x63: {  	_ =	shalt  }
0x64: {  	_ =	shalt  }
0x65: {  	_ =	shalt  }
0x66: {  	_ =	shalt  }
0x67: {  	_ =	shalt  }
0x68: {  	_ =	shalt  }
0x69: {  	_ =	shalt  }
0x6a: {  	_ =	shalt  }
0x6b: {  	_ =	shalt  }
0x6c: {  	_ =	shalt  }
0x6d: {  	_ =	shalt  }
0x6e: {  	_ =	shalt  }
0x6f: {  	_ =	shalt  }
0x70: {  	_ =	shalt  }
0x71: {  	_ =	shalt  }
0x72: {  	_ =	shalt  }
0x73: {  	_ =	shalt  }
0x74: {  	_ =	shalt  }
0x75: {  	_ =	shalt  }
0x76: {  	_ =	shalt  }
0x77: {  	_ =	shalt  }
0x78: {  	_ =	shalt  }
0x79: {  	_ =	shalt  }
0x7a: {  	_ =	shalt  }
0x7b: {  	_ =	shalt  }
0x7c: {  	_ =	shalt  }
0x7d: {  	_ =	shalt  }
0x7e: {  	_ =	shalt  }
0x7f: {  	_ =	shalt  }
0x80: {  	_ =	shalt  }
0x81: {  	_ =	shalt  }
0x82: {  	_ =	shalt  }
0x83: {  	_ =	shalt  }
0x84: {  	_ =	shalt  }
0x85: {  	_ =	shalt  }
0x86: {  	_ =	shalt  }
0x87: {  	_ =	shalt  }
.Lfunc_end0:
.L_simem_size_0:
called_computation.3_lowered:
.L_overlay_start_0:
0x88: {  	s0 =	sld [smem:$0x3FD9]  }
0x89: {  	s1 =	sld [smem:$0x3FFE];
	_ =	sdelay $0x3  }
0x8a: {  	s0 =	sadd.s32 s1, s0  }
0x8b: {  	[smem:$0x3FB1] =	sst s0  }
0x8c: {  	_ = 	snop  }
0x8d: {  	(tm) =	ssettm $0x1  }
0x8e: {  	s15 =	sld [smem:$0x3FFB];
	_ =	sdelay $0x3  }
0x8f: {  	_ =	strace s15  }
0x90: {  	s0 =	sld [smem:$0x3FFC];
	_ =	sdelay $0x3  }
0x91: {  	_ =	strace s0  }
0x92: {  	s0 =	sld [smem:$0x3FFD];
	_ =	sdelay $0x3  }
0x93: {  	_ =	strace s0  }
0x94: {  	_ =	strace $0x8FFFFFFF  }
0x95: {  	s16 =	sld [smem:$0x3FDB];
	_ =	sdelay $0x1  }
0x96: {  	s17 =	simm.s32 $_scs_section_size  }
0x97: {  	s2 =	simm.s32 $_size__tile_overlayer_lowered;
	s3 =	simm.s32 $_tile_overlayer_lowered  }
0x98: {  	s20 =	simm.s32 $0x1BFF;
	s19 =	sshll.u32 s3, $0x1;
	s0 =	sadd.s32 s17, s16  }
0x99: {  	s4 =	simm.s32 $0x0;
	s18 =	sshll.u32 s2, $0x1;
	s2 =	sadd.s32 s19, s0  }
0x9a: {  	[timem:s4], [sflag:s20] =	dma.local [hbm:s2], s18  }
0x9b: {  	_ =	swait.ge [sflag:s20], s18  }
0x9c: {  	s1 =	ssub.s32 $0x0, s18;
	[sflag:s20] =	ssyncset.done $0x0  }
0x9d: {  	[sflag:s20] =	ssyncadd.s32 s1;
	_ =	sdelay $0x1  }
0x9e: {  	s21 =	simm.s32 $0x1B8B  }
0x9f: {  	_ =	swait.ge [sflag:s21], $0x1  }
0xa0: {  	[sflag:s21] =	ssyncset.done $0x0  }
0xa1: {  	s23 =	simm.s32 $0x1B8E;
	s22 =	sld [smem:$0x3FFE];
	[sflag:s21] =	ssyncadd.s32 $0xFFFFFFFF  }
0xa2: {  	s24 =	simm.s32 $execute0_lowered;
	[smem:$0x3FD2] =	sst s23  }
0xa3: {  	s2 =	sshll.u32 s24, $0x1;
	_ =	strace $0x80000055;
	[dreg:$0x1] =	wrdreg $0xFFFFFFFF  }
0xa4: {  	s25 =	simm.s32 $_size_execute0_lowered;
	s0 =	sadd.s32 s0, s2;
	[dreg:$0x0] =	wrdreg $0x0  }
0xa5: {  	s2 =	sshll.u32 s25, $0x1;
	[dreg:$0x2] =	wrdreg s0  }
0xa6: {  	[dreg:$0x3] =	wrdreg s2  }
0xa7: {  	[dreg:$0x4] =	wrdreg $0xC0  }
0xa8: {  	_ =	task [dreg:s4], $0x5FFFF  }
0xa9: {  	[dreg:$0x1] =	wrdreg $0xFFFFFFFF  }
0xaa: {  	[dreg:$0x0] =	wrdreg $0x60  }
0xab: {  	[dreg:$0x2] =	wrdreg s22  }
0xac: {  	[dreg:$0x3] =	wrdreg $0x9  }
0xad: {  	_ =	task.clear_ibuf [dreg:s4], $0x4FFFF;
	_ =	strace $0x90000055  }
0xae: {  	s26 =	simm.s32 $0x9;
	_ =	strace $0x80000057  }
0xaf: {  	_ =	swait.ge [sflag:s26], $0x1  }
0xb0: {  	[sflag:s26] =	ssyncadd.s32 $0xFFFFFFFF  }
0xb1: {  	_ =	strace $0x90000057  }
0xb2: {  	_ =	sfence  }
0xb3: {  	s28 =	sld [smem:$0x0];
	_ =	sdelay $0x1  }
0xb4: {  	s29 =	srdreg.scid  }
0xb5: {  	s30 =	sshll.u32 s29, $0xD;
	s31 =	sshrl.u32 s29, $0x2  }
0xb6: {  	s1 =	sand.u32 $0x1, s29;
	s2 =	sand.u32 $0x4000, s30;
	s0 =	sadd.s32 s31, s28  }
0xb7: {  	s1 =	sor.u32 s2, s1;
	s0 =	sshll.u32 s0, $0x11  }
0xb8: {  	s0 =	sor.u32 s0, s1  }
0xb9: {  	s0 =	sadd.s32 $0x8F2B, s0  }
0xba: {  	[sflag:s0] =	ssyncadd.remote.s32 $0x1  }
0xbb: {  	_ =	sfence.sel $0xFFFF  }
0xbc: {  	[dreg:$0x0] =	wrdreg $0xFFFFFFFF;
	(pc) =	sbr.abs _section_cstart, $3  }
0xbd: {  	[dreg:$0x1] =	wrdreg $0xFFFFFFFF  }
0xbe: {  	_ =	task.clear_ibuf [dreg:s4], $0x2FFFF;
	_ =	strace $0x9FFFFFFF  }
0xbf: {  	(tm) =	ssettm $0x7FFFFFFF  }
tec
execute0_lowered:
.L_overlay_start_1:
0x0: {  	(tag) =	ssettag $0x1  }
0x1: {  	s0 =	rddreg [dreg:$0x0]  }
0x2: {  	s11 =	stileid.u32;
	_ =	strace $0x80000056;
	s2 =	simm.s32 $0x1  }
0x3: {  	v1 =	vimm.s32 $0xFFFFFFFF;
	s1 =	smin.u32 s11, $0x4;
	[sflag:s2] =	ssyncpa.u1 $0x0  }
0x4: {  	s1 =	sadd.s32 s11, s1;
	[tilespmem:$0x10] =	vst v1  }
0x5: {  	v0 =	vimm.f32 $-Inf;
	p0 =	slt.u32 s11, $0x4;
	[tilespmem:$0x20] =	vst v1;
	s3 =	smul.u32 $0x1F40, s1;
	s1 =	simm.s32 $0x3E80  }
0x6: {  	[tilespmem:$0x30] =	vst v0;
	s1 =	simm.s32 @!p0 $0x1F40  }
0x7: {  	[tilespmem:$0x40] =	vst v0;
	s1 =	sadd.s32 s1, s3  }
0x8: {  	[tilespmem:$0x50] =	vst v0;
	s4 =	smin.u32 s1, $0x27100  }
0x9: {  	s7 =	simm.s32 $0x2;
	s8 =	simm.s32 $0x8;
	[tilespmem:$0x60] =	vst v1;
	s6 =	ssub.s32 s4, s3  }
0xa: {  	s30 =	simm.s32 $0x9;
	s16 =	simm.s32 $0x0;
	[tilespmem:$0x70] =	vst v1;
	p0 =	sgt.s32 s6, $0x0  }
0xb: {  	s17 =	simm.s32 $0xF0;
	s18 =	simm.s32 $0xFFFFFFFF;
	[tilespmem:$0x80] =	vst v1;
	s6 =	simm.s32 @!p0 $0x0  }
0xc: {  	s19 =	simm.s32 $0xFFFFC280;
	s20 =	simm.s32 $0xFFFFFFFE;
	v1 =	vimm.s32 $0x0;
	[tilespmem:$0xB0] =	vst v0;
	s5 =	smulhi.u32 $0x10624DD3, s6  }
0xd: {  	s21 =	simm.s32 $0xF;
	s25 =	simm.s32 $0x0;
	s24 =	simm.s32 $0x0;
	[tilespmem:$0x90] =	vst v1  }
0xe: {  	[tilespmem:$0xA0] =	vst v1;
	[sflag:s7] =	ssyncpa.u1 $0x0;
	s7 =	simm.s32 $0x7;
	s9 =	sshrl.u32 s5, $0x9  }
0xf: {  	s14 =	sshllo.u32 s11, $0x1;
	[sflag:s7] =	ssyncpa.u1 $0x0;
	s10 =	smul.u32 $0x1F40, s9  }
0x10: {  	[sflag:s8] =	ssyncpa.u1 $0x0;
	s23 =	smov.u32 s3;
	s1 =	sadd.s32 $0x6EA00, s0  }
.Ltmp0:
0x11: {  	[sflag:s30] =	ssyncpa.u1 $0x0;
	p0 =	sne.s32 s6, s10;
	(pc) =	sbr.rel .LBB2_1-.Ltmp0, $4  }
0x12: {  	s5 =	sadd.s32 $0x16800, s0;
	s0 =	sadd.s32 $0x1B800, s0;
	s2 =	simm.s32 @!p0 $0x0  }
0x13: {  	[dreg:$0x2] =	wrdreg s0;
	s10 =	sshll.u32 s11, $0x1;
	s9 =	sadd.s32 s2, s9  }
0x14: {  	vm0 =	vmmov $0xffff;
	v2 =	vlaneseq.u32;
	vm1 =	vmxor vm1, vm1;
	s13 =	sor.u32 $0x81, s10;
	s15 =	sor.u32 $0x80, s10;
	s31 =	sadd.s32 $0x1, s9  }
0x15: {  	vm2 =	vmmov $0x1;
	v3 =	vimm.f32 $0.0e+00;
	vm3 =	vcmask $0x3F3C;
	p0 =	por $0x0, $0x0;
	s12 =	sadd.s32 $0x2, s9;
	[dreg:$0x3] =	wrdreg s31  }
.LBB2_9:
0x16: {  	p1 =	slt.u32 s24, $0x3  }
0x17: {  	s0 =	simm.s32 @!p1 $0x2  }
0x18: {  	_ =	swait.ge @!p1 [sflag:s0], $0x1F40  }
0x19: {  	[sflag:s0] =	ssyncset.done @!p1 $0x0  }
0x1a: {  	[sflag:s0] =	ssyncadd.s32 @!p1 $0xFFFFE0C0;
	s0 =	simm.s32 @!p1 $0x9  }
0x1b: {  	_ =	swait.ge @!p1 [sflag:s0], $0x10  }
0x1c: {  	[sflag:s0] =	ssyncset.done @!p1 $0x0  }
0x1d: {  	[sflag:s0] =	ssyncadd.s32 @!p1 $0xFFFFFFF0;
	p1 =	sne.s32 s24, s12  }
.Ltmp1:
0x1e: {  	s2 =	sadd.s32 $0x1F40, s23;
	(pc) =	sbr.rel @!p1 .LBB2_10-.Ltmp1, $4  }
0x1f: {  	s6 =	smov.u32 s3;
	s31 =	sadd.s32 $0x1, s24;
	s17 =	sadd.s32 $0x1F40, s17  }
0x20: {  	s18 =	sadd.s32 $0x1, s18;
	s25 =	smov.u32 s23;
	p2 =	slt.s32 s2, s4  }
0x21: {  	p0 =	por !p0, !p0;
	s19 =	sadd.s32 $0x1F40, s19;
	s6 =	smov.u32 @p2 s2  }
0x22: {  	s20 =	sadd.s32 $0x1, s20;
	s23 =	smov.u32 s6;
	s24 =	smov.u32 s31  }
.LBB2_1:
0x23: {  	p1 =	sge.u32 s24, s9  }
0x24: {  	s0 =	smulhi.u32 @!p1 $0xAAAAAAAB, s24;
	_ =	sdelay $0x1  }
0x25: {  	s0 =	sshrl.u32 @!p1 s0, $0x1  }
0x26: {  	s0 =	smul.u32 @!p1 $0x3, s0;
	_ =	sdelay $0x1  }
0x27: {  	s0 =	ssub.s32 @!p1 s24, s0  }
0x28: {  	s0 =	smul.u32 @!p1 $0x7D00, s0;
	_ =	sdelay $0x1  }
0x29: {  	s2 =	sshrl.u32 @!p1 s23, $0x3;
	s0 =	sshrl.u32 @!p1 s0, $0x2  }
0x2a: {  	s6 =	sand.u32 @!p1 $0x7, s23;
	s2 =	sadd.s32 @!p1 s5, s2;
	s0 =	sadd.s32 @!p1 $0x100, s0  }
0x2b: {  	[tilespmem:s0], [sflag:$0x7] =	stream.linear.gather @!p1 [hbm4b:s2+s6], $0x1F40, $0x38;
	[tilespmem:$0x11A60] =	vst v63  }
0x2c: {  	s0 =	sadd.s32 $0xFFFFFFFF, s24  }
0x2d: {  	p1 =	sge.u32 s0, s9  }
.Ltmp2:
0x2e: {  	_ = 	snop;
	(pc) =	sbr.rel @p1 .LBB2_5-.Ltmp2, $1  }
0x2f: {  	_ =	sdelay $0x3  }
0x30: {  	s2 =	smulhi.u32 $0xAAAAAAAB, s0;
	_ =	sdelay $0x1  }
0x31: {  	s2 =	sshrl.u32 s2, $0x1  }
0x32: {  	s2 =	smul.u32 $0x3, s2;
	_ =	sdelay $0x1  }
0x33: {  	s2 =	ssub.s32 s0, s2  }
0x34: {  	s2 =	smul.u32 $0x7D00, s2  }
0x35: {  	_ =	swait.ge [sflag:s7], $0x1F40  }
0x36: {  	[sflag:s7] =	ssyncset.done $0x0;
	s2 =	sshrl.u32 s2, $0x2  }
0x37: {  	[sflag:s7] =	ssyncadd.s32 $0xFFFFE0C0;
	(ifvalue) =	ssetifvalue $0xFFFFFFFF;
	v4 =	vld.msk [tilespmem:s2+$0x100 ss:$0x1], $0xffff;
	_ =	sdelay $0x2  }
0x38: {  	s29 =	smulhi.u32 $0xAAAAAAAB, s18;
	p1 =	sne.s32 s24, $0x1  }
0x39: {  	v5 =	vimm.s32 @!p1 $0x0  }
0x3a: {  	s2 =	sshrl.u32 s29, $0x1;
	v5 =	vperm.xlane @!p1 v4, v5  }
0x3b: {  	s6 =	sshll.u32 s24, $0x4;
	s2 =	smul.u32 $0xFFFE8900, s2;
	vm4 =	vlt.u32 v4, $0x2800  }
0x3c: {  	s6 =	sand.u32 $0x10, s6;
	v4 =	vnsel vm4, $0xFFFFFFFE, v4;
	vm4 =	vlt.u32 @!p1 v5, $0x2800  }
0x3d: {  	s2 =	sshra.s32 s2, $0x2;
	[tilespmem:s6+$0x60] =	vst v4;
	v4 =	vnsel @!p1 vm4, $0xFFFFFFFE, v5  }
0x3e: {  	s30 =	sadd.s32 s2, s17;
	[tilespmem:$0x80] =	vst @!p1 v4  }
0x3f: {  	v4 =	vld.msk [tilespmem:s30+$0x0 ss:$0x1], $0xffff;
	_ =	sdelay $0x4  }
0x40: {  	(xrf1) =	vunique.msk.u32 $0xffff, v4;
	_ =	sdelay $0xd  }
0x41: {  	v5 =	vimm.s32 $0xFFFFFFFF;
	v6, _, _ =	vpop (xrf1)  }
0x42: {  	vm5 =	vne.s32 v4, v5;
	vm4 =	veq.s32 v6, v2  }
0x43: {  	vm6 =	vlt.u32 v4, $0x2800;
	vm4 =	vmand vm5, vm4  }
0x44: {  	vm4 =	vmand vm6, vm4  }
0x45: {  	v5 =	vnsel vm4, $0xFFFFFFFF, v4  }
0x46: {  	s31 =	sand.u32 $0x1, s0  }
0x47: {  	s26 =	simm.s32 $0x1F40;
	p1 =	seq.s32 s31, $0x1  }
0x48: {  	s26 =	simm.s32 @!p1 $0x0  }
0x49: {  	s28 =	sadd.s32 $0x7DF0, s26;
	(ifvalue) =	ssetifvalue $0xFFFFFFFF  }
0x4a: {  	v4 =	vperm.xlane v4, v1;
	[tilespmem:s28], [sflag:$0x8] =	stream.indirect_vreg.gather [hbm4b:s1+s16], $0x1, v5, vm0, $0x4038;
	v5 =	vnsel vm6, $0xFFFFFFFE, v5;
	[tilespmem:$0x11A60] =	vst v63  }
0x4b: {  	s0 =	simm.s32 $0x0;
	s2 =	sadd.s32 $0xFFFFFFF0, s30;
	[tilespmem:s30+$0x0] =	vst v5  }
.LBB2_3:
0x4c: {  	v5 =	vld.msk [tilespmem:s2+$0x0 ss:$0x1], $0xffff;
	s0 =	sadd.s32 $0x10, s0;
	v6 =	vmov v4;
	s6 =	smov.u32 s2  }
0x4d: {  	p1 =	slt.u32 s0, $0x1F30;
	_ =	sdelay $0x4  }
0x4e: {  	v4 =	vperm.xlane v5, v1;
	(xrf1) =	vunique.msk.u32 $0xffff, v5;
	_ =	sdelay $0xd  }
0x4f: {  	v7, _, _ =	vpop (xrf1)  }
0x50: {  	vm5 =	vne.s32 v5, v6;
	vm4 =	veq.s32 v7, v2  }
0x51: {  	vm6 =	vlt.u32 v5, $0x2800;
	vm4 =	vmand vm5, vm4  }
0x52: {  	vm4 =	vmand vm6, vm4  }
0x53: {  	v5 =	vnsel vm4, $0xFFFFFFFF, v5  }
.Ltmp3:
0x54: {  	v6 =	vnsel vm6, $0xFFFFFFFE, v5;
	(pc) =	sbr.rel @p1 .LBB2_3-.Ltmp3, $3  }
0x55: {  	_ =	sdelay $0x1  }
0x56: {  	s2 =	sadd.s32 $0xFFFFFFF0, s2;
	s28 =	sadd.s32 $0xFFFFFFF0, s28;
	(ifvalue) =	ssetifvalue $0xFFFFFFFF  }
0x57: {  	[tilespmem:s28], [sflag:$0x8] =	stream.indirect_vreg.gather [hbm4b:s1+s16], $0x1, v5, vm0, $0x4038;
	[tilespmem:s6+$0x0] =	vst v6  }
0x58: {  	s0 =	sshrl.u32 s25, $0x3;
	s2 =	rddreg [dreg:$0x2]  }
0x59: {  	s31 =	sadd.s32 $0x9D40, s26;
	s0 =	sadd.s32 s2, s0  }
0x5a: {  	[tilespmem:s31], [sflag:$0x8] =	stream.linear.gather [hbm:s0], $0x1F40, $0x38;
	[tilespmem:$0x11A60] =	vst v63  }
.LBB2_5:
0x5b: {  	p1 =	slt.u32 s24, $0x2  }
0x5c: {  	p2 =	sge.u32 @!p1 s24, s12  }
0x5d: {  	p1 =	por p1, p2  }
.Ltmp4:
0x5e: {  	_ = 	snop;
	(pc) =	sbr.rel @p1 .LBB2_9-.Ltmp4, $1  }
0x5f: {  	_ =	sdelay $0x3  }
0x60: {  	s0 =	sadd.s32 $0xFFFFFFFE, s24  }
0x61: {  	s2 =	smulhi.u32 $0xAAAAAAAB, s0;
	_ =	sdelay $0x1  }
0x62: {  	s2 =	sshrl.u32 s2, $0x1  }
0x63: {  	s2 =	smul.u32 $0x3, s2;
	_ =	sdelay $0x1  }
0x64: {  	_ =	swait.ge [sflag:s8], $0x3E80;
	s0 =	ssub.s32 s0, s2  }
0x65: {  	s6 =	rddreg [dreg:$0x3];
	s0 =	smul.u32 $0x1F40, s0  }
0x66: {  	[sflag:s8] =	ssyncset.done $0x0;
	p1 =	sne.s32 s24, s6  }
0x67: {  	[sflag:s8] =	ssyncadd.s32 $0xFFFFC180;
	s2 =	sadd.s32 @!p1 $0x203F, s0  }
0x68: {  	[spmem:s13] =	stream.linear.scatter @!p1 [tilespmem:s2], [sflag:$0x1], $0x1, $0x38;
	[tilespmem:$0x11A60] =	vst v63  }
0x69: {  	s2 =	simm.s32 @!p1 $0x1  }
0x6a: {  	_ =	swait.ge @!p1 [sflag:s2], $0x1  }
0x6b: {  	s6 =	sshll.u32 s24, $0x4;
	[sflag:s2] =	ssyncset.done @!p1 $0x0  }
0x6c: {  	s25 =	sand.u32 $0x10, s6;
	[sflag:s2] =	ssyncadd.s32 @!p1 $0xFFFFFFFF  }
0x6d: {  	s2 =	sxor.u32 $0x10, s25;
	v5 =	vld [tilespmem:s25+$0x10]  }
0x6e: {  	v6 =	vld [tilespmem:s2+$0x60]  }
0x6f: {  	v4 =	vld [tilespmem:$0x80];
	_ =	sdelay $0x2  }
0x70: {  	(v2sf) =	vpush v5, $0x0  }
0x71: {  	(v2sf) =	vpush v6, $0x0  }
0x72: {  	(v2sf) =	vpush v4, $0x0;
	_ =	sdelay $0xc  }
0x73: {  	s11 =	spop (v2sf)  }
0x74: {  	s22 =	spop (v2sf)  }
0x75: {  	s28 =	spop (v2sf)  }
0x76: {  	p2 =	seq.s32 s11, s22;
	p3 =	seq.s32 s28, s11  }
0x77: {  	p3 =	por p2, p3  }
0x78: {  	s26 =	sand.u32 $0x1, s24;
	v5 =	vpsel p3, $0xFFFFFFFF, v5  }
0x79: {  	s29 =	smul.u32 $0x1F40, s26;
	[tilespmem:s25+$0x10] =	vst.msk $0x1, v5  }
0x7a: {  	v5 =	vld [tilespmem:$0x30]  }
0x7b: {  	v6 =	vld [tilespmem:s29+$0x9D40]  }
0x7c: {  	v7 =	vld [tilespmem:s25+$0x40];
	_ =	sdelay $0x2  }
0x7d: {  	vm4 =	vmmov vm1  }
0x7e: {  	vm5 =	vmmov vm2;
	s6 =	sshll.u32 s26, $0x4;
	vm4 =	vmmov @p2 vm2;
	v6 =	vmax.f32 v5, v6  }
0x7f: {  	s26 =	sor.u32 $0x11A40, s6;
	vm5 =	vmmov @p3 vm1;
	v5 =	vmax.f32 v5, v7;
	[tilespmem:s29+$0x9D40] =	vst.msk vm4, v6  }
0x80: {  	[tilespmem:s26+$0x0] =	vst.msk vm5, v5  }
0x81: {  	v5 =	vld [tilespmem:s29+$0x7DF0];
	_ =	sdelay $0x4  }
0x82: {  	v5 =	vshift.insert v5, v3, s21  }
0x83: {  	s11 =	sor.u32 $0x40, s2  }
0x84: {  	v6 =	vimm.f32 $-Inf;
	[tilespmem:s11+$0x0] =	vst.msk $0x1, v5  }
0x85: {  	[tilespmem:s29+$0x7DFF] =	vst.msk $0x1, v6  }
0x86: {  	v5 =	vld [tilespmem:s0+$0x2030]  }
0x87: {  	s22 =	smulhi.u32 $0xAAAAAAAB, s20;
	_ =	sdelay $0x1  }
0x88: {  	s6 =	simm.s32 $0x1;
	s0 =	sshrl.u32 s22, $0x1  }
0x89: {  	s6 =	simm.s32 @!p0 $0x0;
	s0 =	smul.u32 $0xFFFE8900, s0  }
0x8a: {  	s6 =	smul.u32 $0x7D00, s6;
	v5 =	vshift.insert v5, v1, s21  }
0x8b: {  	s0 =	sshra.s32 s0, $0x2  }
0x8c: {  	s6 =	sshrl.u32 s6, $0x2;
	s22 =	sadd.s32 s0, s19;
	[tilespmem:s2+$0x10] =	vst.msk $0x1, v5  }
0x8d: {  	s2 =	sadd.s32 $0x9D40, s6;
	v7 =	vld [tilespmem:s22+$0x0]  }
0x8e: {  	v8 =	vld [tilespmem:s2+$0x0];
	_ =	sdelay $0x4  }
0x8f: {  	vm4 =	vne.s32 v7, $0xFFFFFFFF;
	v6 =	vmax.f32 v8, v6  }
0x90: {  	(xrf0) =	vmax.seg.scan.f32 vm4, v6  }
0x91: {  	s11 =	sadd.s32 $0x5EC0, s6;
	v8 =	vld [tilespmem:$0xA0]  }
0x92: {  	v9 =	vld [tilespmem:s11+$0x0];
	_ =	sdelay $0x1  }
0x93: {  	v6 =	vperm.xlane v5, v1;
	_ =	sdelay $0x1  }
0x94: {  	vm6 =	veq.s32 v7, v4;
	vm7 =	veq.s32 v7, v6;
	vm5 =	veq.s32 v8, $0x1;
	v8, _, _ =	vpop (xrf0)  }
0x95: {  	vm8 =	vgt.u32 v7, $0xFFFFFFFD;
	vm7 =	vmor vm7, vm6;
	v9 =	vmax.f32 v8, v9  }
0x96: {  	s30 =	sadd.s32 $0xDBC0, s6;
	v10 =	vld [tilespmem:$0x90];
	vm7 =	vmor vm7, vm8;
	v9 =	vsel vm6, v8, v9  }
0x97: {  	[tilespmem:s30+$0x0] =	vst v9;
	v9 =	vsel vm7, $0xFFFFFFFF, v7;
	_ =	sdelay $0x1  }
0x98: {  	vm9 =	vmand vm4, vm3  }
0x99: {  	s31 =	simm.s32 $0x0;
	s6 =	sadd.s32 $0x10, s11;
	s0 =	sadd.s32 $0x10, s2;
	v11 =	vsel vm9, $0xFF800000, v8  }
0x9a: {  	s2 =	sadd.s32 $0x10, s22;
	s22 =	sadd.s32 $0x10, s30;
	vm4 =	vmor vm5, vm6;
	v7 =	vsel vm6, v8, v10;
	v8 =	vshift.insert v11, v0, s21;
	(ifvalue) =	ssetifvalue $0xFFFFFFFF  }
.LBB2_7:
0x9b: {  	[hbm4b:s1+s16] =	stream.indirect_vreg.scatter [tilespmem:s30], [sflag:$0x2], $0x1, v9, vm0, $0x4038;
	[tilespmem:$0x11A60] =	vst v63  }
0x9c: {  	s31 =	sadd.s32 $0x10, s31;
	s30 =	smov.u32 s22;
	v9 =	vld [tilespmem:s2+$0x0]  }
0x9d: {  	p2 =	slt.u32 s31, $0x1F30;
	v10 =	vld [tilespmem:s0+$0x0];
	_ =	sdelay $0x4  }
0x9e: {  	vm5 =	vne.s32 v9, $0xFFFFFFFF;
	v8 =	vmax.f32 v10, v8  }
0x9f: {  	(xrf0) =	vmax.seg.scan.f32 vm5, v8;
	_ =	sdelay $0x1  }
0xa0: {  	v8 =	vld [tilespmem:s6+$0x0]  }
0xa1: {  	vm6 =	veq.s32 v9, v4;
	vm7 =	veq.s32 v9, v6  }
0xa2: {  	vm8 =	vgt.u32 v9, $0xFFFFFFFD;
	vm4 =	vmor vm4, vm6;
	vm7 =	vmor vm7, vm6  }
0xa3: {  	vm7 =	vmor vm7, vm8  }
.Ltmp5:
0xa4: {  	vm5 =	vmand vm5, vm3;
	v9 =	vsel vm7, $0xFFFFFFFF, v9;
	v10, _, _ =	vpop (xrf0);
	(pc) =	sbr.rel @p2 .LBB2_7-.Ltmp5, $4  }
0xa5: {  	v7 =	vsel vm6, v10, v7;
	v8 =	vmax.f32 v10, v8;
	v11 =	vsel vm5, $0xFF800000, v10  }
0xa6: {  	v10 =	vsel vm6, v10, v8;
	v8 =	vshift.insert v11, v0, s21  }
0xa7: {  	s2 =	sadd.s32 $0x10, s2;
	s0 =	sadd.s32 $0x10, s0;
	[tilespmem:s22+$0x0] =	vst v10  }
0xa8: {  	s6 =	sadd.s32 $0x10, s6;
	s22 =	sadd.s32 $0x10, s22;
	(ifvalue) =	ssetifvalue $0xFFFFFFFF  }
0xa9: {  	_ =	sdelay $0x3  }
0xaa: {  	[hbm4b:s1+s16] =	stream.indirect_vreg.scatter [tilespmem:s30], [sflag:$0x2], $0x1, v9, vm0, $0x4038;
	[tilespmem:$0x11A60] =	vst v63  }
0xab: {  	v4 =	vld [tilespmem:s29+$0xFAF0];
	_ =	sdelay $0x4  }
0xac: {  	v4 =	vshift.insert v4, v3, s21  }
0xad: {  	s0 =	simm.s32 $0x30  }
0xae: {  	[tilespmem:s0+$0x0] =	vst.msk $0x1, v4  }
0xaf: {  	v4 =	vsel vm4, $0x1, v1;
	[tilespmem:$0x90] =	vst v7  }
0xb0: {  	s0 =	sadd.s32 @!p1 $0xFAFF, s29;
	[tilespmem:$0xA0] =	vst v4  }
0xb1: {  	[spmem:s14] =	stream.linear.scatter @!p1 [tilespmem:s0], [sflag:$0x1], $0x1, $0x38;
	[tilespmem:$0x11A60] =	vst v63  }
0xb2: {  	s0 =	simm.s32 @!p1 $0x1  }
0xb3: {  	v4 =	vmctz.xlane @!p1 vm4;
	_ =	swait.ge @!p1 [sflag:s0], $0x1  }
0xb4: {  	(v2sf) =	vpush @!p1 v5, $0x0  }
0xb5: {  	(v2sf) =	vpush @!p1 v4, $0x0;
	_ =	sdelay $0xd  }
0xb6: {  	s2 =	spop @!p1 (v2sf)  }
0xb7: {  	s6 =	spop @!p1 (v2sf)  }
0xb8: {  	p2 =	sne.s32 @!p1 s28, s2;
	p3 =	slt.s32 @!p1 s6, $0xF  }
0xb9: {  	[sflag:s0] =	ssyncset.done @!p1 $0x0;
	p2 =	por p2, p1;
	p3 =	por !p3, p1  }
0xba: {  	[sflag:s0] =	ssyncadd.s32 @!p1 $0xFFFFFFFF;
	v4 =	vimm.s32 @!p2 $0xFFFFFFFF;
	s6 =	simm.s32 @p3 $0xF  }
0xbb: {  	[tilespmem:$0x80] =	vst @!p2 v4;
	s2 =	sadd.s32 @!p1 $0x90, s6  }
0xbc: {  	[spmem:s10] =	stream.linear.scatter @!p1 [tilespmem:s2], [sflag:$0x1], $0x1, $0x38;
	[tilespmem:$0x11A60] =	vst v63  }
0xbd: {  	_ =	swait.ge @!p1 [sflag:s0], $0x1  }
0xbe: {  	[sflag:s0] =	ssyncset.done @!p1 $0x0  }
0xbf: {  	s2 =	simm.s32 @!p1 $0x80;
	[sflag:s0] =	ssyncadd.s32 @!p1 $0xFFFFFFFF  }
0xc0: {  	[spmem:s15] =	stream.linear.scatter @!p1 [tilespmem:s2], [sflag:$0x1], $0x1, $0x38;
	[tilespmem:$0x11A60] =	vst v63  }
0xc1: {  	_ =	swait.ge @!p1 [sflag:s0], $0x1  }
0xc2: {  	[sflag:s0] =	ssyncset.done @!p1 $0x0  }
0xc3: {  	[sflag:s0] =	ssyncadd.s32 @!p1 $0xFFFFFFFF;
	(ifvalue) =	ssetifvalue $0xFFFFFFFF;
	v4 =	vld [tilespmem:s25+$0x10];
	_ =	sdelay $0x3  }
.Ltmp6:
0xc4: {  	_ = 	snop;
	(pc) =	sbr.rel .LBB2_9-.Ltmp6, $3  }
0xc5: {  	_ =	sdelay $0x1  }
0xc6: {  	(ifvalue) =	ssetifvalue $0xFFFFFFFF  }
0xc7: {  	[hbm4b:s1+s16] =	stream.indirect_vreg.scatter [tilespmem:s26], [sflag:$0x9], $0x1, v4, vm0, $0x4038;
	[tilespmem:$0x11A60] =	vst v63  }
.LBB2_10:
0xc8: {  	_ =	sfence.sel $0x180000  }
0xc9: {  	s0 =	simm.s32 $0x7;
	[bflag:$0x0] =	sbarrier.arrive $0xFFFF  }
0xca: {  	s26 =	simm.s32 $0x8;
	[sflag:s0] =	ssyncpa.u1 $0x1  }
0xcb: {  	s28 =	simm.s32 $0x9;
	[sflag:s26] =	ssyncpa.u1 $0x1  }
0xcc: {  	[sflag:s28] =	ssyncpa.u1 $0x1  }
0xcd: {  	_ =	sfence.stream.spmem  }
0xce: {  	s29 =	simm.s32 $0x3;
	[bflag:$0x0] =	sbarrier.arrive $0xFFFF  }
0xcf: {  	s30 =	simm.s32 $0x4;
	[sflag:s29] =	ssyncpa.u1 $0x1  }
0xd0: {  	s31 =	simm.s32 $0x3C;
	s2 =	stileid.u32;
	[sflag:s30] =	ssyncpa.u1 $0x1  }
0xd1: {  	p0 =	sne.s32 s2, $0x0;
	[sflag:s31] =	ssyncpa.u1 $0x1  }
0xd2: {  	s0 =	simm.s32 @p0 $0x1;
	_ =	sfence @p0  }
0xd3: {  	[sflag:s0] =	ssyncpa.u1 @p0 $0x1;
	s0 =	simm.s32 @p0 $0x2  }
0xd4: {  	[sflag:s0] =	ssyncpa.u1 @p0 $0x1  }
0xd5: {  	_ =	strace @p0 $0x90000056  }
0xd6: {  	[bflag:$0x2] =	sbarrier.arrive @p0 $0xFFFF  }
0xd7: {  	_ =	shalt @p0  }
.LBB2_11:
0xd8: {  	_ =	sfence.stream.spmem;
	s0 =	simm.s32 $0x5  }
0xd9: {  	s2 =	simm.s32 $0x80;
	s3 =	simm.s32 $0xC0;
	[sflag:s0] =	ssyncpa.u1 $0x0  }
0xda: {  	[tilespmem:s3], [sflag:$0x5] =	stream.linear.gather [spmem:s2], $0x20, $0x38;
	[tilespmem:$0x11A60] =	vst v63  }
0xdb: {  	s30 =	simm.s32 $0xE0;
	s2 =	simm.s32 $0x0  }
0xdc: {  	[tilespmem:s30], [sflag:$0x5] =	stream.linear.gather [spmem:s2], $0x20, $0x38;
	[tilespmem:$0x11A60] =	vst v63  }
.Ltmp7:
0xdd: {  	_ = 	snop;
	(pc) =	sbr.rel .LBB2_12-.Ltmp7, $4  }
0xde: {  	_ =	swait.ge [sflag:s0], $0x40  }
0xdf: {  	[sflag:s0] =	ssyncset.done $0x0  }
0xe0: {  	s31 =	simm.s32 $0x6;
	[sflag:s0] =	ssyncadd.s32 $0xFFFFFFC0  }
0xe1: {  	s3 =	simm.s32 $0x0;
	[sflag:s31] =	ssyncpa.u1 $0x0  }
.LBB2_17:
0xe2: {  	p0 =	sgt.u32 s4, $0x27FF  }
0xe3: {  	s0 =	sshrl.u32 @!p0 s4, $0x3  }
0xe4: {  	s4 =	sand.u32 @!p0 $0x7, s4;
	s5 =	simm.s32 @!p0 $0xB0;
	s0 =	sadd.s32 @!p0 s1, s0  }
0xe5: {  	[tilespmem:s5], [sflag:$0x6] =	stream.linear.gather @!p0 [hbm4b:s0+s4], $0x1, $0x38;
	[tilespmem:$0x11A60] =	vst v63  }
0xe6: {  	s0 =	simm.s32 @!p0 $0x6  }
0xe7: {  	_ =	swait.ge @!p0 [sflag:s0], $0x1  }
0xe8: {  	[sflag:s0] =	ssyncset.done @!p0 $0x0  }
0xe9: {  	[sflag:s0] =	ssyncadd.s32 @!p0 $0xFFFFFFFF  }
0xea: {  	v1 =	vld.msk @!p0 [tilespmem:$0xB0], $0x1  }
0xeb: {  	v2 =	vld.msk @!p0 [tilespmem:s3+$0xE0], $0x1;
	_ =	sdelay $0x4  }
0xec: {  	v1 =	vmax.f32 @!p0 v2, v1  }
0xed: {  	[tilespmem:s3+$0xE0] =	vst.msk @!p0 $0x1, v1  }
0xee: {  	[tilespmem:s2+$0xC0] =	vst.msk $0x1, v0  }
0xef: {  	v0 =	vld.msk [tilespmem:s3+$0xE0], $0x1;
	_ =	sdelay $0x4  }
0xf0: {  	[tilespmem:s2+$0xE0] =	vst.msk $0x1, v0;
	s2 =	sadd.s32 $0x1, s2  }
.LBB2_19:
0xf1: {  	s3 =	sadd.s32 $0x1, s3  }
0xf2: {  	p0 =	sne.s32 s3, $0x20  }
.Ltmp8:
0xf3: {  	_ = 	snop;
	(pc) =	sbr.rel @!p0 .LBB2_20-.Ltmp8, $1  }
0xf4: {  	_ =	sdelay $0x3  }
.LBB2_12:
0xf5: {  	v0 =	vld.msk [tilespmem:s3+$0xC0], $0x1;
	_ =	sdelay $0x4  }
0xf6: {  	(v2sf) =	vpush v0, $0x0;
	_ =	sdelay $0xe  }
0xf7: {  	s4 =	spop (v2sf)  }
0xf8: {  	p0 =	seq.s32 s4, $0xFFFFFFFF  }
.Ltmp9:
0xf9: {  	_ = 	snop;
	(pc) =	sbr.rel @p0 .LBB2_19-.Ltmp9, $1  }
0xfa: {  	_ =	sdelay $0x3  }
0xfb: {  	p0 =	slt.s32 s2, $0x1  }
.Ltmp10:
0xfc: {  	_ = 	snop;
	(pc) =	sbr.rel @p0 .LBB2_17-.Ltmp10, $1  }
0xfd: {  	_ =	sdelay $0x3  }
0xfe: {  	s0 =	simm.s32 $0xC0;
	p0 =	por $0x0, $0x0  }
0xff: {  	v1 =	vld.msk @!p0 [tilespmem:s0+$0x0], $0x1;
	_ =	sdelay $0x4  }
0x100: {  	(v2sf) =	vpush @!p0 v1, $0x0;
	_ =	sdelay $0xd  }
0x101: {  	p2 =	sne.s32 s2, $0x1  }
.Ltmp11:
0x102: {  	s5 =	spop @!p0 (v2sf);
	(pc) =	sbr.rel @!p2 .LBB2_16-.Ltmp11, $4  }
0x103: {  	p1 =	seq.s32 @!p0 s4, s5  }
0x104: {  	s5 =	simm.s32 $0x0;
	p1 =	por !p1, p0  }
0x105: {  	s7 =	simm.s32 $0xFFFFFFFF;
	s5 =	simm.s32 @p1 $0xFFFFFFFF  }
0x106: {  	s6 =	simm.s32 $0x1;
	s5 =	smov.u32 @p0 s7  }
.LBB2_15:
0x107: {  	s7 =	smov.u32 s5;
	p0 =	sne.s32 s5, $0xFFFFFFFF  }
0x108: {  	s0 =	sadd.s32 $0x1, s0;
	s5 =	smov.u32 s6;
	s6 =	sadd.s32 $0x1, s6  }
0x109: {  	p1 =	sne.s32 s2, s6;
	v1 =	vld.msk @!p0 [tilespmem:s0+$0x0], $0x1;
	_ =	sdelay $0x4  }
0x10a: {  	(v2sf) =	vpush @!p0 v1, $0x0;
	_ =	sdelay $0xe  }
.Ltmp12:
0x10b: {  	s8 =	spop @!p0 (v2sf);
	(pc) =	sbr.rel @p1 .LBB2_15-.Ltmp12, $4  }
0x10c: {  	p2 =	seq.s32 @!p0 s4, s8  }
0x10d: {  	p2 =	por !p2, p0  }
0x10e: {  	s5 =	simm.s32 @p2 $0xFFFFFFFF  }
0x10f: {  	s5 =	smov.u32 @p0 s7  }
.LBB2_16:
0x110: {  	p0 =	sne.s32 s5, $0xFFFFFFFF  }
.Ltmp13:
0x111: {  	_ = 	snop;
	(pc) =	sbr.rel @!p0 .LBB2_17-.Ltmp13, $1  }
0x112: {  	_ =	sdelay $0x3  }
0x113: {  	v0 =	vld.msk [tilespmem:s3+$0xE0], $0x1  }
0x114: {  	v1 =	vld.msk [tilespmem:s5+$0xE0], $0x1;
	_ =	sdelay $0x1  }
.Ltmp14:
0x115: {  	_ = 	snop;
	(pc) =	sbr.rel .LBB2_19-.Ltmp14, $3  }
0x116: {  	_ =	sdelay $0x1  }
0x117: {  	v0 =	vmax.f32 v1, v0  }
0x118: {  	[tilespmem:s5+$0xE0] =	vst.msk $0x1, v0  }
.LBB2_20:
0x119: {  	p0 =	slt.s32 s2, $0x1  }
.Ltmp15:
0x11a: {  	_ = 	snop;
	(pc) =	sbr.rel @p0 .LBB2_24-.Ltmp15, $3  }
0x11b: {  	_ =	sdelay $0x1  }
0x11c: {  	s0 =	simm.s32 $0x6  }
0x11d: {  	s3 =	simm.s32 $0x0;
	[sflag:s0] =	ssyncpa.u1 $0x1  }
0x11e: {  	s0 =	simm.s32 $0xC0  }
0x11f: {  	v0 =	vld.msk [tilespmem:s0+$0x0], $0x1;
	_ =	sdelay $0x4  }
0x120: {  	(v2sf) =	vpush v0, $0x0;
	_ =	sdelay $0xe  }
0x121: {  	s2 =	sadd.s32 $0xFFFFFFFF, s2;
	s4 =	spop (v2sf)  }
0x122: {  	p1 =	sne.s32 s2, $0x0;
	p0 =	sgt.u32 s4, $0x27FF  }
.Ltmp16:
0x123: {  	s5 =	sshrl.u32 @!p0 s4, $0x3;
	(pc) =	sbr.rel @!p1 .LBB2_23-.Ltmp16, $4  }
0x124: {  	s0 =	simm.s32 $0xE0;
	s4 =	sand.u32 @!p0 $0x7, s4;
	s5 =	sadd.s32 @!p0 s1, s5  }
0x125: {  	[hbm4b:s5+s4] =	stream.linear.scatter @!p0 [tilespmem:s0], [sflag:$0x5], $0x1, $0x38;
	[tilespmem:$0x11A60] =	vst v63  }
0x126: {  	s5 =	simm.s32 $0x0  }
0x127: {  	s4 =	simm.s32 $0xC1;
	s5 =	simm.s32 @!p0 $0x4  }
.LBB2_22:
0x128: {  	v0 =	vld.msk [tilespmem:s4+$0x0], $0x1;
	s2 =	sadd.s32 $0xFFFFFFFF, s2;
	s3 =	sadd.s32 s3, s5  }
0x129: {  	p0 =	sne.s32 s2, $0x0;
	_ =	sdelay $0x3  }
0x12a: {  	(v2sf) =	vpush v0, $0x0;
	_ =	sdelay $0xe  }
.Ltmp17:
0x12b: {  	s6 =	spop (v2sf);
	(pc) =	sbr.rel @p0 .LBB2_22-.Ltmp17, $4  }
0x12c: {  	s5 =	simm.s32 $0x0;
	p1 =	sgt.u32 s6, $0x27FF  }
0x12d: {  	s0 =	sadd.s32 $0x1, s0;
	s5 =	simm.s32 @!p1 $0x4;
	s7 =	sshrl.u32 @!p1 s6, $0x3  }
0x12e: {  	s4 =	sadd.s32 $0x1, s4;
	s6 =	sand.u32 @!p1 $0x7, s6;
	s7 =	sadd.s32 @!p1 s1, s7  }
0x12f: {  	[hbm4b:s7+s6] =	stream.linear.scatter @!p1 [tilespmem:s0], [sflag:$0x5], $0x1, $0x38;
	[tilespmem:$0x11A60] =	vst v63  }
.LBB2_23:
0x130: {  	s0 =	sadd.s32 s3, s5  }
0x131: {  	s3 =	sshrl.u32 s0, $0x2  }
.LBB2_24:
0x132: {  	s0 =	simm.s32 $0x5  }
0x133: {  	_ =	swait.ge [sflag:s0], s3  }
0x134: {  	s1 =	ssub.s32 $0x0, s3;
	[sflag:s0] =	ssyncset.done $0x0  }
0x135: {  	[sflag:s0] =	ssyncadd.s32 s1  }
0x136: {  	[sflag:s0] =	ssyncpa.u1 $0x1  }
0x137: {  	s29 =	simm.s32 $0x1;
	_ =	sfence  }
0x138: {  	s30 =	simm.s32 $0x2;
	[sflag:s29] =	ssyncpa.u1 $0x1  }
0x139: {  	[sflag:s30] =	ssyncpa.u1 $0x1  }
0x13a: {  	_ =	strace $0x90000056  }
0x13b: {  	[bflag:$0x2] =	sbarrier.arrive $0xFFFF  }
0x13c: {  	s31 =	rddreg [dreg:$0x1]  }
0x13d: {  	s0 =	sadd.s32 $0x100000, s31  }
0x13e: {  	[sflag:s0] =	ssyncadd.tile.s32 $0x1;
	_ =	shalt  }
.Lfunc_end2:
_tile_overlayer_lowered:
.L_overlay_start_2:
0x13f: {  	(tag) =	ssettag $0x2  }
0x140: {  	s0 =	rddreg [dreg:$0x0];
	s2 =	stileid.u32  }
0x141: {  	s1 =	rddreg [dreg:$0x1];
	p0 =	sne.s32 s2, $0x0  }
0x142: {  	s3 =	rddreg [dreg:$0x2];
	[bflag:$0x3] =	sbarrier.arrive $0xFFFF;
	s2 =	simm.s32 @!p0 $0x1C01  }
0x143: {  	[timem:s3], [sflag:s2] =	dma.local @!p0 [hbm:s0], s1  }
0x144: {  	s0 =	simm.s32 @!p0 $0x1  }
0x145: {  	_ =	swait.ge @!p0 [sflag:s0], s1  }
0x146: {  	s1 =	ssub.s32 @!p0 $0x0, s1;
	[sflag:s0] =	ssyncset.done @!p0 $0x0  }
0x147: {  	[sflag:s0] =	ssyncadd.s32 @!p0 s1  }
0x148: {  	[bflag:$0x3] =	sbarrier.arrive $0xFFFF  }
0x149: {  	_ =	shalt  }

// kernel: scatter_offload_async_start.4
scs
__scs_entry_jumppad:
0x0: {  	(pc) =	sbr.rel $0x88, $3  }
0x1: {  	(tag) =	ssettag $0x0;
	lr =	simm.s32 $0x1  }
0x2: {  	[smem:$0x3F8A] =	sst lr;
	_ =	strace $0xD0000000  }
0x3: {  	_ = 	snop  }
0x4: {  	_ = 	snop  }
0x5: {  	_ = 	snop  }
0x6: {  	_ = 	snop  }
0x7: {  	_ = 	snop  }
__scs_overlays_trampoline_lowered:
0x8: {  	[smem:$0x3F99] =	sst s0  }
0x9: {  	[smem:$0x3F9A] =	sst s1  }
0xa: {  	[smem:$0x3F9B] =	sst s2  }
0xb: {  	[smem:$0x3F9C] =	sst s3  }
0xc: {  	[smem:$0x3F9D] =	sst s4  }
0xd: {  	[smem:$0x3F9E] =	sst s5  }
0xe: {  	[smem:$0x3F9F] =	sst s6  }
0xf: {  	[smem:$0x3FA0] =	sst s7  }
0x10: {  	[smem:$0x3FA1] =	sst s8  }
0x11: {  	[smem:$0x3FA2] =	sst s9;
	s0 =	simm.s32 @!p0 $0x0  }
0x12: {  	s1 =	sld [smem:$0x3F88];
	s0 =	simm.s32 @p0 $0x1  }
0x13: {  	[smem:$0x3FA3] =	sst s0;
	s0 =	simm.s32 @!p1 $0x0  }
0x14: {  	s2 =	sld [smem:$0x3F87];
	s0 =	simm.s32 @p1 $0x1  }
0x15: {  	[smem:$0x3FA4] =	sst s0;
	s0 =	simm.s32 @!p2 $0x0  }
0x16: {  	s3 =	sld [smem:$0x3FDB];
	s0 =	simm.s32 @p2 $0x1  }
0x17: {  	s4 =	simm.s32 $0x1BF5;
	[smem:$0x3FA6] =	sst s0  }
0x18: {  	s0 =	sld [smem:$0x3F89];
	_ =	swait.ge [sflag:s4], $0x0  }
0x19: {  	s7 =	sld [smem:$0x3F8A]  }
0x1a: {  	s8 =	sadd.s32 $0xFFFFE003, lr  }
0x1b: {  	s9 =	sadd.s32 $0xFFFFFEF7, lr;
	s5 =	simm.s32 $0xFFFFFFFF;
	p2 =	slt.u32 s8, $0xFFFFF086  }
0x1c: {  	p1 =	slt.u32 s9, $0xF7A;
	s5 =	simm.s32 @!p2 $0x0  }
0x1d: {  	s5 =	simm.s32 @p1 $0x1;
	p0 =	seq.s32 s7, s2  }
0x1e: {  	s7 =	smul.u32 @!p0 $0xF7A, s2;
	p2 =	seq.s32 @!p0 s5, $0x0  }
0x1f: {  	s9 =	smul.u32 $0xF7A, s1;
	s8 =	simm.s32 @!p0 $0x1BF5;
	p2 =	por !p2, p0  }
0x20: {  	[sflag:s8] =	ssyncset.s32 @!p0 $0xFFFFF086;
	s6 =	sadd.s32 @!p0 s3, s7;
	s7 =	simm.s32 @!p0 $0x108  }
0x21: {  	s3 =	sadd.s32 s3, s9;
	s6 =	sadd.s32 @!p0 $0x88, s6;
	s7 =	simm.s32 @p2 $0x1082  }
0x22: {  	[simem:s7], [sflag:s8] =	dma.local @!p0 [hbm:s6], $0xF7A  }
0x23: {  	s9 =	sor.u32 $0xD0000000, s2;
	s6 =	simm.s32 $0x108;
	_ =	swait.ge @!p0 [sflag:s8], $0x0  }
0x24: {  	s3 =	sadd.s32 $0x88, s3;
	s6 =	simm.s32 @!p1 $0x1082;
	[sflag:s4] =	ssyncset.s32 $0xFFFFF086  }
0x25: {  	[simem:s6], [sflag:s4] =	dma.local [hbm:s3], $0xF7A  }
0x26: {  	[smem:$0x3F8A] =	sst s1;
	(tag) =	ssettag s2;
	_ =	strace s9  }
0x27: {  	s1 =	sld [smem:$0x3F9A]  }
0x28: {  	s2 =	sld [smem:$0x3F9B]  }
0x29: {  	s4 =	sld [smem:$0x3F9D]  }
0x2a: {  	p0 =	seq.s32 s5, $0x0;
	s5 =	sld [smem:$0x3F9E]  }
0x2b: {  	s6 =	sld [smem:$0x3F9F]  }
0x2c: {  	s7 =	sld [smem:$0x3FA0]  }
0x2d: {  	s3 =	simm.s32 $0x108;
	s8 =	sld [smem:$0x3FA1]  }
0x2e: {  	s3 =	simm.s32 @!p0 $0x1082;
	s9 =	sld [smem:$0x3FA2]  }
0x2f: {  	lr =	sadd.s32 s0, s3;
	s0 =	sld [smem:$0x3F99]  }
0x30: {  	s3 =	sld [smem:$0x3F9C]  }
0x31: {  	[smem:$0x3FA5] =	sst s10  }
0x32: {  	s10 =	sld [smem:$0x3FA3];
	_ =	sdelay $0x3  }
0x33: {  	p0 =	seq.s32 s10, $0x1;
	s10 =	sld [smem:$0x3FA5];
	_ =	sdelay $0x3  }
0x34: {  	[smem:$0x3FA5] =	sst s10  }
0x35: {  	s10 =	sld [smem:$0x3FA4];
	_ =	sdelay $0x3  }
0x36: {  	p1 =	seq.s32 s10, $0x1;
	s10 =	sld [smem:$0x3FA5];
	_ =	sdelay $0x3  }
0x37: {  	[smem:$0x3FA5] =	sst s10  }
0x38: {  	s10 =	sld [smem:$0x3FA6]  }
0x39: {  	_ = 	snop;
	(pc) =	sbr.ind lr, $3  }
0x3a: {  	_ = 	snop  }
0x3b: {  	_ = 	snop  }
0x3c: {  	p2 =	seq.s32 s10, $0x1;
	s10 =	sld [smem:$0x3FA5]  }
0x3d: {  	_ =	shalt  }
0x3e: {  	_ =	shalt  }
0x3f: {  	_ =	shalt  }
0x40: {  	_ =	shalt  }
0x41: {  	_ =	shalt  }
0x42: {  	_ =	shalt  }
0x43: {  	_ =	shalt  }
0x44: {  	_ =	shalt  }
0x45: {  	_ =	shalt  }
0x46: {  	_ =	shalt  }
0x47: {  	_ =	shalt  }
0x48: {  	_ =	shalt  }
0x49: {  	_ =	shalt  }
0x4a: {  	_ =	shalt  }
0x4b: {  	_ =	shalt  }
0x4c: {  	_ =	shalt  }
0x4d: {  	_ =	shalt  }
0x4e: {  	_ =	shalt  }
0x4f: {  	_ =	shalt  }
0x50: {  	_ =	shalt  }
0x51: {  	_ =	shalt  }
0x52: {  	_ =	shalt  }
0x53: {  	_ =	shalt  }
0x54: {  	_ =	shalt  }
0x55: {  	_ =	shalt  }
0x56: {  	_ =	shalt  }
0x57: {  	_ =	shalt  }
0x58: {  	_ =	shalt  }
0x59: {  	_ =	shalt  }
0x5a: {  	_ =	shalt  }
0x5b: {  	_ =	shalt  }
0x5c: {  	_ =	shalt  }
0x5d: {  	_ =	shalt  }
0x5e: {  	_ =	shalt  }
0x5f: {  	_ =	shalt  }
0x60: {  	_ =	shalt  }
0x61: {  	_ =	shalt  }
0x62: {  	_ =	shalt  }
0x63: {  	_ =	shalt  }
0x64: {  	_ =	shalt  }
0x65: {  	_ =	shalt  }
0x66: {  	_ =	shalt  }
0x67: {  	_ =	shalt  }
0x68: {  	_ =	shalt  }
0x69: {  	_ =	shalt  }
0x6a: {  	_ =	shalt  }
0x6b: {  	_ =	shalt  }
0x6c: {  	_ =	shalt  }
0x6d: {  	_ =	shalt  }
0x6e: {  	_ =	shalt  }
0x6f: {  	_ =	shalt  }
0x70: {  	_ =	shalt  }
0x71: {  	_ =	shalt  }
0x72: {  	_ =	shalt  }
0x73: {  	_ =	shalt  }
0x74: {  	_ =	shalt  }
0x75: {  	_ =	shalt  }
0x76: {  	_ =	shalt  }
0x77: {  	_ =	shalt  }
0x78: {  	_ =	shalt  }
0x79: {  	_ =	shalt  }
0x7a: {  	_ =	shalt  }
0x7b: {  	_ =	shalt  }
0x7c: {  	_ =	shalt  }
0x7d: {  	_ =	shalt  }
0x7e: {  	_ =	shalt  }
0x7f: {  	_ =	shalt  }
0x80: {  	_ =	shalt  }
0x81: {  	_ =	shalt  }
0x82: {  	_ =	shalt  }
0x83: {  	_ =	shalt  }
0x84: {  	_ =	shalt  }
0x85: {  	_ =	shalt  }
0x86: {  	_ =	shalt  }
0x87: {  	_ =	shalt  }
.Lfunc_end0:
.L_simem_size_0:
called_computation.4_lowered:
.L_overlay_start_0:
0x88: {  	s0 =	sld [smem:$0x3FD9]  }
0x89: {  	s1 =	sld [smem:$0x3FFE];
	_ =	sdelay $0x3  }
0x8a: {  	s0 =	sadd.s32 s1, s0  }
0x8b: {  	[smem:$0x3FB1] =	sst s0  }
0x8c: {  	_ = 	snop  }
0x8d: {  	(tm) =	ssettm $0x1  }
0x8e: {  	s15 =	sld [smem:$0x3FFB];
	_ =	sdelay $0x3  }
0x8f: {  	_ =	strace s15  }
0x90: {  	s0 =	sld [smem:$0x3FFC];
	_ =	sdelay $0x3  }
0x91: {  	_ =	strace s0  }
0x92: {  	s0 =	sld [smem:$0x3FFD];
	_ =	sdelay $0x3  }
0x93: {  	_ =	strace s0  }
0x94: {  	_ =	strace $0x8FFFFFFF  }
0x95: {  	s16 =	sld [smem:$0x3FDB];
	_ =	sdelay $0x1  }
0x96: {  	s17 =	simm.s32 $_scs_section_size  }
0x97: {  	s2 =	simm.s32 $_size__tile_overlayer_lowered;
	s3 =	simm.s32 $_tile_overlayer_lowered  }
0x98: {  	s20 =	simm.s32 $0x1BFF;
	s19 =	sshll.u32 s3, $0x1;
	s0 =	sadd.s32 s17, s16  }
0x99: {  	s4 =	simm.s32 $0x0;
	s18 =	sshll.u32 s2, $0x1;
	s2 =	sadd.s32 s19, s0  }
0x9a: {  	[timem:s4], [sflag:s20] =	dma.local [hbm:s2], s18  }
0x9b: {  	_ =	swait.ge [sflag:s20], s18  }
0x9c: {  	s1 =	ssub.s32 $0x0, s18;
	[sflag:s20] =	ssyncset.done $0x0  }
0x9d: {  	[sflag:s20] =	ssyncadd.s32 s1;
	_ =	sdelay $0x1  }
0x9e: {  	s21 =	simm.s32 $0x1B8B  }
0x9f: {  	_ =	swait.ge [sflag:s21], $0x1  }
0xa0: {  	[sflag:s21] =	ssyncset.done $0x0  }
0xa1: {  	s23 =	simm.s32 $0x1B8E;
	s22 =	sld [smem:$0x3FFE];
	[sflag:s21] =	ssyncadd.s32 $0xFFFFFFFF  }
0xa2: {  	s24 =	simm.s32 $execute0_lowered;
	[smem:$0x3FD2] =	sst s23  }
0xa3: {  	s2 =	sshll.u32 s24, $0x1;
	_ =	strace $0x80000058;
	[dreg:$0x1] =	wrdreg $0xFFFFFFFF  }
0xa4: {  	s25 =	simm.s32 $_size_execute0_lowered;
	s0 =	sadd.s32 s0, s2;
	[dreg:$0x0] =	wrdreg $0x0  }
0xa5: {  	s2 =	sshll.u32 s25, $0x1;
	[dreg:$0x2] =	wrdreg s0  }
0xa6: {  	[dreg:$0x3] =	wrdreg s2  }
0xa7: {  	[dreg:$0x4] =	wrdreg $0xC0  }
0xa8: {  	_ =	task [dreg:s4], $0x5FFFF  }
0xa9: {  	[dreg:$0x1] =	wrdreg $0xFFFFFFFF  }
0xaa: {  	[dreg:$0x0] =	wrdreg $0x60  }
0xab: {  	[dreg:$0x2] =	wrdreg s22  }
0xac: {  	[dreg:$0x3] =	wrdreg $0x9  }
0xad: {  	_ =	task.clear_ibuf [dreg:s4], $0x4FFFF;
	_ =	strace $0x90000058  }
0xae: {  	s26 =	simm.s32 $0x9;
	_ =	strace $0x8000005A  }
0xaf: {  	_ =	swait.ge [sflag:s26], $0x1  }
0xb0: {  	[sflag:s26] =	ssyncadd.s32 $0xFFFFFFFF  }
0xb1: {  	_ =	strace $0x9000005A  }
0xb2: {  	_ =	sfence  }
0xb3: {  	s28 =	sld [smem:$0x0];
	_ =	sdelay $0x1  }
0xb4: {  	s29 =	srdreg.scid  }
0xb5: {  	s30 =	sshll.u32 s29, $0xD;
	s31 =	sshrl.u32 s29, $0x2  }
0xb6: {  	s1 =	sand.u32 $0x1, s29;
	s2 =	sand.u32 $0x4000, s30;
	s0 =	sadd.s32 s31, s28  }
0xb7: {  	s1 =	sor.u32 s2, s1;
	s0 =	sshll.u32 s0, $0x11  }
0xb8: {  	s0 =	sor.u32 s0, s1  }
0xb9: {  	s0 =	sadd.s32 $0x8F2B, s0  }
0xba: {  	[sflag:s0] =	ssyncadd.remote.s32 $0x1  }
0xbb: {  	_ =	sfence.sel $0xFFFF  }
0xbc: {  	[dreg:$0x0] =	wrdreg $0xFFFFFFFF;
	(pc) =	sbr.abs _section_cstart, $3  }
0xbd: {  	[dreg:$0x1] =	wrdreg $0xFFFFFFFF  }
0xbe: {  	_ =	task.clear_ibuf [dreg:s4], $0x2FFFF;
	_ =	strace $0x9FFFFFFF  }
0xbf: {  	(tm) =	ssettm $0x7FFFFFFF  }
tec
execute0_lowered:
.L_overlay_start_1:
0x0: {  	(tag) =	ssettag $0x1  }
0x1: {  	s0 =	rddreg [dreg:$0x0]  }
0x2: {  	s14 =	stileid.u32;
	_ =	strace $0x80000059;
	s2 =	simm.s32 $0x1  }
0x3: {  	v1 =	vimm.s32 $0xFFFFFFFF;
	s1 =	smin.u32 s14, $0x4;
	[sflag:s2] =	ssyncpa.u1 $0x0  }
0x4: {  	s1 =	sadd.s32 s14, s1;
	[tilespmem:$0x10] =	vst v1  }
0x5: {  	v0 =	vimm.f32 $0.0e+00;
	p0 =	slt.u32 s14, $0x4;
	[tilespmem:$0x20] =	vst v1;
	s3 =	smul.u32 $0x1F40, s1;
	s1 =	simm.s32 $0x3E80  }
0x6: {  	[tilespmem:$0x30] =	vst v0;
	s1 =	simm.s32 @!p0 $0x1F40  }
0x7: {  	[tilespmem:$0x40] =	vst v0;
	s1 =	sadd.s32 s1, s3  }
0x8: {  	[tilespmem:$0x50] =	vst v0;
	s4 =	smin.u32 s1, $0x27100  }
0x9: {  	[tilespmem:$0x60] =	vst v1;
	s9 =	ssub.s32 s4, s3  }
0xa: {  	s7 =	simm.s32 $0x2;
	s8 =	simm.s32 $0x8;
	[tilespmem:$0x70] =	vst v1;
	p0 =	sgt.s32 s9, $0x0  }
0xb: {  	s31 =	simm.s32 $0x9;
	s16 =	simm.s32 $0x0;
	[tilespmem:$0x80] =	vst v1;
	s9 =	simm.s32 @!p0 $0x0  }
0xc: {  	s17 =	simm.s32 $0xF0;
	s18 =	simm.s32 $0xFFFFFFFF;
	v1 =	vimm.s32 $0x0;
	[tilespmem:$0xB0] =	vst v0;
	s5 =	smulhi.u32 $0x10624DD3, s9  }
0xd: {  	s19 =	simm.s32 $0xFFFFC280;
	s20 =	simm.s32 $0xFFFFFFFE;
	s21 =	simm.s32 $0xF;
	[tilespmem:$0x90] =	vst v1  }
0xe: {  	[tilespmem:$0xA0] =	vst v1;
	[sflag:s7] =	ssyncpa.u1 $0x0;
	s7 =	simm.s32 $0x7;
	s10 =	sshrl.u32 s5, $0x9  }
0xf: {  	s25 =	simm.s32 $0x0;
	[sflag:s7] =	ssyncpa.u1 $0x0;
	s11 =	smul.u32 $0x1F40, s10  }
0x10: {  	s24 =	simm.s32 $0x0;
	s6 =	sadd.s32 $0x11800, s0;
	[sflag:s8] =	ssyncpa.u1 $0x0  }
.Ltmp0:
0x11: {  	s23 =	smov.u32 s3;
	p0 =	sne.s32 s9, s11;
	(pc) =	sbr.rel .LBB2_1-.Ltmp0, $4  }
0x12: {  	s1 =	sadd.s32 $0x6F000, s0;
	[sflag:s31] =	ssyncpa.u1 $0x0;
	s2 =	simm.s32 @!p0 $0x0  }
0x13: {  	s5 =	sadd.s32 $0x2800, s0;
	p0 =	por $0x0, $0x0;
	s9 =	sadd.s32 s2, s10  }
0x14: {  	vm0 =	vmmov $0xffff;
	v2 =	vlaneseq.u32;
	s10 =	sshll.u32 s14, $0x1;
	s14 =	sshllo.u32 s14, $0x1;
	s11 =	sadd.s32 $0x1, s9  }
0x15: {  	vm1 =	vmxor vm1, vm1;
	vm2 =	vmmov $0x1;
	vm3 =	vcmask $0x3F3C;
	s12 =	sadd.s32 $0x2, s9;
	s13 =	sor.u32 $0x81, s10;
	s15 =	sor.u32 $0x80, s10  }
.LBB2_9:
0x16: {  	p1 =	slt.u32 s24, $0x3  }
0x17: {  	s0 =	simm.s32 @!p1 $0x2  }
0x18: {  	_ =	swait.ge @!p1 [sflag:s0], $0x1F40  }
0x19: {  	[sflag:s0] =	ssyncset.done @!p1 $0x0  }
0x1a: {  	[sflag:s0] =	ssyncadd.s32 @!p1 $0xFFFFE0C0;
	s0 =	simm.s32 @!p1 $0x9  }
0x1b: {  	_ =	swait.ge @!p1 [sflag:s0], $0x10  }
0x1c: {  	[sflag:s0] =	ssyncset.done @!p1 $0x0  }
0x1d: {  	[sflag:s0] =	ssyncadd.s32 @!p1 $0xFFFFFFF0;
	p1 =	sne.s32 s24, s12  }
.Ltmp1:
0x1e: {  	s2 =	sadd.s32 $0x1F40, s23;
	(pc) =	sbr.rel @!p1 .LBB2_10-.Ltmp1, $4  }
0x1f: {  	s22 =	smov.u32 s3;
	s31 =	sadd.s32 $0x1, s24;
	s17 =	sadd.s32 $0x1F40, s17  }
0x20: {  	s18 =	sadd.s32 $0x1, s18;
	s25 =	smov.u32 s23;
	p2 =	slt.s32 s2, s4  }
0x21: {  	p0 =	por !p0, !p0;
	s19 =	sadd.s32 $0x1F40, s19;
	s22 =	smov.u32 @p2 s2  }
0x22: {  	s20 =	sadd.s32 $0x1, s20;
	s23 =	smov.u32 s22;
	s24 =	smov.u32 s31  }
.LBB2_1:
0x23: {  	p1 =	sge.u32 s24, s9  }
0x24: {  	s0 =	smulhi.u32 @!p1 $0xAAAAAAAB, s24;
	_ =	sdelay $0x1  }
0x25: {  	s0 =	sshrl.u32 @!p1 s0, $0x1  }
0x26: {  	s0 =	smul.u32 @!p1 $0x3, s0;
	_ =	sdelay $0x1  }
0x27: {  	s0 =	ssub.s32 @!p1 s24, s0  }
0x28: {  	s0 =	smul.u32 @!p1 $0x7D00, s0;
	_ =	sdelay $0x1  }
0x29: {  	s2 =	sshrl.u32 @!p1 s23, $0x3;
	s0 =	sshrl.u32 @!p1 s0, $0x2  }
0x2a: {  	s22 =	sand.u32 @!p1 $0x7, s23;
	s2 =	sadd.s32 @!p1 s5, s2;
	s0 =	sadd.s32 @!p1 $0x100, s0  }
0x2b: {  	[tilespmem:s0], [sflag:$0x7] =	stream.linear.gather @!p1 [hbm4b:s2+s22], $0x1F40, $0x38;
	[tilespmem:$0x11A60] =	vst v63  }
0x2c: {  	s0 =	sadd.s32 $0xFFFFFFFF, s24  }
0x2d: {  	p1 =	sge.u32 s0, s9  }
.Ltmp2:
0x2e: {  	_ = 	snop;
	(pc) =	sbr.rel @p1 .LBB2_5-.Ltmp2, $1  }
0x2f: {  	_ =	sdelay $0x3  }
0x30: {  	s2 =	smulhi.u32 $0xAAAAAAAB, s0;
	_ =	sdelay $0x1  }
0x31: {  	s2 =	sshrl.u32 s2, $0x1  }
0x32: {  	s2 =	smul.u32 $0x3, s2;
	_ =	sdelay $0x1  }
0x33: {  	s2 =	ssub.s32 s0, s2  }
0x34: {  	s2 =	smul.u32 $0x7D00, s2  }
0x35: {  	_ =	swait.ge [sflag:s7], $0x1F40  }
0x36: {  	[sflag:s7] =	ssyncset.done $0x0;
	s2 =	sshrl.u32 s2, $0x2  }
0x37: {  	[sflag:s7] =	ssyncadd.s32 $0xFFFFE0C0;
	(ifvalue) =	ssetifvalue $0xFFFFFFFF;
	v3 =	vld.msk [tilespmem:s2+$0x100 ss:$0x1], $0xffff;
	_ =	sdelay $0x2  }
0x38: {  	s30 =	smulhi.u32 $0xAAAAAAAB, s18;
	p1 =	sne.s32 s24, $0x1  }
0x39: {  	v4 =	vimm.s32 @!p1 $0x0  }
0x3a: {  	s2 =	sshrl.u32 s30, $0x1;
	v4 =	vperm.xlane @!p1 v3, v4  }
0x3b: {  	s22 =	sshll.u32 s24, $0x4;
	s2 =	smul.u32 $0xFFFE8900, s2;
	vm4 =	vlt.u32 v3, $0x2800  }
0x3c: {  	s22 =	sand.u32 $0x10, s22;
	v3 =	vnsel vm4, $0xFFFFFFFE, v3;
	vm4 =	vlt.u32 @!p1 v4, $0x2800  }
0x3d: {  	s2 =	sshra.s32 s2, $0x2;
	[tilespmem:s22+$0x60] =	vst v3;
	v3 =	vnsel @!p1 vm4, $0xFFFFFFFE, v4  }
0x3e: {  	s28 =	sadd.s32 s2, s17;
	[tilespmem:$0x80] =	vst @!p1 v3  }
0x3f: {  	v3 =	vld.msk [tilespmem:s28+$0x0 ss:$0x1], $0xffff;
	_ =	sdelay $0x4  }
0x40: {  	(xrf1) =	vunique.msk.u32 $0xffff, v3;
	_ =	sdelay $0xd  }
0x41: {  	v4 =	vimm.s32 $0xFFFFFFFF;
	v5, _, _ =	vpop (xrf1)  }
0x42: {  	vm5 =	vne.s32 v3, v4;
	vm4 =	veq.s32 v5, v2  }
0x43: {  	vm6 =	vlt.u32 v3, $0x2800;
	vm4 =	vmand vm5, vm4  }
0x44: {  	vm4 =	vmand vm6, vm4  }
0x45: {  	v4 =	vnsel vm4, $0xFFFFFFFF, v3  }
0x46: {  	s31 =	sand.u32 $0x1, s0  }
0x47: {  	s0 =	simm.s32 $0x1F40;
	p1 =	seq.s32 s31, $0x1  }
0x48: {  	s0 =	simm.s32 @!p1 $0x0  }
0x49: {  	s26 =	sadd.s32 $0x7DF0, s0;
	(ifvalue) =	ssetifvalue $0xFFFFFFFF  }
0x4a: {  	v3 =	vperm.xlane v3, v1;
	[tilespmem:s26], [sflag:$0x8] =	stream.indirect_vreg.gather [hbm4b:s1+s16], $0x1, v4, vm0, $0x4038;
	v4 =	vnsel vm6, $0xFFFFFFFE, v4;
	[tilespmem:$0x11A60] =	vst v63  }
0x4b: {  	s2 =	simm.s32 $0x0;
	s22 =	sadd.s32 $0xFFFFFFF0, s28;
	[tilespmem:s28+$0x0] =	vst v4  }
.LBB2_3:
0x4c: {  	v4 =	vld.msk [tilespmem:s22+$0x0 ss:$0x1], $0xffff;
	s2 =	sadd.s32 $0x10, s2;
	v5 =	vmov v3;
	s28 =	smov.u32 s22  }
0x4d: {  	p1 =	slt.u32 s2, $0x1F30;
	_ =	sdelay $0x4  }
0x4e: {  	v3 =	vperm.xlane v4, v1;
	(xrf1) =	vunique.msk.u32 $0xffff, v4;
	_ =	sdelay $0xd  }
0x4f: {  	v6, _, _ =	vpop (xrf1)  }
0x50: {  	vm5 =	vne.s32 v4, v5;
	vm4 =	veq.s32 v6, v2  }
0x51: {  	vm6 =	vlt.u32 v4, $0x2800;
	vm4 =	vmand vm5, vm4  }
0x52: {  	vm4 =	vmand vm6, vm4  }
0x53: {  	v4 =	vnsel vm4, $0xFFFFFFFF, v4  }
.Ltmp3:
0x54: {  	v5 =	vnsel vm6, $0xFFFFFFFE, v4;
	(pc) =	sbr.rel @p1 .LBB2_3-.Ltmp3, $3  }
0x55: {  	_ =	sdelay $0x1  }
0x56: {  	s22 =	sadd.s32 $0xFFFFFFF0, s22;
	s26 =	sadd.s32 $0xFFFFFFF0, s26;
	(ifvalue) =	ssetifvalue $0xFFFFFFFF  }
0x57: {  	[tilespmem:s26], [sflag:$0x8] =	stream.indirect_vreg.gather [hbm4b:s1+s16], $0x1, v4, vm0, $0x4038;
	[tilespmem:s28+$0x0] =	vst v5  }
0x58: {  	s2 =	sshrl.u32 s25, $0x3  }
0x59: {  	s0 =	sadd.s32 $0x9D40, s0;
	s2 =	sadd.s32 s6, s2  }
0x5a: {  	[tilespmem:s0], [sflag:$0x8] =	stream.linear.gather [hbm:s2], $0x1F40, $0x38;
	[tilespmem:$0x11A60] =	vst v63  }
.LBB2_5:
0x5b: {  	p1 =	slt.u32 s24, $0x2  }
0x5c: {  	p2 =	sge.u32 @!p1 s24, s12  }
0x5d: {  	p1 =	por p1, p2  }
.Ltmp4:
0x5e: {  	_ = 	snop;
	(pc) =	sbr.rel @p1 .LBB2_9-.Ltmp4, $1  }
0x5f: {  	_ =	sdelay $0x3  }
0x60: {  	s0 =	sadd.s32 $0xFFFFFFFE, s24  }
0x61: {  	s2 =	smulhi.u32 $0xAAAAAAAB, s0;
	_ =	sdelay $0x1  }
0x62: {  	s2 =	sshrl.u32 s2, $0x1  }
0x63: {  	s2 =	smul.u32 $0x3, s2;
	_ =	sdelay $0x1  }
0x64: {  	s0 =	ssub.s32 s0, s2  }
0x65: {  	_ =	swait.ge [sflag:s8], $0x3E80;
	s0 =	smul.u32 $0x1F40, s0  }
0x66: {  	p1 =	sne.s32 s24, s11;
	[sflag:s8] =	ssyncset.done $0x0  }
0x67: {  	[sflag:s8] =	ssyncadd.s32 $0xFFFFC180;
	s2 =	sadd.s32 @!p1 $0x203F, s0  }
0x68: {  	[spmem:s13] =	stream.linear.scatter @!p1 [tilespmem:s2], [sflag:$0x1], $0x1, $0x38;
	[tilespmem:$0x11A60] =	vst v63  }
0x69: {  	s2 =	simm.s32 @!p1 $0x1  }
0x6a: {  	_ =	swait.ge @!p1 [sflag:s2], $0x1  }
0x6b: {  	s22 =	sshll.u32 s24, $0x4;
	[sflag:s2] =	ssyncset.done @!p1 $0x0  }
0x6c: {  	s25 =	sand.u32 $0x10, s22;
	[sflag:s2] =	ssyncadd.s32 @!p1 $0xFFFFFFFF  }
0x6d: {  	s2 =	sxor.u32 $0x10, s25;
	v4 =	vld [tilespmem:s25+$0x10]  }
0x6e: {  	v5 =	vld [tilespmem:s2+$0x60]  }
0x6f: {  	v3 =	vld [tilespmem:$0x80];
	_ =	sdelay $0x2  }
0x70: {  	(v2sf) =	vpush v4, $0x0  }
0x71: {  	(v2sf) =	vpush v5, $0x0  }
0x72: {  	(v2sf) =	vpush v3, $0x0;
	_ =	sdelay $0xc  }
0x73: {  	s22 =	spop (v2sf)  }
0x74: {  	s26 =	spop (v2sf)  }
0x75: {  	s28 =	spop (v2sf)  }
0x76: {  	p2 =	seq.s32 s22, s26;
	p3 =	seq.s32 s28, s22  }
0x77: {  	p3 =	por p2, p3  }
0x78: {  	s26 =	sand.u32 $0x1, s24;
	v4 =	vpsel p3, $0xFFFFFFFF, v4  }
0x79: {  	s29 =	smul.u32 $0x1F40, s26;
	[tilespmem:s25+$0x10] =	vst.msk $0x1, v4  }
0x7a: {  	v4 =	vld [tilespmem:$0x30]  }
0x7b: {  	v5 =	vld [tilespmem:s29+$0x9D40]  }
0x7c: {  	v6 =	vld [tilespmem:s25+$0x40];
	_ =	sdelay $0x3  }
0x7d: {  	vm4 =	vmmov vm1;
	v5 =	vadd.f32 v5, v4  }
0x7e: {  	vm5 =	vmmov vm2;
	vm4 =	vmmov @p2 vm2;
	s22 =	sshll.u32 s26, $0x4;
	v4 =	vadd.f32 v6, v4  }
0x7f: {  	s26 =	sor.u32 $0x11A40, s22;
	vm5 =	vmmov @p3 vm1;
	[tilespmem:s29+$0x9D40] =	vst.msk vm4, v5  }
0x80: {  	[tilespmem:s26+$0x0] =	vst.msk vm5, v4  }
0x81: {  	v4 =	vld [tilespmem:s29+$0x7DF0];
	_ =	sdelay $0x3  }
0x82: {  	v5 =	vimm.f32 $0.0e+00  }
0x83: {  	v4 =	vshift.insert v4, v5, s21  }
0x84: {  	s22 =	sor.u32 $0x40, s2  }
0x85: {  	[tilespmem:s22+$0x0] =	vst.msk $0x1, v4  }
0x86: {  	[tilespmem:s29+$0x7DFF] =	vst.msk $0x1, v5  }
0x87: {  	v4 =	vld [tilespmem:s0+$0x2030];
	_ =	sdelay $0x1  }
0x88: {  	s22 =	smulhi.u32 $0xAAAAAAAB, s20;
	s0 =	simm.s32 $0x1  }
0x89: {  	s0 =	simm.s32 @!p0 $0x0  }
0x8a: {  	s22 =	sshrl.u32 s22, $0x1;
	s0 =	smul.u32 $0x7D00, s0  }
0x8b: {  	s22 =	smul.u32 $0xFFFE8900, s22;
	v4 =	vshift.insert v4, v1, s21  }
0x8c: {  	s0 =	sshrl.u32 s0, $0x2  }
0x8d: {  	s22 =	sshra.s32 s22, $0x2;
	s30 =	sadd.s32 $0x9D40, s0;
	[tilespmem:s2+$0x10] =	vst.msk $0x1, v4  }
0x8e: {  	s22 =	sadd.s32 s22, s19;
	v6 =	vld [tilespmem:s30+$0x0]  }
0x8f: {  	v7 =	vld [tilespmem:s22+$0x0];
	_ =	sdelay $0x3  }
0x90: {  	v5 =	vadd.f32 v6, v5  }
0x91: {  	vm4 =	vne.s32 v7, $0xFFFFFFFF  }
0x92: {  	(xrf2) =	vadd.seg.scan.f32 vm4, v5;
	_ =	sdelay $0x3  }
0x93: {  	s31 =	sadd.s32 $0x5EC0, s0;
	v5 =	vperm.xlane v4, v1  }
0x94: {  	v6 =	vld [tilespmem:s31+$0x0]  }
0x95: {  	vm5 =	veq.s32 v7, v3;
	vm6 =	veq.s32 v7, v5  }
0x96: {  	vm7 =	vgt.u32 v7, $0xFFFFFFFD;
	vm6 =	vmor vm6, vm5  }
0x97: {  	vm6 =	vmor vm6, vm7  }
0x98: {  	v9 =	vld [tilespmem:$0xA0];
	v7 =	vsel vm6, $0xFFFFFFFF, v7  }
0x99: {  	v10 =	vld [tilespmem:$0x90];
	v6 =	vsel vm5, $0x0, v6;
	v8, _, _ =	vpop (xrf2)  }
0x9a: {  	v6 =	vadd.f32 v8, v6  }
0x9b: {  	s0 =	sadd.s32 $0xDBC0, s0  }
0x9c: {  	vm4 =	vmand vm4, vm3;
	[tilespmem:s0+$0x0] =	vst v6;
	(ifvalue) =	ssetifvalue $0xFFFFFFFF  }
0x9d: {  	vm6 =	veq.s32 v9, $0x1;
	[hbm4b:s1+s16] =	stream.indirect_vreg.scatter [tilespmem:s0], [sflag:$0x2], $0x1, v7, vm0, $0x4038;
	v7 =	vsel vm4, $0x0, v8;
	[tilespmem:$0x11A60] =	vst v63  }
0x9e: {  	s2 =	simm.s32 $0x0;
	s22 =	sadd.s32 $0x10, s22;
	vm4 =	vmor vm6, vm5;
	v6 =	vsel vm5, v8, v10;
	v7 =	vshift.insert v7, v0, s21  }
.LBB2_7:
0x9f: {  	v8 =	vld [tilespmem:s22+$0x0];
	s30 =	sadd.s32 $0x10, s30  }
0xa0: {  	s31 =	sadd.s32 $0x10, s31;
	v9 =	vld [tilespmem:s30+$0x0]  }
0xa1: {  	s2 =	sadd.s32 $0x10, s2;
	v10 =	vld [tilespmem:s31+$0x0]  }
0xa2: {  	p2 =	slt.u32 s2, $0x1F30;
	_ =	sdelay $0x2  }
0xa3: {  	v7 =	vadd.f32 v9, v7  }
0xa4: {  	vm5 =	vne.s32 v8, $0xFFFFFFFF  }
0xa5: {  	vm6 =	vmand vm5, vm3;
	(xrf2) =	vadd.seg.scan.f32 vm5, v7;
	_ =	sdelay $0x5  }
0xa6: {  	vm7 =	veq.s32 v8, v5;
	vm5 =	veq.s32 v8, v3  }
0xa7: {  	vm8 =	vgt.u32 v8, $0xFFFFFFFD;
	vm4 =	vmor vm4, vm5;
	vm7 =	vmor vm7, vm5  }
0xa8: {  	vm7 =	vmor vm7, vm8  }
0xa9: {  	v8 =	vsel vm7, $0xFFFFFFFF, v8  }
.Ltmp5:
0xaa: {  	v7 =	vsel vm5, $0x0, v10;
	v9, _, _ =	vpop (xrf2);
	(pc) =	sbr.rel @p2 .LBB2_7-.Ltmp5, $4  }
0xab: {  	v6 =	vsel vm5, v9, v6;
	v10 =	vadd.f32 v9, v7;
	v7 =	vsel vm6, $0x0, v9  }
0xac: {  	s0 =	sadd.s32 $0x10, s0;
	v7 =	vshift.insert v7, v0, s21  }
0xad: {  	s22 =	sadd.s32 $0x10, s22;
	[tilespmem:s0+$0x0] =	vst v10;
	(ifvalue) =	ssetifvalue $0xFFFFFFFF  }
0xae: {  	[hbm4b:s1+s16] =	stream.indirect_vreg.scatter [tilespmem:s0], [sflag:$0x2], $0x1, v8, vm0, $0x4038;
	[tilespmem:$0x11A60] =	vst v63  }
0xaf: {  	v3 =	vld [tilespmem:s29+$0xFAF0];
	_ =	sdelay $0x4  }
0xb0: {  	v3 =	vshift.insert v3, v0, s21  }
0xb1: {  	s0 =	simm.s32 $0x30  }
0xb2: {  	[tilespmem:s0+$0x0] =	vst.msk $0x1, v3  }
0xb3: {  	v3 =	vsel vm4, $0x1, v1;
	[tilespmem:$0x90] =	vst v6  }
0xb4: {  	s0 =	sadd.s32 @!p1 $0xFAFF, s29;
	[tilespmem:$0xA0] =	vst v3  }
0xb5: {  	[spmem:s14] =	stream.linear.scatter @!p1 [tilespmem:s0], [sflag:$0x1], $0x1, $0x38;
	[tilespmem:$0x11A60] =	vst v63  }
0xb6: {  	s0 =	simm.s32 @!p1 $0x1  }
0xb7: {  	v3 =	vmctz.xlane @!p1 vm4;
	_ =	swait.ge @!p1 [sflag:s0], $0x1  }
0xb8: {  	(v2sf) =	vpush @!p1 v4, $0x0  }
0xb9: {  	(v2sf) =	vpush @!p1 v3, $0x0;
	_ =	sdelay $0xd  }
0xba: {  	s2 =	spop @!p1 (v2sf)  }
0xbb: {  	s22 =	spop @!p1 (v2sf)  }
0xbc: {  	p2 =	sne.s32 @!p1 s28, s2;
	p3 =	slt.s32 @!p1 s22, $0xF  }
0xbd: {  	[sflag:s0] =	ssyncset.done @!p1 $0x0;
	p2 =	por p2, p1;
	p3 =	por !p3, p1  }
0xbe: {  	[sflag:s0] =	ssyncadd.s32 @!p1 $0xFFFFFFFF;
	v3 =	vimm.s32 @!p2 $0xFFFFFFFF;
	s22 =	simm.s32 @p3 $0xF  }
0xbf: {  	[tilespmem:$0x80] =	vst @!p2 v3;
	s2 =	sadd.s32 @!p1 $0x90, s22  }
0xc0: {  	[spmem:s10] =	stream.linear.scatter @!p1 [tilespmem:s2], [sflag:$0x1], $0x1, $0x38;
	[tilespmem:$0x11A60] =	vst v63  }
0xc1: {  	_ =	swait.ge @!p1 [sflag:s0], $0x1  }
0xc2: {  	[sflag:s0] =	ssyncset.done @!p1 $0x0  }
0xc3: {  	s2 =	simm.s32 @!p1 $0x80;
	[sflag:s0] =	ssyncadd.s32 @!p1 $0xFFFFFFFF  }
0xc4: {  	[spmem:s15] =	stream.linear.scatter @!p1 [tilespmem:s2], [sflag:$0x1], $0x1, $0x38;
	[tilespmem:$0x11A60] =	vst v63  }
0xc5: {  	_ =	swait.ge @!p1 [sflag:s0], $0x1  }
0xc6: {  	[sflag:s0] =	ssyncset.done @!p1 $0x0  }
0xc7: {  	[sflag:s0] =	ssyncadd.s32 @!p1 $0xFFFFFFFF;
	(ifvalue) =	ssetifvalue $0xFFFFFFFF;
	v3 =	vld [tilespmem:s25+$0x10];
	_ =	sdelay $0x3  }
.Ltmp6:
0xc8: {  	_ = 	snop;
	(pc) =	sbr.rel .LBB2_9-.Ltmp6, $3  }
0xc9: {  	_ =	sdelay $0x1  }
0xca: {  	(ifvalue) =	ssetifvalue $0xFFFFFFFF  }
0xcb: {  	[hbm4b:s1+s16] =	stream.indirect_vreg.scatter [tilespmem:s26], [sflag:$0x9], $0x1, v3, vm0, $0x4038;
	[tilespmem:$0x11A60] =	vst v63  }
.LBB2_10:
0xcc: {  	_ =	sfence.sel $0x180000  }
0xcd: {  	s0 =	simm.s32 $0x7;
	[bflag:$0x0] =	sbarrier.arrive $0xFFFF  }
0xce: {  	s26 =	simm.s32 $0x8;
	[sflag:s0] =	ssyncpa.u1 $0x1  }
0xcf: {  	s28 =	simm.s32 $0x9;
	[sflag:s26] =	ssyncpa.u1 $0x1  }
0xd0: {  	[sflag:s28] =	ssyncpa.u1 $0x1  }
0xd1: {  	_ =	sfence.stream.spmem  }
0xd2: {  	s29 =	simm.s32 $0x3;
	[bflag:$0x0] =	sbarrier.arrive $0xFFFF  }
0xd3: {  	s30 =	simm.s32 $0x4;
	[sflag:s29] =	ssyncpa.u1 $0x1  }
0xd4: {  	s31 =	simm.s32 $0x3C;
	s2 =	stileid.u32;
	[sflag:s30] =	ssyncpa.u1 $0x1  }
0xd5: {  	p0 =	sne.s32 s2, $0x0;
	[sflag:s31] =	ssyncpa.u1 $0x1  }
0xd6: {  	s0 =	simm.s32 @p0 $0x1;
	_ =	sfence @p0  }
0xd7: {  	[sflag:s0] =	ssyncpa.u1 @p0 $0x1;
	s0 =	simm.s32 @p0 $0x2  }
0xd8: {  	[sflag:s0] =	ssyncpa.u1 @p0 $0x1  }
0xd9: {  	_ =	strace @p0 $0x90000059  }
0xda: {  	[bflag:$0x2] =	sbarrier.arrive @p0 $0xFFFF  }
0xdb: {  	_ =	shalt @p0  }
.LBB2_11:
0xdc: {  	_ =	sfence.stream.spmem;
	s0 =	simm.s32 $0x5  }
0xdd: {  	s2 =	simm.s32 $0x80;
	s3 =	simm.s32 $0xC0;
	[sflag:s0] =	ssyncpa.u1 $0x0  }
0xde: {  	[tilespmem:s3], [sflag:$0x5] =	stream.linear.gather [spmem:s2], $0x20, $0x38;
	[tilespmem:$0x11A60] =	vst v63  }
0xdf: {  	s2 =	simm.s32 $0x0;
	s3 =	simm.s32 $0xE0  }
0xe0: {  	[tilespmem:s3], [sflag:$0x5] =	stream.linear.gather [spmem:s2], $0x20, $0x38;
	[tilespmem:$0x11A60] =	vst v63  }
.Ltmp7:
0xe1: {  	_ = 	snop;
	(pc) =	sbr.rel .LBB2_12-.Ltmp7, $4  }
0xe2: {  	_ =	swait.ge [sflag:s0], $0x40  }
0xe3: {  	[sflag:s0] =	ssyncset.done $0x0  }
0xe4: {  	s31 =	simm.s32 $0x6;
	[sflag:s0] =	ssyncadd.s32 $0xFFFFFFC0  }
0xe5: {  	s4 =	simm.s32 $0x0;
	[sflag:s31] =	ssyncpa.u1 $0x0  }
.LBB2_17:
0xe6: {  	p0 =	sgt.u32 s5, $0x27FF  }
0xe7: {  	s0 =	sshrl.u32 @!p0 s5, $0x3  }
0xe8: {  	s5 =	sand.u32 @!p0 $0x7, s5;
	s6 =	simm.s32 @!p0 $0xB0;
	s0 =	sadd.s32 @!p0 s1, s0  }
0xe9: {  	[tilespmem:s6], [sflag:$0x6] =	stream.linear.gather @!p0 [hbm4b:s0+s5], $0x1, $0x38;
	[tilespmem:$0x11A60] =	vst v63  }
0xea: {  	s0 =	simm.s32 @!p0 $0x6  }
0xeb: {  	_ =	swait.ge @!p0 [sflag:s0], $0x1  }
0xec: {  	[sflag:s0] =	ssyncset.done @!p0 $0x0  }
0xed: {  	[sflag:s0] =	ssyncadd.s32 @!p0 $0xFFFFFFFF  }
0xee: {  	v2 =	vmov @!p0 s4;
	v1 =	vld.msk @!p0 [tilespmem:$0xB0], $0x1;
	_ =	sdelay $0x3  }
0xef: {  	s0 =	simm.s32 @!p0 $0xE0  }
0xf0: {  	[tilespmem:v2+s0+$0x0], v1 =	vst.idx.ret.add.f32.msk @!p0 $0x1, v1  }
0xf1: {  	[tilespmem:s2+$0xC0] =	vst.msk $0x1, v0  }
0xf2: {  	v0 =	vld.msk [tilespmem:s4+$0xE0], $0x1;
	_ =	sdelay $0x4  }
0xf3: {  	[tilespmem:s2+$0xE0] =	vst.msk $0x1, v0;
	s2 =	sadd.s32 $0x1, s2  }
.LBB2_19:
0xf4: {  	s4 =	sadd.s32 $0x1, s4  }
0xf5: {  	p0 =	sne.s32 s4, $0x20  }
.Ltmp8:
0xf6: {  	_ = 	snop;
	(pc) =	sbr.rel @!p0 .LBB2_20-.Ltmp8, $1  }
0xf7: {  	_ =	sdelay $0x3  }
.LBB2_12:
0xf8: {  	v0 =	vld.msk [tilespmem:s4+$0xC0], $0x1;
	_ =	sdelay $0x4  }
0xf9: {  	(v2sf) =	vpush v0, $0x0;
	_ =	sdelay $0xe  }
0xfa: {  	s5 =	spop (v2sf)  }
0xfb: {  	p0 =	seq.s32 s5, $0xFFFFFFFF  }
.Ltmp9:
0xfc: {  	_ = 	snop;
	(pc) =	sbr.rel @p0 .LBB2_19-.Ltmp9, $1  }
0xfd: {  	_ =	sdelay $0x3  }
0xfe: {  	p0 =	slt.s32 s2, $0x1  }
.Ltmp10:
0xff: {  	_ = 	snop;
	(pc) =	sbr.rel @p0 .LBB2_17-.Ltmp10, $1  }
0x100: {  	_ =	sdelay $0x3  }
0x101: {  	s0 =	simm.s32 $0xC0;
	p0 =	por $0x0, $0x0  }
0x102: {  	v1 =	vld.msk @!p0 [tilespmem:s0+$0x0], $0x1;
	_ =	sdelay $0x4  }
0x103: {  	(v2sf) =	vpush @!p0 v1, $0x0;
	_ =	sdelay $0xd  }
0x104: {  	p2 =	sne.s32 s2, $0x1  }
.Ltmp11:
0x105: {  	s6 =	spop @!p0 (v2sf);
	(pc) =	sbr.rel @!p2 .LBB2_16-.Ltmp11, $4  }
0x106: {  	p1 =	seq.s32 @!p0 s5, s6  }
0x107: {  	s6 =	simm.s32 $0x0;
	p1 =	por !p1, p0  }
0x108: {  	s8 =	simm.s32 $0xFFFFFFFF;
	s6 =	simm.s32 @p1 $0xFFFFFFFF  }
0x109: {  	s7 =	simm.s32 $0x1;
	s6 =	smov.u32 @p0 s8  }
.LBB2_15:
0x10a: {  	s8 =	smov.u32 s6;
	p0 =	sne.s32 s6, $0xFFFFFFFF  }
0x10b: {  	s0 =	sadd.s32 $0x1, s0;
	s6 =	smov.u32 s7;
	s7 =	sadd.s32 $0x1, s7  }
0x10c: {  	p1 =	sne.s32 s2, s7;
	v1 =	vld.msk @!p0 [tilespmem:s0+$0x0], $0x1;
	_ =	sdelay $0x4  }
0x10d: {  	(v2sf) =	vpush @!p0 v1, $0x0;
	_ =	sdelay $0xe  }
.Ltmp12:
0x10e: {  	s9 =	spop @!p0 (v2sf);
	(pc) =	sbr.rel @p1 .LBB2_15-.Ltmp12, $4  }
0x10f: {  	p2 =	seq.s32 @!p0 s5, s9  }
0x110: {  	p2 =	por !p2, p0  }
0x111: {  	s6 =	simm.s32 @p2 $0xFFFFFFFF  }
0x112: {  	s6 =	smov.u32 @p0 s8  }
.LBB2_16:
0x113: {  	p0 =	sne.s32 s6, $0xFFFFFFFF  }
.Ltmp13:
0x114: {  	_ = 	snop;
	(pc) =	sbr.rel @!p0 .LBB2_17-.Ltmp13, $1  }
0x115: {  	_ =	sdelay $0x3  }
0x116: {  	v0 =	vld.msk [tilespmem:s4+$0xE0], $0x1;
	v1 =	vmov s6  }
.Ltmp14:
0x117: {  	_ = 	snop;
	(pc) =	sbr.rel .LBB2_19-.Ltmp14, $2  }
0x118: {  	_ =	sdelay $0x2  }
0x119: {  	[tilespmem:v1+s3+$0x0], v0 =	vst.idx.ret.add.f32.msk $0x1, v0  }
.LBB2_20:
0x11a: {  	p0 =	slt.s32 s2, $0x1  }
.Ltmp15:
0x11b: {  	_ = 	snop;
	(pc) =	sbr.rel @p0 .LBB2_24-.Ltmp15, $3  }
0x11c: {  	_ =	sdelay $0x1  }
0x11d: {  	s0 =	simm.s32 $0x6  }
0x11e: {  	s3 =	simm.s32 $0x0;
	[sflag:s0] =	ssyncpa.u1 $0x1  }
0x11f: {  	s0 =	simm.s32 $0xC0  }
0x120: {  	v0 =	vld.msk [tilespmem:s0+$0x0], $0x1;
	_ =	sdelay $0x4  }
0x121: {  	(v2sf) =	vpush v0, $0x0;
	_ =	sdelay $0xe  }
0x122: {  	s2 =	sadd.s32 $0xFFFFFFFF, s2;
	s4 =	spop (v2sf)  }
0x123: {  	p1 =	sne.s32 s2, $0x0;
	p0 =	sgt.u32 s4, $0x27FF  }
.Ltmp16:
0x124: {  	s5 =	sshrl.u32 @!p0 s4, $0x3;
	(pc) =	sbr.rel @!p1 .LBB2_23-.Ltmp16, $4  }
0x125: {  	s0 =	simm.s32 $0xE0;
	s4 =	sand.u32 @!p0 $0x7, s4;
	s5 =	sadd.s32 @!p0 s1, s5  }
0x126: {  	[hbm4b:s5+s4] =	stream.linear.scatter @!p0 [tilespmem:s0], [sflag:$0x5], $0x1, $0x38;
	[tilespmem:$0x11A60] =	vst v63  }
0x127: {  	s5 =	simm.s32 $0x0  }
0x128: {  	s4 =	simm.s32 $0xC1;
	s5 =	simm.s32 @!p0 $0x4  }
.LBB2_22:
0x129: {  	v0 =	vld.msk [tilespmem:s4+$0x0], $0x1;
	s2 =	sadd.s32 $0xFFFFFFFF, s2;
	s3 =	sadd.s32 s3, s5  }
0x12a: {  	p0 =	sne.s32 s2, $0x0;
	_ =	sdelay $0x3  }
0x12b: {  	(v2sf) =	vpush v0, $0x0;
	_ =	sdelay $0xe  }
.Ltmp17:
0x12c: {  	s6 =	spop (v2sf);
	(pc) =	sbr.rel @p0 .LBB2_22-.Ltmp17, $4  }
0x12d: {  	s5 =	simm.s32 $0x0;
	p1 =	sgt.u32 s6, $0x27FF  }
0x12e: {  	s0 =	sadd.s32 $0x1, s0;
	s5 =	simm.s32 @!p1 $0x4;
	s7 =	sshrl.u32 @!p1 s6, $0x3  }
0x12f: {  	s4 =	sadd.s32 $0x1, s4;
	s6 =	sand.u32 @!p1 $0x7, s6;
	s7 =	sadd.s32 @!p1 s1, s7  }
0x130: {  	[hbm4b:s7+s6] =	stream.linear.scatter @!p1 [tilespmem:s0], [sflag:$0x5], $0x1, $0x38;
	[tilespmem:$0x11A60] =	vst v63  }
.LBB2_23:
0x131: {  	s0 =	sadd.s32 s3, s5  }
0x132: {  	s3 =	sshrl.u32 s0, $0x2  }
.LBB2_24:
0x133: {  	s0 =	simm.s32 $0x5  }
0x134: {  	_ =	swait.ge [sflag:s0], s3  }
0x135: {  	s1 =	ssub.s32 $0x0, s3;
	[sflag:s0] =	ssyncset.done $0x0  }
0x136: {  	[sflag:s0] =	ssyncadd.s32 s1  }
0x137: {  	[sflag:s0] =	ssyncpa.u1 $0x1  }
0x138: {  	s29 =	simm.s32 $0x1;
	_ =	sfence  }
0x139: {  	s30 =	simm.s32 $0x2;
	[sflag:s29] =	ssyncpa.u1 $0x1  }
0x13a: {  	[sflag:s30] =	ssyncpa.u1 $0x1  }
0x13b: {  	_ =	strace $0x90000059  }
0x13c: {  	[bflag:$0x2] =	sbarrier.arrive $0xFFFF  }
0x13d: {  	s31 =	rddreg [dreg:$0x1]  }
0x13e: {  	s0 =	sadd.s32 $0x100000, s31  }
0x13f: {  	[sflag:s0] =	ssyncadd.tile.s32 $0x1;
	_ =	shalt  }
.Lfunc_end2:
_tile_overlayer_lowered:
.L_overlay_start_2:
0x140: {  	(tag) =	ssettag $0x2  }
0x141: {  	s0 =	rddreg [dreg:$0x0];
	s2 =	stileid.u32  }
0x142: {  	s1 =	rddreg [dreg:$0x1];
	p0 =	sne.s32 s2, $0x0  }
0x143: {  	s3 =	rddreg [dreg:$0x2];
	[bflag:$0x3] =	sbarrier.arrive $0xFFFF;
	s2 =	simm.s32 @!p0 $0x1C01  }
0x144: {  	[timem:s3], [sflag:s2] =	dma.local @!p0 [hbm:s0], s1  }
0x145: {  	s0 =	simm.s32 @!p0 $0x1  }
0x146: {  	_ =	swait.ge @!p0 [sflag:s0], s1  }
0x147: {  	s1 =	ssub.s32 @!p0 $0x0, s1;
	[sflag:s0] =	ssyncset.done @!p0 $0x0  }
0x148: {  	[sflag:s0] =	ssyncadd.s32 @!p0 s1  }
0x149: {  	[bflag:$0x3] =	sbarrier.arrive $0xFFFF  }
0x14a: {  	_ =	shalt  }

// kernel: scatter_offload_async_start.5
scs
__scs_entry_jumppad:
0x0: {  	(pc) =	sbr.rel $0x88, $3  }
0x1: {  	(tag) =	ssettag $0x0;
	lr =	simm.s32 $0x1  }
0x2: {  	[smem:$0x3F8A] =	sst lr;
	_ =	strace $0xD0000000  }
0x3: {  	_ = 	snop  }
0x4: {  	_ = 	snop  }
0x5: {  	_ = 	snop  }
0x6: {  	_ = 	snop  }
0x7: {  	_ = 	snop  }
__scs_overlays_trampoline_lowered:
0x8: {  	[smem:$0x3F99] =	sst s0  }
0x9: {  	[smem:$0x3F9A] =	sst s1  }
0xa: {  	[smem:$0x3F9B] =	sst s2  }
0xb: {  	[smem:$0x3F9C] =	sst s3  }
0xc: {  	[smem:$0x3F9D] =	sst s4  }
0xd: {  	[smem:$0x3F9E] =	sst s5  }
0xe: {  	[smem:$0x3F9F] =	sst s6  }
0xf: {  	[smem:$0x3FA0] =	sst s7  }
0x10: {  	[smem:$0x3FA1] =	sst s8  }
0x11: {  	[smem:$0x3FA2] =	sst s9;
	s0 =	simm.s32 @!p0 $0x0  }
0x12: {  	s1 =	sld [smem:$0x3F88];
	s0 =	simm.s32 @p0 $0x1  }
0x13: {  	[smem:$0x3FA3] =	sst s0;
	s0 =	simm.s32 @!p1 $0x0  }
0x14: {  	s2 =	sld [smem:$0x3F87];
	s0 =	simm.s32 @p1 $0x1  }
0x15: {  	[smem:$0x3FA4] =	sst s0;
	s0 =	simm.s32 @!p2 $0x0  }
0x16: {  	s3 =	sld [smem:$0x3FDB];
	s0 =	simm.s32 @p2 $0x1  }
0x17: {  	s4 =	simm.s32 $0x1BF5;
	[smem:$0x3FA6] =	sst s0  }
0x18: {  	s0 =	sld [smem:$0x3F89];
	_ =	swait.ge [sflag:s4], $0x0  }
0x19: {  	s7 =	sld [smem:$0x3F8A]  }
0x1a: {  	s8 =	sadd.s32 $0xFFFFE003, lr  }
0x1b: {  	s9 =	sadd.s32 $0xFFFFFEF7, lr;
	s5 =	simm.s32 $0xFFFFFFFF;
	p2 =	slt.u32 s8, $0xFFFFF086  }
0x1c: {  	p1 =	slt.u32 s9, $0xF7A;
	s5 =	simm.s32 @!p2 $0x0  }
0x1d: {  	s5 =	simm.s32 @p1 $0x1;
	p0 =	seq.s32 s7, s2  }
0x1e: {  	s7 =	smul.u32 @!p0 $0xF7A, s2;
	p2 =	seq.s32 @!p0 s5, $0x0  }
0x1f: {  	s9 =	smul.u32 $0xF7A, s1;
	s8 =	simm.s32 @!p0 $0x1BF5;
	p2 =	por !p2, p0  }
0x20: {  	[sflag:s8] =	ssyncset.s32 @!p0 $0xFFFFF086;
	s6 =	sadd.s32 @!p0 s3, s7;
	s7 =	simm.s32 @!p0 $0x108  }
0x21: {  	s3 =	sadd.s32 s3, s9;
	s6 =	sadd.s32 @!p0 $0x88, s6;
	s7 =	simm.s32 @p2 $0x1082  }
0x22: {  	[simem:s7], [sflag:s8] =	dma.local @!p0 [hbm:s6], $0xF7A  }
0x23: {  	s9 =	sor.u32 $0xD0000000, s2;
	s6 =	simm.s32 $0x108;
	_ =	swait.ge @!p0 [sflag:s8], $0x0  }
0x24: {  	s3 =	sadd.s32 $0x88, s3;
	s6 =	simm.s32 @!p1 $0x1082;
	[sflag:s4] =	ssyncset.s32 $0xFFFFF086  }
0x25: {  	[simem:s6], [sflag:s4] =	dma.local [hbm:s3], $0xF7A  }
0x26: {  	[smem:$0x3F8A] =	sst s1;
	(tag) =	ssettag s2;
	_ =	strace s9  }
0x27: {  	s1 =	sld [smem:$0x3F9A]  }
0x28: {  	s2 =	sld [smem:$0x3F9B]  }
0x29: {  	s4 =	sld [smem:$0x3F9D]  }
0x2a: {  	p0 =	seq.s32 s5, $0x0;
	s5 =	sld [smem:$0x3F9E]  }
0x2b: {  	s6 =	sld [smem:$0x3F9F]  }
0x2c: {  	s7 =	sld [smem:$0x3FA0]  }
0x2d: {  	s3 =	simm.s32 $0x108;
	s8 =	sld [smem:$0x3FA1]  }
0x2e: {  	s3 =	simm.s32 @!p0 $0x1082;
	s9 =	sld [smem:$0x3FA2]  }
0x2f: {  	lr =	sadd.s32 s0, s3;
	s0 =	sld [smem:$0x3F99]  }
0x30: {  	s3 =	sld [smem:$0x3F9C]  }
0x31: {  	[smem:$0x3FA5] =	sst s10  }
0x32: {  	s10 =	sld [smem:$0x3FA3];
	_ =	sdelay $0x3  }
0x33: {  	p0 =	seq.s32 s10, $0x1;
	s10 =	sld [smem:$0x3FA5];
	_ =	sdelay $0x3  }
0x34: {  	[smem:$0x3FA5] =	sst s10  }
0x35: {  	s10 =	sld [smem:$0x3FA4];
	_ =	sdelay $0x3  }
0x36: {  	p1 =	seq.s32 s10, $0x1;
	s10 =	sld [smem:$0x3FA5];
	_ =	sdelay $0x3  }
0x37: {  	[smem:$0x3FA5] =	sst s10  }
0x38: {  	s10 =	sld [smem:$0x3FA6]  }
0x39: {  	_ = 	snop;
	(pc) =	sbr.ind lr, $3  }
0x3a: {  	_ = 	snop  }
0x3b: {  	_ = 	snop  }
0x3c: {  	p2 =	seq.s32 s10, $0x1;
	s10 =	sld [smem:$0x3FA5]  }
0x3d: {  	_ =	shalt  }
0x3e: {  	_ =	shalt  }
0x3f: {  	_ =	shalt  }
0x40: {  	_ =	shalt  }
0x41: {  	_ =	shalt  }
0x42: {  	_ =	shalt  }
0x43: {  	_ =	shalt  }
0x44: {  	_ =	shalt  }
0x45: {  	_ =	shalt  }
0x46: {  	_ =	shalt  }
0x47: {  	_ =	shalt  }
0x48: {  	_ =	shalt  }
0x49: {  	_ =	shalt  }
0x4a: {  	_ =	shalt  }
0x4b: {  	_ =	shalt  }
0x4c: {  	_ =	shalt  }
0x4d: {  	_ =	shalt  }
0x4e: {  	_ =	shalt  }
0x4f: {  	_ =	shalt  }
0x50: {  	_ =	shalt  }
0x51: {  	_ =	shalt  }
0x52: {  	_ =	shalt  }
0x53: {  	_ =	shalt  }
0x54: {  	_ =	shalt  }
0x55: {  	_ =	shalt  }
0x56: {  	_ =	shalt  }
0x57: {  	_ =	shalt  }
0x58: {  	_ =	shalt  }
0x59: {  	_ =	shalt  }
0x5a: {  	_ =	shalt  }
0x5b: {  	_ =	shalt  }
0x5c: {  	_ =	shalt  }
0x5d: {  	_ =	shalt  }
0x5e: {  	_ =	shalt  }
0x5f: {  	_ =	shalt  }
0x60: {  	_ =	shalt  }
0x61: {  	_ =	shalt  }
0x62: {  	_ =	shalt  }
0x63: {  	_ =	shalt  }
0x64: {  	_ =	shalt  }
0x65: {  	_ =	shalt  }
0x66: {  	_ =	shalt  }
0x67: {  	_ =	shalt  }
0x68: {  	_ =	shalt  }
0x69: {  	_ =	shalt  }
0x6a: {  	_ =	shalt  }
0x6b: {  	_ =	shalt  }
0x6c: {  	_ =	shalt  }
0x6d: {  	_ =	shalt  }
0x6e: {  	_ =	shalt  }
0x6f: {  	_ =	shalt  }
0x70: {  	_ =	shalt  }
0x71: {  	_ =	shalt  }
0x72: {  	_ =	shalt  }
0x73: {  	_ =	shalt  }
0x74: {  	_ =	shalt  }
0x75: {  	_ =	shalt  }
0x76: {  	_ =	shalt  }
0x77: {  	_ =	shalt  }
0x78: {  	_ =	shalt  }
0x79: {  	_ =	shalt  }
0x7a: {  	_ =	shalt  }
0x7b: {  	_ =	shalt  }
0x7c: {  	_ =	shalt  }
0x7d: {  	_ =	shalt  }
0x7e: {  	_ =	shalt  }
0x7f: {  	_ =	shalt  }
0x80: {  	_ =	shalt  }
0x81: {  	_ =	shalt  }
0x82: {  	_ =	shalt  }
0x83: {  	_ =	shalt  }
0x84: {  	_ =	shalt  }
0x85: {  	_ =	shalt  }
0x86: {  	_ =	shalt  }
0x87: {  	_ =	shalt  }
.Lfunc_end0:
.L_simem_size_0:
called_computation.5_lowered:
.L_overlay_start_0:
0x88: {  	s2 =	sld [smem:$0x3FD9]  }
0x89: {  	s3 =	sld [smem:$0x3FFE];
	_ =	sdelay $0x1  }
0x8a: {  	s1 =	srdreg.scid  }
0x8b: {  	s0 =	sand.u32 $0x1, s1  }
0x8c: {  	s13 =	sshll.u32 s0, $0xA;
	s2 =	sadd.s32 s3, s2  }
0x8d: {  	s2 =	sadd.s32 s2, s13  }
0x8e: {  	[smem:$0x3FB1] =	sst s2  }
0x8f: {  	_ = 	snop  }
0x90: {  	s2 =	sld [smem:$0x3FD0];
	_ =	sdelay $0x2  }
0x91: {  	s14 =	simm.s32 $0xB;
	s4 =	simm.s32 $0x10  }
0x92: {  	[smem:s4], [sflag:s14] =	dma.local [hbm:s2], $0x1  }
0x93: {  	_ =	swait.eq [sflag:s14], $0x1  }
0x94: {  	[sflag:s14] =	ssyncset.done $0x0  }
0x95: {  	s15 =	sld [smem:$0x10];
	[sflag:s14] =	ssyncadd.s32 $0xFFFFFFFF  }
0x96: {  	s16 =	sld [smem:$0x12];
	(tm) =	ssettm $0x1  }
0x97: {  	s17 =	sld [smem:$0x3FFB];
	_ =	sdelay $0x3  }
0x98: {  	_ =	strace s17  }
0x99: {  	s4 =	sld [smem:$0x3FFC];
	_ =	sdelay $0x3  }
0x9a: {  	_ =	strace s4  }
0x9b: {  	s4 =	sld [smem:$0x3FFD];
	_ =	sdelay $0x3  }
0x9c: {  	_ =	strace s4  }
0x9d: {  	_ =	strace $0x8FFFFFFF  }
0x9e: {  	s18 =	sld [smem:$0x3FDB];
	_ =	sdelay $0x1  }
0x9f: {  	s5 =	simm.s32 $_scs_section_size  }
0xa0: {  	s6 =	simm.s32 $_size__tile_overlayer_lowered;
	s7 =	simm.s32 $_tile_overlayer_lowered  }
0xa1: {  	s21 =	simm.s32 $0x1BFF;
	s20 =	sshll.u32 s7, $0x1;
	s4 =	sadd.s32 s5, s18  }
0xa2: {  	s8 =	simm.s32 $0x0;
	s19 =	sshll.u32 s6, $0x1;
	s6 =	sadd.s32 s20, s4  }
0xa3: {  	[timem:s8], [sflag:s21] =	dma.local [hbm:s6], s19  }
0xa4: {  	_ =	swait.ge [sflag:s21], s19  }
0xa5: {  	s5 =	ssub.s32 $0x0, s19;
	[sflag:s21] =	ssyncset.done $0x0  }
0xa6: {  	[sflag:s21] =	ssyncadd.s32 s5;
	_ =	sdelay $0x1  }
0xa7: {  	s22 =	simm.s32 $0x1B8B  }
0xa8: {  	_ =	swait.ge [sflag:s22], $0x1  }
0xa9: {  	[sflag:s22] =	ssyncset.done $0x0  }
0xaa: {  	s23 =	sld [smem:$0x3FFE];
	[sflag:s22] =	ssyncadd.s32 $0xFFFFFFFF  }
0xab: {  	s25 =	simm.s32 $0x1B8E;
	s24 =	sld [smem:$0x0]  }
0xac: {  	s26 =	simm.s32 $execute0_lowered;
	[smem:$0x3FD2] =	sst s25  }
0xad: {  	s7 =	sshll.u32 s26, $0x1;
	_ =	strace $0x8000005B;
	[dreg:$0x1] =	wrdreg $0xFFFFFFFF  }
0xae: {  	s28 =	simm.s32 $_size_execute0_lowered;
	s4 =	sadd.s32 s4, s7;
	[dreg:$0x0] =	wrdreg $0x0  }
0xaf: {  	s7 =	sshll.u32 s28, $0x1;
	[dreg:$0x2] =	wrdreg s4  }
0xb0: {  	[dreg:$0x3] =	wrdreg s7  }
0xb1: {  	[dreg:$0x4] =	wrdreg $0xC0  }
0xb2: {  	_ =	task [dreg:s8], $0x5FFFF  }
0xb3: {  	[dreg:$0x1] =	wrdreg $0xFFFFFFFF  }
0xb4: {  	[dreg:$0x0] =	wrdreg $0x60  }
0xb5: {  	[dreg:$0x2] =	wrdreg s16  }
0xb6: {  	[dreg:$0x3] =	wrdreg s15  }
0xb7: {  	[dreg:$0x4] =	wrdreg s23  }
0xb8: {  	[dreg:$0x5] =	wrdreg s1  }
0xb9: {  	[dreg:$0x6] =	wrdreg s24  }
0xba: {  	[dreg:$0x7] =	wrdreg $0x9  }
0xbb: {  	_ =	task.clear_ibuf [dreg:s8], $0x8FFFF;
	_ =	strace $0x9000005B  }
0xbc: {  	s29 =	simm.s32 $0x9;
	_ =	strace $0x8000005D  }
0xbd: {  	_ =	swait.ge [sflag:s29], $0x1  }
0xbe: {  	[sflag:s29] =	ssyncadd.s32 $0xFFFFFFFF  }
0xbf: {  	_ =	strace $0x9000005D  }
0xc0: {  	_ =	sfence  }
0xc1: {  	s30 =	sld [smem:$0x0];
	_ =	sdelay $0x2  }
0xc2: {  	s31 =	sshll.u32 s1, $0xD;
	s1 =	sshrl.u32 s1, $0x2  }
0xc3: {  	s3 =	sand.u32 $0x4000, s31;
	s1 =	sadd.s32 s1, s30  }
0xc4: {  	s0 =	sor.u32 s3, s0;
	s1 =	sshll.u32 s1, $0x11  }
0xc5: {  	s0 =	sor.u32 s1, s0  }
0xc6: {  	s0 =	sadd.s32 $0x8F2B, s0  }
0xc7: {  	[sflag:s0] =	ssyncadd.remote.s32 $0x1  }
0xc8: {  	_ =	sfence.sel $0xFFFF  }
0xc9: {  	[dreg:$0x0] =	wrdreg $0xFFFFFFFF;
	(pc) =	sbr.abs _section_cstart, $3  }
0xca: {  	[dreg:$0x1] =	wrdreg $0xFFFFFFFF  }
0xcb: {  	_ =	task.clear_ibuf [dreg:s8], $0x2FFFF;
	_ =	strace $0x9FFFFFFF  }
0xcc: {  	(tm) =	ssettm $0x7FFFFFFF  }
0xcd: {  	_ =	shalt  }
tec
execute0_lowered:
.L_overlay_start_1:
0x0: {  	(tag) =	ssettag $0x1  }
0x1: {  	s1 =	rddreg [dreg:$0x0]  }
0x2: {  	s0 =	rddreg [dreg:$0x1]  }
0x3: {  	s2 =	rddreg [dreg:$0x2]  }
0x4: {  	s7 =	rddreg [dreg:$0x3];
	_ =	strace $0x8000005C;
	s3 =	simm.s32 $0x1  }
0x5: {  	s5 =	simm.s32 $0x208;
	v0 =	vimm.s32 $0x0;
	[sflag:s3] =	ssyncpa.u1 $0x0  }
0x6: {  	[tilespmem:s5+$0x70] =	vst v0  }
0x7: {  	[tilespmem:s5+$0x60] =	vst v0  }
0x8: {  	[tilespmem:s5+$0x50] =	vst v0  }
0x9: {  	[tilespmem:s5+$0x40] =	vst v0  }
0xa: {  	[tilespmem:s5+$0x30] =	vst v0  }
0xb: {  	s6 =	sadd.s32 $0x79C00, s2;
	[tilespmem:s5+$0x20] =	vst v0  }
0xc: {  	s4 =	sadd.s32 $0x74C00, s2;
	s10 =	sand.u32 $0x1, s7;
	s2 =	simm.s32 $0x40;
	[tilespmem:s5+$0x10] =	vst v0  }
.LBB2_1:
0xd: {  	s2 =	sadd.s32 $0x40, s2;
	[tilespmem:s5+$0x0] =	vst v0;
	s5 =	sadd.s32 $0x80, s5  }
0xe: {  	p0 =	slt.u32 s2, $0x3880;
	[tilespmem:s5+$0x70] =	vst v0  }
0xf: {  	[tilespmem:s5+$0x60] =	vst v0  }
.Ltmp0:
0x10: {  	[tilespmem:s5+$0x50] =	vst v0;
	(pc) =	sbr.rel @p0 .LBB2_1-.Ltmp0, $4  }
0x11: {  	[tilespmem:s5+$0x40] =	vst v0  }
0x12: {  	[tilespmem:s5+$0x30] =	vst v0  }
0x13: {  	[tilespmem:s5+$0x20] =	vst v0  }
0x14: {  	[tilespmem:s5+$0x10] =	vst v0  }
0x15: {  	s11 =	stileid.u32  }
0x16: {  	s2 =	smul.u32 $0x2C, s11  }
0x17: {  	s3 =	smin.u32 s11, $0xB  }
0x18: {  	s2 =	sadd.s32 s3, s2  }
0x19: {  	p0 =	slt.u32 s11, $0xB;
	s20 =	smul.u32 $0x70, s2;
	s2 =	simm.s32 $0x13B0  }
0x1a: {  	s2 =	simm.s32 @!p0 $0x1340  }
0x1b: {  	s2 =	sadd.s32 s2, s20  }
0x1c: {  	s8 =	smin.u32 s2, $0x13880  }
0x1d: {  	s26 =	simm.s32 $0x2;
	s2 =	ssub.s32 s8, s20  }
0x1e: {  	s9 =	simm.s32 $0x9;
	s29 =	simm.s32 $0xA;
	p0 =	sgt.s32 s2, $0x0  }
0x1f: {  	s30 =	simm.s32 $0xB;
	s31 =	smul.u32 $0x2710, s10;
	s2 =	simm.s32 @!p0 $0x0  }
0x20: {  	[dreg:$0x6] =	wrdreg s10;
	s12 =	simm.s32 $0x1;
	s25 =	smulhi.u32 $0x92492493, s2  }
0x21: {  	s24 =	simm.s32 $0x0;
	p1 =	por $0x0, $0x0;
	s18 =	simm.s32 $0x80  }
0x22: {  	s19 =	simm.s32 $0x400;
	s17 =	simm.s32 $0xC;
	s3 =	sshrl.u32 s25, $0x6  }
0x23: {  	s21 =	simm.s32 $0x0;
	s23 =	simm.s32 $0x0;
	s28 =	smul.u32 $0x70, s3  }
.Ltmp1:
0x24: {  	[tilespmem:s5+$0x0] =	vst v0;
	v0 =	vimm.s32 $0xFFFFFFFF;
	[sflag:s26] =	ssyncpa.u1 $0x0;
	s16 =	sshll.u32 s11, $0x9;
	(pc) =	sbr.rel .LBB2_3-.Ltmp1, $4  }
0x25: {  	[tilespmem:$0xE408] =	vst v0;
	[sflag:s9] =	ssyncpa.u1 $0x0;
	p0 =	sne.s32 s2, s28;
	s2 =	simm.s32 $0x1  }
0x26: {  	s14 =	sadd.s32 s31, s4;
	[sflag:s29] =	ssyncpa.u1 $0x0;
	s2 =	simm.s32 @!p0 $0x0  }
0x27: {  	s15 =	sadd.s32 s31, s0;
	[sflag:s30] =	ssyncpa.u1 $0x0;
	s13 =	sadd.s32 s2, s3  }
0x28: {  	v0 =	vlaneseq.u32;
	s22 =	smov.u32 s20;
	p0 =	por $0x1, $0x1;
	s11 =	sadd.s32 $0x1, s13  }
.LBB2_24:
0x29: {  	s2 =	sshrl.u32 s4, $0x2  }
.LBB2_26:
0x2a: {  	_ =	swait.ge [sflag:s17], s2  }
0x2b: {  	s31 =	ssub.s32 $0x0, s2;
	v1 =	vmov s26;
	vm0 =	veq.s32 v0, $0x0;
	[sflag:s17] =	ssyncset.done $0x0  }
0x2c: {  	vm15 =	veq.s32 v0, $0x2;
	v1 =	vsel vm0, s0, v1;
	[sflag:s17] =	ssyncadd.s32 s31  }
0x2d: {  	v1 =	vsel vm15, s24, v1;
	[sflag:s17] =	ssyncpa.u1 $0x1  }
0x2e: {  	[tilespmem:$0xE408] =	vst v1  }
.LBB2_27:
0x2f: {  	s0 =	sadd.s32 $0x70, s22  }
0x30: {  	s2 =	smov.u32 s20;
	p2 =	slt.s32 s0, s8  }
0x31: {  	s2 =	smov.u32 @p2 s0;
	p2 =	sne.s32 s23, s11  }
.Ltmp2:
0x32: {  	_ = 	snop;
	(pc) =	sbr.rel @!p2 .LBB2_28-.Ltmp2, $4  }
0x33: {  	_ = 	snop  }
0x34: {  	s24 =	smov.u32 s21  }
0x35: {  	s31 =	sadd.s32 $0x1, s23;
	s21 =	smov.u32 s22;
	p0 =	por !p0, !p0  }
0x36: {  	p1 =	por !p1, !p1;
	s23 =	smov.u32 s31;
	s22 =	smov.u32 s2  }
.LBB2_3:
0x37: {  	p2 =	sge.u32 s23, s13  }
0x38: {  	s0 =	smulhi.u32 @!p2 $0xAAAAAAAB, s23  }
0x39: {  	s2 =	smov.u32 s22;
	p3 =	sgt.s32 @!p2 s22, $0x13810  }
0x3a: {  	s3 =	sshra.s32 @!p2 s22, $0x1F;
	p3 =	por !p3, p2;
	s0 =	sshrl.u32 @!p2 s0, $0x1  }
0x3b: {  	s3 =	sand.u32 @!p2 s3, s22;
	s2 =	simm.s32 @p3 $0x13810;
	s0 =	smul.u32 @!p2 $0x3, s0  }
0x3c: {  	s2 =	ssub.s32 @!p2 s2, s3  }
0x3d: {  	s2 =	sadd.s32 @!p2 $0xFFFEC7F0, s2;
	s0 =	ssub.s32 @!p2 s23, s0  }
0x3e: {  	s3 =	sshll.u32 @!p2 s2, $0x2;
	p3 =	sgt.s32 @!p2 s2, $0x6F;
	s0 =	smul.u32 @!p2 $0x1C0, s0  }
0x3f: {  	s4 =	sand.u32 @!p2 $0x7, s22;
	s2 =	ssub.s32 @!p2 $0x1C0, s3;
	p3 =	por !p3, p2  }
0x40: {  	s3 =	sshrl.u32 @!p2 s22, $0x3;
	s2 =	sshrl.u32 @!p2 s2, $0x2;
	s0 =	sshrl.u32 @!p2 s0, $0x2  }
0x41: {  	s3 =	sadd.s32 @!p2 s3, s14;
	s2 =	simm.s32 @!p3 $0x0;
	s0 =	sadd.s32 @!p2 $0x10448, s0  }
0x42: {  	[tilespmem:s0], [sflag:$0xA] =	stream.linear.gather @!p2 [hbm4b:s3+s4], s2, $0x38;
	[tilespmem:$0x1E678] =	vst v63  }
0x43: {  	s2 =	sadd.s32 $0xFFFFFFFF, s23  }
0x44: {  	p2 =	sge.u32 s2, s13  }
0x45: {  	p3 =	sgt.s32 @!p2 s21, $0x13810  }
0x46: {  	s0 =	smov.u32 s21;
	s3 =	sshra.s32 @!p2 s21, $0x1F;
	p3 =	por !p3, p2  }
0x47: {  	s3 =	sand.u32 @!p2 s3, s21;
	s0 =	simm.s32 @p3 $0x13810  }
0x48: {  	s0 =	ssub.s32 @!p2 s0, s3  }
0x49: {  	s0 =	sadd.s32 @!p2 $0xFFFEC7F0, s0  }
0x4a: {  	s3 =	sshll.u32 @!p2 s0, $0x2  }
0x4b: {  	p3 =	sgt.s32 @!p2 s0, $0x6F;
	s0 =	ssub.s32 @!p2 $0x1C0, s3  }
0x4c: {  	p3 =	por !p3, p2;
	s0 =	sshrl.u32 @!p2 s0, $0x2  }
0x4d: {  	s4 =	simm.s32 @!p2 $0xA;
	s3 =	sand.u32 @!p2 $0x1, s2;
	s0 =	simm.s32 @!p3 $0x0  }
0x4e: {  	s3 =	smul.u32 @!p2 $0x1C0, s3;
	_ =	swait.ge @!p2 [sflag:s4], s0  }
0x4f: {  	s5 =	ssub.s32 @!p2 $0x0, s0;
	[sflag:s4] =	ssyncset.done @!p2 $0x0  }
0x50: {  	s3 =	sshrl.u32 @!p2 s3, $0x2;
	[sflag:s4] =	ssyncadd.s32 @!p2 s5;
	s4 =	sshrl.u32 @!p2 s21, $0x3  }
0x51: {  	s3 =	sadd.s32 @!p2 $0x10598, s3;
	s5 =	sand.u32 @!p2 $0x7, s21;
	s4 =	sadd.s32 @!p2 s4, s15  }
0x52: {  	[tilespmem:s3], [sflag:$0xB] =	stream.linear.gather @!p2 [hbm4b:s4+s5], s0, $0x38;
	[tilespmem:$0x1E678] =	vst v63  }
0x53: {  	s0 =	ssub.s32 @!p2 $0x13880, s21  }
0x54: {  	p3 =	slt.s32 @!p2 s0, $0x1  }
0x55: {  	p3 =	por p2, p3  }
.Ltmp3:
0x56: {  	_ = 	snop;
	(pc) =	sbr.rel @p3 .LBB2_9-.Ltmp3, $1  }
0x57: {  	_ =	sdelay $0x3  }
0x58: {  	s3 =	smulhi.u32 $0xAAAAAAAB, s2;
	_ =	sdelay $0x1  }
0x59: {  	s3 =	sshrl.u32 s3, $0x1  }
0x5a: {  	s3 =	smul.u32 $0x3, s3;
	_ =	sdelay $0x1  }
0x5b: {  	s30 =	ssub.s32 s2, s3  }
0x5c: {  	s4 =	simm.s32 $0x1;
	s2 =	smul.u32 $0x1C0, s30  }
.Ltmp4:
0x5d: {  	s4 =	simm.s32 @!p0 $0x0;
	(pc) =	sbr.rel .LBB2_6-.Ltmp4, $4  }
0x5e: {  	s31 =	smul.u32 $0x1C000, s4  }
0x5f: {  	p3 =	slt.s32 @!p2 s0, $0x70;
	s2 =	sshrl.u32 s2, $0x2  }
0x60: {  	p2 =	por !p3, p2;
	s3 =	sshrl.u32 s31, $0x2;
	s5 =	sadd.s32 $0x10448, s2  }
0x61: {  	s0 =	simm.s32 @p2 $0x70;
	s4 =	sor.u32 $0x10678, s3;
	s2 =	simm.s32 $0x0;
	v1 =	vmov s5  }
.LBB2_5:
0x62: {  	p2 =	sge.s32 s2, s0  }
.Ltmp5:
0x63: {  	_ = 	snop;
	(pc) =	sbr.rel @p2 .LBB2_9-.Ltmp5, $2  }
0x64: {  	_ =	sdelay $0x2  }
0x65: {  	s4 =	sadd.s32 $0x1000, s4  }
.LBB2_6:
0x66: {  	p2 =	sle.s32 s0, s2  }
.Ltmp6:
0x67: {  	_ = 	snop;
	(pc) =	sbr.rel @p2 .LBB2_5-.Ltmp6, $2  }
0x68: {  	_ =	sdelay $0x2  }
0x69: {  	s5 =	smov.u32 s2;
	s2 =	sadd.s32 $0x10, s2  }
0x6a: {  	s3 =	ssub.s32 s0, s5  }
0x6b: {  	p2 =	slt.s32 s3, $0x10  }
0x6c: {  	s3 =	simm.s32 @!p2 $0x10  }
0x6d: {  	v2 =	vmov s3  }
0x6e: {  	vm0 =	vgt.s32 v2, v0;
	_ =	sdelay $0x5  }
0x6f: {  	v2 =	vld.idx.msk [tilespmem:v1+s5+$0x0 ss:$0x1], vm0;
	_ =	sdelay $0x2  }
0x70: {  	p2 =	slt.s32 s2, s0;
	s3 =	smov.u32 s0  }
0x71: {  	s9 =	smov.u32 s4;
	s25 =	simm.s32 $0x0;
	s3 =	smov.u32 @p2 s2  }
.LBB2_8:
0x72: {  	(v2sf) =	vpush v2, s25;
	_ =	sdelay $0xe  }
0x73: {  	s25 =	sadd.s32 $0x1, s25;
	s10 =	spop (v2sf)  }
0x74: {  	s31 =	sadd.s32 s25, s5;
	s26 =	sshll.u32 s10, $0x8;
	s10 =	sshll.u32 s10, $0x7  }
0x75: {  	p2 =	slt.s32 s31, s3;
	s26 =	sand.u32 $0xFFFFF800, s26;
	s10 =	sand.u32 $0x380, s10  }
.Ltmp7:
0x76: {  	s10 =	sor.u32 s10, s26;
	(pc) =	sbr.rel @p2 .LBB2_8-.Ltmp7, $4  }
0x77: {  	s10 =	sshrl.u32 s10, $0x3  }
0x78: {  	s10 =	sadd.s32 s6, s10  }
0x79: {  	[tilespmem:s9], [sflag:$0x9] =	stream.strided.gather [hbm4b:s10+s18], $0x100, s19, s18, $0x38;
	[tilespmem:$0x1E678] =	vst v63  }
0x7a: {  	s9 =	sadd.s32 $0x100, s9  }
.Ltmp8:
0x7b: {  	_ = 	snop;
	(pc) =	sbr.rel .LBB2_5-.Ltmp8, $1  }
0x7c: {  	_ =	sdelay $0x3  }
.LBB2_9:
0x7d: {  	p2 =	slt.u32 s23, $0x2  }
.Ltmp9:
0x7e: {  	_ = 	snop;
	(pc) =	sbr.rel @p2 .LBB2_27-.Ltmp9, $1  }
0x7f: {  	_ =	sdelay $0x3  }
0x80: {  	p2 =	sgt.s32 s24, $0x13810  }
0x81: {  	s0 =	smov.u32 s24;
	s2 =	sshra.s32 s24, $0x1F;
	s3 =	ssub.s32 $0x13880, s24  }
0x82: {  	s0 =	simm.s32 @!p2 $0x13810;
	s2 =	sand.u32 s2, s24;
	p2 =	slt.s32 s3, $0x70  }
0x83: {  	s0 =	ssub.s32 s0, s2;
	s3 =	simm.s32 @!p2 $0x70  }
0x84: {  	s0 =	sadd.s32 $0xFFFEC7F0, s0;
	s9 =	sshll.u32 s3, $0x8  }
0x85: {  	s26 =	simm.s32 $0x9;
	s10 =	sshll.u32 s0, $0x2;
	s2 =	sand.u32 $0x3FFFFF00, s9  }
0x86: {  	p2 =	sgt.s32 s0, $0x6F;
	s25 =	ssub.s32 $0x1C0, s10;
	_ =	swait.ge [sflag:s26], s2  }
0x87: {  	s2 =	ssub.s32 $0x0, s2;
	[sflag:s26] =	ssyncset.done $0x0;
	s0 =	sshrl.u32 s25, $0x2  }
0x88: {  	s29 =	simm.s32 $0xB;
	[sflag:s26] =	ssyncadd.s32 s2;
	s0 =	simm.s32 @p2 $0x0  }
0x89: {  	_ =	swait.ge [sflag:s29], s0  }
0x8a: {  	s0 =	ssub.s32 $0x0, s0;
	[sflag:s29] =	ssyncset.done $0x0  }
0x8b: {  	[sflag:s29] =	ssyncadd.s32 s0  }
0x8c: {  	v1 =	vld [tilespmem:$0xE408];
	_ =	sdelay $0x4  }
0x8d: {  	(v2sf) =	vpush v1, $0x0  }
0x8e: {  	(v2sf) =	vpush v1, $0x1  }
0x8f: {  	(v2sf) =	vpush v1, $0x2;
	_ =	sdelay $0x3  }
0x90: {  	s0 =	sadd.s32 $0x70, s24  }
0x91: {  	s2 =	ssub.s32 $0x27100, s24;
	p2 =	slt.s32 s8, s0  }
0x92: {  	s0 =	smov.u32 @p2 s8;
	p2 =	sgt.s32 s2, $0x0  }
0x93: {  	s0 =	ssub.s32 s0, s24;
	s2 =	simm.s32 @!p2 $0x0  }
0x94: {  	p2 =	slt.s32 s2, s0  }
0x95: {  	s0 =	smov.u32 @p2 s2  }
0x96: {  	s4 =	simm.s32 $0x1;
	p2 =	slt.s32 s0, $0x1  }
.Ltmp10:
0x97: {  	s4 =	simm.s32 @!p1 $0x0;
	(pc) =	sbr.rel @p2 .LBB2_14-.Ltmp10, $4  }
0x98: {  	s30 =	smul.u32 $0x1C0, s4  }
0x99: {  	s5 =	spop (v2sf)  }
0x9a: {  	s31 =	sshrl.u32 s30, $0x2;
	s28 =	spop (v2sf)  }
0x9b: {  	s25 =	sadd.s32 $0x10598, s31;
	s24 =	spop (v2sf)  }
0x9c: {  	s2 =	smin.u32 s0, $0x10  }
0x9d: {  	v1 =	vmov s2  }
0x9e: {  	vm1 =	vgt.u32 v1, v0  }
0x9f: {  	p3 =	sgt.s32 s0, $0x10  }
.Ltmp11:
0xa0: {  	_ = 	snop;
	(pc) =	sbr.rel @!p3 .LBB2_13-.Ltmp11, $2  }
0xa1: {  	_ =	sdelay $0x2  }
0xa2: {  	s26 =	simm.s32 $0x10;
	s29 =	sadd.s32 $0xFFFFFFF0, s0;
	s2 =	smov.u32 s25;
	vm0 =	vmmov vm1;
	v1 =	vld.msk [tilespmem:s25+$0x0 ss:$0x1], vm1  }
.LBB2_12:
0xa3: {  	s3 =	smin.u32 s29, $0x10;
	s26 =	sadd.s32 $0x10, s26  }
0xa4: {  	v2 =	vmov s3;
	p3 =	slt.s32 s26, s0  }
0xa5: {  	vm1 =	vgt.u32 v2, v0;
	_ =	sdelay $0x1  }
0xa6: {  	v2 =	vshll.u32 v1, $0x5;
	v1 =	vshll.u32 v1, $0x4  }
.Ltmp12:
0xa7: {  	v2 =	vand.u32 $0xFFFFFF00, v2;
	v1 =	vand.u32 $0x70, v1;
	(pc) =	sbr.rel @p3 .LBB2_12-.Ltmp12, $4  }
0xa8: {  	v1 =	vor.u32 v1, v2  }
0xa9: {  	[tilespmem:s2+$0x0] =	vst.msk vm0, v1;
	s2 =	sadd.s32 $0x10, s2;
	vm0 =	vmmov vm1  }
0xaa: {  	v1 =	vld.msk [tilespmem:s2+$0x0 ss:$0x1], vm1  }
0xab: {  	s29 =	sadd.s32 $0xFFFFFFF0, s29  }
.LBB2_13:
0xac: {  	_ =	sdelay $0x3  }
0xad: {  	v2 =	vshll.u32 v1, $0x5;
	v1 =	vshll.u32 v1, $0x4  }
0xae: {  	v2 =	vand.u32 $0xFFFFFF00, v2;
	v1 =	vand.u32 $0x70, v1  }
0xaf: {  	v1 =	vor.u32 v1, v2  }
0xb0: {  	[tilespmem:s2+$0x0] =	vst.msk vm0, v1  }
.LBB2_14:
0xb1: {  	s2 =	sand.u32 $0x1, s23  }
0xb2: {  	s2 =	smul.u32 $0x70, s2  }
0xb3: {  	p3 =	sne.s32 s28, $0xFFFFFFFF  }
0xb4: {  	v1 =	vld.msk @!p3 [tilespmem:s2+$0x10598], $0x1;
	_ =	sdelay $0x4  }
0xb5: {  	(v2sf) =	vpush @!p3 v1, $0x0;
	_ =	sdelay $0xc  }
.Ltmp13:
0xb6: {  	_ = 	snop;
	(pc) =	sbr.rel @p2 .LBB2_25-.Ltmp13, $4  }
0xb7: {  	_ = 	snop  }
0xb8: {  	s31 =	spop @!p3 (v2sf)  }
0xb9: {  	s24 =	simm.s32 @!p3 $0x0;
	s26 =	smov.u32 s31  }
0xba: {  	[sflag:s17] =	ssyncpa.u1 $0x0;
	s31 =	smov.u32 @p3 s5;
	s26 =	smov.u32 @p3 s28  }
0xbb: {  	v1 =	vld.msk [tilespmem:s25+$0x0], $0x1;
	_ =	sdelay $0x4  }
0xbc: {  	(v2sf) =	vpush v1, $0x0;
	_ =	sdelay $0xe  }
0xbd: {  	s7 =	smov.u32 s11;
	s5 =	spop (v2sf)  }
0xbe: {  	s17 =	smov.u32 s15;
	s2 =	smul.u32 $0x1C000, s4;
	p2 =	seq.s32 s31, s5  }
0xbf: {  	s3 =	smov.u32 s31;
	s29 =	ssub.s32 $0x0, s0;
	p3 =	sgt.s32 @!p2 s31, $0x0  }
0xc0: {  	s30 =	simm.s32 $0x0;
	s2 =	sshrl.u32 s2, $0x2;
	p3 =	por !p3, p2  }
0xc1: {  	s0 =	sadd.s32 $0x1, s29;
	s28 =	sor.u32 $0x106F8, s2;
	s3 =	simm.s32 @p3 $0x0  }
0xc2: {  	s2 =	simm.s32 @!p2 $0x1;
	p3 =	seq.s32 s0, $0x0;
	s3 =	smin.u32 @!p2 s3, $0x4E170  }
.Ltmp14:
0xc3: {  	s4 =	simm.s32 @!p2 $0x7308;
	s9 =	sand.u32 @!p2 $0x7FFF8, s3;
	(pc) =	sbr.rel @p3 .LBB2_17-.Ltmp14, $4  }
0xc4: {  	s10 =	sadd.s32 @!p2 $0x80, s3;
	s11 =	sadd.s32 @!p2 s1, s9;
	s9 =	sand.u32 @!p2 $0x7, s3  }
0xc5: {  	[tilespmem:s4], [sflag:$0x2] =	stream.linear.gather @!p2 [hbm4b:s11+s9], $0x80, $0x38;
	[tilespmem:$0x1E678] =	vst v63  }
0xc6: {  	s15 =	smov.u32 s14;
	s2 =	smov.u32 @p2 s30;
	s4 =	sand.u32 @!p2 $0xFFFF8, s10  }
0xc7: {  	s3 =	simm.s32 @!p2 $0x7388;
	s10 =	sadd.s32 @!p2 s1, s4;
	s4 =	sadd.s32 $0x1, s25  }
.LBB2_16:
0xc8: {  	s11 =	smov.u32 s2  }
0xc9: {  	[tilespmem:s3], [sflag:$0x2] =	stream.linear.gather @!p2 [hbm4b:s10+s9], $0x80, $0x38;
	[tilespmem:$0x1E678] =	vst v63  }
0xca: {  	s0 =	sadd.s32 $0x1, s0;
	s9 =	smov.u32 s5;
	v1 =	vld.msk [tilespmem:s4+$0x0], $0x1  }
0xcb: {  	p3 =	seq.s32 s0, $0x0;
	_ =	sdelay $0x3  }
0xcc: {  	(v2sf) =	vpush v1, $0x0;
	_ =	sdelay $0xe  }
0xcd: {  	s5 =	spop (v2sf)  }
0xce: {  	p2 =	seq.s32 s9, s5  }
0xcf: {  	p4 =	sgt.s32 @!p2 s9, $0x0;
	s3 =	sshll.u32 @!p2 s2, $0xA;
	s2 =	sadd.s32 @!p2 $0x1, s2  }
0xd0: {  	p4 =	por !p4, p2;
	s3 =	sshra.s32 @!p2 s3, $0x2;
	s2 =	smov.u32 @p2 s11  }
0xd1: {  	s9 =	simm.s32 @p4 $0x0;
	s10 =	sadd.s32 @!p2 $0x7308, s3;
	s3 =	sadd.s32 @!p2 $0x7388, s3  }
.Ltmp15:
0xd2: {  	s9 =	smin.u32 @!p2 s9, $0x4E170;
	(pc) =	sbr.rel @!p3 .LBB2_16-.Ltmp15, $4  }
0xd3: {  	s11 =	sand.u32 @!p2 $0x7FFF8, s9;
	s14 =	sadd.s32 @!p2 $0x80, s9  }
0xd4: {  	s9 =	sand.u32 @!p2 $0x7, s9;
	s11 =	sadd.s32 @!p2 s1, s11;
	s14 =	sand.u32 @!p2 $0xFFFF8, s14  }
0xd5: {  	[tilespmem:s10], [sflag:$0x2] =	stream.linear.gather @!p2 [hbm4b:s11+s9], $0x80, $0x38;
	[tilespmem:$0x1E678] =	vst v63  }
0xd6: {  	s4 =	sadd.s32 $0x1, s4;
	s10 =	sadd.s32 @!p2 s1, s14  }
.LBB2_17:
0xd7: {  	[tilespmem:s3], [sflag:$0x2] =	stream.linear.gather @!p2 [hbm4b:s10+s9], $0x80, $0x38;
	[tilespmem:$0x1E678] =	vst v63  }
0xd8: {  	s0 =	sshll.u32 s2, $0x8  }
.Ltmp16:
0xd9: {  	s14 =	simm.s32 $0x2;
	s0 =	sand.u32 $0x3FFFFF00, s0;
	(pc) =	sbr.rel .LBB2_18-.Ltmp16, $4  }
0xda: {  	_ =	swait.ge [sflag:s14], s0  }
0xdb: {  	s0 =	ssub.s32 $0x0, s0;
	[sflag:s14] =	ssyncset.done $0x0  }
0xdc: {  	s4 =	simm.s32 $0x0;
	s11 =	smov.u32 s7;
	[sflag:s14] =	ssyncadd.s32 s0  }
0xdd: {  	s14 =	smov.u32 s15;
	s15 =	smov.u32 s17;
	s17 =	simm.s32 $0xC  }
.LBB2_19:
0xde: {  	v1 =	vld [tilespmem:s28+$0xFFFFFF80];
	_ =	sdelay $0x4  }
0xdf: {  	[tilespmem:s5+$0x208] =	vst.add.f32.msk $0xffff, v1  }
0xe0: {  	v1 =	vld [tilespmem:s28+$0xFFFFFF90];
	_ =	sdelay $0x4  }
0xe1: {  	[tilespmem:s5+$0x218] =	vst.add.f32.msk $0xffff, v1  }
0xe2: {  	v1 =	vld [tilespmem:s28+$0xFFFFFFA0];
	_ =	sdelay $0x4  }
0xe3: {  	[tilespmem:s5+$0x228] =	vst.add.f32.msk $0xffff, v1  }
0xe4: {  	v1 =	vld [tilespmem:s28+$0xFFFFFFB0];
	_ =	sdelay $0x4  }
0xe5: {  	[tilespmem:s5+$0x238] =	vst.add.f32.msk $0xffff, v1  }
0xe6: {  	v1 =	vld [tilespmem:s28+$0xFFFFFFC0];
	_ =	sdelay $0x4  }
0xe7: {  	[tilespmem:s5+$0x248] =	vst.add.f32.msk $0xffff, v1  }
0xe8: {  	v1 =	vld [tilespmem:s28+$0xFFFFFFD0];
	_ =	sdelay $0x4  }
0xe9: {  	[tilespmem:s5+$0x258] =	vst.add.f32.msk $0xffff, v1  }
0xea: {  	v1 =	vld [tilespmem:s28+$0xFFFFFFE0];
	_ =	sdelay $0x4  }
0xeb: {  	[tilespmem:s5+$0x268] =	vst.add.f32.msk $0xffff, v1  }
0xec: {  	v1 =	vld [tilespmem:s28+$0xFFFFFFF0];
	_ =	sdelay $0x4  }
0xed: {  	[tilespmem:s5+$0x278] =	vst.add.f32.msk $0xffff, v1  }
0xee: {  	v1 =	vld [tilespmem:s28+$0x0];
	_ =	sdelay $0x4  }
0xef: {  	[tilespmem:s5+$0x288] =	vst.add.f32.msk $0xffff, v1  }
0xf0: {  	v1 =	vld [tilespmem:s28+$0x10];
	_ =	sdelay $0x4  }
0xf1: {  	[tilespmem:s5+$0x298] =	vst.add.f32.msk $0xffff, v1  }
0xf2: {  	v1 =	vld [tilespmem:s28+$0x20];
	_ =	sdelay $0x4  }
0xf3: {  	[tilespmem:s5+$0x2A8] =	vst.add.f32.msk $0xffff, v1  }
0xf4: {  	v1 =	vld [tilespmem:s28+$0x30];
	_ =	sdelay $0x4  }
0xf5: {  	[tilespmem:s5+$0x2B8] =	vst.add.f32.msk $0xffff, v1  }
0xf6: {  	v1 =	vld [tilespmem:s28+$0x40];
	_ =	sdelay $0x4  }
0xf7: {  	[tilespmem:s5+$0x2C8] =	vst.add.f32.msk $0xffff, v1  }
0xf8: {  	v1 =	vld [tilespmem:s28+$0x50];
	_ =	sdelay $0x4  }
0xf9: {  	[tilespmem:s5+$0x2D8] =	vst.add.f32.msk $0xffff, v1  }
0xfa: {  	v1 =	vld [tilespmem:s28+$0x60];
	_ =	sdelay $0x4  }
0xfb: {  	[tilespmem:s5+$0x2E8] =	vst.add.f32.msk $0xffff, v1  }
0xfc: {  	v1 =	vld [tilespmem:s28+$0x70];
	_ =	sdelay $0x4  }
0xfd: {  	[tilespmem:s5+$0x2F8] =	vst.add.f32.msk $0xffff, v1  }
.LBB2_23:
0xfe: {  	s29 =	sadd.s32 $0x1, s29  }
0xff: {  	p2 =	seq.s32 s29, $0x0  }
.Ltmp17:
0x100: {  	_ = 	snop;
	(pc) =	sbr.rel @p2 .LBB2_24-.Ltmp17, $2  }
0x101: {  	_ =	sdelay $0x2  }
0x102: {  	s25 =	sadd.s32 $0x1, s25;
	s28 =	sadd.s32 $0x100, s28;
	s31 =	smov.u32 s0  }
.LBB2_18:
0x103: {  	v1 =	vld.msk [tilespmem:s25+$0x0], $0x1;
	_ =	sdelay $0x4  }
0x104: {  	(v2sf) =	vpush v1, $0x0;
	_ =	sdelay $0xe  }
0x105: {  	s0 =	spop (v2sf)  }
0x106: {  	p2 =	sne.s32 s31, s0  }
.Ltmp18:
0x107: {  	_ = 	snop;
	(pc) =	sbr.rel @!p2 .LBB2_19-.Ltmp18, $3  }
0x108: {  	_ =	sdelay $0x1  }
0x109: {  	s2 =	sshll.u32 s24, $0xA  }
0x10a: {  	s5 =	sshra.s32 s2, $0x2  }
0x10b: {  	p2 =	seq.s32 s31, s26  }
.Ltmp19:
0x10c: {  	_ = 	snop;
	(pc) =	sbr.rel @!p2 .LBB2_21-.Ltmp19, $1  }
0x10d: {  	_ =	sdelay $0x3  }
.Ltmp20:
0x10e: {  	s2 =	sadd.s32 $0x208, s5;
	(pc) =	sbr.rel .LBB2_22-.Ltmp20, $4  }
0x10f: {  	[spmem:s16] =	stream.linear.scatter [tilespmem:s2], [sflag:$0x1], $0x100, $0x38;
	[tilespmem:$0x1E678] =	vst v63  }
0x110: {  	_ =	swait.ge [sflag:s12], $0x100  }
0x111: {  	[sflag:s12] =	ssyncset.done $0x0  }
0x112: {  	[sflag:s12] =	ssyncadd.s32 $0xFFFFFF00  }
.LBB2_21:
0x113: {  	s2 =	sshll.u32 s30, $0xA  }
0x114: {  	s2 =	sshra.s32 s2, $0x2  }
0x115: {  	v1 =	vld [tilespmem:s2+$0x7308];
	_ =	sdelay $0x4  }
0x116: {  	[tilespmem:s5+$0x208] =	vst.add.f32.msk $0xffff, v1  }
0x117: {  	v1 =	vld [tilespmem:s2+$0x7318];
	_ =	sdelay $0x4  }
0x118: {  	[tilespmem:s5+$0x218] =	vst.add.f32.msk $0xffff, v1  }
0x119: {  	v1 =	vld [tilespmem:s2+$0x7328];
	_ =	sdelay $0x4  }
0x11a: {  	[tilespmem:s5+$0x228] =	vst.add.f32.msk $0xffff, v1  }
0x11b: {  	v1 =	vld [tilespmem:s2+$0x7338];
	_ =	sdelay $0x4  }
0x11c: {  	[tilespmem:s5+$0x238] =	vst.add.f32.msk $0xffff, v1  }
0x11d: {  	v1 =	vld [tilespmem:s2+$0x7348];
	_ =	sdelay $0x4  }
0x11e: {  	[tilespmem:s5+$0x248] =	vst.add.f32.msk $0xffff, v1  }
0x11f: {  	v1 =	vld [tilespmem:s2+$0x7358];
	_ =	sdelay $0x4  }
0x120: {  	[tilespmem:s5+$0x258] =	vst.add.f32.msk $0xffff, v1  }
0x121: {  	v1 =	vld [tilespmem:s2+$0x7368];
	_ =	sdelay $0x4  }
0x122: {  	[tilespmem:s5+$0x268] =	vst.add.f32.msk $0xffff, v1  }
0x123: {  	v1 =	vld [tilespmem:s2+$0x7378];
	_ =	sdelay $0x4  }
0x124: {  	[tilespmem:s5+$0x278] =	vst.add.f32.msk $0xffff, v1  }
0x125: {  	v1 =	vld [tilespmem:s2+$0x7388];
	_ =	sdelay $0x4  }
0x126: {  	[tilespmem:s5+$0x288] =	vst.add.f32.msk $0xffff, v1  }
0x127: {  	v1 =	vld [tilespmem:s2+$0x7398];
	_ =	sdelay $0x4  }
0x128: {  	[tilespmem:s5+$0x298] =	vst.add.f32.msk $0xffff, v1  }
0x129: {  	v1 =	vld [tilespmem:s2+$0x73A8];
	_ =	sdelay $0x4  }
0x12a: {  	[tilespmem:s5+$0x2A8] =	vst.add.f32.msk $0xffff, v1  }
0x12b: {  	v1 =	vld [tilespmem:s2+$0x73B8];
	_ =	sdelay $0x4  }
0x12c: {  	[tilespmem:s5+$0x2B8] =	vst.add.f32.msk $0xffff, v1  }
0x12d: {  	v1 =	vld [tilespmem:s2+$0x73C8];
	_ =	sdelay $0x4  }
0x12e: {  	[tilespmem:s5+$0x2C8] =	vst.add.f32.msk $0xffff, v1  }
0x12f: {  	v1 =	vld [tilespmem:s2+$0x73D8];
	_ =	sdelay $0x4  }
0x130: {  	[tilespmem:s5+$0x2D8] =	vst.add.f32.msk $0xffff, v1  }
0x131: {  	v1 =	vld [tilespmem:s2+$0x73E8];
	_ =	sdelay $0x4  }
0x132: {  	[tilespmem:s5+$0x2E8] =	vst.add.f32.msk $0xffff, v1  }
0x133: {  	v1 =	vld [tilespmem:s2+$0x73F8];
	_ =	sdelay $0x2  }
0x134: {  	p2 =	sgt.u32 s31, $0x4E170  }
0x135: {  	s2 =	sand.u32 @!p2 $0x7FFF8, s31  }
0x136: {  	s3 =	sadd.s32 $0x208, s5;
	s9 =	sand.u32 @!p2 $0x7, s31;
	s2 =	sadd.s32 @!p2 s1, s2;
	[tilespmem:s5+$0x2F8] =	vst.add.f32.msk $0xffff, v1  }
0x137: {  	[hbm4b:s2+s9] =	stream.linear.scatter @!p2 [tilespmem:s3], [sflag:$0xC], $0x80, $0x38;
	[tilespmem:$0x1E678] =	vst v63  }
0x138: {  	s2 =	sadd.s32 @!p2 $0x80, s31  }
0x139: {  	s2 =	sand.u32 @!p2 $0xFFFF8, s2  }
0x13a: {  	s3 =	sadd.s32 $0x288, s5;
	s2 =	sadd.s32 @!p2 s1, s2  }
0x13b: {  	[hbm4b:s2+s9] =	stream.linear.scatter @!p2 [tilespmem:s3], [sflag:$0xC], $0x80, $0x38;
	[tilespmem:$0x1E678] =	vst v63  }
0x13c: {  	s2 =	simm.s32 $0x0  }
0x13d: {  	s2 =	simm.s32 @!p2 $0x400  }
0x13e: {  	s4 =	sadd.s32 s2, s4  }
.LBB2_22:
0x13f: {  	s2 =	sadd.s32 $0x1, s24  }
0x140: {  	s3 =	sshrl.u32 s2, $0x4  }
0x141: {  	s3 =	smulhi.u32 $0x24924925, s3  }
0x142: {  	v1 =	vld [tilespmem:s28+$0xFFFFFF80]  }
0x143: {  	s3 =	smul.u32 $0x70, s3;
	_ =	sdelay $0x1  }
0x144: {  	s24 =	ssub.s32 s2, s3  }
0x145: {  	s2 =	sshll.u32 s24, $0x8  }
0x146: {  	[tilespmem:s2+$0x208] =	vst v1  }
0x147: {  	v1 =	vld [tilespmem:s28+$0xFFFFFF90];
	_ =	sdelay $0x4  }
0x148: {  	[tilespmem:s2+$0x218] =	vst v1  }
0x149: {  	v1 =	vld [tilespmem:s28+$0xFFFFFFA0];
	_ =	sdelay $0x4  }
0x14a: {  	[tilespmem:s2+$0x228] =	vst v1  }
0x14b: {  	v1 =	vld [tilespmem:s28+$0xFFFFFFB0];
	_ =	sdelay $0x4  }
0x14c: {  	[tilespmem:s2+$0x238] =	vst v1  }
0x14d: {  	v1 =	vld [tilespmem:s28+$0xFFFFFFC0];
	_ =	sdelay $0x4  }
0x14e: {  	[tilespmem:s2+$0x248] =	vst v1  }
0x14f: {  	v1 =	vld [tilespmem:s28+$0xFFFFFFD0];
	_ =	sdelay $0x4  }
0x150: {  	[tilespmem:s2+$0x258] =	vst v1  }
0x151: {  	v1 =	vld [tilespmem:s28+$0xFFFFFFE0];
	_ =	sdelay $0x4  }
0x152: {  	[tilespmem:s2+$0x268] =	vst v1  }
0x153: {  	v1 =	vld [tilespmem:s28+$0xFFFFFFF0];
	_ =	sdelay $0x4  }
0x154: {  	[tilespmem:s2+$0x278] =	vst v1  }
0x155: {  	v1 =	vld [tilespmem:s28+$0x0];
	_ =	sdelay $0x4  }
0x156: {  	[tilespmem:s2+$0x288] =	vst v1  }
0x157: {  	v1 =	vld [tilespmem:s28+$0x10];
	_ =	sdelay $0x4  }
0x158: {  	[tilespmem:s2+$0x298] =	vst v1  }
0x159: {  	v1 =	vld [tilespmem:s28+$0x20];
	_ =	sdelay $0x4  }
0x15a: {  	[tilespmem:s2+$0x2A8] =	vst v1  }
0x15b: {  	v1 =	vld [tilespmem:s28+$0x30];
	_ =	sdelay $0x4  }
0x15c: {  	[tilespmem:s2+$0x2B8] =	vst v1  }
0x15d: {  	v1 =	vld [tilespmem:s28+$0x40];
	_ =	sdelay $0x4  }
0x15e: {  	[tilespmem:s2+$0x2C8] =	vst v1  }
0x15f: {  	v1 =	vld [tilespmem:s28+$0x50];
	_ =	sdelay $0x4  }
0x160: {  	[tilespmem:s2+$0x2D8] =	vst v1  }
0x161: {  	v1 =	vld [tilespmem:s28+$0x60];
	_ =	sdelay $0x4  }
0x162: {  	[tilespmem:s2+$0x2E8] =	vst v1  }
0x163: {  	v1 =	vld [tilespmem:s28+$0x70]  }
.Ltmp21:
0x164: {  	_ = 	snop;
	(pc) =	sbr.rel .LBB2_23-.Ltmp21, $2  }
0x165: {  	_ =	sdelay $0x2  }
0x166: {  	s30 =	sadd.s32 $0x1, s30;
	[tilespmem:s2+$0x2F8] =	vst v1  }
.LBB2_25:
.Ltmp22:
0x167: {  	(pc) =	sbr.rel .LBB2_26-.Ltmp22, $4  }
0x168: {  	_ = 	snop  }
0x169: {  	s0 =	simm.s32 $0x2  }
0x16a: {  	_ =	swait.ge [sflag:s0], $0x0  }
0x16b: {  	s2 =	simm.s32 $0x0;
	[sflag:s0] =	ssyncset.done $0x0;
	s0 =	smov.u32 s31  }
.LBB2_28:
0x16c: {  	_ =	sfence.sel $0x180000  }
0x16d: {  	s0 =	simm.s32 $0x9;
	[bflag:$0x0] =	sbarrier.arrive $0xFFFF  }
0x16e: {  	s24 =	simm.s32 $0xA;
	[sflag:s0] =	ssyncpa.u1 $0x1  }
0x16f: {  	s25 =	simm.s32 $0xB;
	[sflag:s24] =	ssyncpa.u1 $0x1  }
0x170: {  	s26 =	simm.s32 $0x2;
	[sflag:s25] =	ssyncpa.u1 $0x1  }
0x171: {  	[sflag:s26] =	ssyncpa.u1 $0x1  }
0x172: {  	v0 =	vld [tilespmem:$0xE408];
	_ =	sdelay $0x4  }
0x173: {  	(v2sf) =	vpush v0, $0x0  }
0x174: {  	(v2sf) =	vpush v0, $0x1;
	_ =	sdelay $0x1  }
0x175: {  	(v2sf) =	vpush v0, $0x2;
	_ =	sdelay $0xb  }
0x176: {  	s0 =	spop (v2sf)  }
0x177: {  	s2 =	spop (v2sf)  }
0x178: {  	s3 =	smov.u32 s0;
	p0 =	sne.s32 s0, s2  }
0x179: {  	s4 =	spop (v2sf);
	s3 =	simm.s32 @!p0 $0xFFFFFFFF  }
0x17a: {  	v2 =	vimm.s32 $0x1;
	v3 =	vlaneseq.u32;
	p0 =	seq.s32 s4, $0xFFFFFFFF;
	v1 =	vmov s3  }
0x17b: {  	s15 =	stileid.u32;
	v0 =	vperm.xlane v0, v2;
	p1 =	sne.s32 @!p0 s0, s2;
	v1 =	vperm.xlane v1, v3  }
0x17c: {  	vm0 =	vcmask $0x3F04;
	s6 =	simm.s32 $0xE408;
	s0 =	simm.s32 @!p0 $0x1;
	p1 =	por !p1, p0  }
0x17d: {  	s3 =	sshll.u32 s15, $0x1;
	s2 =	sshll.u32 @!p0 s4, $0xA;
	s0 =	simm.s32 @p1 $0x0;
	v0 =	vsel vm0, v1, v0  }
0x17e: {  	s5 =	sor.u32 $0x2000, s3;
	s2 =	sshra.s32 @!p0 s2, $0x2;
	s0 =	sor.u32 @!p0 s0, s3;
	[tilespmem:$0xE408] =	vst v0  }
0x17f: {  	[spmem:s5] =	stream.linear.scatter [tilespmem:s6], [sflag:$0x1], $0x2, $0x38;
	[tilespmem:$0x1E678] =	vst v63  }
0x180: {  	s2 =	sadd.s32 @!p0 $0x208, s2;
	s0 =	sshll.u32 @!p0 s0, $0x8  }
0x181: {  	[spmem:s0] =	stream.linear.scatter @!p0 [tilespmem:s2], [sflag:$0x1], $0x100, $0x38;
	[tilespmem:$0x1E678] =	vst v63  }
0x182: {  	s0 =	simm.s32 @!p0 $0x102  }
0x183: {  	s28 =	simm.s32 $0x1;
	s0 =	simm.s32 @p0 $0x2  }
0x184: {  	_ =	swait.ge [sflag:s28], s0  }
0x185: {  	s0 =	ssub.s32 $0x0, s0;
	[sflag:s28] =	ssyncset.done $0x0  }
0x186: {  	p0 =	sne.s32 s15, $0x0;
	[sflag:s28] =	ssyncadd.s32 s0  }
.Ltmp23:
0x187: {  	_ =	sfence.stream.spmem;
	(pc) =	sbr.rel @p0 .LBB2_45-.Ltmp23, $4  }
0x188: {  	s29 =	simm.s32 $0x3;
	[bflag:$0x0] =	sbarrier.arrive $0xFFFF  }
0x189: {  	s30 =	simm.s32 $0x4;
	[sflag:s29] =	ssyncpa.u1 $0x1  }
0x18a: {  	s31 =	simm.s32 $0x3C;
	[sflag:s30] =	ssyncpa.u1 $0x1  }
0x18b: {  	s14 =	rddreg [dreg:$0x6];
	[sflag:s31] =	ssyncpa.u1 $0x1  }
0x18c: {  	_ =	sfence.stream.spmem;
	s0 =	simm.s32 $0x5  }
0x18d: {  	s2 =	simm.s32 $0x2000;
	s3 =	simm.s32 $0xE418;
	[sflag:s0] =	ssyncpa.u1 $0x0  }
0x18e: {  	[tilespmem:s3], [sflag:$0x5] =	stream.linear.gather [spmem:s2], $0x20, $0x38;
	[tilespmem:$0x1E678] =	vst v63  }
0x18f: {  	s26 =	simm.s32 $0x0;
	s28 =	simm.s32 $0xE438  }
0x190: {  	[tilespmem:s28], [sflag:$0x5] =	stream.linear.gather [spmem:s26], $0x2000, $0x38;
	[tilespmem:$0x1E678] =	vst v63  }
0x191: {  	_ =	swait.ge [sflag:s0], $0x2020  }
0x192: {  	[sflag:s0] =	ssyncset.done $0x0  }
0x193: {  	s29 =	simm.s32 $0x0;
	[sflag:s0] =	ssyncadd.s32 $0xFFFFDFE0  }
0x194: {  	v0 =	vld.msk [tilespmem:s29+$0xE418], $0x1;
	_ =	sdelay $0x1  }
0x195: {  	s30 =	simm.s32 $0x1  }
0x196: {  	v1 =	vld.msk [tilespmem:s30+$0xE418], $0x1;
	_ =	sdelay $0x1  }
0x197: {  	(v2sf) =	vpush v0, $0x0;
	_ =	sdelay $0x2  }
0x198: {  	(v2sf) =	vpush v1, $0x0;
	_ =	sdelay $0x2  }
0x199: {  	s31 =	simm.s32 $0x2  }
0x19a: {  	v0 =	vld.msk [tilespmem:s31+$0xE418], $0x1;
	_ =	sdelay $0x2  }
0x19b: {  	s2 =	simm.s32 $0xFFFFFFFF;
	s3 =	simm.s32 $0xFFFFFFFF;
	s0 =	simm.s32 $0xC  }
.LBB2_30:
0x19c: {  	s4 =	smov.u32 s3;
	s5 =	smov.u32 s2  }
0x19d: {  	s2 =	sshra.s32 s0, $0x2;
	p1 =	sne.s32 s0, $0x7C;
	s0 =	sadd.s32 $0x4, s0;
	(v2sf) =	vpush v0, $0x0  }
0x19e: {  	v0 =	vld.msk [tilespmem:s2+$0xE418], $0x1  }
.Ltmp24:
0x19f: {  	(pc) =	sbr.rel @p1 .LBB2_30-.Ltmp24, $4  }
0x1a0: {  	s3 =	spop (v2sf)  }
0x1a1: {  	p2 =	sne.s32 s5, $0xFFFFFFFF;
	s2 =	smov.u32 s3  }
0x1a2: {  	p3 =	seq.s32 s3, $0xFFFFFFFF;
	s2 =	smov.u32 @p2 s5  }
0x1a3: {  	s3 =	smov.u32 @p3 s4;
	s2 =	smov.u32 @p3 s5  }
0x1a4: {  	(v2sf) =	vpush v0, $0x0;
	_ =	sdelay $0x8  }
0x1a5: {  	s0 =	spop (v2sf)  }
0x1a6: {  	p1 =	sne.s32 s2, $0xFFFFFFFF;
	s9 =	simm.s32 $0x6;
	s4 =	smov.u32 s0  }
0x1a7: {  	s6 =	simm.s32 $0x0;
	p2 =	seq.s32 s0, $0xFFFFFFFF;
	s4 =	smov.u32 @p1 s2  }
0x1a8: {  	s10 =	simm.s32 $0xE308;
	s4 =	smov.u32 @p2 s2;
	s2 =	spop (v2sf)  }
0x1a9: {  	s0 =	smov.u32 @p2 s3;
	p1 =	sne.s32 s4, $0xFFFFFFFF;
	s5 =	smov.u32 s2  }
.Ltmp25:
0x1aa: {  	p2 =	seq.s32 s2, $0xFFFFFFFF;
	s5 =	smov.u32 @p1 s4;
	(pc) =	sbr.rel .LBB2_32-.Ltmp25, $4  }
0x1ab: {  	s11 =	simm.s32 $0xE388;
	s5 =	smov.u32 @p2 s4;
	s7 =	spop (v2sf)  }
0x1ac: {  	s12 =	simm.s32 $0x0;
	p1 =	sne.s32 s5, $0xFFFFFFFF;
	s8 =	smov.u32 s7  }
0x1ad: {  	s2 =	smov.u32 @p2 s0;
	p2 =	seq.s32 s7, $0xFFFFFFFF;
	s8 =	smov.u32 @p1 s5  }
0x1ae: {  	[sflag:s9] =	ssyncpa.u1 $0x0;
	s7 =	smov.u32 @p2 s2;
	s8 =	smov.u32 @p2 s5  }
.LBB2_38:
0x1af: {  	p1 =	sgt.u32 s0, $0x4E170  }
0x1b0: {  	p2 =	seq.s32 @!p1 s0, s8  }
0x1b1: {  	p1 =	por p1, p2  }
0x1b2: {  	p2 =	sne.s32 @!p1 s0, s7  }
0x1b3: {  	p1 =	por p1, !p2  }
0x1b4: {  	s0 =	sshll.u32 @p1 s12, $0xA  }
0x1b5: {  	s2 =	sand.u32 @!p1 $0x7FFF8, s0;
	s3 =	sand.u32 @!p1 $0x7, s0;
	s0 =	sadd.s32 @!p1 $0x80, s0  }
0x1b6: {  	s2 =	sadd.s32 @!p1 s1, s2;
	s0 =	sand.u32 @!p1 $0xFFFF8, s0  }
0x1b7: {  	[tilespmem:s10], [sflag:$0x6] =	stream.linear.gather @!p1 [hbm4b:s2+s3], $0x80, $0x38;
	[tilespmem:$0x1E678] =	vst v63  }
0x1b8: {  	s0 =	sadd.s32 @!p1 s1, s0  }
0x1b9: {  	[tilespmem:s11], [sflag:$0x6] =	stream.linear.gather @!p1 [hbm4b:s0+s3], $0x80, $0x38;
	[tilespmem:$0x1E678] =	vst v63  }
0x1ba: {  	_ =	swait.ge @!p1 [sflag:s9], $0x100  }
0x1bb: {  	[sflag:s9] =	ssyncset.done @!p1 $0x0  }
0x1bc: {  	[sflag:s9] =	ssyncadd.s32 @!p1 $0xFFFFFF00  }
0x1bd: {  	v1 =	vld @!p1 [tilespmem:$0xE308];
	_ =	sdelay $0x2  }
0x1be: {  	s0 =	sshll.u32 @!p1 s12, $0xA  }
0x1bf: {  	s2 =	sshrl.u32 @!p1 s0, $0x2  }
0x1c0: {  	[tilespmem:s2+$0xE438] =	vst.add.f32.msk @!p1 $0xffff, v1  }
0x1c1: {  	v1 =	vld @!p1 [tilespmem:$0xE318];
	_ =	sdelay $0x4  }
0x1c2: {  	[tilespmem:s2+$0xE448] =	vst.add.f32.msk @!p1 $0xffff, v1  }
0x1c3: {  	v1 =	vld @!p1 [tilespmem:$0xE328];
	_ =	sdelay $0x4  }
0x1c4: {  	[tilespmem:s2+$0xE458] =	vst.add.f32.msk @!p1 $0xffff, v1  }
0x1c5: {  	v1 =	vld @!p1 [tilespmem:$0xE338];
	_ =	sdelay $0x4  }
0x1c6: {  	[tilespmem:s2+$0xE468] =	vst.add.f32.msk @!p1 $0xffff, v1  }
0x1c7: {  	v1 =	vld @!p1 [tilespmem:$0xE348];
	_ =	sdelay $0x4  }
0x1c8: {  	[tilespmem:s2+$0xE478] =	vst.add.f32.msk @!p1 $0xffff, v1  }
0x1c9: {  	v1 =	vld @!p1 [tilespmem:$0xE358];
	_ =	sdelay $0x4  }
0x1ca: {  	[tilespmem:s2+$0xE488] =	vst.add.f32.msk @!p1 $0xffff, v1  }
0x1cb: {  	v1 =	vld @!p1 [tilespmem:$0xE368];
	_ =	sdelay $0x4  }
0x1cc: {  	[tilespmem:s2+$0xE498] =	vst.add.f32.msk @!p1 $0xffff, v1  }
0x1cd: {  	v1 =	vld @!p1 [tilespmem:$0xE378];
	_ =	sdelay $0x4  }
0x1ce: {  	[tilespmem:s2+$0xE4A8] =	vst.add.f32.msk @!p1 $0xffff, v1  }
0x1cf: {  	v1 =	vld @!p1 [tilespmem:$0xE388];
	_ =	sdelay $0x4  }
0x1d0: {  	[tilespmem:s2+$0xE4B8] =	vst.add.f32.msk @!p1 $0xffff, v1  }
0x1d1: {  	v1 =	vld @!p1 [tilespmem:$0xE398];
	_ =	sdelay $0x4  }
0x1d2: {  	[tilespmem:s2+$0xE4C8] =	vst.add.f32.msk @!p1 $0xffff, v1  }
0x1d3: {  	v1 =	vld @!p1 [tilespmem:$0xE3A8];
	_ =	sdelay $0x4  }
0x1d4: {  	[tilespmem:s2+$0xE4D8] =	vst.add.f32.msk @!p1 $0xffff, v1  }
0x1d5: {  	v1 =	vld @!p1 [tilespmem:$0xE3B8];
	_ =	sdelay $0x4  }
0x1d6: {  	[tilespmem:s2+$0xE4E8] =	vst.add.f32.msk @!p1 $0xffff, v1  }
0x1d7: {  	v1 =	vld @!p1 [tilespmem:$0xE3C8];
	_ =	sdelay $0x4  }
0x1d8: {  	[tilespmem:s2+$0xE4F8] =	vst.add.f32.msk @!p1 $0xffff, v1  }
0x1d9: {  	v1 =	vld @!p1 [tilespmem:$0xE3D8];
	_ =	sdelay $0x4  }
0x1da: {  	[tilespmem:s2+$0xE508] =	vst.add.f32.msk @!p1 $0xffff, v1  }
0x1db: {  	v1 =	vld @!p1 [tilespmem:$0xE3E8];
	_ =	sdelay $0x4  }
0x1dc: {  	[tilespmem:s2+$0xE518] =	vst.add.f32.msk @!p1 $0xffff, v1  }
0x1dd: {  	v1 =	vld @!p1 [tilespmem:$0xE3F8];
	_ =	sdelay $0x4  }
0x1de: {  	[tilespmem:s2+$0xE528] =	vst.add.f32.msk @!p1 $0xffff, v1  }
0x1df: {  	s0 =	sshrl.u32 s0, $0x2;
	[tilespmem:s6+$0xE418] =	vst.msk $0x1, v0  }
0x1e0: {  	v0 =	vld [tilespmem:s0+$0xE438];
	_ =	sdelay $0x2  }
0x1e1: {  	s31 =	sshll.u32 s6, $0xA  }
0x1e2: {  	s2 =	sshra.s32 s31, $0x2  }
0x1e3: {  	[tilespmem:s2+$0xE438] =	vst v0  }
0x1e4: {  	v0 =	vld [tilespmem:s0+$0xE448];
	_ =	sdelay $0x4  }
0x1e5: {  	[tilespmem:s2+$0xE448] =	vst v0  }
0x1e6: {  	v0 =	vld [tilespmem:s0+$0xE458];
	_ =	sdelay $0x4  }
0x1e7: {  	[tilespmem:s2+$0xE458] =	vst v0  }
0x1e8: {  	v0 =	vld [tilespmem:s0+$0xE468];
	_ =	sdelay $0x4  }
0x1e9: {  	[tilespmem:s2+$0xE468] =	vst v0  }
0x1ea: {  	v0 =	vld [tilespmem:s0+$0xE478];
	_ =	sdelay $0x4  }
0x1eb: {  	[tilespmem:s2+$0xE478] =	vst v0  }
0x1ec: {  	v0 =	vld [tilespmem:s0+$0xE488];
	_ =	sdelay $0x4  }
0x1ed: {  	[tilespmem:s2+$0xE488] =	vst v0  }
0x1ee: {  	v0 =	vld [tilespmem:s0+$0xE498];
	_ =	sdelay $0x4  }
0x1ef: {  	[tilespmem:s2+$0xE498] =	vst v0  }
0x1f0: {  	v0 =	vld [tilespmem:s0+$0xE4A8];
	_ =	sdelay $0x4  }
0x1f1: {  	[tilespmem:s2+$0xE4A8] =	vst v0  }
0x1f2: {  	v0 =	vld [tilespmem:s0+$0xE4B8];
	_ =	sdelay $0x4  }
0x1f3: {  	[tilespmem:s2+$0xE4B8] =	vst v0  }
0x1f4: {  	v0 =	vld [tilespmem:s0+$0xE4C8];
	_ =	sdelay $0x4  }
0x1f5: {  	[tilespmem:s2+$0xE4C8] =	vst v0  }
0x1f6: {  	v0 =	vld [tilespmem:s0+$0xE4D8];
	_ =	sdelay $0x4  }
0x1f7: {  	[tilespmem:s2+$0xE4D8] =	vst v0  }
0x1f8: {  	v0 =	vld [tilespmem:s0+$0xE4E8];
	_ =	sdelay $0x4  }
0x1f9: {  	[tilespmem:s2+$0xE4E8] =	vst v0  }
0x1fa: {  	v0 =	vld [tilespmem:s0+$0xE4F8];
	_ =	sdelay $0x4  }
0x1fb: {  	[tilespmem:s2+$0xE4F8] =	vst v0  }
0x1fc: {  	v0 =	vld [tilespmem:s0+$0xE508];
	_ =	sdelay $0x4  }
0x1fd: {  	[tilespmem:s2+$0xE508] =	vst v0  }
0x1fe: {  	v0 =	vld [tilespmem:s0+$0xE518];
	_ =	sdelay $0x4  }
0x1ff: {  	[tilespmem:s2+$0xE518] =	vst v0  }
0x200: {  	v0 =	vld [tilespmem:s0+$0xE528];
	_ =	sdelay $0x4  }
0x201: {  	s6 =	sadd.s32 $0x1, s6;
	[tilespmem:s2+$0xE528] =	vst v0  }
.LBB2_39:
0x202: {  	s12 =	sadd.s32 $0x1, s12  }
0x203: {  	p1 =	sne.s32 s12, $0x20  }
.Ltmp26:
0x204: {  	_ = 	snop;
	(pc) =	sbr.rel @!p1 .LBB2_40-.Ltmp26, $1  }
0x205: {  	_ =	sdelay $0x3  }
.LBB2_32:
0x206: {  	v0 =	vld.msk [tilespmem:s12+$0xE418], $0x1;
	_ =	sdelay $0x4  }
0x207: {  	(v2sf) =	vpush v0, $0x0;
	_ =	sdelay $0xe  }
0x208: {  	s0 =	spop (v2sf)  }
0x209: {  	p1 =	seq.s32 s0, $0xFFFFFFFF  }
.Ltmp27:
0x20a: {  	_ = 	snop;
	(pc) =	sbr.rel @p1 .LBB2_39-.Ltmp27, $1  }
0x20b: {  	_ =	sdelay $0x3  }
0x20c: {  	p1 =	slt.s32 s6, $0x1  }
.Ltmp28:
0x20d: {  	_ = 	snop;
	(pc) =	sbr.rel @p1 .LBB2_38-.Ltmp28, $1  }
0x20e: {  	_ =	sdelay $0x3  }
0x20f: {  	s4 =	simm.s32 $0xE418;
	p1 =	por $0x0, $0x0  }
0x210: {  	v1 =	vld.msk @!p1 [tilespmem:s4+$0x0], $0x1;
	_ =	sdelay $0x4  }
0x211: {  	(v2sf) =	vpush @!p1 v1, $0x0;
	_ =	sdelay $0xd  }
0x212: {  	p3 =	sne.s32 s6, $0x1  }
.Ltmp29:
0x213: {  	s2 =	spop @!p1 (v2sf);
	(pc) =	sbr.rel @!p3 .LBB2_36-.Ltmp29, $4  }
0x214: {  	p2 =	seq.s32 @!p1 s0, s2  }
0x215: {  	s5 =	simm.s32 $0x0;
	p2 =	por !p2, p1  }
0x216: {  	s2 =	simm.s32 $0xFFFFFFFF;
	s5 =	simm.s32 @p2 $0xFFFFFFFF  }
0x217: {  	s13 =	simm.s32 $0x1;
	s5 =	smov.u32 @p1 s2  }
.LBB2_35:
0x218: {  	s2 =	smov.u32 s5;
	p1 =	sne.s32 s5, $0xFFFFFFFF  }
0x219: {  	s4 =	sadd.s32 $0x1, s4;
	s5 =	smov.u32 s13;
	s13 =	sadd.s32 $0x1, s13  }
0x21a: {  	p2 =	sne.s32 s6, s13;
	v1 =	vld.msk @!p1 [tilespmem:s4+$0x0], $0x1;
	_ =	sdelay $0x4  }
0x21b: {  	(v2sf) =	vpush @!p1 v1, $0x0;
	_ =	sdelay $0xe  }
.Ltmp30:
0x21c: {  	s3 =	spop @!p1 (v2sf);
	(pc) =	sbr.rel @p2 .LBB2_35-.Ltmp30, $4  }
0x21d: {  	p3 =	seq.s32 @!p1 s0, s3  }
0x21e: {  	p3 =	por !p3, p1  }
0x21f: {  	s5 =	simm.s32 @p3 $0xFFFFFFFF  }
0x220: {  	s5 =	smov.u32 @p1 s2  }
.LBB2_36:
0x221: {  	p1 =	seq.s32 s5, $0xFFFFFFFF  }
.Ltmp31:
0x222: {  	_ = 	snop;
	(pc) =	sbr.rel @p1 .LBB2_38-.Ltmp31, $1  }
0x223: {  	_ =	sdelay $0x3  }
0x224: {  	s0 =	sshll.u32 s12, $0x8  }
0x225: {  	s0 =	sand.u32 $0x3FFFFF00, s0  }
0x226: {  	v0 =	vld [tilespmem:s0+$0xE438];
	_ =	sdelay $0x2  }
0x227: {  	s2 =	sshll.u32 s5, $0xA  }
0x228: {  	s2 =	sshra.s32 s2, $0x2  }
0x229: {  	[tilespmem:s2+$0xE438] =	vst.add.f32.msk $0xffff, v0  }
0x22a: {  	v0 =	vld [tilespmem:s0+$0xE448];
	_ =	sdelay $0x4  }
0x22b: {  	[tilespmem:s2+$0xE448] =	vst.add.f32.msk $0xffff, v0  }
0x22c: {  	v0 =	vld [tilespmem:s0+$0xE458];
	_ =	sdelay $0x4  }
0x22d: {  	[tilespmem:s2+$0xE458] =	vst.add.f32.msk $0xffff, v0  }
0x22e: {  	v0 =	vld [tilespmem:s0+$0xE468];
	_ =	sdelay $0x4  }
0x22f: {  	[tilespmem:s2+$0xE468] =	vst.add.f32.msk $0xffff, v0  }
0x230: {  	v0 =	vld [tilespmem:s0+$0xE478];
	_ =	sdelay $0x4  }
0x231: {  	[tilespmem:s2+$0xE478] =	vst.add.f32.msk $0xffff, v0  }
0x232: {  	v0 =	vld [tilespmem:s0+$0xE488];
	_ =	sdelay $0x4  }
0x233: {  	[tilespmem:s2+$0xE488] =	vst.add.f32.msk $0xffff, v0  }
0x234: {  	v0 =	vld [tilespmem:s0+$0xE498];
	_ =	sdelay $0x4  }
0x235: {  	[tilespmem:s2+$0xE498] =	vst.add.f32.msk $0xffff, v0  }
0x236: {  	v0 =	vld [tilespmem:s0+$0xE4A8];
	_ =	sdelay $0x4  }
0x237: {  	[tilespmem:s2+$0xE4A8] =	vst.add.f32.msk $0xffff, v0  }
0x238: {  	v0 =	vld [tilespmem:s0+$0xE4B8];
	_ =	sdelay $0x4  }
0x239: {  	[tilespmem:s2+$0xE4B8] =	vst.add.f32.msk $0xffff, v0  }
0x23a: {  	v0 =	vld [tilespmem:s0+$0xE4C8];
	_ =	sdelay $0x4  }
0x23b: {  	[tilespmem:s2+$0xE4C8] =	vst.add.f32.msk $0xffff, v0  }
0x23c: {  	v0 =	vld [tilespmem:s0+$0xE4D8];
	_ =	sdelay $0x4  }
0x23d: {  	[tilespmem:s2+$0xE4D8] =	vst.add.f32.msk $0xffff, v0  }
0x23e: {  	v0 =	vld [tilespmem:s0+$0xE4E8];
	_ =	sdelay $0x4  }
0x23f: {  	[tilespmem:s2+$0xE4E8] =	vst.add.f32.msk $0xffff, v0  }
0x240: {  	v0 =	vld [tilespmem:s0+$0xE4F8];
	_ =	sdelay $0x4  }
0x241: {  	[tilespmem:s2+$0xE4F8] =	vst.add.f32.msk $0xffff, v0  }
0x242: {  	v0 =	vld [tilespmem:s0+$0xE508];
	_ =	sdelay $0x4  }
0x243: {  	[tilespmem:s2+$0xE508] =	vst.add.f32.msk $0xffff, v0  }
0x244: {  	v0 =	vld [tilespmem:s0+$0xE518];
	_ =	sdelay $0x4  }
0x245: {  	[tilespmem:s2+$0xE518] =	vst.add.f32.msk $0xffff, v0  }
0x246: {  	v0 =	vld [tilespmem:s0+$0xE528]  }
.Ltmp32:
0x247: {  	_ = 	snop;
	(pc) =	sbr.rel .LBB2_39-.Ltmp32, $2  }
0x248: {  	_ =	sdelay $0x2  }
0x249: {  	[tilespmem:s2+$0xE528] =	vst.add.f32.msk $0xffff, v0  }
.LBB2_40:
0x24a: {  	s0 =	simm.s32 $0x6;
	p1 =	seq.s32 s6, $0x0  }
0x24b: {  	[sflag:s0] =	ssyncpa.u1 $0x1;
	v0 =	vimm.s32 @p1 $0xFFFFFFFF  }
0x24c: {  	s0 =	sadd.s32 $0xFFFFFFFF, s6;
	[tilespmem:$0x10438] =	vst @p1 v0  }
0x24d: {  	v0 =	vld.msk @!p1 [tilespmem:s0+$0xE418], $0x1;
	_ =	sdelay $0x1  }
0x24e: {  	v1 =	vld.msk @!p1 [tilespmem:$0xE418], $0x1;
	_ =	sdelay $0x2  }
0x24f: {  	p2 =	seq.s32 @!p1 s0, $0x0;
	v0 =	vbroadcast @!p1 v0, $0x0  }
0x250: {  	vm0 =	vmmov @!p1 $0x1;
	p2 =	por !p2, p1  }
0x251: {  	v1 =	vnsel @!p1 vm0, $0xFFFFFFFF, v1;
	vm0 =	vcmask @!p1 $0x308;
	v0 =	vpsel !p2, $0xFFFFFFFF, v0  }
0x252: {  	p2 =	sne.s32 @!p1 s8, s7;
	v0 =	vsel @!p1 vm0, v1, v0  }
0x253: {  	s2 =	simm.s32 @!p1 $0xE438;
	s3 =	simm.s32 @!p1 $0x0;
	p3 =	por !p2, p1;
	[tilespmem:$0x10438] =	vst @!p1 v0  }
0x254: {  	[spmem:s3] =	stream.linear.scatter @!p1 [tilespmem:s2], [sflag:$0x1], $0x100, $0x38;
	[tilespmem:$0x1E678] =	vst v63  }
0x255: {  	s2 =	sshll.u32 @!p3 s0, $0xA  }
0x256: {  	s2 =	sshra.s32 @!p3 s2, $0x2  }
0x257: {  	s3 =	simm.s32 @!p3 $0x100;
	s2 =	sadd.s32 @!p3 $0xE438, s2  }
0x258: {  	[spmem:s3] =	stream.linear.scatter @!p3 [tilespmem:s2], [sflag:$0x1], $0x100, $0x38;
	[tilespmem:$0x1E678] =	vst v63  }
0x259: {  	s2 =	simm.s32 @!p3 $0x1  }
0x25a: {  	_ =	swait.ge @!p3 [sflag:s2], $0x200  }
0x25b: {  	p1 =	por p2, p1;
	[sflag:s2] =	ssyncset.done @!p3 $0x0  }
0x25c: {  	[sflag:s2] =	ssyncadd.s32 @!p3 $0xFFFFFE00;
	s2 =	simm.s32 @!p1 $0x1  }
0x25d: {  	_ =	swait.ge @!p1 [sflag:s2], $0x100  }
0x25e: {  	s29 =	simm.s32 $0x10438;
	[sflag:s2] =	ssyncset.done @!p1 $0x0  }
0x25f: {  	s30 =	simm.s32 $0x2000;
	s31 =	simm.s32 $0x1;
	[sflag:s2] =	ssyncadd.s32 @!p1 $0xFFFFFF00  }
0x260: {  	[spmem:s30] =	stream.linear.scatter [tilespmem:s29], [sflag:$0x1], $0x10, $0x38;
	[tilespmem:$0x1E678] =	vst v63  }
0x261: {  	_ =	swait.ge [sflag:s31], $0x10  }
0x262: {  	[sflag:s31] =	ssyncset.done $0x0  }
0x263: {  	p1 =	seq.s32 s14, $0x0;
	s9 =	rddreg [dreg:$0x3];
	[sflag:s31] =	ssyncadd.s32 $0xFFFFFFF0  }
0x264: {  	s3 =	sshll.u32 @p1 s9, $0xE;
	s8 =	rddreg [dreg:$0x4]  }
0x265: {  	s2 =	sadd.s32 @p1 $0x15C3C, s3;
	s3 =	sshll.u32 @p1 s8, $0x11  }
0x266: {  	_ =	sfence.stream.spmem;
	s2 =	sor.u32 @p1 s3, s2  }
0x267: {  	[sflag:s2] =	ssyncadd.remote.s32 @p1 $0x1;
	s2 =	simm.s32 @p1 $0x4  }
0x268: {  	s4 =	simm.s32 @!p1 $0x3C;
	s3 =	sand.u32 $0xFFFFFFFE, s9;
	_ =	swait.ge @p1 [sflag:s2], $0x42  }
0x269: {  	s5 =	simm.s32 @!p1 $0x0;
	s3 =	sadd.s32 @!p1 $0x4, s3;
	[sflag:s2] =	ssyncset.done @p1 $0x0  }
0x26a: {  	s7 =	simm.s32 @!p1 $0x200;
	[sflag:s2] =	ssyncadd.s32 @p1 $0xFFFFFFBE;
	s2 =	sshll.u32 @!p1 s3, $0x1A  }
0x26b: {  	s3 =	sshll.u32 @!p1 s3, $0xD;
	s2 =	sor.u32 @!p1 s2, s8;
	_ =	swait.eq @!p1 [sflag:s4], $0x1  }
0x26c: {  	s3 =	sor.u32 @!p1 $0x1C04, s3;
	s4 =	simm.s32 @!p1 $0x1C03;
	s2 =	sor.u32 @!p1 $0x80004000, s2  }
0x26d: {  	[spmem:s7], [sflag:s3] =	dma.general @!p1 [spmem:s5], [sflag:s4], length:$0x40, [dreg:$0x0], stride_count:$0x0, ici_dest:s2, dma_misc:DstOpCode:WRITE  }
0x26e: {  	p2 =	slt.s32 s0, $0x2;
	s5 =	simm.s32 @!p1 $0x400;
	s7 =	simm.s32 @!p1 $0x402  }
0x26f: {  	[spmem:s7], [sflag:s3] =	dma.general @!p1 [spmem:s5], [sflag:s4], length:$0x2, [dreg:$0x0], stride_count:$0x0, ici_dest:s2, dma_misc:DstOpCode:WRITE  }
.Ltmp33:
0x270: {  	s2 =	simm.s32 @!p1 $0x3;
	(pc) =	sbr.rel @p2 .LBB2_44-.Ltmp33, $4  }
0x271: {  	s3 =	sshll.u32 @!p1 s9, $0xE;
	_ =	swait.ge @!p1 [sflag:s2], $0x42  }
0x272: {  	s4 =	sshll.u32 @!p1 s8, $0x11;
	s3 =	sadd.s32 @!p1 $0x11C3C, s3;
	[sflag:s2] =	ssyncset.done @!p1 $0x0  }
0x273: {  	[sflag:s2] =	ssyncadd.s32 @!p1 $0xFFFFFFBE;
	s2 =	sor.u32 @!p1 s4, s3  }
0x274: {  	s0 =	simm.s32 $0x0;
	[sflag:s2] =	ssyncadd.remote.s32 @!p1 $0xFFFFFFFF  }
0x275: {  	s0 =	simm.s32 $0xE419  }
0x276: {  	v0 =	vld.msk [tilespmem:s0+$0x0], $0x1;
	_ =	sdelay $0x4  }
0x277: {  	(v2sf) =	vpush v0, $0x0;
	_ =	sdelay $0xd  }
0x278: {  	s31 =	sadd.s32 $0xFFFFFFFE, s6  }
0x279: {  	s6 =	simm.s32 $0x0;
	s0 =	sadd.s32 $0xFFFFFFFF, s31;
	s2 =	spop (v2sf)  }
0x27a: {  	s3 =	simm.s32 $0xE538;
	p1 =	sne.s32 s0, $0x0;
	p2 =	sgt.u32 s2, $0x4E170  }
.Ltmp34:
0x27b: {  	s4 =	simm.s32 $0xE638;
	s5 =	sand.u32 @!p2 $0x7FFF8, s2;
	(pc) =	sbr.rel @!p1 .LBB2_43-.Ltmp34, $4  }
0x27c: {  	s7 =	sadd.s32 @!p2 $0x80, s2;
	s2 =	sand.u32 @!p2 $0x7, s2;
	s6 =	simm.s32 @!p2 $0x400  }
0x27d: {  	s5 =	sadd.s32 @!p2 s1, s5;
	s7 =	sand.u32 @!p2 $0xFFFF8, s7;
	s6 =	sadd.s32 $0x0, s6  }
0x27e: {  	[hbm4b:s5+s2] =	stream.linear.scatter @!p2 [tilespmem:s3], [sflag:$0x5], $0x80, $0x38;
	[tilespmem:$0x1E678] =	vst v63  }
0x27f: {  	s5 =	simm.s32 $0xE41A;
	s3 =	simm.s32 @!p2 $0xE5B8;
	s7 =	sadd.s32 @!p2 s1, s7  }
.LBB2_42:
0x280: {  	[hbm4b:s7+s2] =	stream.linear.scatter @!p2 [tilespmem:s3], [sflag:$0x5], $0x80, $0x38;
	[tilespmem:$0x1E678] =	vst v63  }
0x281: {  	s0 =	sadd.s32 $0xFFFFFFFF, s0;
	s3 =	smov.u32 s4;
	v0 =	vld.msk [tilespmem:s5+$0x0], $0x1  }
0x282: {  	p1 =	sne.s32 s0, $0x0;
	_ =	sdelay $0x3  }
0x283: {  	(v2sf) =	vpush v0, $0x0;
	_ =	sdelay $0xe  }
0x284: {  	s4 =	sadd.s32 $0x100, s4;
	s8 =	simm.s32 $0x0;
	s2 =	spop (v2sf)  }
.Ltmp35:
0x285: {  	s5 =	sadd.s32 $0x1, s5;
	p2 =	sgt.u32 s2, $0x4E170;
	(pc) =	sbr.rel @p1 .LBB2_42-.Ltmp35, $4  }
0x286: {  	s8 =	simm.s32 @!p2 $0x400;
	s7 =	sand.u32 @!p2 $0x7FFF8, s2;
	s9 =	sadd.s32 @!p2 $0x80, s2  }
0x287: {  	s2 =	sand.u32 @!p2 $0x7, s2;
	s7 =	sadd.s32 @!p2 s1, s7;
	s9 =	sand.u32 @!p2 $0xFFFF8, s9  }
0x288: {  	[hbm4b:s7+s2] =	stream.linear.scatter @!p2 [tilespmem:s3], [sflag:$0x5], $0x80, $0x38;
	[tilespmem:$0x1E678] =	vst v63  }
0x289: {  	s6 =	sadd.s32 s6, s8;
	s3 =	sadd.s32 @!p2 $0x80, s3;
	s7 =	sadd.s32 @!p2 s1, s9  }
.LBB2_43:
0x28a: {  	[hbm4b:s7+s2] =	stream.linear.scatter @!p2 [tilespmem:s3], [sflag:$0x5], $0x80, $0x38;
	[tilespmem:$0x1E678] =	vst v63  }
0x28b: {  	s0 =	sshrl.u32 s6, $0x2  }
.LBB2_44:
0x28c: {  	s2 =	simm.s32 $0x5  }
0x28d: {  	_ =	swait.ge [sflag:s2], s0  }
0x28e: {  	s31 =	ssub.s32 $0x0, s0;
	[sflag:s2] =	ssyncset.done $0x0  }
0x28f: {  	[sflag:s2] =	ssyncadd.s32 s31  }
0x290: {  	[sflag:s2] =	ssyncpa.u1 $0x1  }
.LBB2_45:
0x291: {  	s0 =	sor.u32 s14, s15  }
0x292: {  	p1 =	sne.s32 s0, $0x0  }
.Ltmp36:
0x293: {  	_ = 	snop;
	(pc) =	sbr.rel @p1 .LBB2_60-.Ltmp36, $3  }
0x294: {  	_ =	sdelay $0x1  }
0x295: {  	[bflag:$0x0] =	sbarrier.arrive $0xFFFF  }
0x296: {  	_ =	sfence  }
0x297: {  	s0 =	simm.s32 $0x7  }
0x298: {  	s2 =	simm.s32 $0x2000;
	s3 =	simm.s32 $0xE418;
	[sflag:s0] =	ssyncpa.u1 $0x0  }
0x299: {  	[tilespmem:s3], [sflag:$0x7] =	stream.linear.gather [spmem:s2], $0x20, $0x38;
	[tilespmem:$0x1E678] =	vst v63  }
0x29a: {  	s30 =	simm.s32 $0xE438;
	s2 =	simm.s32 $0x0  }
0x29b: {  	[tilespmem:s30], [sflag:$0x7] =	stream.linear.gather [spmem:s2], $0x2000, $0x38;
	[tilespmem:$0x1E678] =	vst v63  }
.Ltmp37:
0x29c: {  	_ = 	snop;
	(pc) =	sbr.rel .LBB2_47-.Ltmp37, $4  }
0x29d: {  	_ =	swait.ge [sflag:s0], $0x2020  }
0x29e: {  	[sflag:s0] =	ssyncset.done $0x0  }
0x29f: {  	s31 =	simm.s32 $0x8;
	[sflag:s0] =	ssyncadd.s32 $0xFFFFDFE0  }
0x2a0: {  	s3 =	simm.s32 $0x0;
	[sflag:s31] =	ssyncpa.u1 $0x0  }
.LBB2_53:
0x2a1: {  	p1 =	slt.u32 s0, $0x4E171  }
0x2a2: {  	s4 =	sand.u32 @p1 $0x7FFF8, s0;
	s5 =	sand.u32 @p1 $0x7, s0;
	s0 =	sadd.s32 @p1 $0x80, s0  }
0x2a3: {  	s6 =	simm.s32 @p1 $0xE308;
	s4 =	sadd.s32 @p1 s1, s4;
	s0 =	sand.u32 @p1 $0xFFFF8, s0  }
0x2a4: {  	[tilespmem:s6], [sflag:$0x8] =	stream.linear.gather @p1 [hbm4b:s4+s5], $0x80, $0x38;
	[tilespmem:$0x1E678] =	vst v63  }
0x2a5: {  	s0 =	sadd.s32 @p1 s1, s0;
	s4 =	simm.s32 @p1 $0xE388  }
0x2a6: {  	[tilespmem:s4], [sflag:$0x8] =	stream.linear.gather @p1 [hbm4b:s0+s5], $0x80, $0x38;
	[tilespmem:$0x1E678] =	vst v63  }
0x2a7: {  	s0 =	simm.s32 @p1 $0x8  }
0x2a8: {  	_ =	swait.ge @p1 [sflag:s0], $0x100  }
0x2a9: {  	[sflag:s0] =	ssyncset.done @p1 $0x0  }
0x2aa: {  	[sflag:s0] =	ssyncadd.s32 @p1 $0xFFFFFF00  }
0x2ab: {  	v1 =	vld @p1 [tilespmem:$0xE308];
	_ =	sdelay $0x2  }
0x2ac: {  	s0 =	sshll.u32 @p1 s3, $0xA  }
0x2ad: {  	s4 =	sshrl.u32 @p1 s0, $0x2  }
0x2ae: {  	[tilespmem:s4+$0xE438] =	vst.add.f32.msk @p1 $0xffff, v1  }
0x2af: {  	v1 =	vld @p1 [tilespmem:$0xE318];
	_ =	sdelay $0x4  }
0x2b0: {  	[tilespmem:s4+$0xE448] =	vst.add.f32.msk @p1 $0xffff, v1  }
0x2b1: {  	v1 =	vld @p1 [tilespmem:$0xE328];
	_ =	sdelay $0x4  }
0x2b2: {  	[tilespmem:s4+$0xE458] =	vst.add.f32.msk @p1 $0xffff, v1  }
0x2b3: {  	v1 =	vld @p1 [tilespmem:$0xE338];
	_ =	sdelay $0x4  }
0x2b4: {  	[tilespmem:s4+$0xE468] =	vst.add.f32.msk @p1 $0xffff, v1  }
0x2b5: {  	v1 =	vld @p1 [tilespmem:$0xE348];
	_ =	sdelay $0x4  }
0x2b6: {  	[tilespmem:s4+$0xE478] =	vst.add.f32.msk @p1 $0xffff, v1  }
0x2b7: {  	v1 =	vld @p1 [tilespmem:$0xE358];
	_ =	sdelay $0x4  }
0x2b8: {  	[tilespmem:s4+$0xE488] =	vst.add.f32.msk @p1 $0xffff, v1  }
0x2b9: {  	v1 =	vld @p1 [tilespmem:$0xE368];
	_ =	sdelay $0x4  }
0x2ba: {  	[tilespmem:s4+$0xE498] =	vst.add.f32.msk @p1 $0xffff, v1  }
0x2bb: {  	v1 =	vld @p1 [tilespmem:$0xE378];
	_ =	sdelay $0x4  }
0x2bc: {  	[tilespmem:s4+$0xE4A8] =	vst.add.f32.msk @p1 $0xffff, v1  }
0x2bd: {  	v1 =	vld @p1 [tilespmem:$0xE388];
	_ =	sdelay $0x4  }
0x2be: {  	[tilespmem:s4+$0xE4B8] =	vst.add.f32.msk @p1 $0xffff, v1  }
0x2bf: {  	v1 =	vld @p1 [tilespmem:$0xE398];
	_ =	sdelay $0x4  }
0x2c0: {  	[tilespmem:s4+$0xE4C8] =	vst.add.f32.msk @p1 $0xffff, v1  }
0x2c1: {  	v1 =	vld @p1 [tilespmem:$0xE3A8];
	_ =	sdelay $0x4  }
0x2c2: {  	[tilespmem:s4+$0xE4D8] =	vst.add.f32.msk @p1 $0xffff, v1  }
0x2c3: {  	v1 =	vld @p1 [tilespmem:$0xE3B8];
	_ =	sdelay $0x4  }
0x2c4: {  	[tilespmem:s4+$0xE4E8] =	vst.add.f32.msk @p1 $0xffff, v1  }
0x2c5: {  	v1 =	vld @p1 [tilespmem:$0xE3C8];
	_ =	sdelay $0x4  }
0x2c6: {  	[tilespmem:s4+$0xE4F8] =	vst.add.f32.msk @p1 $0xffff, v1  }
0x2c7: {  	v1 =	vld @p1 [tilespmem:$0xE3D8];
	_ =	sdelay $0x4  }
0x2c8: {  	[tilespmem:s4+$0xE508] =	vst.add.f32.msk @p1 $0xffff, v1  }
0x2c9: {  	v1 =	vld @p1 [tilespmem:$0xE3E8];
	_ =	sdelay $0x4  }
0x2ca: {  	[tilespmem:s4+$0xE518] =	vst.add.f32.msk @p1 $0xffff, v1  }
0x2cb: {  	v1 =	vld @p1 [tilespmem:$0xE3F8];
	_ =	sdelay $0x3  }
0x2cc: {  	s5 =	sshll.u32 @!p1 s3, $0xA  }
0x2cd: {  	s5 =	smov.u32 @p1 s0;
	[tilespmem:s4+$0xE528] =	vst.add.f32.msk @p1 $0xffff, v1  }
0x2ce: {  	s0 =	sshrl.u32 s5, $0x2;
	[tilespmem:s2+$0xE418] =	vst.msk $0x1, v0  }
0x2cf: {  	v0 =	vld [tilespmem:s0+$0xE438];
	_ =	sdelay $0x2  }
0x2d0: {  	s31 =	sshll.u32 s2, $0xA  }
0x2d1: {  	s4 =	sshra.s32 s31, $0x2  }
0x2d2: {  	[tilespmem:s4+$0xE438] =	vst v0  }
0x2d3: {  	v0 =	vld [tilespmem:s0+$0xE448];
	_ =	sdelay $0x4  }
0x2d4: {  	[tilespmem:s4+$0xE448] =	vst v0  }
0x2d5: {  	v0 =	vld [tilespmem:s0+$0xE458];
	_ =	sdelay $0x4  }
0x2d6: {  	[tilespmem:s4+$0xE458] =	vst v0  }
0x2d7: {  	v0 =	vld [tilespmem:s0+$0xE468];
	_ =	sdelay $0x4  }
0x2d8: {  	[tilespmem:s4+$0xE468] =	vst v0  }
0x2d9: {  	v0 =	vld [tilespmem:s0+$0xE478];
	_ =	sdelay $0x4  }
0x2da: {  	[tilespmem:s4+$0xE478] =	vst v0  }
0x2db: {  	v0 =	vld [tilespmem:s0+$0xE488];
	_ =	sdelay $0x4  }
0x2dc: {  	[tilespmem:s4+$0xE488] =	vst v0  }
0x2dd: {  	v0 =	vld [tilespmem:s0+$0xE498];
	_ =	sdelay $0x4  }
0x2de: {  	[tilespmem:s4+$0xE498] =	vst v0  }
0x2df: {  	v0 =	vld [tilespmem:s0+$0xE4A8];
	_ =	sdelay $0x4  }
0x2e0: {  	[tilespmem:s4+$0xE4A8] =	vst v0  }
0x2e1: {  	v0 =	vld [tilespmem:s0+$0xE4B8];
	_ =	sdelay $0x4  }
0x2e2: {  	[tilespmem:s4+$0xE4B8] =	vst v0  }
0x2e3: {  	v0 =	vld [tilespmem:s0+$0xE4C8];
	_ =	sdelay $0x4  }
0x2e4: {  	[tilespmem:s4+$0xE4C8] =	vst v0  }
0x2e5: {  	v0 =	vld [tilespmem:s0+$0xE4D8];
	_ =	sdelay $0x4  }
0x2e6: {  	[tilespmem:s4+$0xE4D8] =	vst v0  }
0x2e7: {  	v0 =	vld [tilespmem:s0+$0xE4E8];
	_ =	sdelay $0x4  }
0x2e8: {  	[tilespmem:s4+$0xE4E8] =	vst v0  }
0x2e9: {  	v0 =	vld [tilespmem:s0+$0xE4F8];
	_ =	sdelay $0x4  }
0x2ea: {  	[tilespmem:s4+$0xE4F8] =	vst v0  }
0x2eb: {  	v0 =	vld [tilespmem:s0+$0xE508];
	_ =	sdelay $0x4  }
0x2ec: {  	[tilespmem:s4+$0xE508] =	vst v0  }
0x2ed: {  	v0 =	vld [tilespmem:s0+$0xE518];
	_ =	sdelay $0x4  }
0x2ee: {  	[tilespmem:s4+$0xE518] =	vst v0  }
0x2ef: {  	v0 =	vld [tilespmem:s0+$0xE528];
	_ =	sdelay $0x4  }
0x2f0: {  	s2 =	sadd.s32 $0x1, s2;
	[tilespmem:s4+$0xE528] =	vst v0  }
.LBB2_54:
0x2f1: {  	s3 =	sadd.s32 $0x1, s3  }
0x2f2: {  	p1 =	sne.s32 s3, $0x20  }
.Ltmp38:
0x2f3: {  	_ = 	snop;
	(pc) =	sbr.rel @!p1 .LBB2_55-.Ltmp38, $1  }
0x2f4: {  	_ =	sdelay $0x3  }
.LBB2_47:
0x2f5: {  	v0 =	vld.msk [tilespmem:s3+$0xE418], $0x1;
	_ =	sdelay $0x4  }
0x2f6: {  	(v2sf) =	vpush v0, $0x0;
	_ =	sdelay $0xe  }
0x2f7: {  	s0 =	spop (v2sf)  }
0x2f8: {  	p1 =	seq.s32 s0, $0xFFFFFFFF  }
.Ltmp39:
0x2f9: {  	_ = 	snop;
	(pc) =	sbr.rel @p1 .LBB2_54-.Ltmp39, $1  }
0x2fa: {  	_ =	sdelay $0x3  }
0x2fb: {  	p1 =	slt.s32 s2, $0x1  }
.Ltmp40:
0x2fc: {  	_ = 	snop;
	(pc) =	sbr.rel @p1 .LBB2_53-.Ltmp40, $1  }
0x2fd: {  	_ =	sdelay $0x3  }
0x2fe: {  	s4 =	simm.s32 $0xE418;
	p1 =	por $0x0, $0x0  }
0x2ff: {  	v1 =	vld.msk @!p1 [tilespmem:s4+$0x0], $0x1;
	_ =	sdelay $0x4  }
0x300: {  	(v2sf) =	vpush @!p1 v1, $0x0;
	_ =	sdelay $0xd  }
0x301: {  	p3 =	sne.s32 s2, $0x1  }
.Ltmp41:
0x302: {  	s5 =	spop @!p1 (v2sf);
	(pc) =	sbr.rel @!p3 .LBB2_51-.Ltmp41, $4  }
0x303: {  	p2 =	seq.s32 @!p1 s0, s5  }
0x304: {  	s5 =	simm.s32 $0x0;
	p2 =	por !p2, p1  }
0x305: {  	s7 =	simm.s32 $0xFFFFFFFF;
	s5 =	simm.s32 @p2 $0xFFFFFFFF  }
0x306: {  	s6 =	simm.s32 $0x1;
	s5 =	smov.u32 @p1 s7  }
.LBB2_50:
0x307: {  	s7 =	smov.u32 s5;
	p1 =	sne.s32 s5, $0xFFFFFFFF  }
0x308: {  	s4 =	sadd.s32 $0x1, s4;
	s5 =	smov.u32 s6;
	s6 =	sadd.s32 $0x1, s6  }
0x309: {  	p2 =	sne.s32 s2, s6;
	v1 =	vld.msk @!p1 [tilespmem:s4+$0x0], $0x1;
	_ =	sdelay $0x4  }
0x30a: {  	(v2sf) =	vpush @!p1 v1, $0x0;
	_ =	sdelay $0xe  }
.Ltmp42:
0x30b: {  	s8 =	spop @!p1 (v2sf);
	(pc) =	sbr.rel @p2 .LBB2_50-.Ltmp42, $4  }
0x30c: {  	p3 =	seq.s32 @!p1 s0, s8  }
0x30d: {  	p3 =	por !p3, p1  }
0x30e: {  	s5 =	simm.s32 @p3 $0xFFFFFFFF  }
0x30f: {  	s5 =	smov.u32 @p1 s7  }
.LBB2_51:
0x310: {  	p1 =	seq.s32 s5, $0xFFFFFFFF  }
.Ltmp43:
0x311: {  	_ = 	snop;
	(pc) =	sbr.rel @p1 .LBB2_53-.Ltmp43, $1  }
0x312: {  	_ =	sdelay $0x3  }
0x313: {  	s0 =	sshll.u32 s3, $0x8  }
0x314: {  	s0 =	sand.u32 $0x3FFFFF00, s0  }
0x315: {  	v0 =	vld [tilespmem:s0+$0xE438];
	_ =	sdelay $0x2  }
0x316: {  	s4 =	sshll.u32 s5, $0xA  }
0x317: {  	s4 =	sshra.s32 s4, $0x2  }
0x318: {  	[tilespmem:s4+$0xE438] =	vst.add.f32.msk $0xffff, v0  }
0x319: {  	v0 =	vld [tilespmem:s0+$0xE448];
	_ =	sdelay $0x4  }
0x31a: {  	[tilespmem:s4+$0xE448] =	vst.add.f32.msk $0xffff, v0  }
0x31b: {  	v0 =	vld [tilespmem:s0+$0xE458];
	_ =	sdelay $0x4  }
0x31c: {  	[tilespmem:s4+$0xE458] =	vst.add.f32.msk $0xffff, v0  }
0x31d: {  	v0 =	vld [tilespmem:s0+$0xE468];
	_ =	sdelay $0x4  }
0x31e: {  	[tilespmem:s4+$0xE468] =	vst.add.f32.msk $0xffff, v0  }
0x31f: {  	v0 =	vld [tilespmem:s0+$0xE478];
	_ =	sdelay $0x4  }
0x320: {  	[tilespmem:s4+$0xE478] =	vst.add.f32.msk $0xffff, v0  }
0x321: {  	v0 =	vld [tilespmem:s0+$0xE488];
	_ =	sdelay $0x4  }
0x322: {  	[tilespmem:s4+$0xE488] =	vst.add.f32.msk $0xffff, v0  }
0x323: {  	v0 =	vld [tilespmem:s0+$0xE498];
	_ =	sdelay $0x4  }
0x324: {  	[tilespmem:s4+$0xE498] =	vst.add.f32.msk $0xffff, v0  }
0x325: {  	v0 =	vld [tilespmem:s0+$0xE4A8];
	_ =	sdelay $0x4  }
0x326: {  	[tilespmem:s4+$0xE4A8] =	vst.add.f32.msk $0xffff, v0  }
0x327: {  	v0 =	vld [tilespmem:s0+$0xE4B8];
	_ =	sdelay $0x4  }
0x328: {  	[tilespmem:s4+$0xE4B8] =	vst.add.f32.msk $0xffff, v0  }
0x329: {  	v0 =	vld [tilespmem:s0+$0xE4C8];
	_ =	sdelay $0x4  }
0x32a: {  	[tilespmem:s4+$0xE4C8] =	vst.add.f32.msk $0xffff, v0  }
0x32b: {  	v0 =	vld [tilespmem:s0+$0xE4D8];
	_ =	sdelay $0x4  }
0x32c: {  	[tilespmem:s4+$0xE4D8] =	vst.add.f32.msk $0xffff, v0  }
0x32d: {  	v0 =	vld [tilespmem:s0+$0xE4E8];
	_ =	sdelay $0x4  }
0x32e: {  	[tilespmem:s4+$0xE4E8] =	vst.add.f32.msk $0xffff, v0  }
0x32f: {  	v0 =	vld [tilespmem:s0+$0xE4F8];
	_ =	sdelay $0x4  }
0x330: {  	[tilespmem:s4+$0xE4F8] =	vst.add.f32.msk $0xffff, v0  }
0x331: {  	v0 =	vld [tilespmem:s0+$0xE508];
	_ =	sdelay $0x4  }
0x332: {  	[tilespmem:s4+$0xE508] =	vst.add.f32.msk $0xffff, v0  }
0x333: {  	v0 =	vld [tilespmem:s0+$0xE518];
	_ =	sdelay $0x4  }
0x334: {  	[tilespmem:s4+$0xE518] =	vst.add.f32.msk $0xffff, v0  }
0x335: {  	v0 =	vld [tilespmem:s0+$0xE528]  }
.Ltmp44:
0x336: {  	_ = 	snop;
	(pc) =	sbr.rel .LBB2_54-.Ltmp44, $2  }
0x337: {  	_ =	sdelay $0x2  }
0x338: {  	[tilespmem:s4+$0xE528] =	vst.add.f32.msk $0xffff, v0  }
.LBB2_55:
0x339: {  	p1 =	slt.s32 s2, $0x1  }
.Ltmp45:
0x33a: {  	_ = 	snop;
	(pc) =	sbr.rel @p1 .LBB2_59-.Ltmp45, $3  }
0x33b: {  	_ =	sdelay $0x1  }
0x33c: {  	s0 =	simm.s32 $0x8  }
0x33d: {  	s4 =	simm.s32 $0x0;
	[sflag:s0] =	ssyncpa.u1 $0x1  }
0x33e: {  	s0 =	simm.s32 $0xE418  }
0x33f: {  	v0 =	vld.msk [tilespmem:s0+$0x0], $0x1;
	_ =	sdelay $0x4  }
0x340: {  	(v2sf) =	vpush v0, $0x0;
	_ =	sdelay $0xe  }
0x341: {  	s0 =	sadd.s32 $0xFFFFFFFF, s2;
	s3 =	spop (v2sf)  }
0x342: {  	s6 =	simm.s32 $0xE438;
	p1 =	sne.s32 s0, $0x0;
	p2 =	sgt.u32 s3, $0x4E170  }
.Ltmp46:
0x343: {  	s2 =	simm.s32 $0xE538;
	s5 =	sand.u32 @!p2 $0x7FFF8, s3;
	(pc) =	sbr.rel @!p1 .LBB2_58-.Ltmp46, $4  }
0x344: {  	s7 =	sadd.s32 @!p2 $0x80, s3;
	s4 =	simm.s32 @!p2 $0x400;
	s8 =	sadd.s32 @!p2 s1, s5  }
0x345: {  	s5 =	sand.u32 @!p2 $0x7, s3;
	s3 =	simm.s32 $0xE419;
	s7 =	sand.u32 @!p2 $0xFFFF8, s7  }
0x346: {  	[hbm4b:s8+s5] =	stream.linear.scatter @!p2 [tilespmem:s6], [sflag:$0x7], $0x80, $0x38;
	[tilespmem:$0x1E678] =	vst v63  }
0x347: {  	s4 =	sadd.s32 $0x0, s4;
	s6 =	simm.s32 @!p2 $0xE4B8;
	s7 =	sadd.s32 @!p2 s1, s7  }
.LBB2_57:
0x348: {  	[hbm4b:s7+s5] =	stream.linear.scatter @!p2 [tilespmem:s6], [sflag:$0x7], $0x80, $0x38;
	[tilespmem:$0x1E678] =	vst v63  }
0x349: {  	s0 =	sadd.s32 $0xFFFFFFFF, s0;
	s6 =	smov.u32 s2;
	v0 =	vld.msk [tilespmem:s3+$0x0], $0x1  }
0x34a: {  	p1 =	sne.s32 s0, $0x0;
	_ =	sdelay $0x3  }
0x34b: {  	(v2sf) =	vpush v0, $0x0;
	_ =	sdelay $0xe  }
0x34c: {  	s2 =	sadd.s32 $0x100, s2;
	s8 =	simm.s32 $0x0;
	s5 =	spop (v2sf)  }
.Ltmp47:
0x34d: {  	s3 =	sadd.s32 $0x1, s3;
	p2 =	sgt.u32 s5, $0x4E170;
	(pc) =	sbr.rel @p1 .LBB2_57-.Ltmp47, $4  }
0x34e: {  	s8 =	simm.s32 @!p2 $0x400;
	s7 =	sand.u32 @!p2 $0x7FFF8, s5;
	s9 =	sadd.s32 @!p2 $0x80, s5  }
0x34f: {  	s5 =	sand.u32 @!p2 $0x7, s5;
	s7 =	sadd.s32 @!p2 s1, s7;
	s9 =	sand.u32 @!p2 $0xFFFF8, s9  }
0x350: {  	[hbm4b:s7+s5] =	stream.linear.scatter @!p2 [tilespmem:s6], [sflag:$0x7], $0x80, $0x38;
	[tilespmem:$0x1E678] =	vst v63  }
0x351: {  	s4 =	sadd.s32 s4, s8;
	s6 =	sadd.s32 @!p2 $0x80, s6;
	s7 =	sadd.s32 @!p2 s1, s9  }
.LBB2_58:
0x352: {  	[hbm4b:s7+s5] =	stream.linear.scatter @!p2 [tilespmem:s6], [sflag:$0x7], $0x80, $0x38;
	[tilespmem:$0x1E678] =	vst v63  }
0x353: {  	s4 =	sshrl.u32 s4, $0x2  }
.LBB2_59:
0x354: {  	s0 =	simm.s32 $0x7  }
0x355: {  	_ =	swait.ge [sflag:s0], s4  }
0x356: {  	s1 =	ssub.s32 $0x0, s4;
	[sflag:s0] =	ssyncset.done $0x0  }
0x357: {  	[sflag:s0] =	ssyncadd.s32 s1  }
0x358: {  	[sflag:s0] =	ssyncpa.u1 $0x1  }
.LBB2_60:
0x359: {  	_ =	sfence;
	s0 =	simm.s32 $0x1  }
0x35a: {  	[sflag:s0] =	ssyncpa.u1 $0x1  }
0x35b: {  	_ =	strace $0x9000005C  }
0x35c: {  	[bflag:$0x2] =	sbarrier.arrive $0xFFFF  }
0x35d: {  	s0 =	rddreg [dreg:$0x5]  }
0x35e: {  	s0 =	sadd.s32 @!p0 $0x100000, s0  }
0x35f: {  	[sflag:s0] =	ssyncadd.tile.s32 @!p0 $0x1;
	_ =	shalt  }
.Lfunc_end2:
_tile_overlayer_lowered:
.L_overlay_start_2:
0x360: {  	(tag) =	ssettag $0x2  }
0x361: {  	s0 =	rddreg [dreg:$0x0];
	s2 =	stileid.u32  }
0x362: {  	s1 =	rddreg [dreg:$0x1];
	p0 =	sne.s32 s2, $0x0  }
0x363: {  	s3 =	rddreg [dreg:$0x2];
	[bflag:$0x3] =	sbarrier.arrive $0xFFFF;
	s2 =	simm.s32 @!p0 $0x1C01  }
0x364: {  	[timem:s3], [sflag:s2] =	dma.local @!p0 [hbm:s0], s1  }
0x365: {  	s0 =	simm.s32 @!p0 $0x1  }
0x366: {  	_ =	swait.ge @!p0 [sflag:s0], s1  }
0x367: {  	s1 =	ssub.s32 @!p0 $0x0, s1;
	[sflag:s0] =	ssyncset.done @!p0 $0x0  }
0x368: {  	[sflag:s0] =	ssyncadd.s32 @!p0 s1  }
0x369: {  	[bflag:$0x3] =	sbarrier.arrive $0xFFFF  }
0x36a: {  	_ =	shalt  }

// kernel: scatter_offload_async_start
scs
__scs_entry_jumppad:
0x0: {  	(pc) =	sbr.rel $0x88, $3  }
0x1: {  	(tag) =	ssettag $0x0;
	lr =	simm.s32 $0x1  }
0x2: {  	[smem:$0x3F8A] =	sst lr;
	_ =	strace $0xD0000000  }
0x3: {  	_ = 	snop  }
0x4: {  	_ = 	snop  }
0x5: {  	_ = 	snop  }
0x6: {  	_ = 	snop  }
0x7: {  	_ = 	snop  }
__scs_overlays_trampoline_lowered:
0x8: {  	[smem:$0x3F99] =	sst s0  }
0x9: {  	[smem:$0x3F9A] =	sst s1  }
0xa: {  	[smem:$0x3F9B] =	sst s2  }
0xb: {  	[smem:$0x3F9C] =	sst s3  }
0xc: {  	[smem:$0x3F9D] =	sst s4  }
0xd: {  	[smem:$0x3F9E] =	sst s5  }
0xe: {  	[smem:$0x3F9F] =	sst s6  }
0xf: {  	[smem:$0x3FA0] =	sst s7  }
0x10: {  	[smem:$0x3FA1] =	sst s8  }
0x11: {  	[smem:$0x3FA2] =	sst s9;
	s0 =	simm.s32 @!p0 $0x0  }
0x12: {  	s1 =	sld [smem:$0x3F88];
	s0 =	simm.s32 @p0 $0x1  }
0x13: {  	[smem:$0x3FA3] =	sst s0;
	s0 =	simm.s32 @!p1 $0x0  }
0x14: {  	s2 =	sld [smem:$0x3F87];
	s0 =	simm.s32 @p1 $0x1  }
0x15: {  	[smem:$0x3FA4] =	sst s0;
	s0 =	simm.s32 @!p2 $0x0  }
0x16: {  	s3 =	sld [smem:$0x3FDB];
	s0 =	simm.s32 @p2 $0x1  }
0x17: {  	s4 =	simm.s32 $0x1BF5;
	[smem:$0x3FA6] =	sst s0  }
0x18: {  	s0 =	sld [smem:$0x3F89];
	_ =	swait.ge [sflag:s4], $0x0  }
0x19: {  	s7 =	sld [smem:$0x3F8A]  }
0x1a: {  	s8 =	sadd.s32 $0xFFFFE003, lr  }
0x1b: {  	s9 =	sadd.s32 $0xFFFFFEF7, lr;
	s5 =	simm.s32 $0xFFFFFFFF;
	p2 =	slt.u32 s8, $0xFFFFF086  }
0x1c: {  	p1 =	slt.u32 s9, $0xF7A;
	s5 =	simm.s32 @!p2 $0x0  }
0x1d: {  	s5 =	simm.s32 @p1 $0x1;
	p0 =	seq.s32 s7, s2  }
0x1e: {  	s7 =	smul.u32 @!p0 $0xF7A, s2;
	p2 =	seq.s32 @!p0 s5, $0x0  }
0x1f: {  	s9 =	smul.u32 $0xF7A, s1;
	s8 =	simm.s32 @!p0 $0x1BF5;
	p2 =	por !p2, p0  }
0x20: {  	[sflag:s8] =	ssyncset.s32 @!p0 $0xFFFFF086;
	s6 =	sadd.s32 @!p0 s3, s7;
	s7 =	simm.s32 @!p0 $0x108  }
0x21: {  	s3 =	sadd.s32 s3, s9;
	s6 =	sadd.s32 @!p0 $0x88, s6;
	s7 =	simm.s32 @p2 $0x1082  }
0x22: {  	[simem:s7], [sflag:s8] =	dma.local @!p0 [hbm:s6], $0xF7A  }
0x23: {  	s9 =	sor.u32 $0xD0000000, s2;
	s6 =	simm.s32 $0x108;
	_ =	swait.ge @!p0 [sflag:s8], $0x0  }
0x24: {  	s3 =	sadd.s32 $0x88, s3;
	s6 =	simm.s32 @!p1 $0x1082;
	[sflag:s4] =	ssyncset.s32 $0xFFFFF086  }
0x25: {  	[simem:s6], [sflag:s4] =	dma.local [hbm:s3], $0xF7A  }
0x26: {  	[smem:$0x3F8A] =	sst s1;
	(tag) =	ssettag s2;
	_ =	strace s9  }
0x27: {  	s1 =	sld [smem:$0x3F9A]  }
0x28: {  	s2 =	sld [smem:$0x3F9B]  }
0x29: {  	s4 =	sld [smem:$0x3F9D]  }
0x2a: {  	p0 =	seq.s32 s5, $0x0;
	s5 =	sld [smem:$0x3F9E]  }
0x2b: {  	s6 =	sld [smem:$0x3F9F]  }
0x2c: {  	s7 =	sld [smem:$0x3FA0]  }
0x2d: {  	s3 =	simm.s32 $0x108;
	s8 =	sld [smem:$0x3FA1]  }
0x2e: {  	s3 =	simm.s32 @!p0 $0x1082;
	s9 =	sld [smem:$0x3FA2]  }
0x2f: {  	lr =	sadd.s32 s0, s3;
	s0 =	sld [smem:$0x3F99]  }
0x30: {  	s3 =	sld [smem:$0x3F9C]  }
0x31: {  	[smem:$0x3FA5] =	sst s10  }
0x32: {  	s10 =	sld [smem:$0x3FA3];
	_ =	sdelay $0x3  }
0x33: {  	p0 =	seq.s32 s10, $0x1;
	s10 =	sld [smem:$0x3FA5];
	_ =	sdelay $0x3  }
0x34: {  	[smem:$0x3FA5] =	sst s10  }
0x35: {  	s10 =	sld [smem:$0x3FA4];
	_ =	sdelay $0x3  }
0x36: {  	p1 =	seq.s32 s10, $0x1;
	s10 =	sld [smem:$0x3FA5];
	_ =	sdelay $0x3  }
0x37: {  	[smem:$0x3FA5] =	sst s10  }
0x38: {  	s10 =	sld [smem:$0x3FA6]  }
0x39: {  	_ = 	snop;
	(pc) =	sbr.ind lr, $3  }
0x3a: {  	_ = 	snop  }
0x3b: {  	_ = 	snop  }
0x3c: {  	p2 =	seq.s32 s10, $0x1;
	s10 =	sld [smem:$0x3FA5]  }
0x3d: {  	_ =	shalt  }
0x3e: {  	_ =	shalt  }
0x3f: {  	_ =	shalt  }
0x40: {  	_ =	shalt  }
0x41: {  	_ =	shalt  }
0x42: {  	_ =	shalt  }
0x43: {  	_ =	shalt  }
0x44: {  	_ =	shalt  }
0x45: {  	_ =	shalt  }
0x46: {  	_ =	shalt  }
0x47: {  	_ =	shalt  }
0x48: {  	_ =	shalt  }
0x49: {  	_ =	shalt  }
0x4a: {  	_ =	shalt  }
0x4b: {  	_ =	shalt  }
0x4c: {  	_ =	shalt  }
0x4d: {  	_ =	shalt  }
0x4e: {  	_ =	shalt  }
0x4f: {  	_ =	shalt  }
0x50: {  	_ =	shalt  }
0x51: {  	_ =	shalt  }
0x52: {  	_ =	shalt  }
0x53: {  	_ =	shalt  }
0x54: {  	_ =	shalt  }
0x55: {  	_ =	shalt  }
0x56: {  	_ =	shalt  }
0x57: {  	_ =	shalt  }
0x58: {  	_ =	shalt  }
0x59: {  	_ =	shalt  }
0x5a: {  	_ =	shalt  }
0x5b: {  	_ =	shalt  }
0x5c: {  	_ =	shalt  }
0x5d: {  	_ =	shalt  }
0x5e: {  	_ =	shalt  }
0x5f: {  	_ =	shalt  }
0x60: {  	_ =	shalt  }
0x61: {  	_ =	shalt  }
0x62: {  	_ =	shalt  }
0x63: {  	_ =	shalt  }
0x64: {  	_ =	shalt  }
0x65: {  	_ =	shalt  }
0x66: {  	_ =	shalt  }
0x67: {  	_ =	shalt  }
0x68: {  	_ =	shalt  }
0x69: {  	_ =	shalt  }
0x6a: {  	_ =	shalt  }
0x6b: {  	_ =	shalt  }
0x6c: {  	_ =	shalt  }
0x6d: {  	_ =	shalt  }
0x6e: {  	_ =	shalt  }
0x6f: {  	_ =	shalt  }
0x70: {  	_ =	shalt  }
0x71: {  	_ =	shalt  }
0x72: {  	_ =	shalt  }
0x73: {  	_ =	shalt  }
0x74: {  	_ =	shalt  }
0x75: {  	_ =	shalt  }
0x76: {  	_ =	shalt  }
0x77: {  	_ =	shalt  }
0x78: {  	_ =	shalt  }
0x79: {  	_ =	shalt  }
0x7a: {  	_ =	shalt  }
0x7b: {  	_ =	shalt  }
0x7c: {  	_ =	shalt  }
0x7d: {  	_ =	shalt  }
0x7e: {  	_ =	shalt  }
0x7f: {  	_ =	shalt  }
0x80: {  	_ =	shalt  }
0x81: {  	_ =	shalt  }
0x82: {  	_ =	shalt  }
0x83: {  	_ =	shalt  }
0x84: {  	_ =	shalt  }
0x85: {  	_ =	shalt  }
0x86: {  	_ =	shalt  }
0x87: {  	_ =	shalt  }
.Lfunc_end0:
.L_simem_size_0:
called_computation_lowered:
.L_overlay_start_0:
0x88: {  	s0 =	sld [smem:$0x3FD9]  }
0x89: {  	s1 =	sld [smem:$0x3FFE];
	_ =	sdelay $0x3  }
0x8a: {  	s0 =	sadd.s32 s1, s0  }
0x8b: {  	[smem:$0x3FB1] =	sst s0  }
0x8c: {  	_ = 	snop  }
0x8d: {  	(tm) =	ssettm $0x1  }
0x8e: {  	s14 =	sld [smem:$0x3FFB];
	_ =	sdelay $0x3  }
0x8f: {  	_ =	strace s14  }
0x90: {  	s0 =	sld [smem:$0x3FFC];
	_ =	sdelay $0x3  }
0x91: {  	_ =	strace s0  }
0x92: {  	s0 =	sld [smem:$0x3FFD];
	_ =	sdelay $0x3  }
0x93: {  	_ =	strace s0  }
0x94: {  	_ =	strace $0x8FFFFFFF  }
0x95: {  	s15 =	sld [smem:$0x3FDB];
	_ =	sdelay $0x1  }
0x96: {  	s16 =	simm.s32 $_scs_section_size  }
0x97: {  	s2 =	simm.s32 $_size__tile_overlayer_lowered;
	s3 =	simm.s32 $_tile_overlayer_lowered  }
0x98: {  	s4 =	simm.s32 $0x1BFF;
	s17 =	sshll.u32 s3, $0x1;
	s1 =	sadd.s32 s16, s15  }
0x99: {  	s18 =	simm.s32 $0x0;
	s2 =	sshll.u32 s2, $0x1;
	s3 =	sadd.s32 s17, s1  }
0x9a: {  	[timem:s18], [sflag:s4] =	dma.local [hbm:s3], s2  }
0x9b: {  	_ =	swait.ge [sflag:s4], s2  }
0x9c: {  	s2 =	ssub.s32 $0x0, s2;
	[sflag:s4] =	ssyncset.done $0x0  }
0x9d: {  	[sflag:s4] =	ssyncadd.s32 s2;
	_ =	sdelay $0x1  }
0x9e: {  	s19 =	simm.s32 $0x1B8B  }
0x9f: {  	_ =	swait.ge [sflag:s19], $0x1  }
0xa0: {  	[sflag:s19] =	ssyncset.done $0x0  }
0xa1: {  	s21 =	simm.s32 $0x1B8E;
	s20 =	sld [smem:$0x3FFE];
	[sflag:s19] =	ssyncadd.s32 $0xFFFFFFFF  }
0xa2: {  	s22 =	simm.s32 $execute0_lowered;
	[smem:$0x3FD2] =	sst s21  }
0xa3: {  	s3 =	sshll.u32 s22, $0x1;
	_ =	strace $0x80000046;
	[dreg:$0x1] =	wrdreg $0xFFFFFFFF  }
0xa4: {  	s23 =	simm.s32 $_size_execute0_lowered;
	s3 =	sadd.s32 s1, s3;
	[dreg:$0x0] =	wrdreg $0x0  }
0xa5: {  	s4 =	sshll.u32 s23, $0x1;
	[dreg:$0x2] =	wrdreg s3  }
0xa6: {  	[dreg:$0x3] =	wrdreg s4  }
0xa7: {  	[dreg:$0x4] =	wrdreg $0xC0  }
0xa8: {  	s24 =	simm.s32 $execute1_lowered;
	_ =	task [dreg:s18], $0x5FFFF  }
0xa9: {  	s3 =	sshll.u32 s24, $0x1;
	[dreg:$0x1] =	wrdreg $0xFFFFFFFF  }
0xaa: {  	s1 =	sadd.s32 s1, s3;
	[dreg:$0x0] =	wrdreg $0x60  }
0xab: {  	[dreg:$0x2] =	wrdreg s1  }
0xac: {  	[dreg:$0x3] =	wrdreg s20  }
0xad: {  	[dreg:$0x4] =	wrdreg $0x9  }
0xae: {  	_ =	task.clear_ibuf [dreg:s18], $0x5FFFF;
	_ =	strace $0x90000046  }
0xaf: {  	s25 =	simm.s32 $0x9;
	_ =	strace $0x80000048  }
0xb0: {  	_ =	swait.ge [sflag:s25], $0x1  }
0xb1: {  	[sflag:s25] =	ssyncadd.s32 $0xFFFFFFFF  }
0xb2: {  	_ =	strace $0x90000048  }
0xb3: {  	_ =	strace $0x80000049;
	[dreg:$0x1] =	wrdreg $0xFFFFFFFF  }
0xb4: {  	[dreg:$0x0] =	wrdreg $0x2030  }
0xb5: {  	[dreg:$0x2] =	wrdreg s20  }
0xb6: {  	[dreg:$0x3] =	wrdreg $0xA  }
0xb7: {  	_ =	task.clear_ibuf [dreg:s18], $0x4FFFF;
	_ =	strace $0x90000049  }
0xb8: {  	s26 =	simm.s32 $0xA;
	_ =	strace $0x8000004B  }
0xb9: {  	_ =	swait.ge [sflag:s26], $0x1  }
0xba: {  	[sflag:s26] =	ssyncadd.s32 $0xFFFFFFFF  }
0xbb: {  	_ =	strace $0x9000004B  }
0xbc: {  	_ =	sfence  }
0xbd: {  	s28 =	sld [smem:$0x0];
	_ =	sdelay $0x1  }
0xbe: {  	s29 =	srdreg.scid  }
0xbf: {  	s30 =	sshll.u32 s29, $0xD;
	s31 =	sshrl.u32 s29, $0x2  }
0xc0: {  	s2 =	sand.u32 $0x1, s29;
	s3 =	sand.u32 $0x4000, s30;
	s1 =	sadd.s32 s31, s28  }
0xc1: {  	s2 =	sor.u32 s3, s2;
	s1 =	sshll.u32 s1, $0x11  }
0xc2: {  	s1 =	sor.u32 s1, s2  }
0xc3: {  	s1 =	sadd.s32 $0x8F2B, s1  }
0xc4: {  	[sflag:s1] =	ssyncadd.remote.s32 $0x1  }
0xc5: {  	_ =	sfence.sel $0xFFFF  }
0xc6: {  	[dreg:$0x0] =	wrdreg $0xFFFFFFFF;
	(pc) =	sbr.abs _section_cstart, $3  }
0xc7: {  	[dreg:$0x1] =	wrdreg $0xFFFFFFFF  }
0xc8: {  	_ =	task.clear_ibuf [dreg:s18], $0x2FFFF;
	_ =	strace $0x9FFFFFFF  }
0xc9: {  	(tm) =	ssettm $0x7FFFFFFF  }
tec
execute0_lowered:
.L_overlay_start_1:
0x0: {  	(tag) =	ssettag $0x1  }
0x1: {  	s2 =	rddreg [dreg:$0x0]  }
0x2: {  	s4 =	rddreg [dreg:$0x1]  }
0x3: {  	s0 =	rddreg [dreg:$0x2];
	s3 =	stileid.u32  }
0x4: {  	[bflag:$0x3] =	sbarrier.arrive $0xFFFF;
	s1 =	simm.s32 $_size_execute1_lowered;
	p0 =	sne.s32 s3, $0x0  }
0x5: {  	s1 =	sshll.u32 s1, $0x1;
	s5 =	simm.s32 @!p0 $0x1C3F;
	s6 =	simm.s32 @!p0 $0x4060  }
0x6: {  	[timem:s6], [sflag:s5] =	dma.local @!p0 [hbm:s2], s1  }
0x7: {  	s2 =	smul.u32 $0x280, s3  }
.Ltmp0:
0x8: {  	s31 =	simm.s32 $0x2;
	s7 =	simm.s32 $0x280;
	(pc) =	sbr.rel .LBB2_1-.Ltmp0, $4  }
0x9: {  	s8 =	simm.s32 $0x780;
	s10 =	simm.s32 $0x0;
	s9 =	simm.s32 $0x0  }
0xa: {  	s3 =	simm.s32 $0x1;
	_ =	strace $0x80000047;
	s30 =	sshrl.u32 s2, $0x3  }
0xb: {  	s6 =	simm.s32 $0x0;
	[sflag:s3] =	ssyncpa.u1 $0x0;
	s5 =	sadd.s32 s30, s4  }
0xc: {  	s4 =	sadd.s32 $0x6F000, s4;
	[sflag:s31] =	ssyncpa.u1 $0x0;
	s5 =	sadd.s32 $0x6EA00, s5  }
.LBB2_8:
0xd: {  	p1 =	seq.s32 s9, $0x2  }
.Ltmp1:
0xe: {  	_ = 	snop;
	(pc) =	sbr.rel @p1 .LBB2_10-.Ltmp1, $1  }
0xf: {  	_ =	sdelay $0x3  }
.LBB2_9:
0x10: {  	s9 =	sadd.s32 $0x1, s9;
	s10 =	smov.u32 s2  }
.LBB2_1:
0x11: {  	p1 =	sne.s32 s9, $0x0  }
.Ltmp2:
0x12: {  	_ = 	snop;
	(pc) =	sbr.rel @!p1 .LBB2_2-.Ltmp2, $1  }
0x13: {  	_ =	sdelay $0x3  }
0x14: {  	s11 =	sand.u32 $0x1, s9  }
0x15: {  	p1 =	seq.s32 s11, $0x0  }
.Ltmp3:
0x16: {  	_ = 	snop;
	(pc) =	sbr.rel @p1 .LBB2_8-.Ltmp3, $1  }
0x17: {  	_ =	sdelay $0x3  }
0x18: {  	_ =	swait.ge [sflag:s3], $0x280  }
0x19: {  	[sflag:s3] =	ssyncset.done $0x0  }
0x1a: {  	s11 =	simm.s32 $0x0;
	p1 =	por $0x1, $0x1;
	[sflag:s3] =	ssyncadd.s32 $0xFFFFFD80  }
.LBB2_5:
0x1b: {  	v0 =	vld [tilespmem:s11+$0x280]  }
0x1c: {  	v1 =	vld [tilespmem:s11+$0x290]  }
0x1d: {  	v2 =	vld [tilespmem:s11+$0x2A0]  }
0x1e: {  	v3 =	vld [tilespmem:s11+$0x2B0]  }
0x1f: {  	v4 =	vld [tilespmem:s11+$0x2C0]  }
0x20: {  	v53 =	vld [tilespmem:s11+$0x2D0];
	[tilespmem:s11+$0x780] =	vst v0  }
0x21: {  	v54 =	vld [tilespmem:s11+$0x2E0];
	[tilespmem:s11+$0x790] =	vst v1  }
0x22: {  	v55 =	vld [tilespmem:s11+$0x2F0];
	[tilespmem:s11+$0x7A0] =	vst v2  }
0x23: {  	v56 =	vld [tilespmem:s11+$0x300];
	[tilespmem:s11+$0x7B0] =	vst v3  }
0x24: {  	v57 =	vld [tilespmem:s11+$0x310];
	[tilespmem:s11+$0x7C0] =	vst v4  }
0x25: {  	v58 =	vld [tilespmem:s11+$0x320];
	[tilespmem:s11+$0x7D0] =	vst v53  }
0x26: {  	v59 =	vld [tilespmem:s11+$0x330];
	[tilespmem:s11+$0x7E0] =	vst v54  }
0x27: {  	v60 =	vld [tilespmem:s11+$0x340];
	[tilespmem:s11+$0x7F0] =	vst v55  }
0x28: {  	v61 =	vld [tilespmem:s11+$0x350];
	[tilespmem:s11+$0x800] =	vst v56  }
0x29: {  	v62 =	vld [tilespmem:s11+$0x360];
	[tilespmem:s11+$0x810] =	vst v57  }
0x2a: {  	v63 =	vld [tilespmem:s11+$0x370];
	p2 =	por p1, p1;
	[tilespmem:s11+$0x820] =	vst v58  }
.Ltmp4:
0x2b: {  	[tilespmem:s11+$0x830] =	vst v59;
	(pc) =	sbr.rel @p2 .LBB2_5-.Ltmp4, $4  }
0x2c: {  	[tilespmem:s11+$0x840] =	vst v60  }
0x2d: {  	[tilespmem:s11+$0x850] =	vst v61  }
0x2e: {  	s12 =	simm.s32 $0x1F0;
	s13 =	simm.s32 $0x980;
	[tilespmem:s11+$0x860] =	vst v62  }
0x2f: {  	s14 =	simm.s32 $0x480;
	p1 =	por $0x0, $0x0;
	[tilespmem:s11+$0x870] =	vst v63;
	s11 =	simm.s32 $0x100  }
.LBB2_6:
0x30: {  	s12 =	sadd.s32 $0x10, s12  }
0x31: {  	v0 =	vld [tilespmem:s14+$0x0];
	p1 =	slt.u32 s12, $0x270  }
.Ltmp5:
0x32: {  	_ = 	snop;
	(pc) =	sbr.rel @p1 .LBB2_6-.Ltmp5, $2  }
0x33: {  	_ =	sdelay $0x2  }
0x34: {  	s14 =	sadd.s32 $0x10, s14;
	[tilespmem:s13+$0x0] =	vst v0;
	s13 =	sadd.s32 $0x10, s13  }
.Ltmp6:
0x35: {  	(pc) =	sbr.rel .LBB2_8-.Ltmp6, $4  }
0x36: {  	_ = 	snop  }
0x37: {  	s10 =	sshrl.u32 s10, $0x3  }
0x38: {  	s10 =	sadd.s32 s4, s10  }
0x39: {  	[hbm4b:s10+s6] =	stream.linear.scatter [tilespmem:s8], [sflag:$0x2], $0x280, $0x38;
	[tilespmem:$0xA00] =	vst v63  }
.LBB2_2:
.Ltmp7:
0x3a: {  	(pc) =	sbr.rel .LBB2_9-.Ltmp7, $2  }
0x3b: {  	_ =	sdelay $0x2  }
0x3c: {  	[tilespmem:s7], [sflag:$0x1] =	stream.linear.gather [hbm4b:s5+s6], $0x280, $0x38;
	[tilespmem:$0xA00] =	vst v63  }
.LBB2_10:
0x3d: {  	s2 =	simm.s32 $0x2  }
0x3e: {  	_ =	swait.ge [sflag:s2], $0x280  }
0x3f: {  	[sflag:s2] =	ssyncset.done $0x0  }
0x40: {  	[sflag:s2] =	ssyncadd.s32 $0xFFFFFD80  }
0x41: {  	_ =	sfence.sel $0x180000  }
0x42: {  	s3 =	simm.s32 $0x1;
	[bflag:$0x0] =	sbarrier.arrive $0xFFFF  }
0x43: {  	[sflag:s3] =	ssyncpa.u1 $0x1  }
0x44: {  	[sflag:s2] =	ssyncpa.u1 $0x1  }
0x45: {  	_ =	strace $0x90000047  }
0x46: {  	s0 =	sadd.s32 @!p0 $0x100000, s0;
	[bflag:$0x2] =	sbarrier.arrive $0xFFFF  }
0x47: {  	[sflag:s0] =	ssyncadd.tile.s32 @!p0 $0x1;
	s0 =	simm.s32 @!p0 $0x3F  }
0x48: {  	_ =	swait.ge @!p0 [sflag:s0], s1  }
0x49: {  	s1 =	ssub.s32 @!p0 $0x0, s1;
	[sflag:s0] =	ssyncset.done @!p0 $0x0  }
0x4a: {  	[sflag:s0] =	ssyncadd.s32 @!p0 s1  }
0x4b: {  	[bflag:$0x3] =	sbarrier.arrive $0xFFFF  }
0x4c: {  	_ =	shalt  }
.Lfunc_end2:
execute1_lowered:
.L_overlay_start_2:
0x4d: {  	(tag) =	ssettag $0x2  }
0x4e: {  	s0 =	rddreg [dreg:$0x0]  }
0x4f: {  	s11 =	stileid.u32;
	_ =	strace $0x8000004A;
	s2 =	simm.s32 $0x1  }
0x50: {  	v1 =	vimm.s32 $0xFFFFFFFF;
	s1 =	smin.u32 s11, $0x4;
	[sflag:s2] =	ssyncpa.u1 $0x0  }
0x51: {  	s1 =	sadd.s32 s11, s1;
	[tilespmem:$0x10] =	vst v1  }
0x52: {  	v0 =	vimm.f32 $-Inf;
	p0 =	slt.u32 s11, $0x4;
	[tilespmem:$0x20] =	vst v1;
	s3 =	smul.u32 $0x1F40, s1;
	s1 =	simm.s32 $0x3E80  }
0x53: {  	[tilespmem:$0x30] =	vst v0;
	s1 =	simm.s32 @!p0 $0x1F40  }
0x54: {  	[tilespmem:$0x40] =	vst v0;
	s1 =	sadd.s32 s1, s3  }
0x55: {  	[tilespmem:$0x50] =	vst v0;
	s4 =	smin.u32 s1, $0x27100  }
0x56: {  	s7 =	simm.s32 $0x2;
	s8 =	simm.s32 $0x8;
	[tilespmem:$0x60] =	vst v1;
	s6 =	ssub.s32 s4, s3  }
0x57: {  	s30 =	simm.s32 $0x9;
	s16 =	simm.s32 $0x0;
	[tilespmem:$0x70] =	vst v1;
	p0 =	sgt.s32 s6, $0x0  }
0x58: {  	s17 =	simm.s32 $0xF0;
	s18 =	simm.s32 $0xFFFFFFFF;
	[tilespmem:$0x80] =	vst v1;
	s6 =	simm.s32 @!p0 $0x0  }
0x59: {  	s19 =	simm.s32 $0xFFFFC280;
	s20 =	simm.s32 $0xFFFFFFFE;
	v1 =	vimm.s32 $0x0;
	[tilespmem:$0xB0] =	vst v0;
	s5 =	smulhi.u32 $0x10624DD3, s6  }
0x5a: {  	s21 =	simm.s32 $0xF;
	s25 =	simm.s32 $0x0;
	s24 =	simm.s32 $0x0;
	[tilespmem:$0x90] =	vst v1  }
0x5b: {  	[tilespmem:$0xA0] =	vst v1;
	[sflag:s7] =	ssyncpa.u1 $0x0;
	s7 =	simm.s32 $0x7;
	s9 =	sshrl.u32 s5, $0x9  }
0x5c: {  	s14 =	sshllo.u32 s11, $0x1;
	[sflag:s7] =	ssyncpa.u1 $0x0;
	s10 =	smul.u32 $0x1F40, s9  }
0x5d: {  	[sflag:s8] =	ssyncpa.u1 $0x0;
	s23 =	smov.u32 s3;
	s1 =	sadd.s32 $0x6F000, s0  }
.Ltmp8:
0x5e: {  	[sflag:s30] =	ssyncpa.u1 $0x0;
	p0 =	sne.s32 s6, s10;
	(pc) =	sbr.rel .LBB3_1-.Ltmp8, $4  }
0x5f: {  	s5 =	sadd.s32 $0x64A00, s0;
	s0 =	sadd.s32 $0x69A00, s0;
	s2 =	simm.s32 @!p0 $0x0  }
0x60: {  	[dreg:$0x2] =	wrdreg s0;
	s10 =	sshll.u32 s11, $0x1;
	s9 =	sadd.s32 s2, s9  }
0x61: {  	vm0 =	vmmov $0xffff;
	v2 =	vlaneseq.u32;
	vm1 =	vmxor vm1, vm1;
	s13 =	sor.u32 $0x81, s10;
	s15 =	sor.u32 $0x80, s10;
	s31 =	sadd.s32 $0x1, s9  }
0x62: {  	vm2 =	vmmov $0x1;
	v3 =	vimm.f32 $0.0e+00;
	vm3 =	vcmask $0x3F3C;
	p0 =	por $0x0, $0x0;
	s12 =	sadd.s32 $0x2, s9;
	[dreg:$0x3] =	wrdreg s31  }
.LBB3_9:
0x63: {  	p1 =	slt.u32 s24, $0x3  }
0x64: {  	s0 =	simm.s32 @!p1 $0x2  }
0x65: {  	_ =	swait.ge @!p1 [sflag:s0], $0x1F40  }
0x66: {  	[sflag:s0] =	ssyncset.done @!p1 $0x0  }
0x67: {  	[sflag:s0] =	ssyncadd.s32 @!p1 $0xFFFFE0C0;
	s0 =	simm.s32 @!p1 $0x9  }
0x68: {  	_ =	swait.ge @!p1 [sflag:s0], $0x10  }
0x69: {  	[sflag:s0] =	ssyncset.done @!p1 $0x0  }
0x6a: {  	[sflag:s0] =	ssyncadd.s32 @!p1 $0xFFFFFFF0;
	p1 =	sne.s32 s24, s12  }
.Ltmp9:
0x6b: {  	s2 =	sadd.s32 $0x1F40, s23;
	(pc) =	sbr.rel @!p1 .LBB3_10-.Ltmp9, $4  }
0x6c: {  	s6 =	smov.u32 s3;
	s31 =	sadd.s32 $0x1, s24;
	s17 =	sadd.s32 $0x1F40, s17  }
0x6d: {  	s18 =	sadd.s32 $0x1, s18;
	s25 =	smov.u32 s23;
	p2 =	slt.s32 s2, s4  }
0x6e: {  	p0 =	por !p0, !p0;
	s19 =	sadd.s32 $0x1F40, s19;
	s6 =	smov.u32 @p2 s2  }
0x6f: {  	s20 =	sadd.s32 $0x1, s20;
	s23 =	smov.u32 s6;
	s24 =	smov.u32 s31  }
.LBB3_1:
0x70: {  	p1 =	sge.u32 s24, s9  }
0x71: {  	s0 =	smulhi.u32 @!p1 $0xAAAAAAAB, s24;
	_ =	sdelay $0x1  }
0x72: {  	s0 =	sshrl.u32 @!p1 s0, $0x1  }
0x73: {  	s0 =	smul.u32 @!p1 $0x3, s0;
	_ =	sdelay $0x1  }
0x74: {  	s0 =	ssub.s32 @!p1 s24, s0  }
0x75: {  	s0 =	smul.u32 @!p1 $0x7D00, s0;
	_ =	sdelay $0x1  }
0x76: {  	s2 =	sshrl.u32 @!p1 s23, $0x3;
	s0 =	sshrl.u32 @!p1 s0, $0x2  }
0x77: {  	s6 =	sand.u32 @!p1 $0x7, s23;
	s2 =	sadd.s32 @!p1 s5, s2;
	s0 =	sadd.s32 @!p1 $0x100, s0  }
0x78: {  	[tilespmem:s0], [sflag:$0x7] =	stream.linear.gather @!p1 [hbm4b:s2+s6], $0x1F40, $0x38;
	[tilespmem:$0x11A60] =	vst v63  }
0x79: {  	s0 =	sadd.s32 $0xFFFFFFFF, s24  }
0x7a: {  	p1 =	sge.u32 s0, s9  }
.Ltmp10:
0x7b: {  	_ = 	snop;
	(pc) =	sbr.rel @p1 .LBB3_5-.Ltmp10, $1  }
0x7c: {  	_ =	sdelay $0x3  }
0x7d: {  	s2 =	smulhi.u32 $0xAAAAAAAB, s0;
	_ =	sdelay $0x1  }
0x7e: {  	s2 =	sshrl.u32 s2, $0x1  }
0x7f: {  	s2 =	smul.u32 $0x3, s2;
	_ =	sdelay $0x1  }
0x80: {  	s2 =	ssub.s32 s0, s2  }
0x81: {  	s2 =	smul.u32 $0x7D00, s2  }
0x82: {  	_ =	swait.ge [sflag:s7], $0x1F40  }
0x83: {  	[sflag:s7] =	ssyncset.done $0x0;
	s2 =	sshrl.u32 s2, $0x2  }
0x84: {  	[sflag:s7] =	ssyncadd.s32 $0xFFFFE0C0;
	(ifvalue) =	ssetifvalue $0xFFFFFFFF;
	v4 =	vld.msk [tilespmem:s2+$0x100 ss:$0x1], $0xffff;
	_ =	sdelay $0x2  }
0x85: {  	s29 =	smulhi.u32 $0xAAAAAAAB, s18;
	p1 =	sne.s32 s24, $0x1  }
0x86: {  	v5 =	vimm.s32 @!p1 $0x0  }
0x87: {  	s2 =	sshrl.u32 s29, $0x1;
	v5 =	vperm.xlane @!p1 v4, v5  }
0x88: {  	s6 =	sshll.u32 s24, $0x4;
	s2 =	smul.u32 $0xFFFE8900, s2;
	vm4 =	vlt.u32 v4, $0x2800  }
0x89: {  	s6 =	sand.u32 $0x10, s6;
	v4 =	vnsel vm4, $0xFFFFFFFE, v4;
	vm4 =	vlt.u32 @!p1 v5, $0x2800  }
0x8a: {  	s2 =	sshra.s32 s2, $0x2;
	[tilespmem:s6+$0x60] =	vst v4;
	v4 =	vnsel @!p1 vm4, $0xFFFFFFFE, v5  }
0x8b: {  	s30 =	sadd.s32 s2, s17;
	[tilespmem:$0x80] =	vst @!p1 v4  }
0x8c: {  	v4 =	vld.msk [tilespmem:s30+$0x0 ss:$0x1], $0xffff;
	_ =	sdelay $0x4  }
0x8d: {  	(xrf1) =	vunique.msk.u32 $0xffff, v4;
	_ =	sdelay $0xd  }
0x8e: {  	v5 =	vimm.s32 $0xFFFFFFFF;
	v6, _, _ =	vpop (xrf1)  }
0x8f: {  	vm5 =	vne.s32 v4, v5;
	vm4 =	veq.s32 v6, v2  }
0x90: {  	vm6 =	vlt.u32 v4, $0x2800;
	vm4 =	vmand vm5, vm4  }
0x91: {  	vm4 =	vmand vm6, vm4  }
0x92: {  	v5 =	vnsel vm4, $0xFFFFFFFF, v4  }
0x93: {  	s31 =	sand.u32 $0x1, s0  }
0x94: {  	s26 =	simm.s32 $0x1F40;
	p1 =	seq.s32 s31, $0x1  }
0x95: {  	s26 =	simm.s32 @!p1 $0x0  }
0x96: {  	s28 =	sadd.s32 $0x7DF0, s26;
	(ifvalue) =	ssetifvalue $0xFFFFFFFF  }
0x97: {  	v4 =	vperm.xlane v4, v1;
	[tilespmem:s28], [sflag:$0x8] =	stream.indirect_vreg.gather [hbm4b:s1+s16], $0x1, v5, vm0, $0x4038;
	v5 =	vnsel vm6, $0xFFFFFFFE, v5;
	[tilespmem:$0x11A60] =	vst v63  }
0x98: {  	s0 =	simm.s32 $0x0;
	s2 =	sadd.s32 $0xFFFFFFF0, s30;
	[tilespmem:s30+$0x0] =	vst v5  }
.LBB3_3:
0x99: {  	v5 =	vld.msk [tilespmem:s2+$0x0 ss:$0x1], $0xffff;
	s0 =	sadd.s32 $0x10, s0;
	v6 =	vmov v4;
	s6 =	smov.u32 s2  }
0x9a: {  	p1 =	slt.u32 s0, $0x1F30;
	_ =	sdelay $0x4  }
0x9b: {  	v4 =	vperm.xlane v5, v1;
	(xrf1) =	vunique.msk.u32 $0xffff, v5;
	_ =	sdelay $0xd  }
0x9c: {  	v7, _, _ =	vpop (xrf1)  }
0x9d: {  	vm5 =	vne.s32 v5, v6;
	vm4 =	veq.s32 v7, v2  }
0x9e: {  	vm6 =	vlt.u32 v5, $0x2800;
	vm4 =	vmand vm5, vm4  }
0x9f: {  	vm4 =	vmand vm6, vm4  }
0xa0: {  	v5 =	vnsel vm4, $0xFFFFFFFF, v5  }
.Ltmp11:
0xa1: {  	v6 =	vnsel vm6, $0xFFFFFFFE, v5;
	(pc) =	sbr.rel @p1 .LBB3_3-.Ltmp11, $3  }
0xa2: {  	_ =	sdelay $0x1  }
0xa3: {  	s2 =	sadd.s32 $0xFFFFFFF0, s2;
	s28 =	sadd.s32 $0xFFFFFFF0, s28;
	(ifvalue) =	ssetifvalue $0xFFFFFFFF  }
0xa4: {  	[tilespmem:s28], [sflag:$0x8] =	stream.indirect_vreg.gather [hbm4b:s1+s16], $0x1, v5, vm0, $0x4038;
	[tilespmem:s6+$0x0] =	vst v6  }
0xa5: {  	s0 =	sshrl.u32 s25, $0x3;
	s2 =	rddreg [dreg:$0x2]  }
0xa6: {  	s31 =	sadd.s32 $0x9D40, s26;
	s0 =	sadd.s32 s2, s0  }
0xa7: {  	[tilespmem:s31], [sflag:$0x8] =	stream.linear.gather [hbm:s0], $0x1F40, $0x38;
	[tilespmem:$0x11A60] =	vst v63  }
.LBB3_5:
0xa8: {  	p1 =	slt.u32 s24, $0x2  }
0xa9: {  	p2 =	sge.u32 @!p1 s24, s12  }
0xaa: {  	p1 =	por p1, p2  }
.Ltmp12:
0xab: {  	_ = 	snop;
	(pc) =	sbr.rel @p1 .LBB3_9-.Ltmp12, $1  }
0xac: {  	_ =	sdelay $0x3  }
0xad: {  	s0 =	sadd.s32 $0xFFFFFFFE, s24  }
0xae: {  	s2 =	smulhi.u32 $0xAAAAAAAB, s0;
	_ =	sdelay $0x1  }
0xaf: {  	s2 =	sshrl.u32 s2, $0x1  }
0xb0: {  	s2 =	smul.u32 $0x3, s2;
	_ =	sdelay $0x1  }
0xb1: {  	_ =	swait.ge [sflag:s8], $0x3E80;
	s0 =	ssub.s32 s0, s2  }
0xb2: {  	s6 =	rddreg [dreg:$0x3];
	s0 =	smul.u32 $0x1F40, s0  }
0xb3: {  	[sflag:s8] =	ssyncset.done $0x0;
	p1 =	sne.s32 s24, s6  }
0xb4: {  	[sflag:s8] =	ssyncadd.s32 $0xFFFFC180;
	s2 =	sadd.s32 @!p1 $0x203F, s0  }
0xb5: {  	[spmem:s13] =	stream.linear.scatter @!p1 [tilespmem:s2], [sflag:$0x1], $0x1, $0x38;
	[tilespmem:$0x11A60] =	vst v63  }
0xb6: {  	s2 =	simm.s32 @!p1 $0x1  }
0xb7: {  	_ =	swait.ge @!p1 [sflag:s2], $0x1  }
0xb8: {  	s6 =	sshll.u32 s24, $0x4;
	[sflag:s2] =	ssyncset.done @!p1 $0x0  }
0xb9: {  	s25 =	sand.u32 $0x10, s6;
	[sflag:s2] =	ssyncadd.s32 @!p1 $0xFFFFFFFF  }
0xba: {  	s2 =	sxor.u32 $0x10, s25;
	v5 =	vld [tilespmem:s25+$0x10]  }
0xbb: {  	v6 =	vld [tilespmem:s2+$0x60]  }
0xbc: {  	v4 =	vld [tilespmem:$0x80];
	_ =	sdelay $0x2  }
0xbd: {  	(v2sf) =	vpush v5, $0x0  }
0xbe: {  	(v2sf) =	vpush v6, $0x0  }
0xbf: {  	(v2sf) =	vpush v4, $0x0;
	_ =	sdelay $0xc  }
0xc0: {  	s11 =	spop (v2sf)  }
0xc1: {  	s22 =	spop (v2sf)  }
0xc2: {  	s28 =	spop (v2sf)  }
0xc3: {  	p2 =	seq.s32 s11, s22;
	p3 =	seq.s32 s28, s11  }
0xc4: {  	p3 =	por p2, p3  }
0xc5: {  	s26 =	sand.u32 $0x1, s24;
	v5 =	vpsel p3, $0xFFFFFFFF, v5  }
0xc6: {  	s29 =	smul.u32 $0x1F40, s26;
	[tilespmem:s25+$0x10] =	vst.msk $0x1, v5  }
0xc7: {  	v5 =	vld [tilespmem:$0x30]  }
0xc8: {  	v6 =	vld [tilespmem:s29+$0x9D40]  }
0xc9: {  	v7 =	vld [tilespmem:s25+$0x40];
	_ =	sdelay $0x2  }
0xca: {  	vm4 =	vmmov vm1  }
0xcb: {  	vm5 =	vmmov vm2;
	s6 =	sshll.u32 s26, $0x4;
	vm4 =	vmmov @p2 vm2;
	v6 =	vmax.f32 v5, v6  }
0xcc: {  	s26 =	sor.u32 $0x11A40, s6;
	vm5 =	vmmov @p3 vm1;
	v5 =	vmax.f32 v5, v7;
	[tilespmem:s29+$0x9D40] =	vst.msk vm4, v6  }
0xcd: {  	[tilespmem:s26+$0x0] =	vst.msk vm5, v5  }
0xce: {  	v5 =	vld [tilespmem:s29+$0x7DF0];
	_ =	sdelay $0x4  }
0xcf: {  	v5 =	vshift.insert v5, v3, s21  }
0xd0: {  	s11 =	sor.u32 $0x40, s2  }
0xd1: {  	v6 =	vimm.f32 $-Inf;
	[tilespmem:s11+$0x0] =	vst.msk $0x1, v5  }
0xd2: {  	[tilespmem:s29+$0x7DFF] =	vst.msk $0x1, v6  }
0xd3: {  	v5 =	vld [tilespmem:s0+$0x2030]  }
0xd4: {  	s22 =	smulhi.u32 $0xAAAAAAAB, s20;
	_ =	sdelay $0x1  }
0xd5: {  	s6 =	simm.s32 $0x1;
	s0 =	sshrl.u32 s22, $0x1  }
0xd6: {  	s6 =	simm.s32 @!p0 $0x0;
	s0 =	smul.u32 $0xFFFE8900, s0  }
0xd7: {  	s6 =	smul.u32 $0x7D00, s6;
	v5 =	vshift.insert v5, v1, s21  }
0xd8: {  	s0 =	sshra.s32 s0, $0x2  }
0xd9: {  	s6 =	sshrl.u32 s6, $0x2;
	s22 =	sadd.s32 s0, s19;
	[tilespmem:s2+$0x10] =	vst.msk $0x1, v5  }
0xda: {  	s2 =	sadd.s32 $0x9D40, s6;
	v7 =	vld [tilespmem:s22+$0x0]  }
0xdb: {  	v8 =	vld [tilespmem:s2+$0x0];
	_ =	sdelay $0x4  }
0xdc: {  	vm4 =	vne.s32 v7, $0xFFFFFFFF;
	v6 =	vmax.f32 v8, v6  }
0xdd: {  	(xrf0) =	vmax.seg.scan.f32 vm4, v6  }
0xde: {  	s11 =	sadd.s32 $0x5EC0, s6;
	v8 =	vld [tilespmem:$0xA0]  }
0xdf: {  	v9 =	vld [tilespmem:s11+$0x0];
	_ =	sdelay $0x1  }
0xe0: {  	v6 =	vperm.xlane v5, v1;
	_ =	sdelay $0x1  }
0xe1: {  	vm6 =	veq.s32 v7, v4;
	vm7 =	veq.s32 v7, v6;
	vm5 =	veq.s32 v8, $0x1;
	v8, _, _ =	vpop (xrf0)  }
0xe2: {  	vm8 =	vgt.u32 v7, $0xFFFFFFFD;
	vm7 =	vmor vm7, vm6;
	v9 =	vmax.f32 v8, v9  }
0xe3: {  	s30 =	sadd.s32 $0xDBC0, s6;
	v10 =	vld [tilespmem:$0x90];
	vm7 =	vmor vm7, vm8;
	v9 =	vsel vm6, v8, v9  }
0xe4: {  	[tilespmem:s30+$0x0] =	vst v9;
	v9 =	vsel vm7, $0xFFFFFFFF, v7;
	_ =	sdelay $0x1  }
0xe5: {  	vm9 =	vmand vm4, vm3  }
0xe6: {  	s31 =	simm.s32 $0x0;
	s6 =	sadd.s32 $0x10, s11;
	s0 =	sadd.s32 $0x10, s2;
	v11 =	vsel vm9, $0xFF800000, v8  }
0xe7: {  	s2 =	sadd.s32 $0x10, s22;
	s22 =	sadd.s32 $0x10, s30;
	vm4 =	vmor vm5, vm6;
	v7 =	vsel vm6, v8, v10;
	v8 =	vshift.insert v11, v0, s21;
	(ifvalue) =	ssetifvalue $0xFFFFFFFF  }
.LBB3_7:
0xe8: {  	[hbm4b:s1+s16] =	stream.indirect_vreg.scatter [tilespmem:s30], [sflag:$0x2], $0x1, v9, vm0, $0x4038;
	[tilespmem:$0x11A60] =	vst v63  }
0xe9: {  	s31 =	sadd.s32 $0x10, s31;
	s30 =	smov.u32 s22;
	v9 =	vld [tilespmem:s2+$0x0]  }
0xea: {  	p2 =	slt.u32 s31, $0x1F30;
	v10 =	vld [tilespmem:s0+$0x0];
	_ =	sdelay $0x4  }
0xeb: {  	vm5 =	vne.s32 v9, $0xFFFFFFFF;
	v8 =	vmax.f32 v10, v8  }
0xec: {  	(xrf0) =	vmax.seg.scan.f32 vm5, v8;
	_ =	sdelay $0x1  }
0xed: {  	v8 =	vld [tilespmem:s6+$0x0]  }
0xee: {  	vm6 =	veq.s32 v9, v4;
	vm7 =	veq.s32 v9, v6  }
0xef: {  	vm8 =	vgt.u32 v9, $0xFFFFFFFD;
	vm4 =	vmor vm4, vm6;
	vm7 =	vmor vm7, vm6  }
0xf0: {  	vm7 =	vmor vm7, vm8  }
.Ltmp13:
0xf1: {  	vm5 =	vmand vm5, vm3;
	v9 =	vsel vm7, $0xFFFFFFFF, v9;
	v10, _, _ =	vpop (xrf0);
	(pc) =	sbr.rel @p2 .LBB3_7-.Ltmp13, $4  }
0xf2: {  	v7 =	vsel vm6, v10, v7;
	v8 =	vmax.f32 v10, v8;
	v11 =	vsel vm5, $0xFF800000, v10  }
0xf3: {  	v10 =	vsel vm6, v10, v8;
	v8 =	vshift.insert v11, v0, s21  }
0xf4: {  	s2 =	sadd.s32 $0x10, s2;
	s0 =	sadd.s32 $0x10, s0;
	[tilespmem:s22+$0x0] =	vst v10  }
0xf5: {  	s6 =	sadd.s32 $0x10, s6;
	s22 =	sadd.s32 $0x10, s22;
	(ifvalue) =	ssetifvalue $0xFFFFFFFF  }
0xf6: {  	_ =	sdelay $0x3  }
0xf7: {  	[hbm4b:s1+s16] =	stream.indirect_vreg.scatter [tilespmem:s30], [sflag:$0x2], $0x1, v9, vm0, $0x4038;
	[tilespmem:$0x11A60] =	vst v63  }
0xf8: {  	v4 =	vld [tilespmem:s29+$0xFAF0];
	_ =	sdelay $0x4  }
0xf9: {  	v4 =	vshift.insert v4, v3, s21  }
0xfa: {  	s0 =	simm.s32 $0x30  }
0xfb: {  	[tilespmem:s0+$0x0] =	vst.msk $0x1, v4  }
0xfc: {  	v4 =	vsel vm4, $0x1, v1;
	[tilespmem:$0x90] =	vst v7  }
0xfd: {  	s0 =	sadd.s32 @!p1 $0xFAFF, s29;
	[tilespmem:$0xA0] =	vst v4  }
0xfe: {  	[spmem:s14] =	stream.linear.scatter @!p1 [tilespmem:s0], [sflag:$0x1], $0x1, $0x38;
	[tilespmem:$0x11A60] =	vst v63  }
0xff: {  	s0 =	simm.s32 @!p1 $0x1  }
0x100: {  	v4 =	vmctz.xlane @!p1 vm4;
	_ =	swait.ge @!p1 [sflag:s0], $0x1  }
0x101: {  	(v2sf) =	vpush @!p1 v5, $0x0  }
0x102: {  	(v2sf) =	vpush @!p1 v4, $0x0;
	_ =	sdelay $0xd  }
0x103: {  	s2 =	spop @!p1 (v2sf)  }
0x104: {  	s6 =	spop @!p1 (v2sf)  }
0x105: {  	p2 =	sne.s32 @!p1 s28, s2;
	p3 =	slt.s32 @!p1 s6, $0xF  }
0x106: {  	[sflag:s0] =	ssyncset.done @!p1 $0x0;
	p2 =	por p2, p1;
	p3 =	por !p3, p1  }
0x107: {  	[sflag:s0] =	ssyncadd.s32 @!p1 $0xFFFFFFFF;
	v4 =	vimm.s32 @!p2 $0xFFFFFFFF;
	s6 =	simm.s32 @p3 $0xF  }
0x108: {  	[tilespmem:$0x80] =	vst @!p2 v4;
	s2 =	sadd.s32 @!p1 $0x90, s6  }
0x109: {  	[spmem:s10] =	stream.linear.scatter @!p1 [tilespmem:s2], [sflag:$0x1], $0x1, $0x38;
	[tilespmem:$0x11A60] =	vst v63  }
0x10a: {  	_ =	swait.ge @!p1 [sflag:s0], $0x1  }
0x10b: {  	[sflag:s0] =	ssyncset.done @!p1 $0x0  }
0x10c: {  	s2 =	simm.s32 @!p1 $0x80;
	[sflag:s0] =	ssyncadd.s32 @!p1 $0xFFFFFFFF  }
0x10d: {  	[spmem:s15] =	stream.linear.scatter @!p1 [tilespmem:s2], [sflag:$0x1], $0x1, $0x38;
	[tilespmem:$0x11A60] =	vst v63  }
0x10e: {  	_ =	swait.ge @!p1 [sflag:s0], $0x1  }
0x10f: {  	[sflag:s0] =	ssyncset.done @!p1 $0x0  }
0x110: {  	[sflag:s0] =	ssyncadd.s32 @!p1 $0xFFFFFFFF;
	(ifvalue) =	ssetifvalue $0xFFFFFFFF;
	v4 =	vld [tilespmem:s25+$0x10];
	_ =	sdelay $0x3  }
.Ltmp14:
0x111: {  	_ = 	snop;
	(pc) =	sbr.rel .LBB3_9-.Ltmp14, $3  }
0x112: {  	_ =	sdelay $0x1  }
0x113: {  	(ifvalue) =	ssetifvalue $0xFFFFFFFF  }
0x114: {  	[hbm4b:s1+s16] =	stream.indirect_vreg.scatter [tilespmem:s26], [sflag:$0x9], $0x1, v4, vm0, $0x4038;
	[tilespmem:$0x11A60] =	vst v63  }
.LBB3_10:
0x115: {  	_ =	sfence.sel $0x180000  }
0x116: {  	s0 =	simm.s32 $0x7;
	[bflag:$0x0] =	sbarrier.arrive $0xFFFF  }
0x117: {  	s26 =	simm.s32 $0x8;
	[sflag:s0] =	ssyncpa.u1 $0x1  }
0x118: {  	s28 =	simm.s32 $0x9;
	[sflag:s26] =	ssyncpa.u1 $0x1  }
0x119: {  	[sflag:s28] =	ssyncpa.u1 $0x1  }
0x11a: {  	_ =	sfence.stream.spmem  }
0x11b: {  	s29 =	simm.s32 $0x3;
	[bflag:$0x0] =	sbarrier.arrive $0xFFFF  }
0x11c: {  	s30 =	simm.s32 $0x4;
	[sflag:s29] =	ssyncpa.u1 $0x1  }
0x11d: {  	s31 =	simm.s32 $0x3C;
	s2 =	stileid.u32;
	[sflag:s30] =	ssyncpa.u1 $0x1  }
0x11e: {  	p0 =	sne.s32 s2, $0x0;
	[sflag:s31] =	ssyncpa.u1 $0x1  }
0x11f: {  	s0 =	simm.s32 @p0 $0x1;
	_ =	sfence @p0  }
0x120: {  	[sflag:s0] =	ssyncpa.u1 @p0 $0x1;
	s0 =	simm.s32 @p0 $0x2  }
0x121: {  	[sflag:s0] =	ssyncpa.u1 @p0 $0x1  }
0x122: {  	_ =	strace @p0 $0x9000004A  }
0x123: {  	[bflag:$0x2] =	sbarrier.arrive @p0 $0xFFFF  }
0x124: {  	_ =	shalt @p0  }
.LBB3_11:
0x125: {  	_ =	sfence.stream.spmem;
	s0 =	simm.s32 $0x5  }
0x126: {  	s2 =	simm.s32 $0x80;
	s3 =	simm.s32 $0xC0;
	[sflag:s0] =	ssyncpa.u1 $0x0  }
0x127: {  	[tilespmem:s3], [sflag:$0x5] =	stream.linear.gather [spmem:s2], $0x20, $0x38;
	[tilespmem:$0x11A60] =	vst v63  }
0x128: {  	s30 =	simm.s32 $0xE0;
	s2 =	simm.s32 $0x0  }
0x129: {  	[tilespmem:s30], [sflag:$0x5] =	stream.linear.gather [spmem:s2], $0x20, $0x38;
	[tilespmem:$0x11A60] =	vst v63  }
.Ltmp15:
0x12a: {  	_ = 	snop;
	(pc) =	sbr.rel .LBB3_12-.Ltmp15, $4  }
0x12b: {  	_ =	swait.ge [sflag:s0], $0x40  }
0x12c: {  	[sflag:s0] =	ssyncset.done $0x0  }
0x12d: {  	s31 =	simm.s32 $0x6;
	[sflag:s0] =	ssyncadd.s32 $0xFFFFFFC0  }
0x12e: {  	s3 =	simm.s32 $0x0;
	[sflag:s31] =	ssyncpa.u1 $0x0  }
.LBB3_17:
0x12f: {  	p0 =	sgt.u32 s4, $0x27FF  }
0x130: {  	s0 =	sshrl.u32 @!p0 s4, $0x3  }
0x131: {  	s4 =	sand.u32 @!p0 $0x7, s4;
	s5 =	simm.s32 @!p0 $0xB0;
	s0 =	sadd.s32 @!p0 s1, s0  }
0x132: {  	[tilespmem:s5], [sflag:$0x6] =	stream.linear.gather @!p0 [hbm4b:s0+s4], $0x1, $0x38;
	[tilespmem:$0x11A60] =	vst v63  }
0x133: {  	s0 =	simm.s32 @!p0 $0x6  }
0x134: {  	_ =	swait.ge @!p0 [sflag:s0], $0x1  }
0x135: {  	[sflag:s0] =	ssyncset.done @!p0 $0x0  }
0x136: {  	[sflag:s0] =	ssyncadd.s32 @!p0 $0xFFFFFFFF  }
0x137: {  	v1 =	vld.msk @!p0 [tilespmem:$0xB0], $0x1  }
0x138: {  	v2 =	vld.msk @!p0 [tilespmem:s3+$0xE0], $0x1;
	_ =	sdelay $0x4  }
0x139: {  	v1 =	vmax.f32 @!p0 v2, v1  }
0x13a: {  	[tilespmem:s3+$0xE0] =	vst.msk @!p0 $0x1, v1  }
0x13b: {  	[tilespmem:s2+$0xC0] =	vst.msk $0x1, v0  }
0x13c: {  	v0 =	vld.msk [tilespmem:s3+$0xE0], $0x1;
	_ =	sdelay $0x4  }
0x13d: {  	[tilespmem:s2+$0xE0] =	vst.msk $0x1, v0;
	s2 =	sadd.s32 $0x1, s2  }
.LBB3_19:
0x13e: {  	s3 =	sadd.s32 $0x1, s3  }
0x13f: {  	p0 =	sne.s32 s3, $0x20  }
.Ltmp16:
0x140: {  	_ = 	snop;
	(pc) =	sbr.rel @!p0 .LBB3_20-.Ltmp16, $1  }
0x141: {  	_ =	sdelay $0x3  }
.LBB3_12:
0x142: {  	v0 =	vld.msk [tilespmem:s3+$0xC0], $0x1;
	_ =	sdelay $0x4  }
0x143: {  	(v2sf) =	vpush v0, $0x0;
	_ =	sdelay $0xe  }
0x144: {  	s4 =	spop (v2sf)  }
0x145: {  	p0 =	seq.s32 s4, $0xFFFFFFFF  }
.Ltmp17:
0x146: {  	_ = 	snop;
	(pc) =	sbr.rel @p0 .LBB3_19-.Ltmp17, $1  }
0x147: {  	_ =	sdelay $0x3  }
0x148: {  	p0 =	slt.s32 s2, $0x1  }
.Ltmp18:
0x149: {  	_ = 	snop;
	(pc) =	sbr.rel @p0 .LBB3_17-.Ltmp18, $1  }
0x14a: {  	_ =	sdelay $0x3  }
0x14b: {  	s0 =	simm.s32 $0xC0;
	p0 =	por $0x0, $0x0  }
0x14c: {  	v1 =	vld.msk @!p0 [tilespmem:s0+$0x0], $0x1;
	_ =	sdelay $0x4  }
0x14d: {  	(v2sf) =	vpush @!p0 v1, $0x0;
	_ =	sdelay $0xd  }
0x14e: {  	p2 =	sne.s32 s2, $0x1  }
.Ltmp19:
0x14f: {  	s5 =	spop @!p0 (v2sf);
	(pc) =	sbr.rel @!p2 .LBB3_16-.Ltmp19, $4  }
0x150: {  	p1 =	seq.s32 @!p0 s4, s5  }
0x151: {  	s5 =	simm.s32 $0x0;
	p1 =	por !p1, p0  }
0x152: {  	s7 =	simm.s32 $0xFFFFFFFF;
	s5 =	simm.s32 @p1 $0xFFFFFFFF  }
0x153: {  	s6 =	simm.s32 $0x1;
	s5 =	smov.u32 @p0 s7  }
.LBB3_15:
0x154: {  	s7 =	smov.u32 s5;
	p0 =	sne.s32 s5, $0xFFFFFFFF  }
0x155: {  	s0 =	sadd.s32 $0x1, s0;
	s5 =	smov.u32 s6;
	s6 =	sadd.s32 $0x1, s6  }
0x156: {  	p1 =	sne.s32 s2, s6;
	v1 =	vld.msk @!p0 [tilespmem:s0+$0x0], $0x1;
	_ =	sdelay $0x4  }
0x157: {  	(v2sf) =	vpush @!p0 v1, $0x0;
	_ =	sdelay $0xe  }
.Ltmp20:
0x158: {  	s8 =	spop @!p0 (v2sf);
	(pc) =	sbr.rel @p1 .LBB3_15-.Ltmp20, $4  }
0x159: {  	p2 =	seq.s32 @!p0 s4, s8  }
0x15a: {  	p2 =	por !p2, p0  }
0x15b: {  	s5 =	simm.s32 @p2 $0xFFFFFFFF  }
0x15c: {  	s5 =	smov.u32 @p0 s7  }
.LBB3_16:
0x15d: {  	p0 =	sne.s32 s5, $0xFFFFFFFF  }
.Ltmp21:
0x15e: {  	_ = 	snop;
	(pc) =	sbr.rel @!p0 .LBB3_17-.Ltmp21, $1  }
0x15f: {  	_ =	sdelay $0x3  }
0x160: {  	v0 =	vld.msk [tilespmem:s3+$0xE0], $0x1  }
0x161: {  	v1 =	vld.msk [tilespmem:s5+$0xE0], $0x1;
	_ =	sdelay $0x1  }
.Ltmp22:
0x162: {  	_ = 	snop;
	(pc) =	sbr.rel .LBB3_19-.Ltmp22, $3  }
0x163: {  	_ =	sdelay $0x1  }
0x164: {  	v0 =	vmax.f32 v1, v0  }
0x165: {  	[tilespmem:s5+$0xE0] =	vst.msk $0x1, v0  }
.LBB3_20:
0x166: {  	p0 =	slt.s32 s2, $0x1  }
.Ltmp23:
0x167: {  	_ = 	snop;
	(pc) =	sbr.rel @p0 .LBB3_24-.Ltmp23, $3  }
0x168: {  	_ =	sdelay $0x1  }
0x169: {  	s0 =	simm.s32 $0x6  }
0x16a: {  	s3 =	simm.s32 $0x0;
	[sflag:s0] =	ssyncpa.u1 $0x1  }
0x16b: {  	s0 =	simm.s32 $0xC0  }
0x16c: {  	v0 =	vld.msk [tilespmem:s0+$0x0], $0x1;
	_ =	sdelay $0x4  }
0x16d: {  	(v2sf) =	vpush v0, $0x0;
	_ =	sdelay $0xe  }
0x16e: {  	s2 =	sadd.s32 $0xFFFFFFFF, s2;
	s4 =	spop (v2sf)  }
0x16f: {  	p1 =	sne.s32 s2, $0x0;
	p0 =	sgt.u32 s4, $0x27FF  }
.Ltmp24:
0x170: {  	s5 =	sshrl.u32 @!p0 s4, $0x3;
	(pc) =	sbr.rel @!p1 .LBB3_23-.Ltmp24, $4  }
0x171: {  	s0 =	simm.s32 $0xE0;
	s4 =	sand.u32 @!p0 $0x7, s4;
	s5 =	sadd.s32 @!p0 s1, s5  }
0x172: {  	[hbm4b:s5+s4] =	stream.linear.scatter @!p0 [tilespmem:s0], [sflag:$0x5], $0x1, $0x38;
	[tilespmem:$0x11A60] =	vst v63  }
0x173: {  	s5 =	simm.s32 $0x0  }
0x174: {  	s4 =	simm.s32 $0xC1;
	s5 =	simm.s32 @!p0 $0x4  }
.LBB3_22:
0x175: {  	v0 =	vld.msk [tilespmem:s4+$0x0], $0x1;
	s2 =	sadd.s32 $0xFFFFFFFF, s2;
	s3 =	sadd.s32 s3, s5  }
0x176: {  	p0 =	sne.s32 s2, $0x0;
	_ =	sdelay $0x3  }
0x177: {  	(v2sf) =	vpush v0, $0x0;
	_ =	sdelay $0xe  }
.Ltmp25:
0x178: {  	s6 =	spop (v2sf);
	(pc) =	sbr.rel @p0 .LBB3_22-.Ltmp25, $4  }
0x179: {  	s5 =	simm.s32 $0x0;
	p1 =	sgt.u32 s6, $0x27FF  }
0x17a: {  	s0 =	sadd.s32 $0x1, s0;
	s5 =	simm.s32 @!p1 $0x4;
	s7 =	sshrl.u32 @!p1 s6, $0x3  }
0x17b: {  	s4 =	sadd.s32 $0x1, s4;
	s6 =	sand.u32 @!p1 $0x7, s6;
	s7 =	sadd.s32 @!p1 s1, s7  }
0x17c: {  	[hbm4b:s7+s6] =	stream.linear.scatter @!p1 [tilespmem:s0], [sflag:$0x5], $0x1, $0x38;
	[tilespmem:$0x11A60] =	vst v63  }
.LBB3_23:
0x17d: {  	s0 =	sadd.s32 s3, s5  }
0x17e: {  	s3 =	sshrl.u32 s0, $0x2  }
.LBB3_24:
0x17f: {  	s0 =	simm.s32 $0x5  }
0x180: {  	_ =	swait.ge [sflag:s0], s3  }
0x181: {  	s1 =	ssub.s32 $0x0, s3;
	[sflag:s0] =	ssyncset.done $0x0  }
0x182: {  	[sflag:s0] =	ssyncadd.s32 s1  }
0x183: {  	[sflag:s0] =	ssyncpa.u1 $0x1  }
0x184: {  	s29 =	simm.s32 $0x1;
	_ =	sfence  }
0x185: {  	s30 =	simm.s32 $0x2;
	[sflag:s29] =	ssyncpa.u1 $0x1  }
0x186: {  	[sflag:s30] =	ssyncpa.u1 $0x1  }
0x187: {  	_ =	strace $0x9000004A  }
0x188: {  	[bflag:$0x2] =	sbarrier.arrive $0xFFFF  }
0x189: {  	s31 =	rddreg [dreg:$0x1]  }
0x18a: {  	s0 =	sadd.s32 $0x100000, s31  }
0x18b: {  	[sflag:s0] =	ssyncadd.tile.s32 $0x1;
	_ =	shalt  }
.Lfunc_end3:
_tile_overlayer_lowered:
.L_overlay_start_3:
0x18c: {  	(tag) =	ssettag $0x3  }
0x18d: {  	s0 =	rddreg [dreg:$0x0];
	s2 =	stileid.u32  }
0x18e: {  	s1 =	rddreg [dreg:$0x1];
	p0 =	sne.s32 s2, $0x0  }
0x18f: {  	s3 =	rddreg [dreg:$0x2];
	[bflag:$0x3] =	sbarrier.arrive $0xFFFF;
	s2 =	simm.s32 @!p0 $0x1C01  }
0x190: {  	[timem:s3], [sflag:s2] =	dma.local @!p0 [hbm:s0], s1  }
0x191: {  	s0 =	simm.s32 @!p0 $0x1  }
0x192: {  	_ =	swait.ge @!p0 [sflag:s0], s1  }
0x193: {  	s1 =	ssub.s32 @!p0 $0x0, s1;
	[sflag:s0] =	ssyncset.done @!p0 $0x0  }
0x194: {  	[sflag:s0] =	ssyncadd.s32 @!p0 s1  }
0x195: {  	[bflag:$0x3] =	sbarrier.arrive $0xFFFF  }
0x196: {  	_ =	shalt  }

</sc_bundles>
